<compile_context>
chip_gen: v7x
topology: tpu7x:2x2x1
jax: 0.10.2.dev20260603
libtpu: 0.0.44.dev20260713+nightly
codegen_flags: <defaults>
</compile_context>

<pallas_src>
import functools

import numpy as np
import jax
import jax.numpy as jnp
from jax import lax
from jax.experimental import pallas as pl
from jax.experimental.pallas import tpu as pltpu
from jax.experimental.pallas import tpu_sc as plsc

_SIZES = (64.0, 256.0, 576.0)
_RATIOS = (0.5, 1.0, 2.0)
_MIN_LEN = 10.0
_NMS_IOU = 0.7
_K = 2000
_KP = 2048
_A = 9
_P = 1024
_N = _A * _P
_NP = 16384
_BLK = 256


def _roll(x, shift, axis):
    return pltpu.roll(x, shift, axis)


def _anchor_consts(gh, gw, img_h, img_w):
    size = np.asarray(_SIZES, np.float32)
    ratio = np.asarray(_RATIOS, np.float32)
    h_ratio = np.sqrt(ratio)
    w_ratio = (np.float32(1.0) / h_ratio).astype(np.float32)
    hs = (h_ratio[:, None] * size[None, :]).reshape(-1)
    ws = (w_ratio[:, None] * size[None, :]).reshape(-1)
    base = np.round(np.stack([-ws, -hs, ws, hs], axis=1) / np.float32(2.0))
    base = base.astype(np.float32)
    stride_h = np.float32(img_h // gh)
    stride_w = np.float32(img_w // gw)
    sx = np.arange(gw, dtype=np.float32) * stride_w
    sy = np.arange(gh, dtype=np.float32) * stride_h
    yy, xx = np.meshgrid(sy, sx, indexing="ij")
    xx = xx.reshape(-1)
    yy = yy.reshape(-1)
    shifts = np.stack([xx, yy, xx, yy], axis=1).astype(np.float32)
    anchors = (shifts[:, None, :] + base[None, :, :]).reshape(-1, 4)
    anchors = anchors.astype(np.float32)
    anc = anchors.reshape(_P, _A, 4).transpose(1, 0, 2)
    x1, y1, x2, y2 = anc[..., 0], anc[..., 1], anc[..., 2], anc[..., 3]
    aw = (x2 - x1) + np.float32(1.0)
    ah = (y2 - y1) + np.float32(1.0)
    acx = x1 + np.float32(0.5) * aw
    acy = y1 + np.float32(0.5) * ah
    return aw, ah, acx, acy


def _head_body(x_ref, w9_ref, cb_ref, whd_ref, hb_ref,
               aw_ref, ah_ref, acx_ref, acy_ref,
               key_ref, prop_ref, *, img_h, img_w):
    y = None
    for t, (dy, dx) in enumerate([(a, b) for a in range(3) for b in range(3)]):
        xs = x_ref[0, :, dy:dy + 32, dx:dx + 32].reshape(256, 1024)
        yt = lax.dot_general(w9_ref[:, t * 256:(t + 1) * 256].astype(jnp.bfloat16),
                             xs.astype(jnp.bfloat16),
                             dimension_numbers=(((1,), (0,)), ((), ())),
                             preferred_element_type=jnp.float32)
        y = yt if y is None else y + yt
    y = jnp.maximum(y + cb_ref[:], 0.0)
    heads = lax.dot_general(whd_ref[:].astype(jnp.bfloat16),
                            y.astype(jnp.bfloat16),
                            dimension_numbers=(((1,), (0,)), ((), ())),
                            preferred_element_type=jnp.float32) + hb_ref[:]
    for a in range(_A):
        x0 = heads[2 * a:2 * a + 1, :]
        x1 = heads[2 * a + 1:2 * a + 2, :]
        r = 18 + 4 * a
        dx = heads[r:r + 1, :]
        dy = heads[r + 1:r + 2, :]
        dw = heads[r + 2:r + 3, :]
        dh = heads[r + 3:r + 4, :]
        aw = aw_ref[pl.ds(a, 1), :]
        ah = ah_ref[pl.ds(a, 1), :]
        acx = acx_ref[pl.ds(a, 1), :]
        acy = acy_ref[pl.ds(a, 1), :]
        pcx = dx * aw + acx
        pcy = dy * ah + acy
        pw = jnp.exp(dw) * aw
        ph = jnp.exp(dh) * ah
        px1 = jnp.maximum(pcx - 0.5 * pw, 0.0)
        py1 = jnp.maximum(pcy - 0.5 * ph, 0.0)
        px2 = jnp.maximum(pcx + 0.5 * pw, 0.0)
        py2 = jnp.maximum(pcy + 0.5 * ph, 0.0)
        cx1 = jnp.clip(px1, 0.0, float(img_w))
        cx2 = jnp.clip(px2, 0.0, float(img_w))
        cy1 = jnp.clip(py1, 0.0, float(img_h))
        cy2 = jnp.clip(py2, 0.0, float(img_h))
        keep = ((cx2 - cx1) >= _MIN_LEN) & ((cy2 - cy1) >= _MIN_LEN)
        m = jnp.maximum(x0, x1)
        e0 = jnp.exp(x0 - m)
        e1 = jnp.exp(x1 - m)
        score = e1 / (e0 + e1)
        key_ref[0, pl.ds(a, 1), :] = jnp.where(keep, score, -1e9)
        prop_ref[0, 0, pl.ds(a, 1), :] = px1
        prop_ref[0, 1, pl.ds(a, 1), :] = py1
        prop_ref[0, 2, pl.ds(a, 1), :] = px2
        prop_ref[0, 3, pl.ds(a, 1), :] = py2


def _sort_body(k_ref, skey_ref, spos_ref, kbuf, cbuf):
    q = lax.broadcasted_iota(jnp.int32, (8, _NP), 1)
    orig = (q % _P) * _A + (q // _P)
    kbuf[:] = k_ref[:]
    cbuf[:] = orig * _NP + q

    def level(lvl, _):
        kk = lax.shift_left(1, lvl)

        def step_cond(j):
            return j >= 1

        def step(j):
            K = kbuf[:]
            C = cbuf[:]
            up_k = _roll(K, j, 1)
            dn_k = _roll(K, _NP - j, 1)
            up_c = _roll(C, j, 1)
            dn_c = _roll(C, _NP - j, 1)
            bit0 = (q & j) == 0
            pk = jnp.where(bit0, dn_k, up_k)
            pc = jnp.where(bit0, dn_c, up_c)
            self_first = (K > pk) | ((K == pk) & (C < pc))
            dirup = (q & kk) == 0
            take_self = self_first == (bit0 == dirup)
            kbuf[:] = jnp.where(take_self, K, pk)
            cbuf[:] = jnp.where(take_self, C, pc)
            return j // 2

        lax.while_loop(step_cond, step, kk // 2)
        return 0

    lax.fori_loop(1, 15, level, 0)
    skey_ref[:] = kbuf[:, :_KP]
    spos_ref[:] = cbuf[:, :_KP] & (_NP - 1)


_GCHUNK = 128


def _sc_gather_body(tab_hbm, posg_hbm, out_hbm, idx_v, rows_v, sem):
    c = lax.axis_index("c")
    s = lax.axis_index("s")
    wid = s * 2 + c
    per_w = (8 * _KP) // 32
    for g in range(per_w // _GCHUNK):
        base = wid * per_w + g * _GCHUNK
        pltpu.sync_copy(posg_hbm.at[pl.ds(base, _GCHUNK)], idx_v)
        pltpu.async_copy(tab_hbm.at[idx_v], rows_v, sem).wait()
        pltpu.sync_copy(rows_v, out_hbm.at[pl.ds(base, _GCHUNK)])


def _gather_topk(propsf, spos):
    B = spos.shape[0]
    tab = jnp.transpose(propsf, (0, 2, 1))
    tab = jnp.pad(tab, ((0, 0), (0, 0), (0, 12))).reshape(B * _N, 16)
    posg = (spos + (jnp.arange(B, dtype=jnp.int32) * _N)[:, None]).reshape(-1)
    mesh = plsc.VectorSubcoreMesh(core_axis_name="c", subcore_axis_name="s")
    run = pl.kernel(
        _sc_gather_body,
        out_type=jax.ShapeDtypeStruct((B * _KP, 16), jnp.float32),
        mesh=mesh,
        compiler_params=pltpu.CompilerParams(use_tc_tiling_on_sc=False),
        scratch_types=[
            pltpu.VMEM((_GCHUNK,), jnp.int32),
            pltpu.VMEM((_GCHUNK, 16), jnp.float32),
            pltpu.SemaphoreType.DMA,
        ],
    )
    rows = run(tab, posg)
    return jnp.transpose(rows.reshape(B, _KP, 16)[:, :, :4], (0, 2, 1))


def _nms_body(box_ref, key_ref, out_ref, act_ref):
    x1 = box_ref[0, 0:1, :]
    y1 = box_ref[0, 1:2, :]
    x2 = box_ref[0, 2:3, :]
    y2 = box_ref[0, 3:4, :]
    area = (x2 - x1) * (y2 - y1)
    jlane = lax.broadcasted_iota(jnp.int32, (1, _KP), 1)
    act_ref[:] = jnp.where(jlane < _K, 1.0, 0.0)

    def colchunk(v, j0):
        return v[:, j0:j0 + _BLK].reshape(_BLK, 1)

    def iou_chunk(j0, i0):
        xj1 = colchunk(x1, j0)
        yj1 = colchunk(y1, j0)
        xj2 = colchunk(x2, j0)
        yj2 = colchunk(y2, j0)
        aj = colchunk(area, j0)
        xi1 = x1[:, i0:i0 + _BLK]
        yi1 = y1[:, i0:i0 + _BLK]
        xi2 = x2[:, i0:i0 + _BLK]
        yi2 = y2[:, i0:i0 + _BLK]
        ai = area[:, i0:i0 + _BLK]
        wx = jnp.maximum(jnp.minimum(xj2, xi2) - jnp.maximum(xj1, xi1), 0.0)
        wy = jnp.maximum(jnp.minimum(yj2, yi2) - jnp.maximum(yj1, yi1), 0.0)
        inter = wx * wy
        union = aj + ai - inter
        return inter / jnp.maximum(union, 1e-9)

    nblk = _KP // _BLK
    for blk in range(nblk):
        i0 = blk * _BLK
        iou = iou_chunk(i0, i0)
        iloc = lax.broadcasted_iota(jnp.int32, (1, _BLK), 1)
        jloc = lax.broadcasted_iota(jnp.int32, (_BLK, 1), 0)
        mbb = jnp.where((iou > _NMS_IOU) & (iloc < jloc), 1.0, 0.0)
        inc = act_ref[0:1, i0:i0 + _BLK]

        def fix_cond(carry):
            _, changed, it = carry
            return changed & (it < _BLK + 2)

        def fix_body(carry):
            a, _, it = carry
            sup = jnp.max(mbb * a, axis=1)
            anew = inc * (1.0 - sup.reshape(1, _BLK))
            return (anew, jnp.any(anew != a), it + 1)

        afin, _, _ = lax.while_loop(
            fix_cond, fix_body, (inc, jnp.bool_(True), jnp.int32(0)))
        act_ref[0:1, i0:i0 + _BLK] = afin
        for jc in range(blk + 1, nblk):
            j0 = jc * _BLK
            iou_p = iou_chunk(j0, i0)
            mp = jnp.where(iou_p > _NMS_IOU, 1.0, 0.0)
            sup = jnp.max(mp * afin, axis=1)
            act_ref[0:1, j0:j0 + _BLK] = (
                act_ref[0:1, j0:j0 + _BLK] * (1.0 - sup.reshape(1, _BLK)))

    keep = (act_ref[:] > 0.5) & (key_ref[0, 0:1, :] > -1e8) & (jlane < _K)
    for cc in range(4):
        out_ref[0, cc:cc + 1, :] = jnp.where(keep, box_ref[0, cc:cc + 1, :], 0.0)


def kernel(images, features, conv_w, conv_b, cls_w, cls_b, reg_w, reg_b):
    f = features[0]
    B, C, gh, gw = f.shape
    img_h, img_w = int(images.shape[-2]), int(images.shape[-1])

    xp = jnp.pad(f, ((0, 0), (0, 0), (1, 1), (1, 1)))
    w9t = jnp.transpose(conv_w, (0, 2, 3, 1)).reshape(C, 9 * C)
    cb = conv_b.reshape(C, 1)
    whd = jnp.concatenate([
        cls_w.reshape(18, C), reg_w.reshape(36, C),
        jnp.zeros((10, C), jnp.float32)], axis=0)
    hb = jnp.concatenate([cls_b, reg_b, jnp.zeros((10,), jnp.float32)])
    hb = hb.reshape(64, 1)
    aw, ah, acx, acy = _anchor_consts(gh, gw, img_h, img_w)
    aw, ah, acx, acy = map(jnp.asarray, (aw, ah, acx, acy))

    keys, props = pl.pallas_call(
        functools.partial(_head_body, img_h=img_h, img_w=img_w),
        grid=(B,),
        in_specs=[
            pl.BlockSpec((1, C, gh + 2, gw + 2), lambda b: (b, 0, 0, 0)),
            pl.BlockSpec((C, 9 * C), lambda b: (0, 0)),
            pl.BlockSpec((C, 1), lambda b: (0, 0)),
            pl.BlockSpec((64, C), lambda b: (0, 0)),
            pl.BlockSpec((64, 1), lambda b: (0, 0)),
            pl.BlockSpec((_A, _P), lambda b: (0, 0)),
            pl.BlockSpec((_A, _P), lambda b: (0, 0)),
            pl.BlockSpec((_A, _P), lambda b: (0, 0)),
            pl.BlockSpec((_A, _P), lambda b: (0, 0)),
        ],
        out_specs=[
            pl.BlockSpec((1, _A, _P), lambda b: (b, 0, 0)),
            pl.BlockSpec((1, 4, _A, _P), lambda b: (b, 0, 0, 0)),
        ],
        out_shape=[
            jax.ShapeDtypeStruct((B, _A, _P), jnp.float32),
            jax.ShapeDtypeStruct((B, 4, _A, _P), jnp.float32),
        ],
    )(xp, w9t, cb, whd, hb, aw, ah, acx, acy)

    kpad = jnp.pad(keys.reshape(B, _N), ((0, 0), (0, _NP - _N)),
                   constant_values=-jnp.inf)

    skey, spos = pl.pallas_call(
        _sort_body,
        out_shape=[
            jax.ShapeDtypeStruct((B, _KP), jnp.float32),
            jax.ShapeDtypeStruct((B, _KP), jnp.int32),
        ],
        scratch_shapes=[
            pltpu.VMEM((B, _NP), jnp.float32),
            pltpu.VMEM((B, _NP), jnp.int32),
        ],
    )(kpad)

    propsf = props.reshape(B, 4, _N)
    boxes = _gather_topk(propsf, spos)

    out_t = pl.pallas_call(
        _nms_body,
        grid=(B,),
        in_specs=[
            pl.BlockSpec((1, 4, _KP), lambda b: (b, 0, 0)),
            pl.BlockSpec((1, 1, _KP), lambda b: (b, 0, 0)),
        ],
        out_specs=pl.BlockSpec((1, 4, _KP), lambda b: (b, 0, 0)),
        out_shape=jax.ShapeDtypeStruct((B, 4, _KP), jnp.float32),
        scratch_shapes=[pltpu.VMEM((1, _KP), jnp.float32)],
    )(boxes, skey.reshape(B, 1, _KP))

    return jnp.transpose(out_t, (0, 2, 1))[:, :_K, :]

# --- scband reference (transcript-rebuilt; emitter-appended) ---
"""Pipeline reference for scband-rpn-67456756351307 (READ-ONLY COPY).

The authoritative reference and input builder live on the scoring server;
editing this copy changes nothing except your own understanding.
"""

import jax, jax.numpy as jnp
import numpy as np

SIZES = (64.0, 256.0, 576.0)
RATIOS = (0.5, 1.0, 2.0)
BOX_MIN_LEN = 10.0
FILTER_IOU = 0.7
MAX_BBOXES = 2000


def conv2d(x, w, b, pad):
    y = jax.lax.conv_general_dilated(x, w, (1, 1), [(pad, pad), (pad, pad)],
                                     dimension_numbers=('NCHW', 'OIHW', 'NCHW'))
    return y + b[None, :, None, None]


def gen_base_anchors():
    size = jnp.asarray(SIZES, jnp.float32)
    ratio = jnp.asarray(RATIOS, jnp.float32)
    h_ratio = jnp.sqrt(ratio)
    w_ratio = 1.0 / h_ratio
    hs = (h_ratio[:, None] * size[None, :]).reshape(-1)
    ws = (w_ratio[:, None] * size[None, :]).reshape(-1)
    return jnp.round(jnp.stack([-ws, -hs, ws, hs], axis=1) / 2.0)


def gen_anchors(grid_h, grid_w, img_h, img_w):
    stride_h = img_h // grid_h
    stride_w = img_w // grid_w
    sx = jnp.arange(grid_w, dtype=jnp.float32) * stride_w
    sy = jnp.arange(grid_h, dtype=jnp.float32) * stride_h
    yy, xx = jnp.meshgrid(sy, sx, indexing='ij')
    xx = xx.reshape(-1)
    yy = yy.reshape(-1)
    shifts = jnp.stack([xx, yy, xx, yy], axis=1)
    base = gen_base_anchors()
    return (shifts[:, None, :] + base[None, :, :]).reshape(-1, 4)


def _np_base_anchors():
    size = np.asarray(SIZES, np.float32)
    ratio = np.asarray(RATIOS, np.float32)
    h_ratio = np.sqrt(ratio)
    w_ratio = 1.0 / h_ratio
    hs = (h_ratio[:, None] * size[None, :]).reshape(-1)
    ws = (w_ratio[:, None] * size[None, :]).reshape(-1)
    return np.round(np.stack([-ws, -hs, ws, hs], axis=1) / 2.0)


def _np_keep_idx(grid_h, grid_w, img_h, img_w):
    stride_h = img_h // grid_h
    stride_w = img_w // grid_w
    sx = np.arange(grid_w, dtype=np.float32) * stride_w
    sy = np.arange(grid_h, dtype=np.float32) * stride_h
    yy, xx = np.meshgrid(sy, sx, indexing='ij')
    xx = xx.reshape(-1)
    yy = yy.reshape(-1)
    shifts = np.stack([xx, yy, xx, yy], axis=1)
    base = _np_base_anchors()
    anchors = (shifts[:, None, :] + base[None, :, :]).reshape(-1, 4)
    bx = np.clip(anchors[..., 0::2], 0, img_w)
    by = np.clip(anchors[..., 1::2], 0, img_h)
    clipped = np.stack((bx, by), axis=anchors.ndim).reshape(anchors.shape)
    ws = clipped[..., 2] - clipped[..., 0]
    hs = clipped[..., 3] - clipped[..., 1]
    keep = (ws >= BOX_MIN_LEN) & (hs >= BOX_MIN_LEN)
    return np.nonzero(keep)[0]


def filter_boxes(boxes, image_size, min_size):
    h, w = image_size
    bx = jnp.clip(boxes[..., 0::2], 0, w)
    by = jnp.clip(boxes[..., 1::2], 0, h)
    clipped = jnp.stack((bx, by), axis=boxes.ndim).reshape(boxes.shape)
    ws = clipped[..., 2] - clipped[..., 0]
    hs = clipped[..., 3] - clipped[..., 1]
    return (ws >= min_size) & (hs >= min_size)


def bbox2proposal(boxes, deltas):
    widths = boxes[..., 2] - boxes[..., 0] + 1.0
    heights = boxes[..., 3] - boxes[..., 1] + 1.0
    ctr_x = boxes[..., 0] + 0.5 * widths
    ctr_y = boxes[..., 1] + 0.5 * heights
    dx, dy, dw, dh = deltas[..., 0], deltas[..., 1], deltas[..., 2], deltas[..., 3]
    pred_ctr_x = dx * widths + ctr_x
    pred_ctr_y = dy * heights + ctr_y
    pred_w = jnp.exp(dw) * widths
    pred_h = jnp.exp(dh) * heights
    proposal = jnp.stack([pred_ctr_x - 0.5 * pred_w,
                          pred_ctr_y - 0.5 * pred_h,
                          pred_ctr_x + 0.5 * pred_w,
                          pred_ctr_y + 0.5 * pred_h], axis=-1)
    return jnp.clip(proposal, 0, None)


def box_iou(a, b):
    area_a = (a[..., 2] - a[..., 0]) * (a[..., 3] - a[..., 1])
    area_b = (b[..., 2] - b[..., 0]) * (b[..., 3] - b[..., 1])
    lt = jnp.maximum(a[..., :, None, :2], b[..., None, :, :2])
    rb = jnp.minimum(a[..., :, None, 2:], b[..., None, :, 2:])
    wh = jnp.clip(rb - lt, 0, None)
    inter = wh[..., 0] * wh[..., 1]
    union = area_a[..., :, None] + area_b[..., None, :] - inter
    return inter / jnp.maximum(union, 1e-9)


def nms_mask(iou, thresh):
    n = iou.shape[0]
    idx = jnp.arange(n)

    def body(active, i):
        suppress = (iou[i] > thresh) & (idx > i) & active[i]
        return active & (~suppress), None

    active, _ = jax.lax.scan(body, jnp.ones((n,), bool), idx)
    return active


def _forward(images, features, conv_w, conv_b, cls_w, cls_b, reg_w, reg_b):
    f = features[0]  # single feature level: (B, C, gh, gw)
    f = jax.nn.relu(conv2d(f, conv_w, conv_b, 1))
    cls = conv2d(f, cls_w, cls_b, 0)
    reg = conv2d(f, reg_w, reg_b, 0)
    B, _, gh, gw = f.shape
    cls = jnp.transpose(cls, (0, 2, 3, 1)).reshape(B, -1, 2)
    reg = jnp.transpose(reg, (0, 2, 3, 1)).reshape(B, -1, 4)
    img_h, img_w = int(images.shape[-2]), int(images.shape[-1])
    anchors = gen_anchors(gh, gw, img_h, img_w)
    keep_idx = _np_keep_idx(gh, gw, img_h, img_w)
    anchors = anchors[keep_idx]
    cls = cls[:, keep_idx]
    reg = reg[:, keep_idx]
    proposals = bbox2proposal(anchors[None, :, :], reg)
    keep2 = filter_boxes(proposals, (img_h, img_w), BOX_MIN_LEN)
    scores = jax.nn.softmax(cls, axis=-1)[..., 1]
    scores = jnp.where(keep2, scores, -1e9)
    k = min(MAX_BBOXES, int(scores.shape[1]))
    top_scores, idx = jax.lax.top_k(scores, k)
    boxes_top = jnp.take_along_axis(proposals, idx[..., None], axis=1)
    bsg = jax.lax.stop_gradient(boxes_top)
    iou = box_iou(bsg, bsg)
    active = jax.vmap(lambda m: nms_mask(m, FILTER_IOU))(iou)
    active = active & (jax.lax.stop_gradient(top_scores) > -1e8)
    out = jnp.where(active[..., None], boxes_top, 0.0)
    return out


def setup_inputs(seed: int = 0):
    key = jax.random.key(seed)
    ks = jax.random.split(key, 8)
    B = 8
    images = jax.random.normal(ks[0], (B, 3, 512, 512), jnp.float32)
    features = jax.random.normal(ks[1], (1, B, 256, 32, 32), jnp.float32)
    conv_w = jax.random.normal(ks[2], (256, 256, 3, 3), jnp.float32) * 0.02
    conv_b = jnp.zeros((256,), jnp.float32)
    cls_w = jax.random.normal(ks[3], (18, 256, 1, 1), jnp.float32) * 0.02
    cls_b = jnp.zeros((18,), jnp.float32)
    reg_w = jax.random.normal(ks[4], (36, 256, 1, 1), jnp.float32) * 0.02
    reg_b = jnp.zeros((36,), jnp.float32)
    return {"images": images, "features": features, "conv_w": conv_w, "conv_b": conv_b,
            "cls_w": cls_w, "cls_b": cls_b, "reg_w": reg_w, "reg_b": reg_b}


def reference(images, features, conv_w, conv_b, cls_w, cls_b, reg_w, reg_b):
    return _forward(images, features, conv_w, conv_b, cls_w, cls_b, reg_w, reg_b)

if __name__ == "__main__":
    import jax
    _d = setup_inputs()
    print(jax.jit(kernel)(*tuple(_d.values())))

</pallas_src>

<mosaic_0001>
#map = affine_map<(d0, d1) -> (0, 0)>
#map1 = affine_map<(d0, d1) -> (0)>
module attributes {stable_mosaic.version = 14 : i64} {
  func.func @_sc_gather_body(%arg0: i32, %arg1: i32, %arg2: memref<73728x16xf32, #tpu.memory_space<hbm>>, %arg3: memref<16384xi32, #tpu.memory_space<hbm>>, %arg4: memref<16384x16xf32, #tpu.memory_space<hbm>>, %arg5: memref<128xi32, #tpu.memory_space<vmem>>, %arg6: memref<128x16xf32, #tpu.memory_space<vmem>>, %arg7: memref<!tpu.dma_semaphore, #tpu.memory_space<semaphore_mem>>) attributes {dimension_semantics = [#tpu.dimension_semantics<core_parallel>, #tpu.dimension_semantics<subcore_parallel>], iteration_bounds = array<i64: 2, 16>, scalar_prefetch = 0 : i64, scratch_operands = 3 : i64, tpu.core_type = #tpu.core_type<sc_vector_subcore>, window_params = [{transform_indices = #map}, {transform_indices = #map1}, {transform_indices = #map}]} {
    %mul3A = arith.constant 2 : i32
    %mul3A_0 = arith.muli %arg1, %mul3A : i32
    %add3A = arith.addi %mul3A_0, %arg0 : i32
    %mul3A_1 = arith.constant 512 : i32
    %mul3A_2 = arith.muli %add3A, %mul3A_1 : i32
    %add3A_3 = arith.constant 0 : i32
    %add3A_4 = arith.addi %mul3A_2, %add3A_3 : i32
    "tpu.region"() ({
      %run_scoped3A = tpu.sem_alloc : memref<!tpu.dma_semaphore, #tpu.memory_space<semaphore_mem>>
      %dma_start3A_39 = tpu.memref_slice %arg3[%add3A_4] : memref<16384xi32, #tpu.memory_space<hbm>> -> memref<128xi32, #tpu.memory_space<hbm>>
      %dma_start3A_40 = tpu.memref_slice %arg3[%add3A_4] : memref<16384xi32, #tpu.memory_space<hbm>> -> memref<128xi32, #tpu.memory_space<hbm>>
      tpu.enqueue_dma source(%dma_start3A_40 : memref<128xi32, #tpu.memory_space<hbm>>) target(%arg5 : memref<128xi32, #tpu.memory_space<vmem>>) target_semaphore(%run_scoped3A : memref<!tpu.dma_semaphore, #tpu.memory_space<semaphore_mem>>)
      %dma_wait3A_41 = tpu.memref_slice %arg3[%add3A_4] : memref<16384xi32, #tpu.memory_space<hbm>> -> memref<128xi32, #tpu.memory_space<hbm>>
      %dma_wait3A_42 = tpu.memref_slice %arg3[%add3A_4] : memref<16384xi32, #tpu.memory_space<hbm>> -> memref<128xi32, #tpu.memory_space<hbm>>
      tpu.wait_dma2 semaphore(%run_scoped3A : memref<!tpu.dma_semaphore, #tpu.memory_space<semaphore_mem>>) src(%dma_wait3A_42 : memref<128xi32, #tpu.memory_space<hbm>>) dst(%arg5 : memref<128xi32, #tpu.memory_space<vmem>>)
      tpu.yield
    }) : () -> ()
    %dma_start3A = arith.constant 0 : i32
    %dma_start3A_5 = arith.constant 0 : i32
    %dma_start3A_6 = tpu.memref_slice %arg2[%dma_start3A, %dma_start3A_5] : memref<73728x16xf32, #tpu.memory_space<hbm>> -> memref<73728x16xf32, #tpu.memory_space<hbm>>
    tpu.enqueue_indirect_dma source(%dma_start3A_6 : memref<73728x16xf32, #tpu.memory_space<hbm>>) target(%arg6 : memref<128x16xf32, #tpu.memory_space<vmem>>) offsets(%arg5 : memref<128xi32, #tpu.memory_space<vmem>>) semaphore(%arg7 : memref<!tpu.dma_semaphore, #tpu.memory_space<semaphore_mem>>)
    %dma_wait3A = arith.constant 0 : i32
    %dma_wait3A_7 = arith.constant 0 : i32
    %dma_wait3A_8 = tpu.memref_slice %arg2[%dma_wait3A, %dma_wait3A_7] : memref<73728x16xf32, #tpu.memory_space<hbm>> -> memref<73728x16xf32, #tpu.memory_space<hbm>>
    tpu.wait_indirect_dma semaphore(%arg7 : memref<!tpu.dma_semaphore, #tpu.memory_space<semaphore_mem>>) src(%dma_wait3A_8 : memref<73728x16xf32, #tpu.memory_space<hbm>>) dst(%arg6 : memref<128x16xf32, #tpu.memory_space<vmem>>)
    "tpu.region"() ({
      %run_scoped3A = tpu.sem_alloc : memref<!tpu.dma_semaphore, #tpu.memory_space<semaphore_mem>>
      %dma_start3A_39 = arith.constant 0 : i32
      %dma_start3A_40 = tpu.memref_slice %arg4[%add3A_4, %dma_start3A_39] : memref<16384x16xf32, #tpu.memory_space<hbm>> -> memref<128x16xf32, #tpu.memory_space<hbm>>
      %dma_start3A_41 = arith.constant 0 : i32
      %dma_start3A_42 = tpu.memref_slice %arg4[%add3A_4, %dma_start3A_41] : memref<16384x16xf32, #tpu.memory_space<hbm>> -> memref<128x16xf32, #tpu.memory_space<hbm>>
      tpu.enqueue_dma source(%arg6 : memref<128x16xf32, #tpu.memory_space<vmem>>) target(%dma_start3A_42 : memref<128x16xf32, #tpu.memory_space<hbm>>) target_semaphore(%run_scoped3A : memref<!tpu.dma_semaphore, #tpu.memory_space<semaphore_mem>>)
      %dma_wait3A_43 = arith.constant 0 : i32
      %dma_wait3A_44 = tpu.memref_slice %arg4[%add3A_4, %dma_wait3A_43] : memref<16384x16xf32, #tpu.memory_space<hbm>> -> memref<128x16xf32, #tpu.memory_space<hbm>>
      %dma_wait3A_45 = arith.constant 0 : i32
      %dma_wait3A_46 = tpu.memref_slice %arg4[%add3A_4, %dma_wait3A_45] : memref<16384x16xf32, #tpu.memory_space<hbm>> -> memref<128x16xf32, #tpu.memory_space<hbm>>
      tpu.wait_dma2 semaphore(%run_scoped3A : memref<!tpu.dma_semaphore, #tpu.memory_space<semaphore_mem>>) src(%arg6 : memref<128x16xf32, #tpu.memory_space<vmem>>) dst(%dma_wait3A_46 : memref<128x16xf32, #tpu.memory_space<hbm>>)
      tpu.yield
    }) : () -> ()
    %mul3A_9 = arith.constant 512 : i32
    %mul3A_10 = arith.muli %add3A, %mul3A_9 : i32
    %add3A_11 = arith.constant 128 : i32
    %add3A_12 = arith.addi %mul3A_10, %add3A_11 : i32
    "tpu.region"() ({
      %run_scoped3A = tpu.sem_alloc : memref<!tpu.dma_semaphore, #tpu.memory_space<semaphore_mem>>
      %dma_start3A_39 = tpu.memref_slice %arg3[%add3A_12] : memref<16384xi32, #tpu.memory_space<hbm>> -> memref<128xi32, #tpu.memory_space<hbm>>
      %dma_start3A_40 = tpu.memref_slice %arg3[%add3A_12] : memref<16384xi32, #tpu.memory_space<hbm>> -> memref<128xi32, #tpu.memory_space<hbm>>
      tpu.enqueue_dma source(%dma_start3A_40 : memref<128xi32, #tpu.memory_space<hbm>>) target(%arg5 : memref<128xi32, #tpu.memory_space<vmem>>) target_semaphore(%run_scoped3A : memref<!tpu.dma_semaphore, #tpu.memory_space<semaphore_mem>>)
      %dma_wait3A_41 = tpu.memref_slice %arg3[%add3A_12] : memref<16384xi32, #tpu.memory_space<hbm>> -> memref<128xi32, #tpu.memory_space<hbm>>
      %dma_wait3A_42 = tpu.memref_slice %arg3[%add3A_12] : memref<16384xi32, #tpu.memory_space<hbm>> -> memref<128xi32, #tpu.memory_space<hbm>>
      tpu.wait_dma2 semaphore(%run_scoped3A : memref<!tpu.dma_semaphore, #tpu.memory_space<semaphore_mem>>) src(%dma_wait3A_42 : memref<128xi32, #tpu.memory_space<hbm>>) dst(%arg5 : memref<128xi32, #tpu.memory_space<vmem>>)
      tpu.yield
    }) : () -> ()
    %dma_start3A_13 = arith.constant 0 : i32
    %dma_start3A_14 = arith.constant 0 : i32
    %dma_start3A_15 = tpu.memref_slice %arg2[%dma_start3A_13, %dma_start3A_14] : memref<73728x16xf32, #tpu.memory_space<hbm>> -> memref<73728x16xf32, #tpu.memory_space<hbm>>
    tpu.enqueue_indirect_dma source(%dma_start3A_15 : memref<73728x16xf32, #tpu.memory_space<hbm>>) target(%arg6 : memref<128x16xf32, #tpu.memory_space<vmem>>) offsets(%arg5 : memref<128xi32, #tpu.memory_space<vmem>>) semaphore(%arg7 : memref<!tpu.dma_semaphore, #tpu.memory_space<semaphore_mem>>)
    %dma_wait3A_16 = arith.constant 0 : i32
    %dma_wait3A_17 = arith.constant 0 : i32
    %dma_wait3A_18 = tpu.memref_slice %arg2[%dma_wait3A_16, %dma_wait3A_17] : memref<73728x16xf32, #tpu.memory_space<hbm>> -> memref<73728x16xf32, #tpu.memory_space<hbm>>
    tpu.wait_indirect_dma semaphore(%arg7 : memref<!tpu.dma_semaphore, #tpu.memory_space<semaphore_mem>>) src(%dma_wait3A_18 : memref<73728x16xf32, #tpu.memory_space<hbm>>) dst(%arg6 : memref<128x16xf32, #tpu.memory_space<vmem>>)
    "tpu.region"() ({
      %run_scoped3A = tpu.sem_alloc : memref<!tpu.dma_semaphore, #tpu.memory_space<semaphore_mem>>
      %dma_start3A_39 = arith.constant 0 : i32
      %dma_start3A_40 = tpu.memref_slice %arg4[%add3A_12, %dma_start3A_39] : memref<16384x16xf32, #tpu.memory_space<hbm>> -> memref<128x16xf32, #tpu.memory_space<hbm>>
      %dma_start3A_41 = arith.constant 0 : i32
      %dma_start3A_42 = tpu.memref_slice %arg4[%add3A_12, %dma_start3A_41] : memref<16384x16xf32, #tpu.memory_space<hbm>> -> memref<128x16xf32, #tpu.memory_space<hbm>>
      tpu.enqueue_dma source(%arg6 : memref<128x16xf32, #tpu.memory_space<vmem>>) target(%dma_start3A_42 : memref<128x16xf32, #tpu.memory_space<hbm>>) target_semaphore(%run_scoped3A : memref<!tpu.dma_semaphore, #tpu.memory_space<semaphore_mem>>)
      %dma_wait3A_43 = arith.constant 0 : i32
      %dma_wait3A_44 = tpu.memref_slice %arg4[%add3A_12, %dma_wait3A_43] : memref<16384x16xf32, #tpu.memory_space<hbm>> -> memref<128x16xf32, #tpu.memory_space<hbm>>
      %dma_wait3A_45 = arith.constant 0 : i32
      %dma_wait3A_46 = tpu.memref_slice %arg4[%add3A_12, %dma_wait3A_45] : memref<16384x16xf32, #tpu.memory_space<hbm>> -> memref<128x16xf32, #tpu.memory_space<hbm>>
      tpu.wait_dma2 semaphore(%run_scoped3A : memref<!tpu.dma_semaphore, #tpu.memory_space<semaphore_mem>>) src(%arg6 : memref<128x16xf32, #tpu.memory_space<vmem>>) dst(%dma_wait3A_46 : memref<128x16xf32, #tpu.memory_space<hbm>>)
      tpu.yield
    }) : () -> ()
    %mul3A_19 = arith.constant 512 : i32
    %mul3A_20 = arith.muli %add3A, %mul3A_19 : i32
    %add3A_21 = arith.constant 256 : i32
    %add3A_22 = arith.addi %mul3A_20, %add3A_21 : i32
    "tpu.region"() ({
      %run_scoped3A = tpu.sem_alloc : memref<!tpu.dma_semaphore, #tpu.memory_space<semaphore_mem>>
      %dma_start3A_39 = tpu.memref_slice %arg3[%add3A_22] : memref<16384xi32, #tpu.memory_space<hbm>> -> memref<128xi32, #tpu.memory_space<hbm>>
      %dma_start3A_40 = tpu.memref_slice %arg3[%add3A_22] : memref<16384xi32, #tpu.memory_space<hbm>> -> memref<128xi32, #tpu.memory_space<hbm>>
      tpu.enqueue_dma source(%dma_start3A_40 : memref<128xi32, #tpu.memory_space<hbm>>) target(%arg5 : memref<128xi32, #tpu.memory_space<vmem>>) target_semaphore(%run_scoped3A : memref<!tpu.dma_semaphore, #tpu.memory_space<semaphore_mem>>)
      %dma_wait3A_41 = tpu.memref_slice %arg3[%add3A_22] : memref<16384xi32, #tpu.memory_space<hbm>> -> memref<128xi32, #tpu.memory_space<hbm>>
      %dma_wait3A_42 = tpu.memref_slice %arg3[%add3A_22] : memref<16384xi32, #tpu.memory_space<hbm>> -> memref<128xi32, #tpu.memory_space<hbm>>
      tpu.wait_dma2 semaphore(%run_scoped3A : memref<!tpu.dma_semaphore, #tpu.memory_space<semaphore_mem>>) src(%dma_wait3A_42 : memref<128xi32, #tpu.memory_space<hbm>>) dst(%arg5 : memref<128xi32, #tpu.memory_space<vmem>>)
      tpu.yield
    }) : () -> ()
    %dma_start3A_23 = arith.constant 0 : i32
    %dma_start3A_24 = arith.constant 0 : i32
    %dma_start3A_25 = tpu.memref_slice %arg2[%dma_start3A_23, %dma_start3A_24] : memref<73728x16xf32, #tpu.memory_space<hbm>> -> memref<73728x16xf32, #tpu.memory_space<hbm>>
    tpu.enqueue_indirect_dma source(%dma_start3A_25 : memref<73728x16xf32, #tpu.memory_space<hbm>>) target(%arg6 : memref<128x16xf32, #tpu.memory_space<vmem>>) offsets(%arg5 : memref<128xi32, #tpu.memory_space<vmem>>) semaphore(%arg7 : memref<!tpu.dma_semaphore, #tpu.memory_space<semaphore_mem>>)
    %dma_wait3A_26 = arith.constant 0 : i32
    %dma_wait3A_27 = arith.constant 0 : i32
    %dma_wait3A_28 = tpu.memref_slice %arg2[%dma_wait3A_26, %dma_wait3A_27] : memref<73728x16xf32, #tpu.memory_space<hbm>> -> memref<73728x16xf32, #tpu.memory_space<hbm>>
    tpu.wait_indirect_dma semaphore(%arg7 : memref<!tpu.dma_semaphore, #tpu.memory_space<semaphore_mem>>) src(%dma_wait3A_28 : memref<73728x16xf32, #tpu.memory_space<hbm>>) dst(%arg6 : memref<128x16xf32, #tpu.memory_space<vmem>>)
    "tpu.region"() ({
      %run_scoped3A = tpu.sem_alloc : memref<!tpu.dma_semaphore, #tpu.memory_space<semaphore_mem>>
      %dma_start3A_39 = arith.constant 0 : i32
      %dma_start3A_40 = tpu.memref_slice %arg4[%add3A_22, %dma_start3A_39] : memref<16384x16xf32, #tpu.memory_space<hbm>> -> memref<128x16xf32, #tpu.memory_space<hbm>>
      %dma_start3A_41 = arith.constant 0 : i32
      %dma_start3A_42 = tpu.memref_slice %arg4[%add3A_22, %dma_start3A_41] : memref<16384x16xf32, #tpu.memory_space<hbm>> -> memref<128x16xf32, #tpu.memory_space<hbm>>
      tpu.enqueue_dma source(%arg6 : memref<128x16xf32, #tpu.memory_space<vmem>>) target(%dma_start3A_42 : memref<128x16xf32, #tpu.memory_space<hbm>>) target_semaphore(%run_scoped3A : memref<!tpu.dma_semaphore, #tpu.memory_space<semaphore_mem>>)
      %dma_wait3A_43 = arith.constant 0 : i32
      %dma_wait3A_44 = tpu.memref_slice %arg4[%add3A_22, %dma_wait3A_43] : memref<16384x16xf32, #tpu.memory_space<hbm>> -> memref<128x16xf32, #tpu.memory_space<hbm>>
      %dma_wait3A_45 = arith.constant 0 : i32
      %dma_wait3A_46 = tpu.memref_slice %arg4[%add3A_22, %dma_wait3A_45] : memref<16384x16xf32, #tpu.memory_space<hbm>> -> memref<128x16xf32, #tpu.memory_space<hbm>>
      tpu.wait_dma2 semaphore(%run_scoped3A : memref<!tpu.dma_semaphore, #tpu.memory_space<semaphore_mem>>) src(%arg6 : memref<128x16xf32, #tpu.memory_space<vmem>>) dst(%dma_wait3A_46 : memref<128x16xf32, #tpu.memory_space<hbm>>)
      tpu.yield
    }) : () -> ()
    %mul3A_29 = arith.constant 512 : i32
    %mul3A_30 = arith.muli %add3A, %mul3A_29 : i32
    %add3A_31 = arith.constant 384 : i32
    %add3A_32 = arith.addi %mul3A_30, %add3A_31 : i32
    "tpu.region"() ({
      %run_scoped3A = tpu.sem_alloc : memref<!tpu.dma_semaphore, #tpu.memory_space<semaphore_mem>>
      %dma_start3A_39 = tpu.memref_slice %arg3[%add3A_32] : memref<16384xi32, #tpu.memory_space<hbm>> -> memref<128xi32, #tpu.memory_space<hbm>>
      %dma_start3A_40 = tpu.memref_slice %arg3[%add3A_32] : memref<16384xi32, #tpu.memory_space<hbm>> -> memref<128xi32, #tpu.memory_space<hbm>>
      tpu.enqueue_dma source(%dma_start3A_40 : memref<128xi32, #tpu.memory_space<hbm>>) target(%arg5 : memref<128xi32, #tpu.memory_space<vmem>>) target_semaphore(%run_scoped3A : memref<!tpu.dma_semaphore, #tpu.memory_space<semaphore_mem>>)
      %dma_wait3A_41 = tpu.memref_slice %arg3[%add3A_32] : memref<16384xi32, #tpu.memory_space<hbm>> -> memref<128xi32, #tpu.memory_space<hbm>>
      %dma_wait3A_42 = tpu.memref_slice %arg3[%add3A_32] : memref<16384xi32, #tpu.memory_space<hbm>> -> memref<128xi32, #tpu.memory_space<hbm>>
      tpu.wait_dma2 semaphore(%run_scoped3A : memref<!tpu.dma_semaphore, #tpu.memory_space<semaphore_mem>>) src(%dma_wait3A_42 : memref<128xi32, #tpu.memory_space<hbm>>) dst(%arg5 : memref<128xi32, #tpu.memory_space<vmem>>)
      tpu.yield
    }) : () -> ()
    %dma_start3A_33 = arith.constant 0 : i32
    %dma_start3A_34 = arith.constant 0 : i32
    %dma_start3A_35 = tpu.memref_slice %arg2[%dma_start3A_33, %dma_start3A_34] : memref<73728x16xf32, #tpu.memory_space<hbm>> -> memref<73728x16xf32, #tpu.memory_space<hbm>>
    tpu.enqueue_indirect_dma source(%dma_start3A_35 : memref<73728x16xf32, #tpu.memory_space<hbm>>) target(%arg6 : memref<128x16xf32, #tpu.memory_space<vmem>>) offsets(%arg5 : memref<128xi32, #tpu.memory_space<vmem>>) semaphore(%arg7 : memref<!tpu.dma_semaphore, #tpu.memory_space<semaphore_mem>>)
    %dma_wait3A_36 = arith.constant 0 : i32
    %dma_wait3A_37 = arith.constant 0 : i32
    %dma_wait3A_38 = tpu.memref_slice %arg2[%dma_wait3A_36, %dma_wait3A_37] : memref<73728x16xf32, #tpu.memory_space<hbm>> -> memref<73728x16xf32, #tpu.memory_space<hbm>>
    tpu.wait_indirect_dma semaphore(%arg7 : memref<!tpu.dma_semaphore, #tpu.memory_space<semaphore_mem>>) src(%dma_wait3A_38 : memref<73728x16xf32, #tpu.memory_space<hbm>>) dst(%arg6 : memref<128x16xf32, #tpu.memory_space<vmem>>)
    "tpu.region"() ({
      %run_scoped3A = tpu.sem_alloc : memref<!tpu.dma_semaphore, #tpu.memory_space<semaphore_mem>>
      %dma_start3A_39 = arith.constant 0 : i32
      %dma_start3A_40 = tpu.memref_slice %arg4[%add3A_32, %dma_start3A_39] : memref<16384x16xf32, #tpu.memory_space<hbm>> -> memref<128x16xf32, #tpu.memory_space<hbm>>
      %dma_start3A_41 = arith.constant 0 : i32
      %dma_start3A_42 = tpu.memref_slice %arg4[%add3A_32, %dma_start3A_41] : memref<16384x16xf32, #tpu.memory_space<hbm>> -> memref<128x16xf32, #tpu.memory_space<hbm>>
      tpu.enqueue_dma source(%arg6 : memref<128x16xf32, #tpu.memory_space<vmem>>) target(%dma_start3A_42 : memref<128x16xf32, #tpu.memory_space<hbm>>) target_semaphore(%run_scoped3A : memref<!tpu.dma_semaphore, #tpu.memory_space<semaphore_mem>>)
      %dma_wait3A_43 = arith.constant 0 : i32
      %dma_wait3A_44 = tpu.memref_slice %arg4[%add3A_32, %dma_wait3A_43] : memref<16384x16xf32, #tpu.memory_space<hbm>> -> memref<128x16xf32, #tpu.memory_space<hbm>>
      %dma_wait3A_45 = arith.constant 0 : i32
      %dma_wait3A_46 = tpu.memref_slice %arg4[%add3A_32, %dma_wait3A_45] : memref<16384x16xf32, #tpu.memory_space<hbm>> -> memref<128x16xf32, #tpu.memory_space<hbm>>
      tpu.wait_dma2 semaphore(%run_scoped3A : memref<!tpu.dma_semaphore, #tpu.memory_space<semaphore_mem>>) src(%arg6 : memref<128x16xf32, #tpu.memory_space<vmem>>) dst(%dma_wait3A_46 : memref<128x16xf32, #tpu.memory_space<hbm>>)
      tpu.yield
    }) : () -> ()
    return
  }
}

module attributes {stable_mosaic.version = 14 : i64} {
  func.func @_head_body(%arg0: i32, %arg1: memref<1x256x34x34xf32, #tpu.memory_space<vmem>>, %arg2: memref<256x2304xf32, #tpu.memory_space<vmem>>, %arg3: memref<256x1xf32, #tpu.memory_space<vmem>>, %arg4: memref<64x256xf32, #tpu.memory_space<vmem>>, %arg5: memref<64x1xf32, #tpu.memory_space<vmem>>, %arg6: memref<9x1024xf32, #tpu.memory_space<vmem>>, %arg7: memref<9x1024xf32, #tpu.memory_space<vmem>>, %arg8: memref<9x1024xf32, #tpu.memory_space<vmem>>, %arg9: memref<9x1024xf32, #tpu.memory_space<vmem>>, %arg10: memref<1x9x1024xf32, #tpu.memory_space<vmem>>, %arg11: memref<1x4x9x1024xf32, #tpu.memory_space<vmem>>) attributes {dimension_semantics = [#tpu.dimension_semantics<arbitrary>], iteration_bounds = array<i64: 8>, scalar_prefetch = 0 : i64, scratch_operands = 0 : i64, tpu.core_type = #tpu.core_type<tc>, window_params = [{transform_indices = @transform_0, window_bounds = array<i64: 1, 256, 34, 34>}, {pipeline_mode = #tpu.pipeline_mode<synchronous>, transform_indices = @transform_1, window_bounds = array<i64: 256, 2304>}, {pipeline_mode = #tpu.pipeline_mode<synchronous>, transform_indices = @transform_2, window_bounds = array<i64: 256, 1>}, {pipeline_mode = #tpu.pipeline_mode<synchronous>, transform_indices = @transform_3, window_bounds = array<i64: 64, 256>}, {pipeline_mode = #tpu.pipeline_mode<synchronous>, transform_indices = @transform_4, window_bounds = array<i64: 64, 1>}, {pipeline_mode = #tpu.pipeline_mode<synchronous>, transform_indices = @transform_5, window_bounds = array<i64: 9, 1024>}, {pipeline_mode = #tpu.pipeline_mode<synchronous>, transform_indices = @transform_6, window_bounds = array<i64: 9, 1024>}, {pipeline_mode = #tpu.pipeline_mode<synchronous>, transform_indices = @transform_7, window_bounds = array<i64: 9, 1024>}, {pipeline_mode = #tpu.pipeline_mode<synchronous>, transform_indices = @transform_8, window_bounds = array<i64: 9, 1024>}, {transform_indices = @transform_9, window_bounds = array<i64: 1, 9, 1024>}, {transform_indices = @transform_10, window_bounds = array<i64: 1, 4, 9, 1024>}]} {
    %get3A = arith.constant 0 : index
    %get3A_0 = arith.constant 0 : index
    %get3A_1 = arith.constant 0 : index
    %get3A_2 = arith.constant 0 : index
    %get3A_3 = vector.load %arg1[%get3A, %get3A_0, %get3A_1, %get3A_2] : memref<1x256x34x34xf32, #tpu.memory_space<vmem>>, vector<1x256x32x32xf32>
    %get3A_4 = vector.shape_cast %get3A_3 : vector<1x256x32x32xf32> to vector<256x32x32xf32>
    %reshape3A = vector.shape_cast %get3A_4 : vector<256x32x32xf32> to vector<256x1024xf32>
    %get3A_5 = arith.constant 0 : index
    %get3A_6 = arith.constant 0 : index
    %get3A_7 = vector.load %arg2[%get3A_5, %get3A_6] : memref<256x2304xf32, #tpu.memory_space<vmem>>, vector<256x256xf32>
    %convert_element_type3A = arith.truncf %get3A_7 : vector<256x256xf32> to vector<256x256xbf16>
    %convert_element_type3A_8 = arith.truncf %reshape3A : vector<256x1024xf32> to vector<256x1024xbf16>
    %dot_general3A = arith.constant dense<0.000000e+00> : vector<256x1024xf32>
    %dot_general3A_9 = tpu.matmul %convert_element_type3A, %convert_element_type3A_8, %dot_general3A {dimension_numbers = #tpu.dot_dimension_numbers<[1], [0], [0], [1], [0, 0, 1, 1], [], []>, transpose_lhs_hint = false} : vector<256x256xbf16>, vector<256x1024xbf16>, vector<256x1024xf32> -> vector<256x1024xf32>
    %get3A_10 = arith.constant 0 : index
    %get3A_11 = arith.constant 0 : index
    %get3A_12 = arith.constant 0 : index
    %get3A_13 = arith.constant 1 : index
    %get3A_14 = vector.load %arg1[%get3A_10, %get3A_11, %get3A_12, %get3A_13] : memref<1x256x34x34xf32, #tpu.memory_space<vmem>>, vector<1x256x32x32xf32>
    %get3A_15 = vector.shape_cast %get3A_14 : vector<1x256x32x32xf32> to vector<256x32x32xf32>
    %reshape3A_16 = vector.shape_cast %get3A_15 : vector<256x32x32xf32> to vector<256x1024xf32>
    %get3A_17 = arith.constant 0 : index
    %get3A_18 = arith.constant 256 : index
    %get3A_19 = vector.load %arg2[%get3A_17, %get3A_18] : memref<256x2304xf32, #tpu.memory_space<vmem>>, vector<256x256xf32>
    %convert_element_type3A_20 = arith.truncf %get3A_19 : vector<256x256xf32> to vector<256x256xbf16>
    %convert_element_type3A_21 = arith.truncf %reshape3A_16 : vector<256x1024xf32> to vector<256x1024xbf16>
    %dot_general3A_22 = arith.constant dense<0.000000e+00> : vector<256x1024xf32>
    %dot_general3A_23 = tpu.matmul %convert_element_type3A_20, %convert_element_type3A_21, %dot_general3A_22 {dimension_numbers = #tpu.dot_dimension_numbers<[1], [0], [0], [1], [0, 0, 1, 1], [], []>, transpose_lhs_hint = false} : vector<256x256xbf16>, vector<256x1024xbf16>, vector<256x1024xf32> -> vector<256x1024xf32>
    %add3A = arith.addf %dot_general3A_9, %dot_general3A_23 : vector<256x1024xf32>
    %get3A_24 = arith.constant 0 : index
    %get3A_25 = arith.constant 0 : index
    %get3A_26 = arith.constant 0 : index
    %get3A_27 = arith.constant 2 : index
    %get3A_28 = vector.load %arg1[%get3A_24, %get3A_25, %get3A_26, %get3A_27] : memref<1x256x34x34xf32, #tpu.memory_space<vmem>>, vector<1x256x32x32xf32>
    %get3A_29 = vector.shape_cast %get3A_28 : vector<1x256x32x32xf32> to vector<256x32x32xf32>
    %reshape3A_30 = vector.shape_cast %get3A_29 : vector<256x32x32xf32> to vector<256x1024xf32>
    %get3A_31 = arith.constant 0 : index
    %get3A_32 = arith.constant 512 : index
    %get3A_33 = vector.load %arg2[%get3A_31, %get3A_32] : memref<256x2304xf32, #tpu.memory_space<vmem>>, vector<256x256xf32>
    %convert_element_type3A_34 = arith.truncf %get3A_33 : vector<256x256xf32> to vector<256x256xbf16>
    %convert_element_type3A_35 = arith.truncf %reshape3A_30 : vector<256x1024xf32> to vector<256x1024xbf16>
    %dot_general3A_36 = arith.constant dense<0.000000e+00> : vector<256x1024xf32>
    %dot_general3A_37 = tpu.matmul %convert_element_type3A_34, %convert_element_type3A_35, %dot_general3A_36 {dimension_numbers = #tpu.dot_dimension_numbers<[1], [0], [0], [1], [0, 0, 1, 1], [], []>, transpose_lhs_hint = false} : vector<256x256xbf16>, vector<256x1024xbf16>, vector<256x1024xf32> -> vector<256x1024xf32>
    %add3A_38 = arith.addf %add3A, %dot_general3A_37 : vector<256x1024xf32>
    %get3A_39 = arith.constant 0 : index
    %get3A_40 = arith.constant 0 : index
    %get3A_41 = arith.constant 1 : index
    %get3A_42 = arith.constant 0 : index
    %get3A_43 = vector.load %arg1[%get3A_39, %get3A_40, %get3A_41, %get3A_42] : memref<1x256x34x34xf32, #tpu.memory_space<vmem>>, vector<1x256x32x32xf32>
    %get3A_44 = vector.shape_cast %get3A_43 : vector<1x256x32x32xf32> to vector<256x32x32xf32>
    %reshape3A_45 = vector.shape_cast %get3A_44 : vector<256x32x32xf32> to vector<256x1024xf32>
    %get3A_46 = arith.constant 0 : index
    %get3A_47 = arith.constant 768 : index
    %get3A_48 = vector.load %arg2[%get3A_46, %get3A_47] : memref<256x2304xf32, #tpu.memory_space<vmem>>, vector<256x256xf32>
    %convert_element_type3A_49 = arith.truncf %get3A_48 : vector<256x256xf32> to vector<256x256xbf16>
    %convert_element_type3A_50 = arith.truncf %reshape3A_45 : vector<256x1024xf32> to vector<256x1024xbf16>
    %dot_general3A_51 = arith.constant dense<0.000000e+00> : vector<256x1024xf32>
    %dot_general3A_52 = tpu.matmul %convert_element_type3A_49, %convert_element_type3A_50, %dot_general3A_51 {dimension_numbers = #tpu.dot_dimension_numbers<[1], [0], [0], [1], [0, 0, 1, 1], [], []>, transpose_lhs_hint = false} : vector<256x256xbf16>, vector<256x1024xbf16>, vector<256x1024xf32> -> vector<256x1024xf32>
    %add3A_53 = arith.addf %add3A_38, %dot_general3A_52 : vector<256x1024xf32>
    %get3A_54 = arith.constant 0 : index
    %get3A_55 = arith.constant 0 : index
    %get3A_56 = arith.constant 1 : index
    %get3A_57 = arith.constant 1 : index
    %get3A_58 = vector.load %arg1[%get3A_54, %get3A_55, %get3A_56, %get3A_57] : memref<1x256x34x34xf32, #tpu.memory_space<vmem>>, vector<1x256x32x32xf32>
    %get3A_59 = vector.shape_cast %get3A_58 : vector<1x256x32x32xf32> to vector<256x32x32xf32>
    %reshape3A_60 = vector.shape_cast %get3A_59 : vector<256x32x32xf32> to vector<256x1024xf32>
    %get3A_61 = arith.constant 0 : index
    %get3A_62 = arith.constant 1024 : index
    %get3A_63 = vector.load %arg2[%get3A_61, %get3A_62] : memref<256x2304xf32, #tpu.memory_space<vmem>>, vector<256x256xf32>
    %convert_element_type3A_64 = arith.truncf %get3A_63 : vector<256x256xf32> to vector<256x256xbf16>
    %convert_element_type3A_65 = arith.truncf %reshape3A_60 : vector<256x1024xf32> to vector<256x1024xbf16>
    %dot_general3A_66 = arith.constant dense<0.000000e+00> : vector<256x1024xf32>
    %dot_general3A_67 = tpu.matmul %convert_element_type3A_64, %convert_element_type3A_65, %dot_general3A_66 {dimension_numbers = #tpu.dot_dimension_numbers<[1], [0], [0], [1], [0, 0, 1, 1], [], []>, transpose_lhs_hint = false} : vector<256x256xbf16>, vector<256x1024xbf16>, vector<256x1024xf32> -> vector<256x1024xf32>
    %add3A_68 = arith.addf %add3A_53, %dot_general3A_67 : vector<256x1024xf32>
    %get3A_69 = arith.constant 0 : index
    %get3A_70 = arith.constant 0 : index
    %get3A_71 = arith.constant 1 : index
    %get3A_72 = arith.constant 2 : index
    %get3A_73 = vector.load %arg1[%get3A_69, %get3A_70, %get3A_71, %get3A_72] : memref<1x256x34x34xf32, #tpu.memory_space<vmem>>, vector<1x256x32x32xf32>
    %get3A_74 = vector.shape_cast %get3A_73 : vector<1x256x32x32xf32> to vector<256x32x32xf32>
    %reshape3A_75 = vector.shape_cast %get3A_74 : vector<256x32x32xf32> to vector<256x1024xf32>
    %get3A_76 = arith.constant 0 : index
    %get3A_77 = arith.constant 1280 : index
    %get3A_78 = vector.load %arg2[%get3A_76, %get3A_77] : memref<256x2304xf32, #tpu.memory_space<vmem>>, vector<256x256xf32>
    %convert_element_type3A_79 = arith.truncf %get3A_78 : vector<256x256xf32> to vector<256x256xbf16>
    %convert_element_type3A_80 = arith.truncf %reshape3A_75 : vector<256x1024xf32> to vector<256x1024xbf16>
    %dot_general3A_81 = arith.constant dense<0.000000e+00> : vector<256x1024xf32>
    %dot_general3A_82 = tpu.matmul %convert_element_type3A_79, %convert_element_type3A_80, %dot_general3A_81 {dimension_numbers = #tpu.dot_dimension_numbers<[1], [0], [0], [1], [0, 0, 1, 1], [], []>, transpose_lhs_hint = false} : vector<256x256xbf16>, vector<256x1024xbf16>, vector<256x1024xf32> -> vector<256x1024xf32>
    %add3A_83 = arith.addf %add3A_68, %dot_general3A_82 : vector<256x1024xf32>
    %get3A_84 = arith.constant 0 : index
    %get3A_85 = arith.constant 0 : index
    %get3A_86 = arith.constant 2 : index
    %get3A_87 = arith.constant 0 : index
    %get3A_88 = vector.load %arg1[%get3A_84, %get3A_85, %get3A_86, %get3A_87] : memref<1x256x34x34xf32, #tpu.memory_space<vmem>>, vector<1x256x32x32xf32>
    %get3A_89 = vector.shape_cast %get3A_88 : vector<1x256x32x32xf32> to vector<256x32x32xf32>
    %reshape3A_90 = vector.shape_cast %get3A_89 : vector<256x32x32xf32> to vector<256x1024xf32>
    %get3A_91 = arith.constant 0 : index
    %get3A_92 = arith.constant 1536 : index
    %get3A_93 = vector.load %arg2[%get3A_91, %get3A_92] : memref<256x2304xf32, #tpu.memory_space<vmem>>, vector<256x256xf32>
    %convert_element_type3A_94 = arith.truncf %get3A_93 : vector<256x256xf32> to vector<256x256xbf16>
    %convert_element_type3A_95 = arith.truncf %reshape3A_90 : vector<256x1024xf32> to vector<256x1024xbf16>
    %dot_general3A_96 = arith.constant dense<0.000000e+00> : vector<256x1024xf32>
    %dot_general3A_97 = tpu.matmul %convert_element_type3A_94, %convert_element_type3A_95, %dot_general3A_96 {dimension_numbers = #tpu.dot_dimension_numbers<[1], [0], [0], [1], [0, 0, 1, 1], [], []>, transpose_lhs_hint = false} : vector<256x256xbf16>, vector<256x1024xbf16>, vector<256x1024xf32> -> vector<256x1024xf32>
    %add3A_98 = arith.addf %add3A_83, %dot_general3A_97 : vector<256x1024xf32>
    %get3A_99 = arith.constant 0 : index
    %get3A_100 = arith.constant 0 : index
    %get3A_101 = arith.constant 2 : index
    %get3A_102 = arith.constant 1 : index
    %get3A_103 = vector.load %arg1[%get3A_99, %get3A_100, %get3A_101, %get3A_102] : memref<1x256x34x34xf32, #tpu.memory_space<vmem>>, vector<1x256x32x32xf32>
    %get3A_104 = vector.shape_cast %get3A_103 : vector<1x256x32x32xf32> to vector<256x32x32xf32>
    %reshape3A_105 = vector.shape_cast %get3A_104 : vector<256x32x32xf32> to vector<256x1024xf32>
    %get3A_106 = arith.constant 0 : index
    %get3A_107 = arith.constant 1792 : index
    %get3A_108 = vector.load %arg2[%get3A_106, %get3A_107] : memref<256x2304xf32, #tpu.memory_space<vmem>>, vector<256x256xf32>
    %convert_element_type3A_109 = arith.truncf %get3A_108 : vector<256x256xf32> to vector<256x256xbf16>
    %convert_element_type3A_110 = arith.truncf %reshape3A_105 : vector<256x1024xf32> to vector<256x1024xbf16>
    %dot_general3A_111 = arith.constant dense<0.000000e+00> : vector<256x1024xf32>
    %dot_general3A_112 = tpu.matmul %convert_element_type3A_109, %convert_element_type3A_110, %dot_general3A_111 {dimension_numbers = #tpu.dot_dimension_numbers<[1], [0], [0], [1], [0, 0, 1, 1], [], []>, transpose_lhs_hint = false} : vector<256x256xbf16>, vector<256x1024xbf16>, vector<256x1024xf32> -> vector<256x1024xf32>
    %add3A_113 = arith.addf %add3A_98, %dot_general3A_112 : vector<256x1024xf32>
    %get3A_114 = arith.constant 0 : index
    %get3A_115 = arith.constant 0 : index
    %get3A_116 = arith.constant 2 : index
    %get3A_117 = arith.constant 2 : index
    %get3A_118 = vector.load %arg1[%get3A_114, %get3A_115, %get3A_116, %get3A_117] : memref<1x256x34x34xf32, #tpu.memory_space<vmem>>, vector<1x256x32x32xf32>
    %get3A_119 = vector.shape_cast %get3A_118 : vector<1x256x32x32xf32> to vector<256x32x32xf32>
    %reshape3A_120 = vector.shape_cast %get3A_119 : vector<256x32x32xf32> to vector<256x1024xf32>
    %get3A_121 = arith.constant 0 : index
    %get3A_122 = arith.constant 2048 : index
    %get3A_123 = vector.load %arg2[%get3A_121, %get3A_122] : memref<256x2304xf32, #tpu.memory_space<vmem>>, vector<256x256xf32>
    %convert_element_type3A_124 = arith.truncf %get3A_123 : vector<256x256xf32> to vector<256x256xbf16>
    %convert_element_type3A_125 = arith.truncf %reshape3A_120 : vector<256x1024xf32> to vector<256x1024xbf16>
    %dot_general3A_126 = arith.constant dense<0.000000e+00> : vector<256x1024xf32>
    %dot_general3A_127 = tpu.matmul %convert_element_type3A_124, %convert_element_type3A_125, %dot_general3A_126 {dimension_numbers = #tpu.dot_dimension_numbers<[1], [0], [0], [1], [0, 0, 1, 1], [], []>, transpose_lhs_hint = false} : vector<256x256xbf16>, vector<256x1024xbf16>, vector<256x1024xf32> -> vector<256x1024xf32>
    %add3A_128 = arith.addf %add3A_113, %dot_general3A_127 : vector<256x1024xf32>
    %get3A_129 = arith.constant 0 : index
    %get3A_130 = arith.constant 0 : index
    %get3A_131 = vector.load %arg3[%get3A_129, %get3A_130] : memref<256x1xf32, #tpu.memory_space<vmem>>, vector<256x1xf32>
    %add3A_132 = vector.broadcast %get3A_131 : vector<256x1xf32> to vector<256x1024xf32>
    %add3A_133 = arith.addf %add3A_128, %add3A_132 : vector<256x1024xf32>
    %max3A = arith.constant 0.000000e+00 : f32
    %max3A_134 = vector.broadcast %max3A : f32 to vector<256x1024xf32>
    %max3A_135 = arith.maximumf %add3A_133, %max3A_134 : vector<256x1024xf32>
    %get3A_136 = arith.constant 0 : index
    %get3A_137 = arith.constant 0 : index
    %get3A_138 = vector.load %arg4[%get3A_136, %get3A_137] : memref<64x256xf32, #tpu.memory_space<vmem>>, vector<64x256xf32>
    %convert_element_type3A_139 = arith.truncf %get3A_138 : vector<64x256xf32> to vector<64x256xbf16>
    %convert_element_type3A_140 = arith.truncf %max3A_135 : vector<256x1024xf32> to vector<256x1024xbf16>
    %dot_general3A_141 = arith.constant dense<0.000000e+00> : vector<64x1024xf32>
    %dot_general3A_142 = tpu.matmul %convert_element_type3A_139, %convert_element_type3A_140, %dot_general3A_141 {dimension_numbers = #tpu.dot_dimension_numbers<[1], [0], [0], [1], [0, 0, 1, 1], [], []>, transpose_lhs_hint = false} : vector<64x256xbf16>, vector<256x1024xbf16>, vector<64x1024xf32> -> vector<64x1024xf32>
    %get3A_143 = arith.constant 0 : index
    %get3A_144 = arith.constant 0 : index
    %get3A_145 = vector.load %arg5[%get3A_143, %get3A_144] : memref<64x1xf32, #tpu.memory_space<vmem>>, vector<64x1xf32>
    %add3A_146 = vector.broadcast %get3A_145 : vector<64x1xf32> to vector<64x1024xf32>
    %add3A_147 = arith.addf %dot_general3A_142, %add3A_146 : vector<64x1024xf32>
    %slice3A = vector.extract_strided_slice %add3A_147 {offsets = [0, 0], sizes = [1, 1024], strides = [1, 1]} : vector<64x1024xf32> to vector<1x1024xf32>
    %slice3A_148 = vector.extract_strided_slice %add3A_147 {offsets = [1, 0], sizes = [1, 1024], strides = [1, 1]} : vector<64x1024xf32> to vector<1x1024xf32>
    %slice3A_149 = vector.extract_strided_slice %add3A_147 {offsets = [18, 0], sizes = [1, 1024], strides = [1, 1]} : vector<64x1024xf32> to vector<1x1024xf32>
    %slice3A_150 = vector.extract_strided_slice %add3A_147 {offsets = [19, 0], sizes = [1, 1024], strides = [1, 1]} : vector<64x1024xf32> to vector<1x1024xf32>
    %slice3A_151 = vector.extract_strided_slice %add3A_147 {offsets = [20, 0], sizes = [1, 1024], strides = [1, 1]} : vector<64x1024xf32> to vector<1x1024xf32>
    %slice3A_152 = vector.extract_strided_slice %add3A_147 {offsets = [21, 0], sizes = [1, 1024], strides = [1, 1]} : vector<64x1024xf32> to vector<1x1024xf32>
    %get3A_153 = arith.constant 0 : index
    %get3A_154 = arith.constant 0 : index
    %get3A_155 = vector.load %arg6[%get3A_153, %get3A_154] : memref<9x1024xf32, #tpu.memory_space<vmem>>, vector<1x1024xf32>
    %get3A_156 = arith.constant 0 : index
    %get3A_157 = arith.constant 0 : index
    %get3A_158 = vector.load %arg7[%get3A_156, %get3A_157] : memref<9x1024xf32, #tpu.memory_space<vmem>>, vector<1x1024xf32>
    %get3A_159 = arith.constant 0 : index
    %get3A_160 = arith.constant 0 : index
    %get3A_161 = vector.load %arg8[%get3A_159, %get3A_160] : memref<9x1024xf32, #tpu.memory_space<vmem>>, vector<1x1024xf32>
    %get3A_162 = arith.constant 0 : index
    %get3A_163 = arith.constant 0 : index
    %get3A_164 = vector.load %arg9[%get3A_162, %get3A_163] : memref<9x1024xf32, #tpu.memory_space<vmem>>, vector<1x1024xf32>
    %mul3A = arith.mulf %slice3A_149, %get3A_155 : vector<1x1024xf32>
    %add3A_165 = arith.addf %mul3A, %get3A_161 : vector<1x1024xf32>
    %mul3A_166 = arith.mulf %slice3A_150, %get3A_158 : vector<1x1024xf32>
    %add3A_167 = arith.addf %mul3A_166, %get3A_164 : vector<1x1024xf32>
    %exp3A = math.exp %slice3A_151 : vector<1x1024xf32>
    %mul3A_168 = arith.mulf %exp3A, %get3A_155 : vector<1x1024xf32>
    %exp3A_169 = math.exp %slice3A_152 : vector<1x1024xf32>
    %mul3A_170 = arith.mulf %exp3A_169, %get3A_158 : vector<1x1024xf32>
    %mul3A_171 = arith.constant 5.000000e-01 : f32
    %mul3A_172 = vector.broadcast %mul3A_171 : f32 to vector<1x1024xf32>
    %mul3A_173 = arith.mulf %mul3A_172, %mul3A_168 : vector<1x1024xf32>
    %sub3A = arith.subf %add3A_165, %mul3A_173 : vector<1x1024xf32>
    %max3A_174 = arith.constant 0.000000e+00 : f32
    %max3A_175 = vector.broadcast %max3A_174 : f32 to vector<1x1024xf32>
    %max3A_176 = arith.maximumf %sub3A, %max3A_175 : vector<1x1024xf32>
    %mul3A_177 = arith.constant 5.000000e-01 : f32
    %mul3A_178 = vector.broadcast %mul3A_177 : f32 to vector<1x1024xf32>
    %mul3A_179 = arith.mulf %mul3A_178, %mul3A_170 : vector<1x1024xf32>
    %sub3A_180 = arith.subf %add3A_167, %mul3A_179 : vector<1x1024xf32>
    %max3A_181 = arith.constant 0.000000e+00 : f32
    %max3A_182 = vector.broadcast %max3A_181 : f32 to vector<1x1024xf32>
    %max3A_183 = arith.maximumf %sub3A_180, %max3A_182 : vector<1x1024xf32>
    %mul3A_184 = arith.constant 5.000000e-01 : f32
    %mul3A_185 = vector.broadcast %mul3A_184 : f32 to vector<1x1024xf32>
    %mul3A_186 = arith.mulf %mul3A_185, %mul3A_168 : vector<1x1024xf32>
    %add3A_187 = arith.addf %add3A_165, %mul3A_186 : vector<1x1024xf32>
    %max3A_188 = arith.constant 0.000000e+00 : f32
    %max3A_189 = vector.broadcast %max3A_188 : f32 to vector<1x1024xf32>
    %max3A_190 = arith.maximumf %add3A_187, %max3A_189 : vector<1x1024xf32>
    %mul3A_191 = arith.constant 5.000000e-01 : f32
    %mul3A_192 = vector.broadcast %mul3A_191 : f32 to vector<1x1024xf32>
    %mul3A_193 = arith.mulf %mul3A_192, %mul3A_170 : vector<1x1024xf32>
    %add3A_194 = arith.addf %add3A_167, %mul3A_193 : vector<1x1024xf32>
    %max3A_195 = arith.constant 0.000000e+00 : f32
    %max3A_196 = vector.broadcast %max3A_195 : f32 to vector<1x1024xf32>
    %max3A_197 = arith.maximumf %add3A_194, %max3A_196 : vector<1x1024xf32>
    %jit3A = arith.constant 0.000000e+00 : f32
    %jit3A_198 = arith.constant 5.120000e+02 : f32
    %max3A_199 = vector.broadcast %jit3A : f32 to vector<1x1024xf32>
    %max3A_200 = arith.maximumf %max3A_199, %max3A_176 : vector<1x1024xf32>
    %min3A = vector.broadcast %jit3A_198 : f32 to vector<1x1024xf32>
    %min3A_201 = arith.minimumf %min3A, %max3A_200 : vector<1x1024xf32>
    %jit3A_202 = arith.constant 0.000000e+00 : f32
    %jit3A_203 = arith.constant 5.120000e+02 : f32
    %max3A_204 = vector.broadcast %jit3A_202 : f32 to vector<1x1024xf32>
    %max3A_205 = arith.maximumf %max3A_204, %max3A_190 : vector<1x1024xf32>
    %min3A_206 = vector.broadcast %jit3A_203 : f32 to vector<1x1024xf32>
    %min3A_207 = arith.minimumf %min3A_206, %max3A_205 : vector<1x1024xf32>
    %jit3A_208 = arith.constant 0.000000e+00 : f32
    %jit3A_209 = arith.constant 5.120000e+02 : f32
    %max3A_210 = vector.broadcast %jit3A_208 : f32 to vector<1x1024xf32>
    %max3A_211 = arith.maximumf %max3A_210, %max3A_183 : vector<1x1024xf32>
    %min3A_212 = vector.broadcast %jit3A_209 : f32 to vector<1x1024xf32>
    %min3A_213 = arith.minimumf %min3A_212, %max3A_211 : vector<1x1024xf32>
    %jit3A_214 = arith.constant 0.000000e+00 : f32
    %jit3A_215 = arith.constant 5.120000e+02 : f32
    %max3A_216 = vector.broadcast %jit3A_214 : f32 to vector<1x1024xf32>
    %max3A_217 = arith.maximumf %max3A_216, %max3A_197 : vector<1x1024xf32>
    %min3A_218 = vector.broadcast %jit3A_215 : f32 to vector<1x1024xf32>
    %min3A_219 = arith.minimumf %min3A_218, %max3A_217 : vector<1x1024xf32>
    %sub3A_220 = arith.subf %min3A_207, %min3A_201 : vector<1x1024xf32>
    %ge3A = arith.constant 1.000000e+01 : f32
    %ge3A_221 = vector.broadcast %ge3A : f32 to vector<1x1024xf32>
    %ge3A_222 = arith.cmpf oge, %sub3A_220, %ge3A_221 : vector<1x1024xf32>
    %sub3A_223 = arith.subf %min3A_219, %min3A_213 : vector<1x1024xf32>
    %ge3A_224 = arith.constant 1.000000e+01 : f32
    %ge3A_225 = vector.broadcast %ge3A_224 : f32 to vector<1x1024xf32>
    %ge3A_226 = arith.cmpf oge, %sub3A_223, %ge3A_225 : vector<1x1024xf32>
    %and3A = arith.andi %ge3A_222, %ge3A_226 : vector<1x1024xi1>
    %max3A_227 = arith.maximumf %slice3A, %slice3A_148 : vector<1x1024xf32>
    %sub3A_228 = arith.subf %slice3A, %max3A_227 : vector<1x1024xf32>
    %exp3A_229 = math.exp %sub3A_228 : vector<1x1024xf32>
    %sub3A_230 = arith.subf %slice3A_148, %max3A_227 : vector<1x1024xf32>
    %exp3A_231 = math.exp %sub3A_230 : vector<1x1024xf32>
    %add3A_232 = arith.addf %exp3A_229, %exp3A_231 : vector<1x1024xf32>
    %div3A = arith.divf %exp3A_231, %add3A_232 : vector<1x1024xf32>
    %jit3A_233 = arith.constant -1.000000e+09 : f32
    %broadcast_in_dim3A = vector.broadcast %jit3A_233 : f32 to vector<1x1024xf32>
    %select_n3A = arith.select %and3A, %div3A, %broadcast_in_dim3A : vector<1x1024xi1>, vector<1x1024xf32>
    %swap3A = arith.constant 0 : index
    %swap3A_234 = arith.constant 0 : index
    %swap3A_235 = arith.constant 0 : index
    %swap3A_236 = vector.load %arg10[%swap3A, %swap3A_234, %swap3A_235] : memref<1x9x1024xf32, #tpu.memory_space<vmem>>, vector<1x1x1024xf32>
    %swap3A_237 = vector.shape_cast %swap3A_236 : vector<1x1x1024xf32> to vector<1x1024xf32>
    %swap3A_238 = vector.shape_cast %select_n3A : vector<1x1024xf32> to vector<1x1x1024xf32>
    tpu.vector_store %arg10[%swap3A, %swap3A_234, %swap3A_235], %swap3A_238 {strides = array<i32>} : memref<1x9x1024xf32, #tpu.memory_space<vmem>>, vector<1x1x1024xf32>,
    %swap3A_239 = arith.constant 0 : index
    %swap3A_240 = arith.constant 0 : index
    %swap3A_241 = arith.constant 0 : index
    %swap3A_242 = arith.constant 0 : index
    %swap3A_243 = vector.load %arg11[%swap3A_239, %swap3A_240, %swap3A_241, %swap3A_242] : memref<1x4x9x1024xf32, #tpu.memory_space<vmem>>, vector<1x1x1x1024xf32>
    %swap3A_244 = vector.shape_cast %swap3A_243 : vector<1x1x1x1024xf32> to vector<1x1024xf32>
    %swap3A_245 = vector.shape_cast %max3A_176 : vector<1x1024xf32> to vector<1x1x1x1024xf32>
    tpu.vector_store %arg11[%swap3A_239, %swap3A_240, %swap3A_241, %swap3A_242], %swap3A_245 {strides = array<i32>} : memref<1x4x9x1024xf32, #tpu.memory_space<vmem>>, vector<1x1x1x1024xf32>,
    %swap3A_246 = arith.constant 0 : index
    %swap3A_247 = arith.constant 1 : index
    %swap3A_248 = arith.constant 0 : index
    %swap3A_249 = arith.constant 0 : index
    %swap3A_250 = vector.load %arg11[%swap3A_246, %swap3A_247, %swap3A_248, %swap3A_249] : memref<1x4x9x1024xf32, #tpu.memory_space<vmem>>, vector<1x1x1x1024xf32>
    %swap3A_251 = vector.shape_cast %swap3A_250 : vector<1x1x1x1024xf32> to vector<1x1024xf32>
    %swap3A_252 = vector.shape_cast %max3A_183 : vector<1x1024xf32> to vector<1x1x1x1024xf32>
    tpu.vector_store %arg11[%swap3A_246, %swap3A_247, %swap3A_248, %swap3A_249], %swap3A_252 {strides = array<i32>} : memref<1x4x9x1024xf32, #tpu.memory_space<vmem>>, vector<1x1x1x1024xf32>,
    %swap3A_253 = arith.constant 0 : index
    %swap3A_254 = arith.constant 2 : index
    %swap3A_255 = arith.constant 0 : index
    %swap3A_256 = arith.constant 0 : index
    %swap3A_257 = vector.load %arg11[%swap3A_253, %swap3A_254, %swap3A_255, %swap3A_256] : memref<1x4x9x1024xf32, #tpu.memory_space<vmem>>, vector<1x1x1x1024xf32>
    %swap3A_258 = vector.shape_cast %swap3A_257 : vector<1x1x1x1024xf32> to vector<1x1024xf32>
    %swap3A_259 = vector.shape_cast %max3A_190 : vector<1x1024xf32> to vector<1x1x1x1024xf32>
    tpu.vector_store %arg11[%swap3A_253, %swap3A_254, %swap3A_255, %swap3A_256], %swap3A_259 {strides = array<i32>} : memref<1x4x9x1024xf32, #tpu.memory_space<vmem>>, vector<1x1x1x1024xf32>,
    %swap3A_260 = arith.constant 0 : index
    %swap3A_261 = arith.constant 3 : index
    %swap3A_262 = arith.constant 0 : index
    %swap3A_263 = arith.constant 0 : index
    %swap3A_264 = vector.load %arg11[%swap3A_260, %swap3A_261, %swap3A_262, %swap3A_263] : memref<1x4x9x1024xf32, #tpu.memory_space<vmem>>, vector<1x1x1x1024xf32>
    %swap3A_265 = vector.shape_cast %swap3A_264 : vector<1x1x1x1024xf32> to vector<1x1024xf32>
    %swap3A_266 = vector.shape_cast %max3A_197 : vector<1x1024xf32> to vector<1x1x1x1024xf32>
    tpu.vector_store %arg11[%swap3A_260, %swap3A_261, %swap3A_262, %swap3A_263], %swap3A_266 {strides = array<i32>} : memref<1x4x9x1024xf32, #tpu.memory_space<vmem>>, vector<1x1x1x1024xf32>,
    %slice3A_267 = vector.extract_strided_slice %add3A_147 {offsets = [2, 0], sizes = [1, 1024], strides = [1, 1]} : vector<64x1024xf32> to vector<1x1024xf32>
    %slice3A_268 = vector.extract_strided_slice %add3A_147 {offsets = [3, 0], sizes = [1, 1024], strides = [1, 1]} : vector<64x1024xf32> to vector<1x1024xf32>
    %slice3A_269 = vector.extract_strided_slice %add3A_147 {offsets = [22, 0], sizes = [1, 1024], strides = [1, 1]} : vector<64x1024xf32> to vector<1x1024xf32>
    %slice3A_270 = vector.extract_strided_slice %add3A_147 {offsets = [23, 0], sizes = [1, 1024], strides = [1, 1]} : vector<64x1024xf32> to vector<1x1024xf32>
    %slice3A_271 = vector.extract_strided_slice %add3A_147 {offsets = [24, 0], sizes = [1, 1024], strides = [1, 1]} : vector<64x1024xf32> to vector<1x1024xf32>
    %slice3A_272 = vector.extract_strided_slice %add3A_147 {offsets = [25, 0], sizes = [1, 1024], strides = [1, 1]} : vector<64x1024xf32> to vector<1x1024xf32>
    %get3A_273 = arith.constant 1 : index
    %get3A_274 = arith.constant 0 : index
    %get3A_275 = vector.load %arg6[%get3A_273, %get3A_274] : memref<9x1024xf32, #tpu.memory_space<vmem>>, vector<1x1024xf32>
    %get3A_276 = arith.constant 1 : index
    %get3A_277 = arith.constant 0 : index
    %get3A_278 = vector.load %arg7[%get3A_276, %get3A_277] : memref<9x1024xf32, #tpu.memory_space<vmem>>, vector<1x1024xf32>
    %get3A_279 = arith.constant 1 : index
    %get3A_280 = arith.constant 0 : index
    %get3A_281 = vector.load %arg8[%get3A_279, %get3A_280] : memref<9x1024xf32, #tpu.memory_space<vmem>>, vector<1x1024xf32>
    %get3A_282 = arith.constant 1 : index
    %get3A_283 = arith.constant 0 : index
    %get3A_284 = vector.load %arg9[%get3A_282, %get3A_283] : memref<9x1024xf32, #tpu.memory_space<vmem>>, vector<1x1024xf32>
    %mul3A_285 = arith.mulf %slice3A_269, %get3A_275 : vector<1x1024xf32>
    %add3A_286 = arith.addf %mul3A_285, %get3A_281 : vector<1x1024xf32>
    %mul3A_287 = arith.mulf %slice3A_270, %get3A_278 : vector<1x1024xf32>
    %add3A_288 = arith.addf %mul3A_287, %get3A_284 : vector<1x1024xf32>
    %exp3A_289 = math.exp %slice3A_271 : vector<1x1024xf32>
    %mul3A_290 = arith.mulf %exp3A_289, %get3A_275 : vector<1x1024xf32>
    %exp3A_291 = math.exp %slice3A_272 : vector<1x1024xf32>
    %mul3A_292 = arith.mulf %exp3A_291, %get3A_278 : vector<1x1024xf32>
    %mul3A_293 = arith.constant 5.000000e-01 : f32
    %mul3A_294 = vector.broadcast %mul3A_293 : f32 to vector<1x1024xf32>
    %mul3A_295 = arith.mulf %mul3A_294, %mul3A_290 : vector<1x1024xf32>
    %sub3A_296 = arith.subf %add3A_286, %mul3A_295 : vector<1x1024xf32>
    %max3A_297 = arith.constant 0.000000e+00 : f32
    %max3A_298 = vector.broadcast %max3A_297 : f32 to vector<1x1024xf32>
    %max3A_299 = arith.maximumf %sub3A_296, %max3A_298 : vector<1x1024xf32>
    %mul3A_300 = arith.constant 5.000000e-01 : f32
    %mul3A_301 = vector.broadcast %mul3A_300 : f32 to vector<1x1024xf32>
    %mul3A_302 = arith.mulf %mul3A_301, %mul3A_292 : vector<1x1024xf32>
    %sub3A_303 = arith.subf %add3A_288, %mul3A_302 : vector<1x1024xf32>
    %max3A_304 = arith.constant 0.000000e+00 : f32
    %max3A_305 = vector.broadcast %max3A_304 : f32 to vector<1x1024xf32>
    %max3A_306 = arith.maximumf %sub3A_303, %max3A_305 : vector<1x1024xf32>
    %mul3A_307 = arith.constant 5.000000e-01 : f32
    %mul3A_308 = vector.broadcast %mul3A_307 : f32 to vector<1x1024xf32>
    %mul3A_309 = arith.mulf %mul3A_308, %mul3A_290 : vector<1x1024xf32>
    %add3A_310 = arith.addf %add3A_286, %mul3A_309 : vector<1x1024xf32>
    %max3A_311 = arith.constant 0.000000e+00 : f32
    %max3A_312 = vector.broadcast %max3A_311 : f32 to vector<1x1024xf32>
    %max3A_313 = arith.maximumf %add3A_310, %max3A_312 : vector<1x1024xf32>
    %mul3A_314 = arith.constant 5.000000e-01 : f32
    %mul3A_315 = vector.broadcast %mul3A_314 : f32 to vector<1x1024xf32>
    %mul3A_316 = arith.mulf %mul3A_315, %mul3A_292 : vector<1x1024xf32>
    %add3A_317 = arith.addf %add3A_288, %mul3A_316 : vector<1x1024xf32>
    %max3A_318 = arith.constant 0.000000e+00 : f32
    %max3A_319 = vector.broadcast %max3A_318 : f32 to vector<1x1024xf32>
    %max3A_320 = arith.maximumf %add3A_317, %max3A_319 : vector<1x1024xf32>
    %jit3A_321 = arith.constant 0.000000e+00 : f32
    %jit3A_322 = arith.constant 5.120000e+02 : f32
    %max3A_323 = vector.broadcast %jit3A_321 : f32 to vector<1x1024xf32>
    %max3A_324 = arith.maximumf %max3A_323, %max3A_299 : vector<1x1024xf32>
    %min3A_325 = vector.broadcast %jit3A_322 : f32 to vector<1x1024xf32>
    %min3A_326 = arith.minimumf %min3A_325, %max3A_324 : vector<1x1024xf32>
    %jit3A_327 = arith.constant 0.000000e+00 : f32
    %jit3A_328 = arith.constant 5.120000e+02 : f32
    %max3A_329 = vector.broadcast %jit3A_327 : f32 to vector<1x1024xf32>
    %max3A_330 = arith.maximumf %max3A_329, %max3A_313 : vector<1x1024xf32>
    %min3A_331 = vector.broadcast %jit3A_328 : f32 to vector<1x1024xf32>
    %min3A_332 = arith.minimumf %min3A_331, %max3A_330 : vector<1x1024xf32>
    %jit3A_333 = arith.constant 0.000000e+00 : f32
    %jit3A_334 = arith.constant 5.120000e+02 : f32
    %max3A_335 = vector.broadcast %jit3A_333 : f32 to vector<1x1024xf32>
    %max3A_336 = arith.maximumf %max3A_335, %max3A_306 : vector<1x1024xf32>
    %min3A_337 = vector.broadcast %jit3A_334 : f32 to vector<1x1024xf32>
    %min3A_338 = arith.minimumf %min3A_337, %max3A_336 : vector<1x1024xf32>
    %jit3A_339 = arith.constant 0.000000e+00 : f32
    %jit3A_340 = arith.constant 5.120000e+02 : f32
    %max3A_341 = vector.broadcast %jit3A_339 : f32 to vector<1x1024xf32>
    %max3A_342 = arith.maximumf %max3A_341, %max3A_320 : vector<1x1024xf32>
    %min3A_343 = vector.broadcast %jit3A_340 : f32 to vector<1x1024xf32>
    %min3A_344 = arith.minimumf %min3A_343, %max3A_342 : vector<1x1024xf32>
    %sub3A_345 = arith.subf %min3A_332, %min3A_326 : vector<1x1024xf32>
    %ge3A_346 = arith.constant 1.000000e+01 : f32
    %ge3A_347 = vector.broadcast %ge3A_346 : f32 to vector<1x1024xf32>
    %ge3A_348 = arith.cmpf oge, %sub3A_345, %ge3A_347 : vector<1x1024xf32>
    %sub3A_349 = arith.subf %min3A_344, %min3A_338 : vector<1x1024xf32>
    %ge3A_350 = arith.constant 1.000000e+01 : f32
    %ge3A_351 = vector.broadcast %ge3A_350 : f32 to vector<1x1024xf32>
    %ge3A_352 = arith.cmpf oge, %sub3A_349, %ge3A_351 : vector<1x1024xf32>
    %and3A_353 = arith.andi %ge3A_348, %ge3A_352 : vector<1x1024xi1>
    %max3A_354 = arith.maximumf %slice3A_267, %slice3A_268 : vector<1x1024xf32>
    %sub3A_355 = arith.subf %slice3A_267, %max3A_354 : vector<1x1024xf32>
    %exp3A_356 = math.exp %sub3A_355 : vector<1x1024xf32>
    %sub3A_357 = arith.subf %slice3A_268, %max3A_354 : vector<1x1024xf32>
    %exp3A_358 = math.exp %sub3A_357 : vector<1x1024xf32>
    %add3A_359 = arith.addf %exp3A_356, %exp3A_358 : vector<1x1024xf32>
    %div3A_360 = arith.divf %exp3A_358, %add3A_359 : vector<1x1024xf32>
    %jit3A_361 = arith.constant -1.000000e+09 : f32
    %broadcast_in_dim3A_362 = vector.broadcast %jit3A_361 : f32 to vector<1x1024xf32>
    %select_n3A_363 = arith.select %and3A_353, %div3A_360, %broadcast_in_dim3A_362 : vector<1x1024xi1>, vector<1x1024xf32>
    %swap3A_364 = arith.constant 0 : index
    %swap3A_365 = arith.constant 1 : index
    %swap3A_366 = arith.constant 0 : index
    %swap3A_367 = vector.load %arg10[%swap3A_364, %swap3A_365, %swap3A_366] : memref<1x9x1024xf32, #tpu.memory_space<vmem>>, vector<1x1x1024xf32>
    %swap3A_368 = vector.shape_cast %swap3A_367 : vector<1x1x1024xf32> to vector<1x1024xf32>
    %swap3A_369 = vector.shape_cast %select_n3A_363 : vector<1x1024xf32> to vector<1x1x1024xf32>
    tpu.vector_store %arg10[%swap3A_364, %swap3A_365, %swap3A_366], %swap3A_369 {strides = array<i32>} : memref<1x9x1024xf32, #tpu.memory_space<vmem>>, vector<1x1x1024xf32>,
    %swap3A_370 = arith.constant 0 : index
    %swap3A_371 = arith.constant 0 : index
    %swap3A_372 = arith.constant 1 : index
    %swap3A_373 = arith.constant 0 : index
    %swap3A_374 = vector.load %arg11[%swap3A_370, %swap3A_371, %swap3A_372, %swap3A_373] : memref<1x4x9x1024xf32, #tpu.memory_space<vmem>>, vector<1x1x1x1024xf32>
    %swap3A_375 = vector.shape_cast %swap3A_374 : vector<1x1x1x1024xf32> to vector<1x1024xf32>
    %swap3A_376 = vector.shape_cast %max3A_299 : vector<1x1024xf32> to vector<1x1x1x1024xf32>
    tpu.vector_store %arg11[%swap3A_370, %swap3A_371, %swap3A_372, %swap3A_373], %swap3A_376 {strides = array<i32>} : memref<1x4x9x1024xf32, #tpu.memory_space<vmem>>, vector<1x1x1x1024xf32>,
    %swap3A_377 = arith.constant 0 : index
    %swap3A_378 = arith.constant 1 : index
    %swap3A_379 = arith.constant 1 : index
    %swap3A_380 = arith.constant 0 : index
    %swap3A_381 = vector.load %arg11[%swap3A_377, %swap3A_378, %swap3A_379, %swap3A_380] : memref<1x4x9x1024xf32, #tpu.memory_space<vmem>>, vector<1x1x1x1024xf32>
    %swap3A_382 = vector.shape_cast %swap3A_381 : vector<1x1x1x1024xf32> to vector<1x1024xf32>
    %swap3A_383 = vector.shape_cast %max3A_306 : vector<1x1024xf32> to vector<1x1x1x1024xf32>
    tpu.vector_store %arg11[%swap3A_377, %swap3A_378, %swap3A_379, %swap3A_380], %swap3A_383 {strides = array<i32>} : memref<1x4x9x1024xf32, #tpu.memory_space<vmem>>, vector<1x1x1x1024xf32>,
    %swap3A_384 = arith.constant 0 : index
    %swap3A_385 = arith.constant 2 : index
    %swap3A_386 = arith.constant 1 : index
    %swap3A_387 = arith.constant 0 : index
    %swap3A_388 = vector.load %arg11[%swap3A_384, %swap3A_385, %swap3A_386, %swap3A_387] : memref<1x4x9x1024xf32, #tpu.memory_space<vmem>>, vector<1x1x1x1024xf32>
    %swap3A_389 = vector.shape_cast %swap3A_388 : vector<1x1x1x1024xf32> to vector<1x1024xf32>
    %swap3A_390 = vector.shape_cast %max3A_313 : vector<1x1024xf32> to vector<1x1x1x1024xf32>
    tpu.vector_store %arg11[%swap3A_384, %swap3A_385, %swap3A_386, %swap3A_387], %swap3A_390 {strides = array<i32>} : memref<1x4x9x1024xf32, #tpu.memory_space<vmem>>, vector<1x1x1x1024xf32>,
    %swap3A_391 = arith.constant 0 : index
    %swap3A_392 = arith.constant 3 : index
    %swap3A_393 = arith.constant 1 : index
    %swap3A_394 = arith.constant 0 : index
    %swap3A_395 = vector.load %arg11[%swap3A_391, %swap3A_392, %swap3A_393, %swap3A_394] : memref<1x4x9x1024xf32, #tpu.memory_space<vmem>>, vector<1x1x1x1024xf32>
    %swap3A_396 = vector.shape_cast %swap3A_395 : vector<1x1x1x1024xf32> to vector<1x1024xf32>
    %swap3A_397 = vector.shape_cast %max3A_320 : vector<1x1024xf32> to vector<1x1x1x1024xf32>
    tpu.vector_store %arg11[%swap3A_391, %swap3A_392, %swap3A_393, %swap3A_394], %swap3A_397 {strides = array<i32>} : memref<1x4x9x1024xf32, #tpu.memory_space<vmem>>, vector<1x1x1x1024xf32>,
    %slice3A_398 = vector.extract_strided_slice %add3A_147 {offsets = [4, 0], sizes = [1, 1024], strides = [1, 1]} : vector<64x1024xf32> to vector<1x1024xf32>
    %slice3A_399 = vector.extract_strided_slice %add3A_147 {offsets = [5, 0], sizes = [1, 1024], strides = [1, 1]} : vector<64x1024xf32> to vector<1x1024xf32>
    %slice3A_400 = vector.extract_strided_slice %add3A_147 {offsets = [26, 0], sizes = [1, 1024], strides = [1, 1]} : vector<64x1024xf32> to vector<1x1024xf32>
    %slice3A_401 = vector.extract_strided_slice %add3A_147 {offsets = [27, 0], sizes = [1, 1024], strides = [1, 1]} : vector<64x1024xf32> to vector<1x1024xf32>
    %slice3A_402 = vector.extract_strided_slice %add3A_147 {offsets = [28, 0], sizes = [1, 1024], strides = [1, 1]} : vector<64x1024xf32> to vector<1x1024xf32>
    %slice3A_403 = vector.extract_strided_slice %add3A_147 {offsets = [29, 0], sizes = [1, 1024], strides = [1, 1]} : vector<64x1024xf32> to vector<1x1024xf32>
    %get3A_404 = arith.constant 2 : index
    %get3A_405 = arith.constant 0 : index
    %get3A_406 = vector.load %arg6[%get3A_404, %get3A_405] : memref<9x1024xf32, #tpu.memory_space<vmem>>, vector<1x1024xf32>
    %get3A_407 = arith.constant 2 : index
    %get3A_408 = arith.constant 0 : index
    %get3A_409 = vector.load %arg7[%get3A_407, %get3A_408] : memref<9x1024xf32, #tpu.memory_space<vmem>>, vector<1x1024xf32>
    %get3A_410 = arith.constant 2 : index
    %get3A_411 = arith.constant 0 : index
    %get3A_412 = vector.load %arg8[%get3A_410, %get3A_411] : memref<9x1024xf32, #tpu.memory_space<vmem>>, vector<1x1024xf32>
    %get3A_413 = arith.constant 2 : index
    %get3A_414 = arith.constant 0 : index
    %get3A_415 = vector.load %arg9[%get3A_413, %get3A_414] : memref<9x1024xf32, #tpu.memory_space<vmem>>, vector<1x1024xf32>
    %mul3A_416 = arith.mulf %slice3A_400, %get3A_406 : vector<1x1024xf32>
    %add3A_417 = arith.addf %mul3A_416, %get3A_412 : vector<1x1024xf32>
    %mul3A_418 = arith.mulf %slice3A_401, %get3A_409 : vector<1x1024xf32>
    %add3A_419 = arith.addf %mul3A_418, %get3A_415 : vector<1x1024xf32>
    %exp3A_420 = math.exp %slice3A_402 : vector<1x1024xf32>
    %mul3A_421 = arith.mulf %exp3A_420, %get3A_406 : vector<1x1024xf32>
    %exp3A_422 = math.exp %slice3A_403 : vector<1x1024xf32>
    %mul3A_423 = arith.mulf %exp3A_422, %get3A_409 : vector<1x1024xf32>
    %mul3A_424 = arith.constant 5.000000e-01 : f32
    %mul3A_425 = vector.broadcast %mul3A_424 : f32 to vector<1x1024xf32>
    %mul3A_426 = arith.mulf %mul3A_425, %mul3A_421 : vector<1x1024xf32>
    %sub3A_427 = arith.subf %add3A_417, %mul3A_426 : vector<1x1024xf32>
    %max3A_428 = arith.constant 0.000000e+00 : f32
    %max3A_429 = vector.broadcast %max3A_428 : f32 to vector<1x1024xf32>
    %max3A_430 = arith.maximumf %sub3A_427, %max3A_429 : vector<1x1024xf32>
    %mul3A_431 = arith.constant 5.000000e-01 : f32
    %mul3A_432 = vector.broadcast %mul3A_431 : f32 to vector<1x1024xf32>
    %mul3A_433 = arith.mulf %mul3A_432, %mul3A_423 : vector<1x1024xf32>
    %sub3A_434 = arith.subf %add3A_419, %mul3A_433 : vector<1x1024xf32>
    %max3A_435 = arith.constant 0.000000e+00 : f32
    %max3A_436 = vector.broadcast %max3A_435 : f32 to vector<1x1024xf32>
    %max3A_437 = arith.maximumf %sub3A_434, %max3A_436 : vector<1x1024xf32>
    %mul3A_438 = arith.constant 5.000000e-01 : f32
    %mul3A_439 = vector.broadcast %mul3A_438 : f32 to vector<1x1024xf32>
    %mul3A_440 = arith.mulf %mul3A_439, %mul3A_421 : vector<1x1024xf32>
    %add3A_441 = arith.addf %add3A_417, %mul3A_440 : vector<1x1024xf32>
    %max3A_442 = arith.constant 0.000000e+00 : f32
    %max3A_443 = vector.broadcast %max3A_442 : f32 to vector<1x1024xf32>
    %max3A_444 = arith.maximumf %add3A_441, %max3A_443 : vector<1x1024xf32>
    %mul3A_445 = arith.constant 5.000000e-01 : f32
    %mul3A_446 = vector.broadcast %mul3A_445 : f32 to vector<1x1024xf32>
    %mul3A_447 = arith.mulf %mul3A_446, %mul3A_423 : vector<1x1024xf32>
    %add3A_448 = arith.addf %add3A_419, %mul3A_447 : vector<1x1024xf32>
    %max3A_449 = arith.constant 0.000000e+00 : f32
    %max3A_450 = vector.broadcast %max3A_449 : f32 to vector<1x1024xf32>
    %max3A_451 = arith.maximumf %add3A_448, %max3A_450 : vector<1x1024xf32>
    %jit3A_452 = arith.constant 0.000000e+00 : f32
    %jit3A_453 = arith.constant 5.120000e+02 : f32
    %max3A_454 = vector.broadcast %jit3A_452 : f32 to vector<1x1024xf32>
    %max3A_455 = arith.maximumf %max3A_454, %max3A_430 : vector<1x1024xf32>
    %min3A_456 = vector.broadcast %jit3A_453 : f32 to vector<1x1024xf32>
    %min3A_457 = arith.minimumf %min3A_456, %max3A_455 : vector<1x1024xf32>
    %jit3A_458 = arith.constant 0.000000e+00 : f32
    %jit3A_459 = arith.constant 5.120000e+02 : f32
    %max3A_460 = vector.broadcast %jit3A_458 : f32 to vector<1x1024xf32>
    %max3A_461 = arith.maximumf %max3A_460, %max3A_444 : vector<1x1024xf32>
    %min3A_462 = vector.broadcast %jit3A_459 : f32 to vector<1x1024xf32>
    %min3A_463 = arith.minimumf %min3A_462, %max3A_461 : vector<1x1024xf32>
    %jit3A_464 = arith.constant 0.000000e+00 : f32
    %jit3A_465 = arith.constant 5.120000e+02 : f32
    %max3A_466 = vector.broadcast %jit3A_464 : f32 to vector<1x1024xf32>
    %max3A_467 = arith.maximumf %max3A_466, %max3A_437 : vector<1x1024xf32>
    %min3A_468 = vector.broadcast %jit3A_465 : f32 to vector<1x1024xf32>
    %min3A_469 = arith.minimumf %min3A_468, %max3A_467 : vector<1x1024xf32>
    %jit3A_470 = arith.constant 0.000000e+00 : f32
    %jit3A_471 = arith.constant 5.120000e+02 : f32
    %max3A_472 = vector.broadcast %jit3A_470 : f32 to vector<1x1024xf32>
    %max3A_473 = arith.maximumf %max3A_472, %max3A_451 : vector<1x1024xf32>
    %min3A_474 = vector.broadcast %jit3A_471 : f32 to vector<1x1024xf32>
    %min3A_475 = arith.minimumf %min3A_474, %max3A_473 : vector<1x1024xf32>
    %sub3A_476 = arith.subf %min3A_463, %min3A_457 : vector<1x1024xf32>
    %ge3A_477 = arith.constant 1.000000e+01 : f32
    %ge3A_478 = vector.broadcast %ge3A_477 : f32 to vector<1x1024xf32>
    %ge3A_479 = arith.cmpf oge, %sub3A_476, %ge3A_478 : vector<1x1024xf32>
    %sub3A_480 = arith.subf %min3A_475, %min3A_469 : vector<1x1024xf32>
    %ge3A_481 = arith.constant 1.000000e+01 : f32
    %ge3A_482 = vector.broadcast %ge3A_481 : f32 to vector<1x1024xf32>
    %ge3A_483 = arith.cmpf oge, %sub3A_480, %ge3A_482 : vector<1x1024xf32>
    %and3A_484 = arith.andi %ge3A_479, %ge3A_483 : vector<1x1024xi1>
    %max3A_485 = arith.maximumf %slice3A_398, %slice3A_399 : vector<1x1024xf32>
    %sub3A_486 = arith.subf %slice3A_398, %max3A_485 : vector<1x1024xf32>
    %exp3A_487 = math.exp %sub3A_486 : vector<1x1024xf32>
    %sub3A_488 = arith.subf %slice3A_399, %max3A_485 : vector<1x1024xf32>
    %exp3A_489 = math.exp %sub3A_488 : vector<1x1024xf32>
    %add3A_490 = arith.addf %exp3A_487, %exp3A_489 : vector<1x1024xf32>
    %div3A_491 = arith.divf %exp3A_489, %add3A_490 : vector<1x1024xf32>
    %jit3A_492 = arith.constant -1.000000e+09 : f32
    %broadcast_in_dim3A_493 = vector.broadcast %jit3A_492 : f32 to vector<1x1024xf32>
    %select_n3A_494 = arith.select %and3A_484, %div3A_491, %broadcast_in_dim3A_493 : vector<1x1024xi1>, vector<1x1024xf32>
    %swap3A_495 = arith.constant 0 : index
    %swap3A_496 = arith.constant 2 : index
    %swap3A_497 = arith.constant 0 : index
    %swap3A_498 = vector.load %arg10[%swap3A_495, %swap3A_496, %swap3A_497] : memref<1x9x1024xf32, #tpu.memory_space<vmem>>, vector<1x1x1024xf32>
    %swap3A_499 = vector.shape_cast %swap3A_498 : vector<1x1x1024xf32> to vector<1x1024xf32>
    %swap3A_500 = vector.shape_cast %select_n3A_494 : vector<1x1024xf32> to vector<1x1x1024xf32>
    tpu.vector_store %arg10[%swap3A_495, %swap3A_496, %swap3A_497], %swap3A_500 {strides = array<i32>} : memref<1x9x1024xf32, #tpu.memory_space<vmem>>, vector<1x1x1024xf32>,
    %swap3A_501 = arith.constant 0 : index
    %swap3A_502 = arith.constant 0 : index
    %swap3A_503 = arith.constant 2 : index
    %swap3A_504 = arith.constant 0 : index
    %swap3A_505 = vector.load %arg11[%swap3A_501, %swap3A_502, %swap3A_503, %swap3A_504] : memref<1x4x9x1024xf32, #tpu.memory_space<vmem>>, vector<1x1x1x1024xf32>
    %swap3A_506 = vector.shape_cast %swap3A_505 : vector<1x1x1x1024xf32> to vector<1x1024xf32>
    %swap3A_507 = vector.shape_cast %max3A_430 : vector<1x1024xf32> to vector<1x1x1x1024xf32>
    tpu.vector_store %arg11[%swap3A_501, %swap3A_502, %swap3A_503, %swap3A_504], %swap3A_507 {strides = array<i32>} : memref<1x4x9x1024xf32, #tpu.memory_space<vmem>>, vector<1x1x1x1024xf32>,
    %swap3A_508 = arith.constant 0 : index
    %swap3A_509 = arith.constant 1 : index
    %swap3A_510 = arith.constant 2 : index
    %swap3A_511 = arith.constant 0 : index
    %swap3A_512 = vector.load %arg11[%swap3A_508, %swap3A_509, %swap3A_510, %swap3A_511] : memref<1x4x9x1024xf32, #tpu.memory_space<vmem>>, vector<1x1x1x1024xf32>
    %swap3A_513 = vector.shape_cast %swap3A_512 : vector<1x1x1x1024xf32> to vector<1x1024xf32>
    %swap3A_514 = vector.shape_cast %max3A_437 : vector<1x1024xf32> to vector<1x1x1x1024xf32>
    tpu.vector_store %arg11[%swap3A_508, %swap3A_509, %swap3A_510, %swap3A_511], %swap3A_514 {strides = array<i32>} : memref<1x4x9x1024xf32, #tpu.memory_space<vmem>>, vector<1x1x1x1024xf32>,
    %swap3A_515 = arith.constant 0 : index
    %swap3A_516 = arith.constant 2 : index
    %swap3A_517 = arith.constant 2 : index
    %swap3A_518 = arith.constant 0 : index
    %swap3A_519 = vector.load %arg11[%swap3A_515, %swap3A_516, %swap3A_517, %swap3A_518] : memref<1x4x9x1024xf32, #tpu.memory_space<vmem>>, vector<1x1x1x1024xf32>
    %swap3A_520 = vector.shape_cast %swap3A_519 : vector<1x1x1x1024xf32> to vector<1x1024xf32>
    %swap3A_521 = vector.shape_cast %max3A_444 : vector<1x1024xf32> to vector<1x1x1x1024xf32>
    tpu.vector_store %arg11[%swap3A_515, %swap3A_516, %swap3A_517, %swap3A_518], %swap3A_521 {strides = array<i32>} : memref<1x4x9x1024xf32, #tpu.memory_space<vmem>>, vector<1x1x1x1024xf32>,
    %swap3A_522 = arith.constant 0 : index
    %swap3A_523 = arith.constant 3 : index
    %swap3A_524 = arith.constant 2 : index
    %swap3A_525 = arith.constant 0 : index
    %swap3A_526 = vector.load %arg11[%swap3A_522, %swap3A_523, %swap3A_524, %swap3A_525] : memref<1x4x9x1024xf32, #tpu.memory_space<vmem>>, vector<1x1x1x1024xf32>
    %swap3A_527 = vector.shape_cast %swap3A_526 : vector<1x1x1x1024xf32> to vector<1x1024xf32>
    %swap3A_528 = vector.shape_cast %max3A_451 : vector<1x1024xf32> to vector<1x1x1x1024xf32>
    tpu.vector_store %arg11[%swap3A_522, %swap3A_523, %swap3A_524, %swap3A_525], %swap3A_528 {strides = array<i32>} : memref<1x4x9x1024xf32, #tpu.memory_space<vmem>>, vector<1x1x1x1024xf32>,
    %slice3A_529 = vector.extract_strided_slice %add3A_147 {offsets = [6, 0], sizes = [1, 1024], strides = [1, 1]} : vector<64x1024xf32> to vector<1x1024xf32>
    %slice3A_530 = vector.extract_strided_slice %add3A_147 {offsets = [7, 0], sizes = [1, 1024], strides = [1, 1]} : vector<64x1024xf32> to vector<1x1024xf32>
    %slice3A_531 = vector.extract_strided_slice %add3A_147 {offsets = [30, 0], sizes = [1, 1024], strides = [1, 1]} : vector<64x1024xf32> to vector<1x1024xf32>
    %slice3A_532 = vector.extract_strided_slice %add3A_147 {offsets = [31, 0], sizes = [1, 1024], strides = [1, 1]} : vector<64x1024xf32> to vector<1x1024xf32>
    %slice3A_533 = vector.extract_strided_slice %add3A_147 {offsets = [32, 0], sizes = [1, 1024], strides = [1, 1]} : vector<64x1024xf32> to vector<1x1024xf32>
    %slice3A_534 = vector.extract_strided_slice %add3A_147 {offsets = [33, 0], sizes = [1, 1024], strides = [1, 1]} : vector<64x1024xf32> to vector<1x1024xf32>
    %get3A_535 = arith.constant 3 : index
    %get3A_536 = arith.constant 0 : index
    %get3A_537 = vector.load %arg6[%get3A_535, %get3A_536] : memref<9x1024xf32, #tpu.memory_space<vmem>>, vector<1x1024xf32>
    %get3A_538 = arith.constant 3 : index
    %get3A_539 = arith.constant 0 : index
    %get3A_540 = vector.load %arg7[%get3A_538, %get3A_539] : memref<9x1024xf32, #tpu.memory_space<vmem>>, vector<1x1024xf32>
    %get3A_541 = arith.constant 3 : index
    %get3A_542 = arith.constant 0 : index
    %get3A_543 = vector.load %arg8[%get3A_541, %get3A_542] : memref<9x1024xf32, #tpu.memory_space<vmem>>, vector<1x1024xf32>
    %get3A_544 = arith.constant 3 : index
    %get3A_545 = arith.constant 0 : index
    %get3A_546 = vector.load %arg9[%get3A_544, %get3A_545] : memref<9x1024xf32, #tpu.memory_space<vmem>>, vector<1x1024xf32>
    %mul3A_547 = arith.mulf %slice3A_531, %get3A_537 : vector<1x1024xf32>
    %add3A_548 = arith.addf %mul3A_547, %get3A_543 : vector<1x1024xf32>
    %mul3A_549 = arith.mulf %slice3A_532, %get3A_540 : vector<1x1024xf32>
    %add3A_550 = arith.addf %mul3A_549, %get3A_546 : vector<1x1024xf32>
    %exp3A_551 = math.exp %slice3A_533 : vector<1x1024xf32>
    %mul3A_552 = arith.mulf %exp3A_551, %get3A_537 : vector<1x1024xf32>
    %exp3A_553 = math.exp %slice3A_534 : vector<1x1024xf32>
    %mul3A_554 = arith.mulf %exp3A_553, %get3A_540 : vector<1x1024xf32>
    %mul3A_555 = arith.constant 5.000000e-01 : f32
    %mul3A_556 = vector.broadcast %mul3A_555 : f32 to vector<1x1024xf32>
    %mul3A_557 = arith.mulf %mul3A_556, %mul3A_552 : vector<1x1024xf32>
    %sub3A_558 = arith.subf %add3A_548, %mul3A_557 : vector<1x1024xf32>
    %max3A_559 = arith.constant 0.000000e+00 : f32
    %max3A_560 = vector.broadcast %max3A_559 : f32 to vector<1x1024xf32>
    %max3A_561 = arith.maximumf %sub3A_558, %max3A_560 : vector<1x1024xf32>
    %mul3A_562 = arith.constant 5.000000e-01 : f32
    %mul3A_563 = vector.broadcast %mul3A_562 : f32 to vector<1x1024xf32>
    %mul3A_564 = arith.mulf %mul3A_563, %mul3A_554 : vector<1x1024xf32>
    %sub3A_565 = arith.subf %add3A_550, %mul3A_564 : vector<1x1024xf32>
    %max3A_566 = arith.constant 0.000000e+00 : f32
    %max3A_567 = vector.broadcast %max3A_566 : f32 to vector<1x1024xf32>
    %max3A_568 = arith.maximumf %sub3A_565, %max3A_567 : vector<1x1024xf32>
    %mul3A_569 = arith.constant 5.000000e-01 : f32
    %mul3A_570 = vector.broadcast %mul3A_569 : f32 to vector<1x1024xf32>
    %mul3A_571 = arith.mulf %mul3A_570, %mul3A_552 : vector<1x1024xf32>
    %add3A_572 = arith.addf %add3A_548, %mul3A_571 : vector<1x1024xf32>
    %max3A_573 = arith.constant 0.000000e+00 : f32
    %max3A_574 = vector.broadcast %max3A_573 : f32 to vector<1x1024xf32>
    %max3A_575 = arith.maximumf %add3A_572, %max3A_574 : vector<1x1024xf32>
    %mul3A_576 = arith.constant 5.000000e-01 : f32
    %mul3A_577 = vector.broadcast %mul3A_576 : f32 to vector<1x1024xf32>
    %mul3A_578 = arith.mulf %mul3A_577, %mul3A_554 : vector<1x1024xf32>
    %add3A_579 = arith.addf %add3A_550, %mul3A_578 : vector<1x1024xf32>
    %max3A_580 = arith.constant 0.000000e+00 : f32
    %max3A_581 = vector.broadcast %max3A_580 : f32 to vector<1x1024xf32>
    %max3A_582 = arith.maximumf %add3A_579, %max3A_581 : vector<1x1024xf32>
    %jit3A_583 = arith.constant 0.000000e+00 : f32
    %jit3A_584 = arith.constant 5.120000e+02 : f32
    %max3A_585 = vector.broadcast %jit3A_583 : f32 to vector<1x1024xf32>
    %max3A_586 = arith.maximumf %max3A_585, %max3A_561 : vector<1x1024xf32>
    %min3A_587 = vector.broadcast %jit3A_584 : f32 to vector<1x1024xf32>
    %min3A_588 = arith.minimumf %min3A_587, %max3A_586 : vector<1x1024xf32>
    %jit3A_589 = arith.constant 0.000000e+00 : f32
    %jit3A_590 = arith.constant 5.120000e+02 : f32
    %max3A_591 = vector.broadcast %jit3A_589 : f32 to vector<1x1024xf32>
    %max3A_592 = arith.maximumf %max3A_591, %max3A_575 : vector<1x1024xf32>
    %min3A_593 = vector.broadcast %jit3A_590 : f32 to vector<1x1024xf32>
    %min3A_594 = arith.minimumf %min3A_593, %max3A_592 : vector<1x1024xf32>
    %jit3A_595 = arith.constant 0.000000e+00 : f32
    %jit3A_596 = arith.constant 5.120000e+02 : f32
    %max3A_597 = vector.broadcast %jit3A_595 : f32 to vector<1x1024xf32>
    %max3A_598 = arith.maximumf %max3A_597, %max3A_568 : vector<1x1024xf32>
    %min3A_599 = vector.broadcast %jit3A_596 : f32 to vector<1x1024xf32>
    %min3A_600 = arith.minimumf %min3A_599, %max3A_598 : vector<1x1024xf32>
    %jit3A_601 = arith.constant 0.000000e+00 : f32
    %jit3A_602 = arith.constant 5.120000e+02 : f32
    %max3A_603 = vector.broadcast %jit3A_601 : f32 to vector<1x1024xf32>
    %max3A_604 = arith.maximumf %max3A_603, %max3A_582 : vector<1x1024xf32>
    %min3A_605 = vector.broadcast %jit3A_602 : f32 to vector<1x1024xf32>
    %min3A_606 = arith.minimumf %min3A_605, %max3A_604 : vector<1x1024xf32>
    %sub3A_607 = arith.subf %min3A_594, %min3A_588 : vector<1x1024xf32>
    %ge3A_608 = arith.constant 1.000000e+01 : f32
    %ge3A_609 = vector.broadcast %ge3A_608 : f32 to vector<1x1024xf32>
    %ge3A_610 = arith.cmpf oge, %sub3A_607, %ge3A_609 : vector<1x1024xf32>
    %sub3A_611 = arith.subf %min3A_606, %min3A_600 : vector<1x1024xf32>
    %ge3A_612 = arith.constant 1.000000e+01 : f32
    %ge3A_613 = vector.broadcast %ge3A_612 : f32 to vector<1x1024xf32>
    %ge3A_614 = arith.cmpf oge, %sub3A_611, %ge3A_613 : vector<1x1024xf32>
    %and3A_615 = arith.andi %ge3A_610, %ge3A_614 : vector<1x1024xi1>
    %max3A_616 = arith.maximumf %slice3A_529, %slice3A_530 : vector<1x1024xf32>
    %sub3A_617 = arith.subf %slice3A_529, %max3A_616 : vector<1x1024xf32>
    %exp3A_618 = math.exp %sub3A_617 : vector<1x1024xf32>
    %sub3A_619 = arith.subf %slice3A_530, %max3A_616 : vector<1x1024xf32>
    %exp3A_620 = math.exp %sub3A_619 : vector<1x1024xf32>
    %add3A_621 = arith.addf %exp3A_618, %exp3A_620 : vector<1x1024xf32>
    %div3A_622 = arith.divf %exp3A_620, %add3A_621 : vector<1x1024xf32>
    %jit3A_623 = arith.constant -1.000000e+09 : f32
    %broadcast_in_dim3A_624 = vector.broadcast %jit3A_623 : f32 to vector<1x1024xf32>
    %select_n3A_625 = arith.select %and3A_615, %div3A_622, %broadcast_in_dim3A_624 : vector<1x1024xi1>, vector<1x1024xf32>
    %swap3A_626 = arith.constant 0 : index
    %swap3A_627 = arith.constant 3 : index
    %swap3A_628 = arith.constant 0 : index
    %swap3A_629 = vector.load %arg10[%swap3A_626, %swap3A_627, %swap3A_628] : memref<1x9x1024xf32, #tpu.memory_space<vmem>>, vector<1x1x1024xf32>
    %swap3A_630 = vector.shape_cast %swap3A_629 : vector<1x1x1024xf32> to vector<1x1024xf32>
    %swap3A_631 = vector.shape_cast %select_n3A_625 : vector<1x1024xf32> to vector<1x1x1024xf32>
    tpu.vector_store %arg10[%swap3A_626, %swap3A_627, %swap3A_628], %swap3A_631 {strides = array<i32>} : memref<1x9x1024xf32, #tpu.memory_space<vmem>>, vector<1x1x1024xf32>,
    %swap3A_632 = arith.constant 0 : index
    %swap3A_633 = arith.constant 0 : index
    %swap3A_634 = arith.constant 3 : index
    %swap3A_635 = arith.constant 0 : index
    %swap3A_636 = vector.load %arg11[%swap3A_632, %swap3A_633, %swap3A_634, %swap3A_635] : memref<1x4x9x1024xf32, #tpu.memory_space<vmem>>, vector<1x1x1x1024xf32>
    %swap3A_637 = vector.shape_cast %swap3A_636 : vector<1x1x1x1024xf32> to vector<1x1024xf32>
    %swap3A_638 = vector.shape_cast %max3A_561 : vector<1x1024xf32> to vector<1x1x1x1024xf32>
    tpu.vector_store %arg11[%swap3A_632, %swap3A_633, %swap3A_634, %swap3A_635], %swap3A_638 {strides = array<i32>} : memref<1x4x9x1024xf32, #tpu.memory_space<vmem>>, vector<1x1x1x1024xf32>,
    %swap3A_639 = arith.constant 0 : index
    %swap3A_640 = arith.constant 1 : index
    %swap3A_641 = arith.constant 3 : index
    %swap3A_642 = arith.constant 0 : index
    %swap3A_643 = vector.load %arg11[%swap3A_639, %swap3A_640, %swap3A_641, %swap3A_642] : memref<1x4x9x1024xf32, #tpu.memory_space<vmem>>, vector<1x1x1x1024xf32>
    %swap3A_644 = vector.shape_cast %swap3A_643 : vector<1x1x1x1024xf32> to vector<1x1024xf32>
    %swap3A_645 = vector.shape_cast %max3A_568 : vector<1x1024xf32> to vector<1x1x1x1024xf32>
    tpu.vector_store %arg11[%swap3A_639, %swap3A_640, %swap3A_641, %swap3A_642], %swap3A_645 {strides = array<i32>} : memref<1x4x9x1024xf32, #tpu.memory_space<vmem>>, vector<1x1x1x1024xf32>,
    %swap3A_646 = arith.constant 0 : index
    %swap3A_647 = arith.constant 2 : index
    %swap3A_648 = arith.constant 3 : index
    %swap3A_649 = arith.constant 0 : index
    %swap3A_650 = vector.load %arg11[%swap3A_646, %swap3A_647, %swap3A_648, %swap3A_649] : memref<1x4x9x1024xf32, #tpu.memory_space<vmem>>, vector<1x1x1x1024xf32>
    %swap3A_651 = vector.shape_cast %swap3A_650 : vector<1x1x1x1024xf32> to vector<1x1024xf32>
    %swap3A_652 = vector.shape_cast %max3A_575 : vector<1x1024xf32> to vector<1x1x1x1024xf32>
    tpu.vector_store %arg11[%swap3A_646, %swap3A_647, %swap3A_648, %swap3A_649], %swap3A_652 {strides = array<i32>} : memref<1x4x9x1024xf32, #tpu.memory_space<vmem>>, vector<1x1x1x1024xf32>,
    %swap3A_653 = arith.constant 0 : index
    %swap3A_654 = arith.constant 3 : index
    %swap3A_655 = arith.constant 3 : index
    %swap3A_656 = arith.constant 0 : index
    %swap3A_657 = vector.load %arg11[%swap3A_653, %swap3A_654, %swap3A_655, %swap3A_656] : memref<1x4x9x1024xf32, #tpu.memory_space<vmem>>, vector<1x1x1x1024xf32>
    %swap3A_658 = vector.shape_cast %swap3A_657 : vector<1x1x1x1024xf32> to vector<1x1024xf32>
    %swap3A_659 = vector.shape_cast %max3A_582 : vector<1x1024xf32> to vector<1x1x1x1024xf32>
    tpu.vector_store %arg11[%swap3A_653, %swap3A_654, %swap3A_655, %swap3A_656], %swap3A_659 {strides = array<i32>} : memref<1x4x9x1024xf32, #tpu.memory_space<vmem>>, vector<1x1x1x1024xf32>,
    %slice3A_660 = vector.extract_strided_slice %add3A_147 {offsets = [8, 0], sizes = [1, 1024], strides = [1, 1]} : vector<64x1024xf32> to vector<1x1024xf32>
    %slice3A_661 = vector.extract_strided_slice %add3A_147 {offsets = [9, 0], sizes = [1, 1024], strides = [1, 1]} : vector<64x1024xf32> to vector<1x1024xf32>
    %slice3A_662 = vector.extract_strided_slice %add3A_147 {offsets = [34, 0], sizes = [1, 1024], strides = [1, 1]} : vector<64x1024xf32> to vector<1x1024xf32>
    %slice3A_663 = vector.extract_strided_slice %add3A_147 {offsets = [35, 0], sizes = [1, 1024], strides = [1, 1]} : vector<64x1024xf32> to vector<1x1024xf32>
    %slice3A_664 = vector.extract_strided_slice %add3A_147 {offsets = [36, 0], sizes = [1, 1024], strides = [1, 1]} : vector<64x1024xf32> to vector<1x1024xf32>
    %slice3A_665 = vector.extract_strided_slice %add3A_147 {offsets = [37, 0], sizes = [1, 1024], strides = [1, 1]} : vector<64x1024xf32> to vector<1x1024xf32>
    %get3A_666 = arith.constant 4 : index
    %get3A_667 = arith.constant 0 : index
    %get3A_668 = vector.load %arg6[%get3A_666, %get3A_667] : memref<9x1024xf32, #tpu.memory_space<vmem>>, vector<1x1024xf32>
    %get3A_669 = arith.constant 4 : index
    %get3A_670 = arith.constant 0 : index
    %get3A_671 = vector.load %arg7[%get3A_669, %get3A_670] : memref<9x1024xf32, #tpu.memory_space<vmem>>, vector<1x1024xf32>
    %get3A_672 = arith.constant 4 : index
    %get3A_673 = arith.constant 0 : index
    %get3A_674 = vector.load %arg8[%get3A_672, %get3A_673] : memref<9x1024xf32, #tpu.memory_space<vmem>>, vector<1x1024xf32>
    %get3A_675 = arith.constant 4 : index
    %get3A_676 = arith.constant 0 : index
    %get3A_677 = vector.load %arg9[%get3A_675, %get3A_676] : memref<9x1024xf32, #tpu.memory_space<vmem>>, vector<1x1024xf32>
    %mul3A_678 = arith.mulf %slice3A_662, %get3A_668 : vector<1x1024xf32>
    %add3A_679 = arith.addf %mul3A_678, %get3A_674 : vector<1x1024xf32>
    %mul3A_680 = arith.mulf %slice3A_663, %get3A_671 : vector<1x1024xf32>
    %add3A_681 = arith.addf %mul3A_680, %get3A_677 : vector<1x1024xf32>
    %exp3A_682 = math.exp %slice3A_664 : vector<1x1024xf32>
    %mul3A_683 = arith.mulf %exp3A_682, %get3A_668 : vector<1x1024xf32>
    %exp3A_684 = math.exp %slice3A_665 : vector<1x1024xf32>
    %mul3A_685 = arith.mulf %exp3A_684, %get3A_671 : vector<1x1024xf32>
    %mul3A_686 = arith.constant 5.000000e-01 : f32
    %mul3A_687 = vector.broadcast %mul3A_686 : f32 to vector<1x1024xf32>
    %mul3A_688 = arith.mulf %mul3A_687, %mul3A_683 : vector<1x1024xf32>
    %sub3A_689 = arith.subf %add3A_679, %mul3A_688 : vector<1x1024xf32>
    %max3A_690 = arith.constant 0.000000e+00 : f32
    %max3A_691 = vector.broadcast %max3A_690 : f32 to vector<1x1024xf32>
    %max3A_692 = arith.maximumf %sub3A_689, %max3A_691 : vector<1x1024xf32>
    %mul3A_693 = arith.constant 5.000000e-01 : f32
    %mul3A_694 = vector.broadcast %mul3A_693 : f32 to vector<1x1024xf32>
    %mul3A_695 = arith.mulf %mul3A_694, %mul3A_685 : vector<1x1024xf32>
    %sub3A_696 = arith.subf %add3A_681, %mul3A_695 : vector<1x1024xf32>
    %max3A_697 = arith.constant 0.000000e+00 : f32
    %max3A_698 = vector.broadcast %max3A_697 : f32 to vector<1x1024xf32>
    %max3A_699 = arith.maximumf %sub3A_696, %max3A_698 : vector<1x1024xf32>
    %mul3A_700 = arith.constant 5.000000e-01 : f32
    %mul3A_701 = vector.broadcast %mul3A_700 : f32 to vector<1x1024xf32>
    %mul3A_702 = arith.mulf %mul3A_701, %mul3A_683 : vector<1x1024xf32>
    %add3A_703 = arith.addf %add3A_679, %mul3A_702 : vector<1x1024xf32>
    %max3A_704 = arith.constant 0.000000e+00 : f32
    %max3A_705 = vector.broadcast %max3A_704 : f32 to vector<1x1024xf32>
    %max3A_706 = arith.maximumf %add3A_703, %max3A_705 : vector<1x1024xf32>
    %mul3A_707 = arith.constant 5.000000e-01 : f32
    %mul3A_708 = vector.broadcast %mul3A_707 : f32 to vector<1x1024xf32>
    %mul3A_709 = arith.mulf %mul3A_708, %mul3A_685 : vector<1x1024xf32>
    %add3A_710 = arith.addf %add3A_681, %mul3A_709 : vector<1x1024xf32>
    %max3A_711 = arith.constant 0.000000e+00 : f32
    %max3A_712 = vector.broadcast %max3A_711 : f32 to vector<1x1024xf32>
    %max3A_713 = arith.maximumf %add3A_710, %max3A_712 : vector<1x1024xf32>
    %jit3A_714 = arith.constant 0.000000e+00 : f32
    %jit3A_715 = arith.constant 5.120000e+02 : f32
    %max3A_716 = vector.broadcast %jit3A_714 : f32 to vector<1x1024xf32>
    %max3A_717 = arith.maximumf %max3A_716, %max3A_692 : vector<1x1024xf32>
    %min3A_718 = vector.broadcast %jit3A_715 : f32 to vector<1x1024xf32>
    %min3A_719 = arith.minimumf %min3A_718, %max3A_717 : vector<1x1024xf32>
    %jit3A_720 = arith.constant 0.000000e+00 : f32
    %jit3A_721 = arith.constant 5.120000e+02 : f32
    %max3A_722 = vector.broadcast %jit3A_720 : f32 to vector<1x1024xf32>
    %max3A_723 = arith.maximumf %max3A_722, %max3A_706 : vector<1x1024xf32>
    %min3A_724 = vector.broadcast %jit3A_721 : f32 to vector<1x1024xf32>
    %min3A_725 = arith.minimumf %min3A_724, %max3A_723 : vector<1x1024xf32>
    %jit3A_726 = arith.constant 0.000000e+00 : f32
    %jit3A_727 = arith.constant 5.120000e+02 : f32
    %max3A_728 = vector.broadcast %jit3A_726 : f32 to vector<1x1024xf32>
    %max3A_729 = arith.maximumf %max3A_728, %max3A_699 : vector<1x1024xf32>
    %min3A_730 = vector.broadcast %jit3A_727 : f32 to vector<1x1024xf32>
    %min3A_731 = arith.minimumf %min3A_730, %max3A_729 : vector<1x1024xf32>
    %jit3A_732 = arith.constant 0.000000e+00 : f32
    %jit3A_733 = arith.constant 5.120000e+02 : f32
    %max3A_734 = vector.broadcast %jit3A_732 : f32 to vector<1x1024xf32>
    %max3A_735 = arith.maximumf %max3A_734, %max3A_713 : vector<1x1024xf32>
    %min3A_736 = vector.broadcast %jit3A_733 : f32 to vector<1x1024xf32>
    %min3A_737 = arith.minimumf %min3A_736, %max3A_735 : vector<1x1024xf32>
    %sub3A_738 = arith.subf %min3A_725, %min3A_719 : vector<1x1024xf32>
    %ge3A_739 = arith.constant 1.000000e+01 : f32
    %ge3A_740 = vector.broadcast %ge3A_739 : f32 to vector<1x1024xf32>
    %ge3A_741 = arith.cmpf oge, %sub3A_738, %ge3A_740 : vector<1x1024xf32>
    %sub3A_742 = arith.subf %min3A_737, %min3A_731 : vector<1x1024xf32>
    %ge3A_743 = arith.constant 1.000000e+01 : f32
    %ge3A_744 = vector.broadcast %ge3A_743 : f32 to vector<1x1024xf32>
    %ge3A_745 = arith.cmpf oge, %sub3A_742, %ge3A_744 : vector<1x1024xf32>
    %and3A_746 = arith.andi %ge3A_741, %ge3A_745 : vector<1x1024xi1>
    %max3A_747 = arith.maximumf %slice3A_660, %slice3A_661 : vector<1x1024xf32>
    %sub3A_748 = arith.subf %slice3A_660, %max3A_747 : vector<1x1024xf32>
    %exp3A_749 = math.exp %sub3A_748 : vector<1x1024xf32>
    %sub3A_750 = arith.subf %slice3A_661, %max3A_747 : vector<1x1024xf32>
    %exp3A_751 = math.exp %sub3A_750 : vector<1x1024xf32>
    %add3A_752 = arith.addf %exp3A_749, %exp3A_751 : vector<1x1024xf32>
    %div3A_753 = arith.divf %exp3A_751, %add3A_752 : vector<1x1024xf32>
    %jit3A_754 = arith.constant -1.000000e+09 : f32
    %broadcast_in_dim3A_755 = vector.broadcast %jit3A_754 : f32 to vector<1x1024xf32>
    %select_n3A_756 = arith.select %and3A_746, %div3A_753, %broadcast_in_dim3A_755 : vector<1x1024xi1>, vector<1x1024xf32>
    %swap3A_757 = arith.constant 0 : index
    %swap3A_758 = arith.constant 4 : index
    %swap3A_759 = arith.constant 0 : index
    %swap3A_760 = vector.load %arg10[%swap3A_757, %swap3A_758, %swap3A_759] : memref<1x9x1024xf32, #tpu.memory_space<vmem>>, vector<1x1x1024xf32>
    %swap3A_761 = vector.shape_cast %swap3A_760 : vector<1x1x1024xf32> to vector<1x1024xf32>
    %swap3A_762 = vector.shape_cast %select_n3A_756 : vector<1x1024xf32> to vector<1x1x1024xf32>
    tpu.vector_store %arg10[%swap3A_757, %swap3A_758, %swap3A_759], %swap3A_762 {strides = array<i32>} : memref<1x9x1024xf32, #tpu.memory_space<vmem>>, vector<1x1x1024xf32>,
    %swap3A_763 = arith.constant 0 : index
    %swap3A_764 = arith.constant 0 : index
    %swap3A_765 = arith.constant 4 : index
    %swap3A_766 = arith.constant 0 : index
    %swap3A_767 = vector.load %arg11[%swap3A_763, %swap3A_764, %swap3A_765, %swap3A_766] : memref<1x4x9x1024xf32, #tpu.memory_space<vmem>>, vector<1x1x1x1024xf32>
    %swap3A_768 = vector.shape_cast %swap3A_767 : vector<1x1x1x1024xf32> to vector<1x1024xf32>
    %swap3A_769 = vector.shape_cast %max3A_692 : vector<1x1024xf32> to vector<1x1x1x1024xf32>
    tpu.vector_store %arg11[%swap3A_763, %swap3A_764, %swap3A_765, %swap3A_766], %swap3A_769 {strides = array<i32>} : memref<1x4x9x1024xf32, #tpu.memory_space<vmem>>, vector<1x1x1x1024xf32>,
    %swap3A_770 = arith.constant 0 : index
    %swap3A_771 = arith.constant 1 : index
    %swap3A_772 = arith.constant 4 : index
    %swap3A_773 = arith.constant 0 : index
    %swap3A_774 = vector.load %arg11[%swap3A_770, %swap3A_771, %swap3A_772, %swap3A_773] : memref<1x4x9x1024xf32, #tpu.memory_space<vmem>>, vector<1x1x1x1024xf32>
    %swap3A_775 = vector.shape_cast %swap3A_774 : vector<1x1x1x1024xf32> to vector<1x1024xf32>
    %swap3A_776 = vector.shape_cast %max3A_699 : vector<1x1024xf32> to vector<1x1x1x1024xf32>
    tpu.vector_store %arg11[%swap3A_770, %swap3A_771, %swap3A_772, %swap3A_773], %swap3A_776 {strides = array<i32>} : memref<1x4x9x1024xf32, #tpu.memory_space<vmem>>, vector<1x1x1x1024xf32>,
    %swap3A_777 = arith.constant 0 : index
    %swap3A_778 = arith.constant 2 : index
    %swap3A_779 = arith.constant 4 : index
    %swap3A_780 = arith.constant 0 : index
    %swap3A_781 = vector.load %arg11[%swap3A_777, %swap3A_778, %swap3A_779, %swap3A_780] : memref<1x4x9x1024xf32, #tpu.memory_space<vmem>>, vector<1x1x1x1024xf32>
    %swap3A_782 = vector.shape_cast %swap3A_781 : vector<1x1x1x1024xf32> to vector<1x1024xf32>
    %swap3A_783 = vector.shape_cast %max3A_706 : vector<1x1024xf32> to vector<1x1x1x1024xf32>
    tpu.vector_store %arg11[%swap3A_777, %swap3A_778, %swap3A_779, %swap3A_780], %swap3A_783 {strides = array<i32>} : memref<1x4x9x1024xf32, #tpu.memory_space<vmem>>, vector<1x1x1x1024xf32>,
    %swap3A_784 = arith.constant 0 : index
    %swap3A_785 = arith.constant 3 : index
    %swap3A_786 = arith.constant 4 : index
    %swap3A_787 = arith.constant 0 : index
    %swap3A_788 = vector.load %arg11[%swap3A_784, %swap3A_785, %swap3A_786, %swap3A_787] : memref<1x4x9x1024xf32, #tpu.memory_space<vmem>>, vector<1x1x1x1024xf32>
    %swap3A_789 = vector.shape_cast %swap3A_788 : vector<1x1x1x1024xf32> to vector<1x1024xf32>
    %swap3A_790 = vector.shape_cast %max3A_713 : vector<1x1024xf32> to vector<1x1x1x1024xf32>
    tpu.vector_store %arg11[%swap3A_784, %swap3A_785, %swap3A_786, %swap3A_787], %swap3A_790 {strides = array<i32>} : memref<1x4x9x1024xf32, #tpu.memory_space<vmem>>, vector<1x1x1x1024xf32>,
    %slice3A_791 = vector.extract_strided_slice %add3A_147 {offsets = [10, 0], sizes = [1, 1024], strides = [1, 1]} : vector<64x1024xf32> to vector<1x1024xf32>
    %slice3A_792 = vector.extract_strided_slice %add3A_147 {offsets = [11, 0], sizes = [1, 1024], strides = [1, 1]} : vector<64x1024xf32> to vector<1x1024xf32>
    %slice3A_793 = vector.extract_strided_slice %add3A_147 {offsets = [38, 0], sizes = [1, 1024], strides = [1, 1]} : vector<64x1024xf32> to vector<1x1024xf32>
    %slice3A_794 = vector.extract_strided_slice %add3A_147 {offsets = [39, 0], sizes = [1, 1024], strides = [1, 1]} : vector<64x1024xf32> to vector<1x1024xf32>
    %slice3A_795 = vector.extract_strided_slice %add3A_147 {offsets = [40, 0], sizes = [1, 1024], strides = [1, 1]} : vector<64x1024xf32> to vector<1x1024xf32>
    %slice3A_796 = vector.extract_strided_slice %add3A_147 {offsets = [41, 0], sizes = [1, 1024], strides = [1, 1]} : vector<64x1024xf32> to vector<1x1024xf32>
    %get3A_797 = arith.constant 5 : index
    %get3A_798 = arith.constant 0 : index
    %get3A_799 = vector.load %arg6[%get3A_797, %get3A_798] : memref<9x1024xf32, #tpu.memory_space<vmem>>, vector<1x1024xf32>
    %get3A_800 = arith.constant 5 : index
    %get3A_801 = arith.constant 0 : index
    %get3A_802 = vector.load %arg7[%get3A_800, %get3A_801] : memref<9x1024xf32, #tpu.memory_space<vmem>>, vector<1x1024xf32>
    %get3A_803 = arith.constant 5 : index
    %get3A_804 = arith.constant 0 : index
    %get3A_805 = vector.load %arg8[%get3A_803, %get3A_804] : memref<9x1024xf32, #tpu.memory_space<vmem>>, vector<1x1024xf32>
    %get3A_806 = arith.constant 5 : index
    %get3A_807 = arith.constant 0 : index
    %get3A_808 = vector.load %arg9[%get3A_806, %get3A_807] : memref<9x1024xf32, #tpu.memory_space<vmem>>, vector<1x1024xf32>
    %mul3A_809 = arith.mulf %slice3A_793, %get3A_799 : vector<1x1024xf32>
    %add3A_810 = arith.addf %mul3A_809, %get3A_805 : vector<1x1024xf32>
    %mul3A_811 = arith.mulf %slice3A_794, %get3A_802 : vector<1x1024xf32>
    %add3A_812 = arith.addf %mul3A_811, %get3A_808 : vector<1x1024xf32>
    %exp3A_813 = math.exp %slice3A_795 : vector<1x1024xf32>
    %mul3A_814 = arith.mulf %exp3A_813, %get3A_799 : vector<1x1024xf32>
    %exp3A_815 = math.exp %slice3A_796 : vector<1x1024xf32>
    %mul3A_816 = arith.mulf %exp3A_815, %get3A_802 : vector<1x1024xf32>
    %mul3A_817 = arith.constant 5.000000e-01 : f32
    %mul3A_818 = vector.broadcast %mul3A_817 : f32 to vector<1x1024xf32>
    %mul3A_819 = arith.mulf %mul3A_818, %mul3A_814 : vector<1x1024xf32>
    %sub3A_820 = arith.subf %add3A_810, %mul3A_819 : vector<1x1024xf32>
    %max3A_821 = arith.constant 0.000000e+00 : f32
    %max3A_822 = vector.broadcast %max3A_821 : f32 to vector<1x1024xf32>
    %max3A_823 = arith.maximumf %sub3A_820, %max3A_822 : vector<1x1024xf32>
    %mul3A_824 = arith.constant 5.000000e-01 : f32
    %mul3A_825 = vector.broadcast %mul3A_824 : f32 to vector<1x1024xf32>
    %mul3A_826 = arith.mulf %mul3A_825, %mul3A_816 : vector<1x1024xf32>
    %sub3A_827 = arith.subf %add3A_812, %mul3A_826 : vector<1x1024xf32>
    %max3A_828 = arith.constant 0.000000e+00 : f32
    %max3A_829 = vector.broadcast %max3A_828 : f32 to vector<1x1024xf32>
    %max3A_830 = arith.maximumf %sub3A_827, %max3A_829 : vector<1x1024xf32>
    %mul3A_831 = arith.constant 5.000000e-01 : f32
    %mul3A_832 = vector.broadcast %mul3A_831 : f32 to vector<1x1024xf32>
    %mul3A_833 = arith.mulf %mul3A_832, %mul3A_814 : vector<1x1024xf32>
    %add3A_834 = arith.addf %add3A_810, %mul3A_833 : vector<1x1024xf32>
    %max3A_835 = arith.constant 0.000000e+00 : f32
    %max3A_836 = vector.broadcast %max3A_835 : f32 to vector<1x1024xf32>
    %max3A_837 = arith.maximumf %add3A_834, %max3A_836 : vector<1x1024xf32>
    %mul3A_838 = arith.constant 5.000000e-01 : f32
    %mul3A_839 = vector.broadcast %mul3A_838 : f32 to vector<1x1024xf32>
    %mul3A_840 = arith.mulf %mul3A_839, %mul3A_816 : vector<1x1024xf32>
    %add3A_841 = arith.addf %add3A_812, %mul3A_840 : vector<1x1024xf32>
    %max3A_842 = arith.constant 0.000000e+00 : f32
    %max3A_843 = vector.broadcast %max3A_842 : f32 to vector<1x1024xf32>
    %max3A_844 = arith.maximumf %add3A_841, %max3A_843 : vector<1x1024xf32>
    %jit3A_845 = arith.constant 0.000000e+00 : f32
    %jit3A_846 = arith.constant 5.120000e+02 : f32
    %max3A_847 = vector.broadcast %jit3A_845 : f32 to vector<1x1024xf32>
    %max3A_848 = arith.maximumf %max3A_847, %max3A_823 : vector<1x1024xf32>
    %min3A_849 = vector.broadcast %jit3A_846 : f32 to vector<1x1024xf32>
    %min3A_850 = arith.minimumf %min3A_849, %max3A_848 : vector<1x1024xf32>
    %jit3A_851 = arith.constant 0.000000e+00 : f32
    %jit3A_852 = arith.constant 5.120000e+02 : f32
    %max3A_853 = vector.broadcast %jit3A_851 : f32 to vector<1x1024xf32>
    %max3A_854 = arith.maximumf %max3A_853, %max3A_837 : vector<1x1024xf32>
    %min3A_855 = vector.broadcast %jit3A_852 : f32 to vector<1x1024xf32>
    %min3A_856 = arith.minimumf %min3A_855, %max3A_854 : vector<1x1024xf32>
    %jit3A_857 = arith.constant 0.000000e+00 : f32
    %jit3A_858 = arith.constant 5.120000e+02 : f32
    %max3A_859 = vector.broadcast %jit3A_857 : f32 to vector<1x1024xf32>
    %max3A_860 = arith.maximumf %max3A_859, %max3A_830 : vector<1x1024xf32>
    %min3A_861 = vector.broadcast %jit3A_858 : f32 to vector<1x1024xf32>
    %min3A_862 = arith.minimumf %min3A_861, %max3A_860 : vector<1x1024xf32>
    %jit3A_863 = arith.constant 0.000000e+00 : f32
    %jit3A_864 = arith.constant 5.120000e+02 : f32
    %max3A_865 = vector.broadcast %jit3A_863 : f32 to vector<1x1024xf32>
    %max3A_866 = arith.maximumf %max3A_865, %max3A_844 : vector<1x1024xf32>
    %min3A_867 = vector.broadcast %jit3A_864 : f32 to vector<1x1024xf32>
    %min3A_868 = arith.minimumf %min3A_867, %max3A_866 : vector<1x1024xf32>
    %sub3A_869 = arith.subf %min3A_856, %min3A_850 : vector<1x1024xf32>
    %ge3A_870 = arith.constant 1.000000e+01 : f32
    %ge3A_871 = vector.broadcast %ge3A_870 : f32 to vector<1x1024xf32>
    %ge3A_872 = arith.cmpf oge, %sub3A_869, %ge3A_871 : vector<1x1024xf32>
    %sub3A_873 = arith.subf %min3A_868, %min3A_862 : vector<1x1024xf32>
    %ge3A_874 = arith.constant 1.000000e+01 : f32
    %ge3A_875 = vector.broadcast %ge3A_874 : f32 to vector<1x1024xf32>
    %ge3A_876 = arith.cmpf oge, %sub3A_873, %ge3A_875 : vector<1x1024xf32>
    %and3A_877 = arith.andi %ge3A_872, %ge3A_876 : vector<1x1024xi1>
    %max3A_878 = arith.maximumf %slice3A_791, %slice3A_792 : vector<1x1024xf32>
    %sub3A_879 = arith.subf %slice3A_791, %max3A_878 : vector<1x1024xf32>
    %exp3A_880 = math.exp %sub3A_879 : vector<1x1024xf32>
    %sub3A_881 = arith.subf %slice3A_792, %max3A_878 : vector<1x1024xf32>
    %exp3A_882 = math.exp %sub3A_881 : vector<1x1024xf32>
    %add3A_883 = arith.addf %exp3A_880, %exp3A_882 : vector<1x1024xf32>
    %div3A_884 = arith.divf %exp3A_882, %add3A_883 : vector<1x1024xf32>
    %jit3A_885 = arith.constant -1.000000e+09 : f32
    %broadcast_in_dim3A_886 = vector.broadcast %jit3A_885 : f32 to vector<1x1024xf32>
    %select_n3A_887 = arith.select %and3A_877, %div3A_884, %broadcast_in_dim3A_886 : vector<1x1024xi1>, vector<1x1024xf32>
    %swap3A_888 = arith.constant 0 : index
    %swap3A_889 = arith.constant 5 : index
    %swap3A_890 = arith.constant 0 : index
    %swap3A_891 = vector.load %arg10[%swap3A_888, %swap3A_889, %swap3A_890] : memref<1x9x1024xf32, #tpu.memory_space<vmem>>, vector<1x1x1024xf32>
    %swap3A_892 = vector.shape_cast %swap3A_891 : vector<1x1x1024xf32> to vector<1x1024xf32>
    %swap3A_893 = vector.shape_cast %select_n3A_887 : vector<1x1024xf32> to vector<1x1x1024xf32>
    tpu.vector_store %arg10[%swap3A_888, %swap3A_889, %swap3A_890], %swap3A_893 {strides = array<i32>} : memref<1x9x1024xf32, #tpu.memory_space<vmem>>, vector<1x1x1024xf32>,
    %swap3A_894 = arith.constant 0 : index
    %swap3A_895 = arith.constant 0 : index
    %swap3A_896 = arith.constant 5 : index
    %swap3A_897 = arith.constant 0 : index
    %swap3A_898 = vector.load %arg11[%swap3A_894, %swap3A_895, %swap3A_896, %swap3A_897] : memref<1x4x9x1024xf32, #tpu.memory_space<vmem>>, vector<1x1x1x1024xf32>
    %swap3A_899 = vector.shape_cast %swap3A_898 : vector<1x1x1x1024xf32> to vector<1x1024xf32>
    %swap3A_900 = vector.shape_cast %max3A_823 : vector<1x1024xf32> to vector<1x1x1x1024xf32>
    tpu.vector_store %arg11[%swap3A_894, %swap3A_895, %swap3A_896, %swap3A_897], %swap3A_900 {strides = array<i32>} : memref<1x4x9x1024xf32, #tpu.memory_space<vmem>>, vector<1x1x1x1024xf32>,
    %swap3A_901 = arith.constant 0 : index
    %swap3A_902 = arith.constant 1 : index
    %swap3A_903 = arith.constant 5 : index
    %swap3A_904 = arith.constant 0 : index
    %swap3A_905 = vector.load %arg11[%swap3A_901, %swap3A_902, %swap3A_903, %swap3A_904] : memref<1x4x9x1024xf32, #tpu.memory_space<vmem>>, vector<1x1x1x1024xf32>
    %swap3A_906 = vector.shape_cast %swap3A_905 : vector<1x1x1x1024xf32> to vector<1x1024xf32>
    %swap3A_907 = vector.shape_cast %max3A_830 : vector<1x1024xf32> to vector<1x1x1x1024xf32>
    tpu.vector_store %arg11[%swap3A_901, %swap3A_902, %swap3A_903, %swap3A_904], %swap3A_907 {strides = array<i32>} : memref<1x4x9x1024xf32, #tpu.memory_space<vmem>>, vector<1x1x1x1024xf32>,
    %swap3A_908 = arith.constant 0 : index
    %swap3A_909 = arith.constant 2 : index
    %swap3A_910 = arith.constant 5 : index
    %swap3A_911 = arith.constant 0 : index
    %swap3A_912 = vector.load %arg11[%swap3A_908, %swap3A_909, %swap3A_910, %swap3A_911] : memref<1x4x9x1024xf32, #tpu.memory_space<vmem>>, vector<1x1x1x1024xf32>
    %swap3A_913 = vector.shape_cast %swap3A_912 : vector<1x1x1x1024xf32> to vector<1x1024xf32>
    %swap3A_914 = vector.shape_cast %max3A_837 : vector<1x1024xf32> to vector<1x1x1x1024xf32>
    tpu.vector_store %arg11[%swap3A_908, %swap3A_909, %swap3A_910, %swap3A_911], %swap3A_914 {strides = array<i32>} : memref<1x4x9x1024xf32, #tpu.memory_space<vmem>>, vector<1x1x1x1024xf32>,
    %swap3A_915 = arith.constant 0 : index
    %swap3A_916 = arith.constant 3 : index
    %swap3A_917 = arith.constant 5 : index
    %swap3A_918 = arith.constant 0 : index
    %swap3A_919 = vector.load %arg11[%swap3A_915, %swap3A_916, %swap3A_917, %swap3A_918] : memref<1x4x9x1024xf32, #tpu.memory_space<vmem>>, vector<1x1x1x1024xf32>
    %swap3A_920 = vector.shape_cast %swap3A_919 : vector<1x1x1x1024xf32> to vector<1x1024xf32>
    %swap3A_921 = vector.shape_cast %max3A_844 : vector<1x1024xf32> to vector<1x1x1x1024xf32>
    tpu.vector_store %arg11[%swap3A_915, %swap3A_916, %swap3A_917, %swap3A_918], %swap3A_921 {strides = array<i32>} : memref<1x4x9x1024xf32, #tpu.memory_space<vmem>>, vector<1x1x1x1024xf32>,
    %slice3A_922 = vector.extract_strided_slice %add3A_147 {offsets = [12, 0], sizes = [1, 1024], strides = [1, 1]} : vector<64x1024xf32> to vector<1x1024xf32>
    %slice3A_923 = vector.extract_strided_slice %add3A_147 {offsets = [13, 0], sizes = [1, 1024], strides = [1, 1]} : vector<64x1024xf32> to vector<1x1024xf32>
    %slice3A_924 = vector.extract_strided_slice %add3A_147 {offsets = [42, 0], sizes = [1, 1024], strides = [1, 1]} : vector<64x1024xf32> to vector<1x1024xf32>
    %slice3A_925 = vector.extract_strided_slice %add3A_147 {offsets = [43, 0], sizes = [1, 1024], strides = [1, 1]} : vector<64x1024xf32> to vector<1x1024xf32>
    %slice3A_926 = vector.extract_strided_slice %add3A_147 {offsets = [44, 0], sizes = [1, 1024], strides = [1, 1]} : vector<64x1024xf32> to vector<1x1024xf32>
    %slice3A_927 = vector.extract_strided_slice %add3A_147 {offsets = [45, 0], sizes = [1, 1024], strides = [1, 1]} : vector<64x1024xf32> to vector<1x1024xf32>
    %get3A_928 = arith.constant 6 : index
    %get3A_929 = arith.constant 0 : index
    %get3A_930 = vector.load %arg6[%get3A_928, %get3A_929] : memref<9x1024xf32, #tpu.memory_space<vmem>>, vector<1x1024xf32>
    %get3A_931 = arith.constant 6 : index
    %get3A_932 = arith.constant 0 : index
    %get3A_933 = vector.load %arg7[%get3A_931, %get3A_932] : memref<9x1024xf32, #tpu.memory_space<vmem>>, vector<1x1024xf32>
    %get3A_934 = arith.constant 6 : index
    %get3A_935 = arith.constant 0 : index
    %get3A_936 = vector.load %arg8[%get3A_934, %get3A_935] : memref<9x1024xf32, #tpu.memory_space<vmem>>, vector<1x1024xf32>
    %get3A_937 = arith.constant 6 : index
    %get3A_938 = arith.constant 0 : index
    %get3A_939 = vector.load %arg9[%get3A_937, %get3A_938] : memref<9x1024xf32, #tpu.memory_space<vmem>>, vector<1x1024xf32>
    %mul3A_940 = arith.mulf %slice3A_924, %get3A_930 : vector<1x1024xf32>
    %add3A_941 = arith.addf %mul3A_940, %get3A_936 : vector<1x1024xf32>
    %mul3A_942 = arith.mulf %slice3A_925, %get3A_933 : vector<1x1024xf32>
    %add3A_943 = arith.addf %mul3A_942, %get3A_939 : vector<1x1024xf32>
    %exp3A_944 = math.exp %slice3A_926 : vector<1x1024xf32>
    %mul3A_945 = arith.mulf %exp3A_944, %get3A_930 : vector<1x1024xf32>
    %exp3A_946 = math.exp %slice3A_927 : vector<1x1024xf32>
    %mul3A_947 = arith.mulf %exp3A_946, %get3A_933 : vector<1x1024xf32>
    %mul3A_948 = arith.constant 5.000000e-01 : f32
    %mul3A_949 = vector.broadcast %mul3A_948 : f32 to vector<1x1024xf32>
    %mul3A_950 = arith.mulf %mul3A_949, %mul3A_945 : vector<1x1024xf32>
    %sub3A_951 = arith.subf %add3A_941, %mul3A_950 : vector<1x1024xf32>
    %max3A_952 = arith.constant 0.000000e+00 : f32
    %max3A_953 = vector.broadcast %max3A_952 : f32 to vector<1x1024xf32>
    %max3A_954 = arith.maximumf %sub3A_951, %max3A_953 : vector<1x1024xf32>
    %mul3A_955 = arith.constant 5.000000e-01 : f32
    %mul3A_956 = vector.broadcast %mul3A_955 : f32 to vector<1x1024xf32>
    %mul3A_957 = arith.mulf %mul3A_956, %mul3A_947 : vector<1x1024xf32>
    %sub3A_958 = arith.subf %add3A_943, %mul3A_957 : vector<1x1024xf32>
    %max3A_959 = arith.constant 0.000000e+00 : f32
    %max3A_960 = vector.broadcast %max3A_959 : f32 to vector<1x1024xf32>
    %max3A_961 = arith.maximumf %sub3A_958, %max3A_960 : vector<1x1024xf32>
    %mul3A_962 = arith.constant 5.000000e-01 : f32
    %mul3A_963 = vector.broadcast %mul3A_962 : f32 to vector<1x1024xf32>
    %mul3A_964 = arith.mulf %mul3A_963, %mul3A_945 : vector<1x1024xf32>
    %add3A_965 = arith.addf %add3A_941, %mul3A_964 : vector<1x1024xf32>
    %max3A_966 = arith.constant 0.000000e+00 : f32
    %max3A_967 = vector.broadcast %max3A_966 : f32 to vector<1x1024xf32>
    %max3A_968 = arith.maximumf %add3A_965, %max3A_967 : vector<1x1024xf32>
    %mul3A_969 = arith.constant 5.000000e-01 : f32
    %mul3A_970 = vector.broadcast %mul3A_969 : f32 to vector<1x1024xf32>
    %mul3A_971 = arith.mulf %mul3A_970, %mul3A_947 : vector<1x1024xf32>
    %add3A_972 = arith.addf %add3A_943, %mul3A_971 : vector<1x1024xf32>
    %max3A_973 = arith.constant 0.000000e+00 : f32
    %max3A_974 = vector.broadcast %max3A_973 : f32 to vector<1x1024xf32>
    %max3A_975 = arith.maximumf %add3A_972, %max3A_974 : vector<1x1024xf32>
    %jit3A_976 = arith.constant 0.000000e+00 : f32
    %jit3A_977 = arith.constant 5.120000e+02 : f32
    %max3A_978 = vector.broadcast %jit3A_976 : f32 to vector<1x1024xf32>
    %max3A_979 = arith.maximumf %max3A_978, %max3A_954 : vector<1x1024xf32>
    %min3A_980 = vector.broadcast %jit3A_977 : f32 to vector<1x1024xf32>
    %min3A_981 = arith.minimumf %min3A_980, %max3A_979 : vector<1x1024xf32>
    %jit3A_982 = arith.constant 0.000000e+00 : f32
    %jit3A_983 = arith.constant 5.120000e+02 : f32
    %max3A_984 = vector.broadcast %jit3A_982 : f32 to vector<1x1024xf32>
    %max3A_985 = arith.maximumf %max3A_984, %max3A_968 : vector<1x1024xf32>
    %min3A_986 = vector.broadcast %jit3A_983 : f32 to vector<1x1024xf32>
    %min3A_987 = arith.minimumf %min3A_986, %max3A_985 : vector<1x1024xf32>
    %jit3A_988 = arith.constant 0.000000e+00 : f32
    %jit3A_989 = arith.constant 5.120000e+02 : f32
    %max3A_990 = vector.broadcast %jit3A_988 : f32 to vector<1x1024xf32>
    %max3A_991 = arith.maximumf %max3A_990, %max3A_961 : vector<1x1024xf32>
    %min3A_992 = vector.broadcast %jit3A_989 : f32 to vector<1x1024xf32>
    %min3A_993 = arith.minimumf %min3A_992, %max3A_991 : vector<1x1024xf32>
    %jit3A_994 = arith.constant 0.000000e+00 : f32
    %jit3A_995 = arith.constant 5.120000e+02 : f32
    %max3A_996 = vector.broadcast %jit3A_994 : f32 to vector<1x1024xf32>
    %max3A_997 = arith.maximumf %max3A_996, %max3A_975 : vector<1x1024xf32>
    %min3A_998 = vector.broadcast %jit3A_995 : f32 to vector<1x1024xf32>
    %min3A_999 = arith.minimumf %min3A_998, %max3A_997 : vector<1x1024xf32>
    %sub3A_1000 = arith.subf %min3A_987, %min3A_981 : vector<1x1024xf32>
    %ge3A_1001 = arith.constant 1.000000e+01 : f32
    %ge3A_1002 = vector.broadcast %ge3A_1001 : f32 to vector<1x1024xf32>
    %ge3A_1003 = arith.cmpf oge, %sub3A_1000, %ge3A_1002 : vector<1x1024xf32>
    %sub3A_1004 = arith.subf %min3A_999, %min3A_993 : vector<1x1024xf32>
    %ge3A_1005 = arith.constant 1.000000e+01 : f32
    %ge3A_1006 = vector.broadcast %ge3A_1005 : f32 to vector<1x1024xf32>
    %ge3A_1007 = arith.cmpf oge, %sub3A_1004, %ge3A_1006 : vector<1x1024xf32>
    %and3A_1008 = arith.andi %ge3A_1003, %ge3A_1007 : vector<1x1024xi1>
    %max3A_1009 = arith.maximumf %slice3A_922, %slice3A_923 : vector<1x1024xf32>
    %sub3A_1010 = arith.subf %slice3A_922, %max3A_1009 : vector<1x1024xf32>
    %exp3A_1011 = math.exp %sub3A_1010 : vector<1x1024xf32>
    %sub3A_1012 = arith.subf %slice3A_923, %max3A_1009 : vector<1x1024xf32>
    %exp3A_1013 = math.exp %sub3A_1012 : vector<1x1024xf32>
    %add3A_1014 = arith.addf %exp3A_1011, %exp3A_1013 : vector<1x1024xf32>
    %div3A_1015 = arith.divf %exp3A_1013, %add3A_1014 : vector<1x1024xf32>
    %jit3A_1016 = arith.constant -1.000000e+09 : f32
    %broadcast_in_dim3A_1017 = vector.broadcast %jit3A_1016 : f32 to vector<1x1024xf32>
    %select_n3A_1018 = arith.select %and3A_1008, %div3A_1015, %broadcast_in_dim3A_1017 : vector<1x1024xi1>, vector<1x1024xf32>
    %swap3A_1019 = arith.constant 0 : index
    %swap3A_1020 = arith.constant 6 : index
    %swap3A_1021 = arith.constant 0 : index
    %swap3A_1022 = vector.load %arg10[%swap3A_1019, %swap3A_1020, %swap3A_1021] : memref<1x9x1024xf32, #tpu.memory_space<vmem>>, vector<1x1x1024xf32>
    %swap3A_1023 = vector.shape_cast %swap3A_1022 : vector<1x1x1024xf32> to vector<1x1024xf32>
    %swap3A_1024 = vector.shape_cast %select_n3A_1018 : vector<1x1024xf32> to vector<1x1x1024xf32>
    tpu.vector_store %arg10[%swap3A_1019, %swap3A_1020, %swap3A_1021], %swap3A_1024 {strides = array<i32>} : memref<1x9x1024xf32, #tpu.memory_space<vmem>>, vector<1x1x1024xf32>,
    %swap3A_1025 = arith.constant 0 : index
    %swap3A_1026 = arith.constant 0 : index
    %swap3A_1027 = arith.constant 6 : index
    %swap3A_1028 = arith.constant 0 : index
    %swap3A_1029 = vector.load %arg11[%swap3A_1025, %swap3A_1026, %swap3A_1027, %swap3A_1028] : memref<1x4x9x1024xf32, #tpu.memory_space<vmem>>, vector<1x1x1x1024xf32>
    %swap3A_1030 = vector.shape_cast %swap3A_1029 : vector<1x1x1x1024xf32> to vector<1x1024xf32>
    %swap3A_1031 = vector.shape_cast %max3A_954 : vector<1x1024xf32> to vector<1x1x1x1024xf32>
    tpu.vector_store %arg11[%swap3A_1025, %swap3A_1026, %swap3A_1027, %swap3A_1028], %swap3A_1031 {strides = array<i32>} : memref<1x4x9x1024xf32, #tpu.memory_space<vmem>>, vector<1x1x1x1024xf32>,
    %swap3A_1032 = arith.constant 0 : index
    %swap3A_1033 = arith.constant 1 : index
    %swap3A_1034 = arith.constant 6 : index
    %swap3A_1035 = arith.constant 0 : index
    %swap3A_1036 = vector.load %arg11[%swap3A_1032, %swap3A_1033, %swap3A_1034, %swap3A_1035] : memref<1x4x9x1024xf32, #tpu.memory_space<vmem>>, vector<1x1x1x1024xf32>
    %swap3A_1037 = vector.shape_cast %swap3A_1036 : vector<1x1x1x1024xf32> to vector<1x1024xf32>
    %swap3A_1038 = vector.shape_cast %max3A_961 : vector<1x1024xf32> to vector<1x1x1x1024xf32>
    tpu.vector_store %arg11[%swap3A_1032, %swap3A_1033, %swap3A_1034, %swap3A_1035], %swap3A_1038 {strides = array<i32>} : memref<1x4x9x1024xf32, #tpu.memory_space<vmem>>, vector<1x1x1x1024xf32>,
    %swap3A_1039 = arith.constant 0 : index
    %swap3A_1040 = arith.constant 2 : index
    %swap3A_1041 = arith.constant 6 : index
    %swap3A_1042 = arith.constant 0 : index
    %swap3A_1043 = vector.load %arg11[%swap3A_1039, %swap3A_1040, %swap3A_1041, %swap3A_1042] : memref<1x4x9x1024xf32, #tpu.memory_space<vmem>>, vector<1x1x1x1024xf32>
    %swap3A_1044 = vector.shape_cast %swap3A_1043 : vector<1x1x1x1024xf32> to vector<1x1024xf32>
    %swap3A_1045 = vector.shape_cast %max3A_968 : vector<1x1024xf32> to vector<1x1x1x1024xf32>
    tpu.vector_store %arg11[%swap3A_1039, %swap3A_1040, %swap3A_1041, %swap3A_1042], %swap3A_1045 {strides = array<i32>} : memref<1x4x9x1024xf32, #tpu.memory_space<vmem>>, vector<1x1x1x1024xf32>,
    %swap3A_1046 = arith.constant 0 : index
    %swap3A_1047 = arith.constant 3 : index
    %swap3A_1048 = arith.constant 6 : index
    %swap3A_1049 = arith.constant 0 : index
    %swap3A_1050 = vector.load %arg11[%swap3A_1046, %swap3A_1047, %swap3A_1048, %swap3A_1049] : memref<1x4x9x1024xf32, #tpu.memory_space<vmem>>, vector<1x1x1x1024xf32>
    %swap3A_1051 = vector.shape_cast %swap3A_1050 : vector<1x1x1x1024xf32> to vector<1x1024xf32>
    %swap3A_1052 = vector.shape_cast %max3A_975 : vector<1x1024xf32> to vector<1x1x1x1024xf32>
    tpu.vector_store %arg11[%swap3A_1046, %swap3A_1047, %swap3A_1048, %swap3A_1049], %swap3A_1052 {strides = array<i32>} : memref<1x4x9x1024xf32, #tpu.memory_space<vmem>>, vector<1x1x1x1024xf32>,
    %slice3A_1053 = vector.extract_strided_slice %add3A_147 {offsets = [14, 0], sizes = [1, 1024], strides = [1, 1]} : vector<64x1024xf32> to vector<1x1024xf32>
    %slice3A_1054 = vector.extract_strided_slice %add3A_147 {offsets = [15, 0], sizes = [1, 1024], strides = [1, 1]} : vector<64x1024xf32> to vector<1x1024xf32>
    %slice3A_1055 = vector.extract_strided_slice %add3A_147 {offsets = [46, 0], sizes = [1, 1024], strides = [1, 1]} : vector<64x1024xf32> to vector<1x1024xf32>
    %slice3A_1056 = vector.extract_strided_slice %add3A_147 {offsets = [47, 0], sizes = [1, 1024], strides = [1, 1]} : vector<64x1024xf32> to vector<1x1024xf32>
    %slice3A_1057 = vector.extract_strided_slice %add3A_147 {offsets = [48, 0], sizes = [1, 1024], strides = [1, 1]} : vector<64x1024xf32> to vector<1x1024xf32>
    %slice3A_1058 = vector.extract_strided_slice %add3A_147 {offsets = [49, 0], sizes = [1, 1024], strides = [1, 1]} : vector<64x1024xf32> to vector<1x1024xf32>
    %get3A_1059 = arith.constant 7 : index
    %get3A_1060 = arith.constant 0 : index
    %get3A_1061 = vector.load %arg6[%get3A_1059, %get3A_1060] : memref<9x1024xf32, #tpu.memory_space<vmem>>, vector<1x1024xf32>
    %get3A_1062 = arith.constant 7 : index
    %get3A_1063 = arith.constant 0 : index
    %get3A_1064 = vector.load %arg7[%get3A_1062, %get3A_1063] : memref<9x1024xf32, #tpu.memory_space<vmem>>, vector<1x1024xf32>
    %get3A_1065 = arith.constant 7 : index
    %get3A_1066 = arith.constant 0 : index
    %get3A_1067 = vector.load %arg8[%get3A_1065, %get3A_1066] : memref<9x1024xf32, #tpu.memory_space<vmem>>, vector<1x1024xf32>
    %get3A_1068 = arith.constant 7 : index
    %get3A_1069 = arith.constant 0 : index
    %get3A_1070 = vector.load %arg9[%get3A_1068, %get3A_1069] : memref<9x1024xf32, #tpu.memory_space<vmem>>, vector<1x1024xf32>
    %mul3A_1071 = arith.mulf %slice3A_1055, %get3A_1061 : vector<1x1024xf32>
    %add3A_1072 = arith.addf %mul3A_1071, %get3A_1067 : vector<1x1024xf32>
    %mul3A_1073 = arith.mulf %slice3A_1056, %get3A_1064 : vector<1x1024xf32>
    %add3A_1074 = arith.addf %mul3A_1073, %get3A_1070 : vector<1x1024xf32>
    %exp3A_1075 = math.exp %slice3A_1057 : vector<1x1024xf32>
    %mul3A_1076 = arith.mulf %exp3A_1075, %get3A_1061 : vector<1x1024xf32>
    %exp3A_1077 = math.exp %slice3A_1058 : vector<1x1024xf32>
    %mul3A_1078 = arith.mulf %exp3A_1077, %get3A_1064 : vector<1x1024xf32>
    %mul3A_1079 = arith.constant 5.000000e-01 : f32
    %mul3A_1080 = vector.broadcast %mul3A_1079 : f32 to vector<1x1024xf32>
    %mul3A_1081 = arith.mulf %mul3A_1080, %mul3A_1076 : vector<1x1024xf32>
    %sub3A_1082 = arith.subf %add3A_1072, %mul3A_1081 : vector<1x1024xf32>
    %max3A_1083 = arith.constant 0.000000e+00 : f32
    %max3A_1084 = vector.broadcast %max3A_1083 : f32 to vector<1x1024xf32>
    %max3A_1085 = arith.maximumf %sub3A_1082, %max3A_1084 : vector<1x1024xf32>
    %mul3A_1086 = arith.constant 5.000000e-01 : f32
    %mul3A_1087 = vector.broadcast %mul3A_1086 : f32 to vector<1x1024xf32>
    %mul3A_1088 = arith.mulf %mul3A_1087, %mul3A_1078 : vector<1x1024xf32>
    %sub3A_1089 = arith.subf %add3A_1074, %mul3A_1088 : vector<1x1024xf32>
    %max3A_1090 = arith.constant 0.000000e+00 : f32
    %max3A_1091 = vector.broadcast %max3A_1090 : f32 to vector<1x1024xf32>
    %max3A_1092 = arith.maximumf %sub3A_1089, %max3A_1091 : vector<1x1024xf32>
    %mul3A_1093 = arith.constant 5.000000e-01 : f32
    %mul3A_1094 = vector.broadcast %mul3A_1093 : f32 to vector<1x1024xf32>
    %mul3A_1095 = arith.mulf %mul3A_1094, %mul3A_1076 : vector<1x1024xf32>
    %add3A_1096 = arith.addf %add3A_1072, %mul3A_1095 : vector<1x1024xf32>
    %max3A_1097 = arith.constant 0.000000e+00 : f32
    %max3A_1098 = vector.broadcast %max3A_1097 : f32 to vector<1x1024xf32>
    %max3A_1099 = arith.maximumf %add3A_1096, %max3A_1098 : vector<1x1024xf32>
    %mul3A_1100 = arith.constant 5.000000e-01 : f32
    %mul3A_1101 = vector.broadcast %mul3A_1100 : f32 to vector<1x1024xf32>
    %mul3A_1102 = arith.mulf %mul3A_1101, %mul3A_1078 : vector<1x1024xf32>
    %add3A_1103 = arith.addf %add3A_1074, %mul3A_1102 : vector<1x1024xf32>
    %max3A_1104 = arith.constant 0.000000e+00 : f32
    %max3A_1105 = vector.broadcast %max3A_1104 : f32 to vector<1x1024xf32>
    %max3A_1106 = arith.maximumf %add3A_1103, %max3A_1105 : vector<1x1024xf32>
    %jit3A_1107 = arith.constant 0.000000e+00 : f32
    %jit3A_1108 = arith.constant 5.120000e+02 : f32
    %max3A_1109 = vector.broadcast %jit3A_1107 : f32 to vector<1x1024xf32>
    %max3A_1110 = arith.maximumf %max3A_1109, %max3A_1085 : vector<1x1024xf32>
    %min3A_1111 = vector.broadcast %jit3A_1108 : f32 to vector<1x1024xf32>
    %min3A_1112 = arith.minimumf %min3A_1111, %max3A_1110 : vector<1x1024xf32>
    %jit3A_1113 = arith.constant 0.000000e+00 : f32
    %jit3A_1114 = arith.constant 5.120000e+02 : f32
    %max3A_1115 = vector.broadcast %jit3A_1113 : f32 to vector<1x1024xf32>
    %max3A_1116 = arith.maximumf %max3A_1115, %max3A_1099 : vector<1x1024xf32>
    %min3A_1117 = vector.broadcast %jit3A_1114 : f32 to vector<1x1024xf32>
    %min3A_1118 = arith.minimumf %min3A_1117, %max3A_1116 : vector<1x1024xf32>
    %jit3A_1119 = arith.constant 0.000000e+00 : f32
    %jit3A_1120 = arith.constant 5.120000e+02 : f32
    %max3A_1121 = vector.broadcast %jit3A_1119 : f32 to vector<1x1024xf32>
    %max3A_1122 = arith.maximumf %max3A_1121, %max3A_1092 : vector<1x1024xf32>
    %min3A_1123 = vector.broadcast %jit3A_1120 : f32 to vector<1x1024xf32>
    %min3A_1124 = arith.minimumf %min3A_1123, %max3A_1122 : vector<1x1024xf32>
    %jit3A_1125 = arith.constant 0.000000e+00 : f32
    %jit3A_1126 = arith.constant 5.120000e+02 : f32
    %max3A_1127 = vector.broadcast %jit3A_1125 : f32 to vector<1x1024xf32>
    %max3A_1128 = arith.maximumf %max3A_1127, %max3A_1106 : vector<1x1024xf32>
    %min3A_1129 = vector.broadcast %jit3A_1126 : f32 to vector<1x1024xf32>
    %min3A_1130 = arith.minimumf %min3A_1129, %max3A_1128 : vector<1x1024xf32>
    %sub3A_1131 = arith.subf %min3A_1118, %min3A_1112 : vector<1x1024xf32>
    %ge3A_1132 = arith.constant 1.000000e+01 : f32
    %ge3A_1133 = vector.broadcast %ge3A_1132 : f32 to vector<1x1024xf32>
    %ge3A_1134 = arith.cmpf oge, %sub3A_1131, %ge3A_1133 : vector<1x1024xf32>
    %sub3A_1135 = arith.subf %min3A_1130, %min3A_1124 : vector<1x1024xf32>
    %ge3A_1136 = arith.constant 1.000000e+01 : f32
    %ge3A_1137 = vector.broadcast %ge3A_1136 : f32 to vector<1x1024xf32>
    %ge3A_1138 = arith.cmpf oge, %sub3A_1135, %ge3A_1137 : vector<1x1024xf32>
    %and3A_1139 = arith.andi %ge3A_1134, %ge3A_1138 : vector<1x1024xi1>
    %max3A_1140 = arith.maximumf %slice3A_1053, %slice3A_1054 : vector<1x1024xf32>
    %sub3A_1141 = arith.subf %slice3A_1053, %max3A_1140 : vector<1x1024xf32>
    %exp3A_1142 = math.exp %sub3A_1141 : vector<1x1024xf32>
    %sub3A_1143 = arith.subf %slice3A_1054, %max3A_1140 : vector<1x1024xf32>
    %exp3A_1144 = math.exp %sub3A_1143 : vector<1x1024xf32>
    %add3A_1145 = arith.addf %exp3A_1142, %exp3A_1144 : vector<1x1024xf32>
    %div3A_1146 = arith.divf %exp3A_1144, %add3A_1145 : vector<1x1024xf32>
    %jit3A_1147 = arith.constant -1.000000e+09 : f32
    %broadcast_in_dim3A_1148 = vector.broadcast %jit3A_1147 : f32 to vector<1x1024xf32>
    %select_n3A_1149 = arith.select %and3A_1139, %div3A_1146, %broadcast_in_dim3A_1148 : vector<1x1024xi1>, vector<1x1024xf32>
    %swap3A_1150 = arith.constant 0 : index
    %swap3A_1151 = arith.constant 7 : index
    %swap3A_1152 = arith.constant 0 : index
    %swap3A_1153 = vector.load %arg10[%swap3A_1150, %swap3A_1151, %swap3A_1152] : memref<1x9x1024xf32, #tpu.memory_space<vmem>>, vector<1x1x1024xf32>
    %swap3A_1154 = vector.shape_cast %swap3A_1153 : vector<1x1x1024xf32> to vector<1x1024xf32>
    %swap3A_1155 = vector.shape_cast %select_n3A_1149 : vector<1x1024xf32> to vector<1x1x1024xf32>
    tpu.vector_store %arg10[%swap3A_1150, %swap3A_1151, %swap3A_1152], %swap3A_1155 {strides = array<i32>} : memref<1x9x1024xf32, #tpu.memory_space<vmem>>, vector<1x1x1024xf32>,
    %swap3A_1156 = arith.constant 0 : index
    %swap3A_1157 = arith.constant 0 : index
    %swap3A_1158 = arith.constant 7 : index
    %swap3A_1159 = arith.constant 0 : index
    %swap3A_1160 = vector.load %arg11[%swap3A_1156, %swap3A_1157, %swap3A_1158, %swap3A_1159] : memref<1x4x9x1024xf32, #tpu.memory_space<vmem>>, vector<1x1x1x1024xf32>
    %swap3A_1161 = vector.shape_cast %swap3A_1160 : vector<1x1x1x1024xf32> to vector<1x1024xf32>
    %swap3A_1162 = vector.shape_cast %max3A_1085 : vector<1x1024xf32> to vector<1x1x1x1024xf32>
    tpu.vector_store %arg11[%swap3A_1156, %swap3A_1157, %swap3A_1158, %swap3A_1159], %swap3A_1162 {strides = array<i32>} : memref<1x4x9x1024xf32, #tpu.memory_space<vmem>>, vector<1x1x1x1024xf32>,
    %swap3A_1163 = arith.constant 0 : index
    %swap3A_1164 = arith.constant 1 : index
    %swap3A_1165 = arith.constant 7 : index
    %swap3A_1166 = arith.constant 0 : index
    %swap3A_1167 = vector.load %arg11[%swap3A_1163, %swap3A_1164, %swap3A_1165, %swap3A_1166] : memref<1x4x9x1024xf32, #tpu.memory_space<vmem>>, vector<1x1x1x1024xf32>
    %swap3A_1168 = vector.shape_cast %swap3A_1167 : vector<1x1x1x1024xf32> to vector<1x1024xf32>
    %swap3A_1169 = vector.shape_cast %max3A_1092 : vector<1x1024xf32> to vector<1x1x1x1024xf32>
    tpu.vector_store %arg11[%swap3A_1163, %swap3A_1164, %swap3A_1165, %swap3A_1166], %swap3A_1169 {strides = array<i32>} : memref<1x4x9x1024xf32, #tpu.memory_space<vmem>>, vector<1x1x1x1024xf32>,
    %swap3A_1170 = arith.constant 0 : index
    %swap3A_1171 = arith.constant 2 : index
    %swap3A_1172 = arith.constant 7 : index
    %swap3A_1173 = arith.constant 0 : index
    %swap3A_1174 = vector.load %arg11[%swap3A_1170, %swap3A_1171, %swap3A_1172, %swap3A_1173] : memref<1x4x9x1024xf32, #tpu.memory_space<vmem>>, vector<1x1x1x1024xf32>
    %swap3A_1175 = vector.shape_cast %swap3A_1174 : vector<1x1x1x1024xf32> to vector<1x1024xf32>
    %swap3A_1176 = vector.shape_cast %max3A_1099 : vector<1x1024xf32> to vector<1x1x1x1024xf32>
    tpu.vector_store %arg11[%swap3A_1170, %swap3A_1171, %swap3A_1172, %swap3A_1173], %swap3A_1176 {strides = array<i32>} : memref<1x4x9x1024xf32, #tpu.memory_space<vmem>>, vector<1x1x1x1024xf32>,
    %swap3A_1177 = arith.constant 0 : index
    %swap3A_1178 = arith.constant 3 : index
    %swap3A_1179 = arith.constant 7 : index
    %swap3A_1180 = arith.constant 0 : index
    %swap3A_1181 = vector.load %arg11[%swap3A_1177, %swap3A_1178, %swap3A_1179, %swap3A_1180] : memref<1x4x9x1024xf32, #tpu.memory_space<vmem>>, vector<1x1x1x1024xf32>
    %swap3A_1182 = vector.shape_cast %swap3A_1181 : vector<1x1x1x1024xf32> to vector<1x1024xf32>
    %swap3A_1183 = vector.shape_cast %max3A_1106 : vector<1x1024xf32> to vector<1x1x1x1024xf32>
    tpu.vector_store %arg11[%swap3A_1177, %swap3A_1178, %swap3A_1179, %swap3A_1180], %swap3A_1183 {strides = array<i32>} : memref<1x4x9x1024xf32, #tpu.memory_space<vmem>>, vector<1x1x1x1024xf32>,
    %slice3A_1184 = vector.extract_strided_slice %add3A_147 {offsets = [16, 0], sizes = [1, 1024], strides = [1, 1]} : vector<64x1024xf32> to vector<1x1024xf32>
    %slice3A_1185 = vector.extract_strided_slice %add3A_147 {offsets = [17, 0], sizes = [1, 1024], strides = [1, 1]} : vector<64x1024xf32> to vector<1x1024xf32>
    %slice3A_1186 = vector.extract_strided_slice %add3A_147 {offsets = [50, 0], sizes = [1, 1024], strides = [1, 1]} : vector<64x1024xf32> to vector<1x1024xf32>
    %slice3A_1187 = vector.extract_strided_slice %add3A_147 {offsets = [51, 0], sizes = [1, 1024], strides = [1, 1]} : vector<64x1024xf32> to vector<1x1024xf32>
    %slice3A_1188 = vector.extract_strided_slice %add3A_147 {offsets = [52, 0], sizes = [1, 1024], strides = [1, 1]} : vector<64x1024xf32> to vector<1x1024xf32>
    %slice3A_1189 = vector.extract_strided_slice %add3A_147 {offsets = [53, 0], sizes = [1, 1024], strides = [1, 1]} : vector<64x1024xf32> to vector<1x1024xf32>
    %get3A_1190 = arith.constant 8 : index
    %get3A_1191 = arith.constant 0 : index
    %get3A_1192 = vector.load %arg6[%get3A_1190, %get3A_1191] : memref<9x1024xf32, #tpu.memory_space<vmem>>, vector<1x1024xf32>
    %get3A_1193 = arith.constant 8 : index
    %get3A_1194 = arith.constant 0 : index
    %get3A_1195 = vector.load %arg7[%get3A_1193, %get3A_1194] : memref<9x1024xf32, #tpu.memory_space<vmem>>, vector<1x1024xf32>
    %get3A_1196 = arith.constant 8 : index
    %get3A_1197 = arith.constant 0 : index
    %get3A_1198 = vector.load %arg8[%get3A_1196, %get3A_1197] : memref<9x1024xf32, #tpu.memory_space<vmem>>, vector<1x1024xf32>
    %get3A_1199 = arith.constant 8 : index
    %get3A_1200 = arith.constant 0 : index
    %get3A_1201 = vector.load %arg9[%get3A_1199, %get3A_1200] : memref<9x1024xf32, #tpu.memory_space<vmem>>, vector<1x1024xf32>
    %mul3A_1202 = arith.mulf %slice3A_1186, %get3A_1192 : vector<1x1024xf32>
    %add3A_1203 = arith.addf %mul3A_1202, %get3A_1198 : vector<1x1024xf32>
    %mul3A_1204 = arith.mulf %slice3A_1187, %get3A_1195 : vector<1x1024xf32>
    %add3A_1205 = arith.addf %mul3A_1204, %get3A_1201 : vector<1x1024xf32>
    %exp3A_1206 = math.exp %slice3A_1188 : vector<1x1024xf32>
    %mul3A_1207 = arith.mulf %exp3A_1206, %get3A_1192 : vector<1x1024xf32>
    %exp3A_1208 = math.exp %slice3A_1189 : vector<1x1024xf32>
    %mul3A_1209 = arith.mulf %exp3A_1208, %get3A_1195 : vector<1x1024xf32>
    %mul3A_1210 = arith.constant 5.000000e-01 : f32
    %mul3A_1211 = vector.broadcast %mul3A_1210 : f32 to vector<1x1024xf32>
    %mul3A_1212 = arith.mulf %mul3A_1211, %mul3A_1207 : vector<1x1024xf32>
    %sub3A_1213 = arith.subf %add3A_1203, %mul3A_1212 : vector<1x1024xf32>
    %max3A_1214 = arith.constant 0.000000e+00 : f32
    %max3A_1215 = vector.broadcast %max3A_1214 : f32 to vector<1x1024xf32>
    %max3A_1216 = arith.maximumf %sub3A_1213, %max3A_1215 : vector<1x1024xf32>
    %mul3A_1217 = arith.constant 5.000000e-01 : f32
    %mul3A_1218 = vector.broadcast %mul3A_1217 : f32 to vector<1x1024xf32>
    %mul3A_1219 = arith.mulf %mul3A_1218, %mul3A_1209 : vector<1x1024xf32>
    %sub3A_1220 = arith.subf %add3A_1205, %mul3A_1219 : vector<1x1024xf32>
    %max3A_1221 = arith.constant 0.000000e+00 : f32
    %max3A_1222 = vector.broadcast %max3A_1221 : f32 to vector<1x1024xf32>
    %max3A_1223 = arith.maximumf %sub3A_1220, %max3A_1222 : vector<1x1024xf32>
    %mul3A_1224 = arith.constant 5.000000e-01 : f32
    %mul3A_1225 = vector.broadcast %mul3A_1224 : f32 to vector<1x1024xf32>
    %mul3A_1226 = arith.mulf %mul3A_1225, %mul3A_1207 : vector<1x1024xf32>
    %add3A_1227 = arith.addf %add3A_1203, %mul3A_1226 : vector<1x1024xf32>
    %max3A_1228 = arith.constant 0.000000e+00 : f32
    %max3A_1229 = vector.broadcast %max3A_1228 : f32 to vector<1x1024xf32>
    %max3A_1230 = arith.maximumf %add3A_1227, %max3A_1229 : vector<1x1024xf32>
    %mul3A_1231 = arith.constant 5.000000e-01 : f32
    %mul3A_1232 = vector.broadcast %mul3A_1231 : f32 to vector<1x1024xf32>
    %mul3A_1233 = arith.mulf %mul3A_1232, %mul3A_1209 : vector<1x1024xf32>
    %add3A_1234 = arith.addf %add3A_1205, %mul3A_1233 : vector<1x1024xf32>
    %max3A_1235 = arith.constant 0.000000e+00 : f32
    %max3A_1236 = vector.broadcast %max3A_1235 : f32 to vector<1x1024xf32>
    %max3A_1237 = arith.maximumf %add3A_1234, %max3A_1236 : vector<1x1024xf32>
    %jit3A_1238 = arith.constant 0.000000e+00 : f32
    %jit3A_1239 = arith.constant 5.120000e+02 : f32
    %max3A_1240 = vector.broadcast %jit3A_1238 : f32 to vector<1x1024xf32>
    %max3A_1241 = arith.maximumf %max3A_1240, %max3A_1216 : vector<1x1024xf32>
    %min3A_1242 = vector.broadcast %jit3A_1239 : f32 to vector<1x1024xf32>
    %min3A_1243 = arith.minimumf %min3A_1242, %max3A_1241 : vector<1x1024xf32>
    %jit3A_1244 = arith.constant 0.000000e+00 : f32
    %jit3A_1245 = arith.constant 5.120000e+02 : f32
    %max3A_1246 = vector.broadcast %jit3A_1244 : f32 to vector<1x1024xf32>
    %max3A_1247 = arith.maximumf %max3A_1246, %max3A_1230 : vector<1x1024xf32>
    %min3A_1248 = vector.broadcast %jit3A_1245 : f32 to vector<1x1024xf32>
    %min3A_1249 = arith.minimumf %min3A_1248, %max3A_1247 : vector<1x1024xf32>
    %jit3A_1250 = arith.constant 0.000000e+00 : f32
    %jit3A_1251 = arith.constant 5.120000e+02 : f32
    %max3A_1252 = vector.broadcast %jit3A_1250 : f32 to vector<1x1024xf32>
    %max3A_1253 = arith.maximumf %max3A_1252, %max3A_1223 : vector<1x1024xf32>
    %min3A_1254 = vector.broadcast %jit3A_1251 : f32 to vector<1x1024xf32>
    %min3A_1255 = arith.minimumf %min3A_1254, %max3A_1253 : vector<1x1024xf32>
    %jit3A_1256 = arith.constant 0.000000e+00 : f32
    %jit3A_1257 = arith.constant 5.120000e+02 : f32
    %max3A_1258 = vector.broadcast %jit3A_1256 : f32 to vector<1x1024xf32>
    %max3A_1259 = arith.maximumf %max3A_1258, %max3A_1237 : vector<1x1024xf32>
    %min3A_1260 = vector.broadcast %jit3A_1257 : f32 to vector<1x1024xf32>
    %min3A_1261 = arith.minimumf %min3A_1260, %max3A_1259 : vector<1x1024xf32>
    %sub3A_1262 = arith.subf %min3A_1249, %min3A_1243 : vector<1x1024xf32>
    %ge3A_1263 = arith.constant 1.000000e+01 : f32
    %ge3A_1264 = vector.broadcast %ge3A_1263 : f32 to vector<1x1024xf32>
    %ge3A_1265 = arith.cmpf oge, %sub3A_1262, %ge3A_1264 : vector<1x1024xf32>
    %sub3A_1266 = arith.subf %min3A_1261, %min3A_1255 : vector<1x1024xf32>
    %ge3A_1267 = arith.constant 1.000000e+01 : f32
    %ge3A_1268 = vector.broadcast %ge3A_1267 : f32 to vector<1x1024xf32>
    %ge3A_1269 = arith.cmpf oge, %sub3A_1266, %ge3A_1268 : vector<1x1024xf32>
    %and3A_1270 = arith.andi %ge3A_1265, %ge3A_1269 : vector<1x1024xi1>
    %max3A_1271 = arith.maximumf %slice3A_1184, %slice3A_1185 : vector<1x1024xf32>
    %sub3A_1272 = arith.subf %slice3A_1184, %max3A_1271 : vector<1x1024xf32>
    %exp3A_1273 = math.exp %sub3A_1272 : vector<1x1024xf32>
    %sub3A_1274 = arith.subf %slice3A_1185, %max3A_1271 : vector<1x1024xf32>
    %exp3A_1275 = math.exp %sub3A_1274 : vector<1x1024xf32>
    %add3A_1276 = arith.addf %exp3A_1273, %exp3A_1275 : vector<1x1024xf32>
    %div3A_1277 = arith.divf %exp3A_1275, %add3A_1276 : vector<1x1024xf32>
    %jit3A_1278 = arith.constant -1.000000e+09 : f32
    %broadcast_in_dim3A_1279 = vector.broadcast %jit3A_1278 : f32 to vector<1x1024xf32>
    %select_n3A_1280 = arith.select %and3A_1270, %div3A_1277, %broadcast_in_dim3A_1279 : vector<1x1024xi1>, vector<1x1024xf32>
    %swap3A_1281 = arith.constant 0 : index
    %swap3A_1282 = arith.constant 8 : index
    %swap3A_1283 = arith.constant 0 : index
    %swap3A_1284 = vector.load %arg10[%swap3A_1281, %swap3A_1282, %swap3A_1283] : memref<1x9x1024xf32, #tpu.memory_space<vmem>>, vector<1x1x1024xf32>
    %swap3A_1285 = vector.shape_cast %swap3A_1284 : vector<1x1x1024xf32> to vector<1x1024xf32>
    %swap3A_1286 = vector.shape_cast %select_n3A_1280 : vector<1x1024xf32> to vector<1x1x1024xf32>
    tpu.vector_store %arg10[%swap3A_1281, %swap3A_1282, %swap3A_1283], %swap3A_1286 {strides = array<i32>} : memref<1x9x1024xf32, #tpu.memory_space<vmem>>, vector<1x1x1024xf32>,
    %swap3A_1287 = arith.constant 0 : index
    %swap3A_1288 = arith.constant 0 : index
    %swap3A_1289 = arith.constant 8 : index
    %swap3A_1290 = arith.constant 0 : index
    %swap3A_1291 = vector.load %arg11[%swap3A_1287, %swap3A_1288, %swap3A_1289, %swap3A_1290] : memref<1x4x9x1024xf32, #tpu.memory_space<vmem>>, vector<1x1x1x1024xf32>
    %swap3A_1292 = vector.shape_cast %swap3A_1291 : vector<1x1x1x1024xf32> to vector<1x1024xf32>
    %swap3A_1293 = vector.shape_cast %max3A_1216 : vector<1x1024xf32> to vector<1x1x1x1024xf32>
    tpu.vector_store %arg11[%swap3A_1287, %swap3A_1288, %swap3A_1289, %swap3A_1290], %swap3A_1293 {strides = array<i32>} : memref<1x4x9x1024xf32, #tpu.memory_space<vmem>>, vector<1x1x1x1024xf32>,
    %swap3A_1294 = arith.constant 0 : index
    %swap3A_1295 = arith.constant 1 : index
    %swap3A_1296 = arith.constant 8 : index
    %swap3A_1297 = arith.constant 0 : index
    %swap3A_1298 = vector.load %arg11[%swap3A_1294, %swap3A_1295, %swap3A_1296, %swap3A_1297] : memref<1x4x9x1024xf32, #tpu.memory_space<vmem>>, vector<1x1x1x1024xf32>
    %swap3A_1299 = vector.shape_cast %swap3A_1298 : vector<1x1x1x1024xf32> to vector<1x1024xf32>
    %swap3A_1300 = vector.shape_cast %max3A_1223 : vector<1x1024xf32> to vector<1x1x1x1024xf32>
    tpu.vector_store %arg11[%swap3A_1294, %swap3A_1295, %swap3A_1296, %swap3A_1297], %swap3A_1300 {strides = array<i32>} : memref<1x4x9x1024xf32, #tpu.memory_space<vmem>>, vector<1x1x1x1024xf32>,
    %swap3A_1301 = arith.constant 0 : index
    %swap3A_1302 = arith.constant 2 : index
    %swap3A_1303 = arith.constant 8 : index
    %swap3A_1304 = arith.constant 0 : index
    %swap3A_1305 = vector.load %arg11[%swap3A_1301, %swap3A_1302, %swap3A_1303, %swap3A_1304] : memref<1x4x9x1024xf32, #tpu.memory_space<vmem>>, vector<1x1x1x1024xf32>
    %swap3A_1306 = vector.shape_cast %swap3A_1305 : vector<1x1x1x1024xf32> to vector<1x1024xf32>
    %swap3A_1307 = vector.shape_cast %max3A_1230 : vector<1x1024xf32> to vector<1x1x1x1024xf32>
    tpu.vector_store %arg11[%swap3A_1301, %swap3A_1302, %swap3A_1303, %swap3A_1304], %swap3A_1307 {strides = array<i32>} : memref<1x4x9x1024xf32, #tpu.memory_space<vmem>>, vector<1x1x1x1024xf32>,
    %swap3A_1308 = arith.constant 0 : index
    %swap3A_1309 = arith.constant 3 : index
    %swap3A_1310 = arith.constant 8 : index
    %swap3A_1311 = arith.constant 0 : index
    %swap3A_1312 = vector.load %arg11[%swap3A_1308, %swap3A_1309, %swap3A_1310, %swap3A_1311] : memref<1x4x9x1024xf32, #tpu.memory_space<vmem>>, vector<1x1x1x1024xf32>
    %swap3A_1313 = vector.shape_cast %swap3A_1312 : vector<1x1x1x1024xf32> to vector<1x1024xf32>
    %swap3A_1314 = vector.shape_cast %max3A_1237 : vector<1x1024xf32> to vector<1x1x1x1024xf32>
    tpu.vector_store %arg11[%swap3A_1308, %swap3A_1309, %swap3A_1310, %swap3A_1311], %swap3A_1314 {strides = array<i32>} : memref<1x4x9x1024xf32, #tpu.memory_space<vmem>>, vector<1x1x1x1024xf32>,
    return
  }
  func.func @transform_0(%arg0: i32) -> (i32, i32, i32, i32) {
    %c0_i32 = arith.constant 0 : i32
    %c0_i32_0 = arith.constant 0 : i32
    %c0_i32_1 = arith.constant 0 : i32
    %c0_i32_2 = arith.constant 0 : i32
    return %arg0, %c0_i32, %c0_i32_0, %c0_i32_1 : i32, i32, i32, i32
  }
  func.func @transform_1(%arg0: i32) -> (i32, i32) {
    %c0_i32 = arith.constant 0 : i32
    %c0_i32_0 = arith.constant 0 : i32
    %c0_i32_1 = arith.constant 0 : i32
    return %c0_i32, %c0_i32_0 : i32, i32
  }
  func.func @transform_2(%arg0: i32) -> (i32, i32) {
    %c0_i32 = arith.constant 0 : i32
    %c0_i32_0 = arith.constant 0 : i32
    %c0_i32_1 = arith.constant 0 : i32
    return %c0_i32, %c0_i32_0 : i32, i32
  }
  func.func @transform_3(%arg0: i32) -> (i32, i32) {
    %c0_i32 = arith.constant 0 : i32
    %c0_i32_0 = arith.constant 0 : i32
    %c0_i32_1 = arith.constant 0 : i32
    return %c0_i32, %c0_i32_0 : i32, i32
  }
  func.func @transform_4(%arg0: i32) -> (i32, i32) {
    %c0_i32 = arith.constant 0 : i32
    %c0_i32_0 = arith.constant 0 : i32
    %c0_i32_1 = arith.constant 0 : i32
    return %c0_i32, %c0_i32_0 : i32, i32
  }
  func.func @transform_5(%arg0: i32) -> (i32, i32) {
    %c0_i32 = arith.constant 0 : i32
    %c0_i32_0 = arith.constant 0 : i32
    %c0_i32_1 = arith.constant 0 : i32
    return %c0_i32, %c0_i32_0 : i32, i32
  }
  func.func @transform_6(%arg0: i32) -> (i32, i32) {
    %c0_i32 = arith.constant 0 : i32
    %c0_i32_0 = arith.constant 0 : i32
    %c0_i32_1 = arith.constant 0 : i32
    return %c0_i32, %c0_i32_0 : i32, i32
  }
  func.func @transform_7(%arg0: i32) -> (i32, i32) {
    %c0_i32 = arith.constant 0 : i32
    %c0_i32_0 = arith.constant 0 : i32
    %c0_i32_1 = arith.constant 0 : i32
    return %c0_i32, %c0_i32_0 : i32, i32
  }
  func.func @transform_8(%arg0: i32) -> (i32, i32) {
    %c0_i32 = arith.constant 0 : i32
    %c0_i32_0 = arith.constant 0 : i32
    %c0_i32_1 = arith.constant 0 : i32
    return %c0_i32, %c0_i32_0 : i32, i32
  }
  func.func @transform_9(%arg0: i32) -> (i32, i32, i32) {
    %c0_i32 = arith.constant 0 : i32
    %c0_i32_0 = arith.constant 0 : i32
    %c0_i32_1 = arith.constant 0 : i32
    return %arg0, %c0_i32, %c0_i32_0 : i32, i32, i32
  }
  func.func @transform_10(%arg0: i32) -> (i32, i32, i32, i32) {
    %c0_i32 = arith.constant 0 : i32
    %c0_i32_0 = arith.constant 0 : i32
    %c0_i32_1 = arith.constant 0 : i32
    %c0_i32_2 = arith.constant 0 : i32
    return %arg0, %c0_i32, %c0_i32_0, %c0_i32_1 : i32, i32, i32, i32
  }
}

module attributes {stable_mosaic.version = 14 : i64} {
  func.func @_sort_body(%arg0: memref<8x16384xf32, #tpu.memory_space<vmem>>, %arg1: memref<8x2048xf32, #tpu.memory_space<vmem>>, %arg2: memref<8x2048xi32, #tpu.memory_space<vmem>>, %arg3: memref<8x16384xf32, #tpu.memory_space<vmem>>, %arg4: memref<8x16384xi32, #tpu.memory_space<vmem>>) attributes {dimension_semantics = [], scalar_prefetch = 0 : i64, scratch_operands = 2 : i64, tpu.core_type = #tpu.core_type<tc>} {
    %iota3A = tpu.iota {dimensions = array<i32: 1>} : vector<8x16384xi32>
    %jit3A = arith.constant 1024 : i32
    %eq3A = arith.constant 0 : i32
    %eq3A_0 = arith.cmpi eq, %jit3A, %eq3A : i32
    %jit3A_1 = arith.constant 1 : i32
    %select_n3A = arith.select %eq3A_0, %jit3A_1, %jit3A : i32
    %rem3A = vector.broadcast %select_n3A : i32 to vector<8x16384xi32>
    %rem3A_2 = arith.remsi %iota3A, %rem3A : vector<8x16384xi32>
    %ne3A = arith.constant 0 : i32
    %ne3A_3 = vector.broadcast %ne3A : i32 to vector<8x16384xi32>
    %ne3A_4 = arith.cmpi ne, %rem3A_2, %ne3A_3 : vector<8x16384xi32>
    %lt3A = arith.constant 0 : i32
    %lt3A_5 = vector.broadcast %lt3A : i32 to vector<8x16384xi32>
    %lt3A_6 = arith.cmpi slt, %rem3A_2, %lt3A_5 : vector<8x16384xi32>
    %lt3A_7 = arith.constant 0 : i32
    %lt3A_8 = arith.cmpi slt, %select_n3A, %lt3A_7 : i32
    %ne3A_9 = vector.broadcast %lt3A_8 : i1 to vector<8x16384xi1>
    %ne3A_10 = vector.broadcast %ne3A_9 : vector<8x16384xi1> to vector<8x16384xi1>
    %ne3A_11 = arith.xori %lt3A_6, %ne3A_10 : vector<8x16384xi1>
    %and3A = arith.andi %ne3A_11, %ne3A_4 : vector<8x16384xi1>
    %add3A = vector.broadcast %select_n3A : i32 to vector<8x16384xi32>
    %add3A_12 = arith.addi %rem3A_2, %add3A : vector<8x16384xi32>
    %select_n3A_13 = arith.select %and3A, %add3A_12, %rem3A_2 : vector<8x16384xi1>, vector<8x16384xi32>
    %mul3A = arith.constant 9 : i32
    %mul3A_14 = vector.broadcast %mul3A : i32 to vector<8x16384xi32>
    %mul3A_15 = arith.muli %select_n3A_13, %mul3A_14 : vector<8x16384xi32>
    %jit3A_16 = arith.constant 1024 : i32
    %div3A = vector.broadcast %jit3A_16 : i32 to vector<8x16384xi32>
    %div3A_17 = arith.divsi %iota3A, %div3A : vector<8x16384xi32>
    %sign3A = arith.constant 0 : i32
    %sign3A_18 = vector.broadcast %sign3A : i32 to vector<8x16384xi32>
    %sign3A_19 = arith.cmpi sgt, %iota3A, %sign3A_18 : vector<8x16384xi32>
    %sign3A_20 = arith.extui %sign3A_19 : vector<8x16384xi1> to vector<8x16384xi32>
    %sign3A_21 = arith.constant 0 : i32
    %sign3A_22 = vector.broadcast %sign3A_21 : i32 to vector<8x16384xi32>
    %sign3A_23 = arith.cmpi slt, %iota3A, %sign3A_22 : vector<8x16384xi32>
    %sign3A_24 = arith.extui %sign3A_23 : vector<8x16384xi1> to vector<8x16384xi32>
    %sign3A_25 = arith.subi %sign3A_20, %sign3A_24 : vector<8x16384xi32>
    %sign3A_26 = arith.constant 0 : i32
    %sign3A_27 = arith.cmpi sgt, %jit3A_16, %sign3A_26 : i32
    %sign3A_28 = arith.extui %sign3A_27 : i1 to i32
    %sign3A_29 = arith.constant 0 : i32
    %sign3A_30 = arith.cmpi slt, %jit3A_16, %sign3A_29 : i32
    %sign3A_31 = arith.extui %sign3A_30 : i1 to i32
    %sign3A_32 = arith.subi %sign3A_28, %sign3A_31 : i32
    %ne3A_33 = vector.broadcast %sign3A_32 : i32 to vector<8x16384xi32>
    %ne3A_34 = arith.cmpi ne, %sign3A_25, %ne3A_33 : vector<8x16384xi32>
    %rem3A_35 = vector.broadcast %jit3A_16 : i32 to vector<8x16384xi32>
    %rem3A_36 = arith.remsi %iota3A, %rem3A_35 : vector<8x16384xi32>
    %ne3A_37 = arith.constant 0 : i32
    %ne3A_38 = vector.broadcast %ne3A_37 : i32 to vector<8x16384xi32>
    %ne3A_39 = arith.cmpi ne, %rem3A_36, %ne3A_38 : vector<8x16384xi32>
    %and3A_40 = arith.andi %ne3A_34, %ne3A_39 : vector<8x16384xi1>
    %sub3A = arith.constant 1 : i32
    %sub3A_41 = vector.broadcast %sub3A : i32 to vector<8x16384xi32>
    %sub3A_42 = arith.subi %div3A_17, %sub3A_41 : vector<8x16384xi32>
    %select_n3A_43 = arith.select %and3A_40, %sub3A_42, %div3A_17 : vector<8x16384xi1>, vector<8x16384xi32>
    %add3A_44 = arith.addi %mul3A_15, %select_n3A_43 : vector<8x16384xi32>
    %get3A = arith.constant 0 : index
    %get3A_45 = arith.constant 0 : index
    %get3A_46 = vector.load %arg0[%get3A, %get3A_45] : memref<8x16384xf32, #tpu.memory_space<vmem>>, vector<8x16384xf32>
    %swap3A = arith.constant 0 : index
    %swap3A_47 = arith.constant 0 : index
    %swap3A_48 = vector.load %arg3[%swap3A, %swap3A_47] : memref<8x16384xf32, #tpu.memory_space<vmem>>, vector<8x16384xf32>
    tpu.vector_store %arg3[%swap3A, %swap3A_47], %get3A_46 {strides = array<i32>} : memref<8x16384xf32, #tpu.memory_space<vmem>>, vector<8x16384xf32>,
    %mul3A_49 = arith.constant 16384 : i32
    %mul3A_50 = vector.broadcast %mul3A_49 : i32 to vector<8x16384xi32>
    %mul3A_51 = arith.muli %add3A_44, %mul3A_50 : vector<8x16384xi32>
    %add3A_52 = arith.addi %mul3A_51, %iota3A : vector<8x16384xi32>
    %swap3A_53 = arith.constant 0 : index
    %swap3A_54 = arith.constant 0 : index
    %swap3A_55 = vector.load %arg4[%swap3A_53, %swap3A_54] : memref<8x16384xi32, #tpu.memory_space<vmem>>, vector<8x16384xi32>
    tpu.vector_store %arg4[%swap3A_53, %swap3A_54], %add3A_52 {strides = array<i32>} : memref<8x16384xi32, #tpu.memory_space<vmem>>, vector<8x16384xi32>,
    %scan3A = arith.constant 1 : i32
    %scan3A_56 = arith.constant 14 : i32
    %scan3A_57 = arith.addi %scan3A, %scan3A_56 : i32
    %scan3A_58 = arith.constant 1 : i32
    scf.for %scan3A_75 = %scan3A to %scan3A_57 step %scan3A_58  : i32 {
      %shift_left3A = arith.constant 1 : i32
      %shift_left3A_76 = arith.shli %shift_left3A, %scan3A_75 : i32
      %jit3A_77 = arith.constant 2 : i32
      %div3A_78 = arith.divsi %shift_left3A_76, %jit3A_77 : i32
      %sign3A_79 = arith.constant 0 : i32
      %sign3A_80 = arith.cmpi sgt, %shift_left3A_76, %sign3A_79 : i32
      %sign3A_81 = arith.extui %sign3A_80 : i1 to i32
      %sign3A_82 = arith.constant 0 : i32
      %sign3A_83 = arith.cmpi slt, %shift_left3A_76, %sign3A_82 : i32
      %sign3A_84 = arith.extui %sign3A_83 : i1 to i32
      %sign3A_85 = arith.subi %sign3A_81, %sign3A_84 : i32
      %sign3A_86 = arith.constant 0 : i32
      %sign3A_87 = arith.cmpi sgt, %jit3A_77, %sign3A_86 : i32
      %sign3A_88 = arith.extui %sign3A_87 : i1 to i32
      %sign3A_89 = arith.constant 0 : i32
      %sign3A_90 = arith.cmpi slt, %jit3A_77, %sign3A_89 : i32
      %sign3A_91 = arith.extui %sign3A_90 : i1 to i32
      %sign3A_92 = arith.subi %sign3A_88, %sign3A_91 : i32
      %ne3A_93 = arith.cmpi ne, %sign3A_85, %sign3A_92 : i32
      %rem3A_94 = arith.remsi %shift_left3A_76, %jit3A_77 : i32
      %ne3A_95 = arith.constant 0 : i32
      %ne3A_96 = arith.cmpi ne, %rem3A_94, %ne3A_95 : i32
      %and3A_97 = arith.andi %ne3A_93, %ne3A_96 : i1
      %sub3A_98 = arith.constant 1 : i32
      %sub3A_99 = arith.subi %div3A_78, %sub3A_98 : i32
      %select_n3A_100 = arith.select %and3A_97, %sub3A_99, %div3A_78 : i32
      %while3A = scf.while (%while3A_101 = %select_n3A_100) : (i32) -> i32 {
        %ge3A = arith.constant 1 : i32
        %ge3A_102 = arith.cmpi sge, %while3A_101, %ge3A : i32
        scf.condition(%ge3A_102) %while3A_101 : i32
      } do {
      ^bb0(%while3A_101: i32):
        %get3A_102 = arith.constant 0 : index
        %get3A_103 = arith.constant 0 : index
        %get3A_104 = vector.load %arg3[%get3A_102, %get3A_103] : memref<8x16384xf32, #tpu.memory_space<vmem>>, vector<8x16384xf32>
        %get3A_105 = arith.constant 0 : index
        %get3A_106 = arith.constant 0 : index
        %get3A_107 = vector.load %arg4[%get3A_105, %get3A_106] : memref<8x16384xi32, #tpu.memory_space<vmem>>, vector<8x16384xi32>
        %roll3A = tpu.dynamic_rotate %get3A_104 by %while3A_101 dim 1 : vector<8x16384xf32>, i32 -> vector<8x16384xf32>
        %sub3A_108 = arith.constant 16384 : i32
        %sub3A_109 = arith.subi %sub3A_108, %while3A_101 : i32
        %roll3A_110 = tpu.dynamic_rotate %get3A_104 by %sub3A_109 dim 1 : vector<8x16384xf32>, i32 -> vector<8x16384xf32>
        %roll3A_111 = tpu.dynamic_rotate %get3A_107 by %while3A_101 dim 1 : vector<8x16384xi32>, i32 -> vector<8x16384xi32>
        %sub3A_112 = arith.constant 16384 : i32
        %sub3A_113 = arith.subi %sub3A_112, %while3A_101 : i32
        %roll3A_114 = tpu.dynamic_rotate %get3A_107 by %sub3A_113 dim 1 : vector<8x16384xi32>, i32 -> vector<8x16384xi32>
        %and3A_115 = vector.broadcast %while3A_101 : i32 to vector<8x16384xi32>
        %and3A_116 = arith.andi %iota3A, %and3A_115 : vector<8x16384xi32>
        %eq3A_117 = arith.constant 0 : i32
        %eq3A_118 = vector.broadcast %eq3A_117 : i32 to vector<8x16384xi32>
        %eq3A_119 = arith.cmpi eq, %and3A_116, %eq3A_118 : vector<8x16384xi32>
        %select_n3A_120 = arith.select %eq3A_119, %roll3A_110, %roll3A : vector<8x16384xi1>, vector<8x16384xf32>
        %select_n3A_121 = arith.select %eq3A_119, %roll3A_114, %roll3A_111 : vector<8x16384xi1>, vector<8x16384xi32>
        %gt3A = arith.cmpf ogt, %get3A_104, %select_n3A_120 : vector<8x16384xf32>
        %eq3A_122 = arith.cmpf oeq, %get3A_104, %select_n3A_120 : vector<8x16384xf32>
        %lt3A_123 = arith.cmpi slt, %get3A_107, %select_n3A_121 : vector<8x16384xi32>
        %and3A_124 = arith.andi %eq3A_122, %lt3A_123 : vector<8x16384xi1>
        %or3A = arith.ori %gt3A, %and3A_124 : vector<8x16384xi1>
        %and3A_125 = vector.broadcast %shift_left3A_76 : i32 to vector<8x16384xi32>
        %and3A_126 = arith.andi %iota3A, %and3A_125 : vector<8x16384xi32>
        %eq3A_127 = arith.constant 0 : i32
        %eq3A_128 = vector.broadcast %eq3A_127 : i32 to vector<8x16384xi32>
        %eq3A_129 = arith.cmpi eq, %and3A_126, %eq3A_128 : vector<8x16384xi32>
        %eq3A_130 = arith.xori %eq3A_119, %eq3A_129 : vector<8x16384xi1>
        %eq3A_131 = arith.constant dense<true> : vector<8x16384xi1>
        %eq3A_132 = arith.xori %eq3A_130, %eq3A_131 : vector<8x16384xi1>
        %eq3A_133 = arith.xori %or3A, %eq3A_132 : vector<8x16384xi1>
        %eq3A_134 = arith.constant dense<true> : vector<8x16384xi1>
        %eq3A_135 = arith.xori %eq3A_133, %eq3A_134 : vector<8x16384xi1>
        %select_n3A_136 = arith.select %eq3A_135, %get3A_104, %select_n3A_120 : vector<8x16384xi1>, vector<8x16384xf32>
        %swap3A_137 = arith.constant 0 : index
        %swap3A_138 = arith.constant 0 : index
        %swap3A_139 = vector.load %arg3[%swap3A_137, %swap3A_138] : memref<8x16384xf32, #tpu.memory_space<vmem>>, vector<8x16384xf32>
        tpu.vector_store %arg3[%swap3A_137, %swap3A_138], %select_n3A_136 {strides = array<i32>} : memref<8x16384xf32, #tpu.memory_space<vmem>>, vector<8x16384xf32>,
        %select_n3A_140 = arith.select %eq3A_135, %get3A_107, %select_n3A_121 : vector<8x16384xi1>, vector<8x16384xi32>
        %swap3A_141 = arith.constant 0 : index
        %swap3A_142 = arith.constant 0 : index
        %swap3A_143 = vector.load %arg4[%swap3A_141, %swap3A_142] : memref<8x16384xi32, #tpu.memory_space<vmem>>, vector<8x16384xi32>
        tpu.vector_store %arg4[%swap3A_141, %swap3A_142], %select_n3A_140 {strides = array<i32>} : memref<8x16384xi32, #tpu.memory_space<vmem>>, vector<8x16384xi32>,
        %jit3A_144 = arith.constant 2 : i32
        %div3A_145 = arith.divsi %while3A_101, %jit3A_144 : i32
        %sign3A_146 = arith.constant 0 : i32
        %sign3A_147 = arith.cmpi sgt, %while3A_101, %sign3A_146 : i32
        %sign3A_148 = arith.extui %sign3A_147 : i1 to i32
        %sign3A_149 = arith.constant 0 : i32
        %sign3A_150 = arith.cmpi slt, %while3A_101, %sign3A_149 : i32
        %sign3A_151 = arith.extui %sign3A_150 : i1 to i32
        %sign3A_152 = arith.subi %sign3A_148, %sign3A_151 : i32
        %sign3A_153 = arith.constant 0 : i32
        %sign3A_154 = arith.cmpi sgt, %jit3A_144, %sign3A_153 : i32
        %sign3A_155 = arith.extui %sign3A_154 : i1 to i32
        %sign3A_156 = arith.constant 0 : i32
        %sign3A_157 = arith.cmpi slt, %jit3A_144, %sign3A_156 : i32
        %sign3A_158 = arith.extui %sign3A_157 : i1 to i32
        %sign3A_159 = arith.subi %sign3A_155, %sign3A_158 : i32
        %ne3A_160 = arith.cmpi ne, %sign3A_152, %sign3A_159 : i32
        %rem3A_161 = arith.remsi %while3A_101, %jit3A_144 : i32
        %ne3A_162 = arith.constant 0 : i32
        %ne3A_163 = arith.cmpi ne, %rem3A_161, %ne3A_162 : i32
        %and3A_164 = arith.andi %ne3A_160, %ne3A_163 : i1
        %sub3A_165 = arith.constant 1 : i32
        %sub3A_166 = arith.subi %div3A_145, %sub3A_165 : i32
        %select_n3A_167 = arith.select %and3A_164, %sub3A_166, %div3A_145 : i32
        scf.yield %select_n3A_167 : i32
      }
    }
    %scan3A_59 = arith.constant 14 : i32
    %get3A_60 = arith.constant 0 : index
    %get3A_61 = arith.constant 0 : index
    %get3A_62 = vector.load %arg3[%get3A_60, %get3A_61] : memref<8x16384xf32, #tpu.memory_space<vmem>>, vector<8x2048xf32>
    %swap3A_63 = arith.constant 0 : index
    %swap3A_64 = arith.constant 0 : index
    %swap3A_65 = vector.load %arg1[%swap3A_63, %swap3A_64] : memref<8x2048xf32, #tpu.memory_space<vmem>>, vector<8x2048xf32>
    tpu.vector_store %arg1[%swap3A_63, %swap3A_64], %get3A_62 {strides = array<i32>} : memref<8x2048xf32, #tpu.memory_space<vmem>>, vector<8x2048xf32>,
    %get3A_66 = arith.constant 0 : index
    %get3A_67 = arith.constant 0 : index
    %get3A_68 = vector.load %arg4[%get3A_66, %get3A_67] : memref<8x16384xi32, #tpu.memory_space<vmem>>, vector<8x2048xi32>
    %and3A_69 = arith.constant 16383 : i32
    %and3A_70 = vector.broadcast %and3A_69 : i32 to vector<8x2048xi32>
    %and3A_71 = arith.andi %get3A_68, %and3A_70 : vector<8x2048xi32>
    %swap3A_72 = arith.constant 0 : index
    %swap3A_73 = arith.constant 0 : index
    %swap3A_74 = vector.load %arg2[%swap3A_72, %swap3A_73] : memref<8x2048xi32, #tpu.memory_space<vmem>>, vector<8x2048xi32>
    tpu.vector_store %arg2[%swap3A_72, %swap3A_73], %and3A_71 {strides = array<i32>} : memref<8x2048xi32, #tpu.memory_space<vmem>>, vector<8x2048xi32>,
    return
  }
}

module attributes {stable_mosaic.version = 14 : i64} {
  func.func @_nms_body(%arg0: i32, %arg1: memref<1x4x2048xf32, #tpu.memory_space<vmem>>, %arg2: memref<1x1x2048xf32, #tpu.memory_space<vmem>>, %arg3: memref<1x4x2048xf32, #tpu.memory_space<vmem>>, %arg4: memref<1x2048xf32, #tpu.memory_space<vmem>>) attributes {dimension_semantics = [#tpu.dimension_semantics<arbitrary>], iteration_bounds = array<i64: 8>, scalar_prefetch = 0 : i64, scratch_operands = 1 : i64, tpu.core_type = #tpu.core_type<tc>, window_params = [{transform_indices = @transform_0, window_bounds = array<i64: 1, 4, 2048>}, {transform_indices = @transform_1, window_bounds = array<i64: 1, 1, 2048>}, {transform_indices = @transform_2, window_bounds = array<i64: 1, 4, 2048>}]} {
    %get3A = arith.constant 0 : index
    %get3A_0 = arith.constant 0 : index
    %get3A_1 = arith.constant 0 : index
    %get3A_2 = vector.load %arg1[%get3A, %get3A_0, %get3A_1] : memref<1x4x2048xf32, #tpu.memory_space<vmem>>, vector<1x1x2048xf32>
    %get3A_3 = vector.shape_cast %get3A_2 : vector<1x1x2048xf32> to vector<1x2048xf32>
    %get3A_4 = arith.constant 0 : index
    %get3A_5 = arith.constant 1 : index
    %get3A_6 = arith.constant 0 : index
    %get3A_7 = vector.load %arg1[%get3A_4, %get3A_5, %get3A_6] : memref<1x4x2048xf32, #tpu.memory_space<vmem>>, vector<1x1x2048xf32>
    %get3A_8 = vector.shape_cast %get3A_7 : vector<1x1x2048xf32> to vector<1x2048xf32>
    %get3A_9 = arith.constant 0 : index
    %get3A_10 = arith.constant 2 : index
    %get3A_11 = arith.constant 0 : index
    %get3A_12 = vector.load %arg1[%get3A_9, %get3A_10, %get3A_11] : memref<1x4x2048xf32, #tpu.memory_space<vmem>>, vector<1x1x2048xf32>
    %get3A_13 = vector.shape_cast %get3A_12 : vector<1x1x2048xf32> to vector<1x2048xf32>
    %get3A_14 = arith.constant 0 : index
    %get3A_15 = arith.constant 3 : index
    %get3A_16 = arith.constant 0 : index
    %get3A_17 = vector.load %arg1[%get3A_14, %get3A_15, %get3A_16] : memref<1x4x2048xf32, #tpu.memory_space<vmem>>, vector<1x1x2048xf32>
    %get3A_18 = vector.shape_cast %get3A_17 : vector<1x1x2048xf32> to vector<1x2048xf32>
    %sub3A = arith.subf %get3A_13, %get3A_3 : vector<1x2048xf32>
    %sub3A_19 = arith.subf %get3A_18, %get3A_8 : vector<1x2048xf32>
    %mul3A = arith.mulf %sub3A, %sub3A_19 : vector<1x2048xf32>
    %iota3A = tpu.iota {dimensions = array<i32: 1>} : vector<1x2048xi32>
    %lt3A = arith.constant 2000 : i32
    %lt3A_20 = vector.broadcast %lt3A : i32 to vector<1x2048xi32>
    %lt3A_21 = arith.cmpi slt, %iota3A, %lt3A_20 : vector<1x2048xi32>
    %jit3A = arith.constant 1.000000e+00 : f32
    %jit3A_22 = arith.constant 0.000000e+00 : f32
    %broadcast_in_dim3A = vector.broadcast %jit3A : f32 to vector<1x2048xf32>
    %broadcast_in_dim3A_23 = vector.broadcast %jit3A_22 : f32 to vector<1x2048xf32>
    %select_n3A = arith.select %lt3A_21, %broadcast_in_dim3A, %broadcast_in_dim3A_23 : vector<1x2048xi1>, vector<1x2048xf32>
    %swap3A = arith.constant 0 : index
    %swap3A_24 = arith.constant 0 : index
    %swap3A_25 = vector.load %arg4[%swap3A, %swap3A_24] : memref<1x2048xf32, #tpu.memory_space<vmem>>, vector<1x2048xf32>
    tpu.vector_store %arg4[%swap3A, %swap3A_24], %select_n3A {strides = array<i32>} : memref<1x2048xf32, #tpu.memory_space<vmem>>, vector<1x2048xf32>,
    %slice3A = vector.extract_strided_slice %get3A_3 {offsets = [0, 0], sizes = [1, 256], strides = [1, 1]} : vector<1x2048xf32> to vector<1x256xf32>
    %reshape3A = vector.shape_cast %slice3A : vector<1x256xf32> to vector<256x1xf32>
    %slice3A_26 = vector.extract_strided_slice %get3A_8 {offsets = [0, 0], sizes = [1, 256], strides = [1, 1]} : vector<1x2048xf32> to vector<1x256xf32>
    %reshape3A_27 = vector.shape_cast %slice3A_26 : vector<1x256xf32> to vector<256x1xf32>
    %slice3A_28 = vector.extract_strided_slice %get3A_13 {offsets = [0, 0], sizes = [1, 256], strides = [1, 1]} : vector<1x2048xf32> to vector<1x256xf32>
    %reshape3A_29 = vector.shape_cast %slice3A_28 : vector<1x256xf32> to vector<256x1xf32>
    %slice3A_30 = vector.extract_strided_slice %get3A_18 {offsets = [0, 0], sizes = [1, 256], strides = [1, 1]} : vector<1x2048xf32> to vector<1x256xf32>
    %reshape3A_31 = vector.shape_cast %slice3A_30 : vector<1x256xf32> to vector<256x1xf32>
    %slice3A_32 = vector.extract_strided_slice %mul3A {offsets = [0, 0], sizes = [1, 256], strides = [1, 1]} : vector<1x2048xf32> to vector<1x256xf32>
    %reshape3A_33 = vector.shape_cast %slice3A_32 : vector<1x256xf32> to vector<256x1xf32>
    %slice3A_34 = vector.extract_strided_slice %get3A_3 {offsets = [0, 0], sizes = [1, 256], strides = [1, 1]} : vector<1x2048xf32> to vector<1x256xf32>
    %slice3A_35 = vector.extract_strided_slice %get3A_8 {offsets = [0, 0], sizes = [1, 256], strides = [1, 1]} : vector<1x2048xf32> to vector<1x256xf32>
    %slice3A_36 = vector.extract_strided_slice %get3A_13 {offsets = [0, 0], sizes = [1, 256], strides = [1, 1]} : vector<1x2048xf32> to vector<1x256xf32>
    %slice3A_37 = vector.extract_strided_slice %get3A_18 {offsets = [0, 0], sizes = [1, 256], strides = [1, 1]} : vector<1x2048xf32> to vector<1x256xf32>
    %slice3A_38 = vector.extract_strided_slice %mul3A {offsets = [0, 0], sizes = [1, 256], strides = [1, 1]} : vector<1x2048xf32> to vector<1x256xf32>
    %min3A = vector.broadcast %reshape3A_29 : vector<256x1xf32> to vector<256x256xf32>
    %min3A_39 = vector.broadcast %slice3A_36 : vector<1x256xf32> to vector<256x256xf32>
    %min3A_40 = arith.minimumf %min3A, %min3A_39 : vector<256x256xf32>
    %max3A = vector.broadcast %reshape3A : vector<256x1xf32> to vector<256x256xf32>
    %max3A_41 = vector.broadcast %slice3A_34 : vector<1x256xf32> to vector<256x256xf32>
    %max3A_42 = arith.maximumf %max3A, %max3A_41 : vector<256x256xf32>
    %sub3A_43 = arith.subf %min3A_40, %max3A_42 : vector<256x256xf32>
    %max3A_44 = arith.constant 0.000000e+00 : f32
    %max3A_45 = vector.broadcast %max3A_44 : f32 to vector<256x256xf32>
    %max3A_46 = arith.maximumf %sub3A_43, %max3A_45 : vector<256x256xf32>
    %min3A_47 = vector.broadcast %reshape3A_31 : vector<256x1xf32> to vector<256x256xf32>
    %min3A_48 = vector.broadcast %slice3A_37 : vector<1x256xf32> to vector<256x256xf32>
    %min3A_49 = arith.minimumf %min3A_47, %min3A_48 : vector<256x256xf32>
    %max3A_50 = vector.broadcast %reshape3A_27 : vector<256x1xf32> to vector<256x256xf32>
    %max3A_51 = vector.broadcast %slice3A_35 : vector<1x256xf32> to vector<256x256xf32>
    %max3A_52 = arith.maximumf %max3A_50, %max3A_51 : vector<256x256xf32>
    %sub3A_53 = arith.subf %min3A_49, %max3A_52 : vector<256x256xf32>
    %max3A_54 = arith.constant 0.000000e+00 : f32
    %max3A_55 = vector.broadcast %max3A_54 : f32 to vector<256x256xf32>
    %max3A_56 = arith.maximumf %sub3A_53, %max3A_55 : vector<256x256xf32>
    %mul3A_57 = arith.mulf %max3A_46, %max3A_56 : vector<256x256xf32>
    %add3A = vector.broadcast %reshape3A_33 : vector<256x1xf32> to vector<256x256xf32>
    %add3A_58 = vector.broadcast %slice3A_38 : vector<1x256xf32> to vector<256x256xf32>
    %add3A_59 = arith.addf %add3A, %add3A_58 : vector<256x256xf32>
    %sub3A_60 = arith.subf %add3A_59, %mul3A_57 : vector<256x256xf32>
    %max3A_61 = arith.constant 9.99999971E-10 : f32
    %max3A_62 = vector.broadcast %max3A_61 : f32 to vector<256x256xf32>
    %max3A_63 = arith.maximumf %sub3A_60, %max3A_62 : vector<256x256xf32>
    %div3A = arith.divf %mul3A_57, %max3A_63 : vector<256x256xf32>
    %iota3A_64 = tpu.iota {dimensions = array<i32: 1>} : vector<1x256xi32>
    %iota3A_65 = tpu.iota {dimensions = array<i32: 0>} : vector<256x1xi32>
    %gt3A = arith.constant 0.699999988 : f32
    %gt3A_66 = vector.broadcast %gt3A : f32 to vector<256x256xf32>
    %gt3A_67 = arith.cmpf ogt, %div3A, %gt3A_66 : vector<256x256xf32>
    %lt3A_68 = vector.broadcast %iota3A_64 : vector<1x256xi32> to vector<256x256xi32>
    %lt3A_69 = vector.broadcast %iota3A_65 : vector<256x1xi32> to vector<256x256xi32>
    %lt3A_70 = arith.cmpi slt, %lt3A_68, %lt3A_69 : vector<256x256xi32>
    %and3A = arith.andi %gt3A_67, %lt3A_70 : vector<256x256xi1>
    %jit3A_71 = arith.constant 1.000000e+00 : f32
    %jit3A_72 = arith.constant 0.000000e+00 : f32
    %broadcast_in_dim3A_73 = vector.broadcast %jit3A_71 : f32 to vector<256x256xf32>
    %broadcast_in_dim3A_74 = vector.broadcast %jit3A_72 : f32 to vector<256x256xf32>
    %select_n3A_75 = arith.select %and3A, %broadcast_in_dim3A_73, %broadcast_in_dim3A_74 : vector<256x256xi1>, vector<256x256xf32>
    %get3A_76 = arith.constant 0 : index
    %get3A_77 = arith.constant 0 : index
    %get3A_78 = vector.load %arg4[%get3A_76, %get3A_77] : memref<1x2048xf32, #tpu.memory_space<vmem>>, vector<1x256xf32>
    %while3A = arith.constant true
    %while3A_79 = arith.constant 0 : i32
    %while3A_80:3 = scf.while (%while3A_2503 = %get3A_78, %while3A_2504 = %while3A, %while3A_2505 = %while3A_79) : (vector<1x256xf32>, i1, i32) -> (vector<1x256xf32>, i1, i32) {
      %lt3A_2506 = arith.constant 258 : i32
      %lt3A_2507 = arith.cmpi slt, %while3A_2505, %lt3A_2506 : i32
      %and3A_2508 = arith.andi %while3A_2504, %lt3A_2507 : i1
      scf.condition(%and3A_2508) %while3A_2503, %while3A_2504, %while3A_2505 : vector<1x256xf32>, i1, i32
    } do {
    ^bb0(%while3A_2503: vector<1x256xf32>, %while3A_2504: i1, %while3A_2505: i32):
      %mul3A_2506 = vector.broadcast %while3A_2503 : vector<1x256xf32> to vector<256x256xf32>
      %mul3A_2507 = arith.mulf %select_n3A_75, %mul3A_2506 : vector<256x256xf32>
      %reduce_max3A_2508 = arith.constant dense<0xFF800000> : vector<256xf32>
      %reduce_max3A_2509 = vector.multi_reduction <maximumf>, %mul3A_2507, %reduce_max3A_2508 [1] : vector<256x256xf32> to vector<256xf32>
      %reshape3A_2510 = vector.shape_cast %reduce_max3A_2509 : vector<256xf32> to vector<1x256xf32>
      %sub3A_2511 = arith.constant 1.000000e+00 : f32
      %sub3A_2512 = vector.broadcast %sub3A_2511 : f32 to vector<1x256xf32>
      %sub3A_2513 = arith.subf %sub3A_2512, %reshape3A_2510 : vector<1x256xf32>
      %mul3A_2514 = arith.mulf %get3A_78, %sub3A_2513 : vector<1x256xf32>
      %ne3A = arith.cmpf one, %mul3A_2514, %while3A_2503 : vector<1x256xf32>
      %reduce_or3A = arith.constant 1.000000e+00 : f32
      %reduce_or3A_2515 = arith.constant 0.000000e+00 : f32
      %reduce_or3A_2516 = vector.broadcast %reduce_or3A : f32 to vector<1x256xf32>
      %reduce_or3A_2517 = vector.broadcast %reduce_or3A_2515 : f32 to vector<1x256xf32>
      %reduce_or3A_2518 = arith.select %ne3A, %reduce_or3A_2516, %reduce_or3A_2517 : vector<1x256xi1>, vector<1x256xf32>
      %reduce_or3A_2519 = vector.shape_cast %reduce_or3A_2518 : vector<1x256xf32> to vector<1x1x256xf32>
      %reduce_or3A_2520 = arith.constant dense<0xFF800000> : vector<1xf32>
      %reduce_or3A_2521 = vector.multi_reduction <maximumf>, %reduce_or3A_2519, %reduce_or3A_2520 [1, 2] : vector<1x1x256xf32> to vector<1xf32>
      %reduce_or3A_2522 = vector.shape_cast %reduce_or3A_2521 : vector<1xf32> to vector<1x1x1xf32>
      %reduce_or3A_2523 = vector.extract %reduce_or3A_2522[0, 0, 0] : f32 from vector<1x1x1xf32>
      %reduce_or3A_2524 = arith.constant 0.000000e+00 : f32
      %reduce_or3A_2525 = arith.cmpf ogt, %reduce_or3A_2523, %reduce_or3A_2524 : f32
      %add3A_2526 = arith.constant 1 : i32
      %add3A_2527 = arith.addi %while3A_2505, %add3A_2526 : i32
      scf.yield %mul3A_2514, %reduce_or3A_2525, %add3A_2527 : vector<1x256xf32>, i1, i32
    }
    %swap3A_81 = arith.constant 0 : index
    %swap3A_82 = arith.constant 0 : index
    %swap3A_83 = vector.load %arg4[%swap3A_81, %swap3A_82] : memref<1x2048xf32, #tpu.memory_space<vmem>>, vector<1x256xf32>
    tpu.vector_store %arg4[%swap3A_81, %swap3A_82], %while3A_80#0 {strides = array<i32>} : memref<1x2048xf32, #tpu.memory_space<vmem>>, vector<1x256xf32>,
    %slice3A_84 = vector.extract_strided_slice %get3A_3 {offsets = [0, 256], sizes = [1, 256], strides = [1, 1]} : vector<1x2048xf32> to vector<1x256xf32>
    %reshape3A_85 = vector.shape_cast %slice3A_84 : vector<1x256xf32> to vector<256x1xf32>
    %slice3A_86 = vector.extract_strided_slice %get3A_8 {offsets = [0, 256], sizes = [1, 256], strides = [1, 1]} : vector<1x2048xf32> to vector<1x256xf32>
    %reshape3A_87 = vector.shape_cast %slice3A_86 : vector<1x256xf32> to vector<256x1xf32>
    %slice3A_88 = vector.extract_strided_slice %get3A_13 {offsets = [0, 256], sizes = [1, 256], strides = [1, 1]} : vector<1x2048xf32> to vector<1x256xf32>
    %reshape3A_89 = vector.shape_cast %slice3A_88 : vector<1x256xf32> to vector<256x1xf32>
    %slice3A_90 = vector.extract_strided_slice %get3A_18 {offsets = [0, 256], sizes = [1, 256], strides = [1, 1]} : vector<1x2048xf32> to vector<1x256xf32>
    %reshape3A_91 = vector.shape_cast %slice3A_90 : vector<1x256xf32> to vector<256x1xf32>
    %slice3A_92 = vector.extract_strided_slice %mul3A {offsets = [0, 256], sizes = [1, 256], strides = [1, 1]} : vector<1x2048xf32> to vector<1x256xf32>
    %reshape3A_93 = vector.shape_cast %slice3A_92 : vector<1x256xf32> to vector<256x1xf32>
    %slice3A_94 = vector.extract_strided_slice %get3A_3 {offsets = [0, 0], sizes = [1, 256], strides = [1, 1]} : vector<1x2048xf32> to vector<1x256xf32>
    %slice3A_95 = vector.extract_strided_slice %get3A_8 {offsets = [0, 0], sizes = [1, 256], strides = [1, 1]} : vector<1x2048xf32> to vector<1x256xf32>
    %slice3A_96 = vector.extract_strided_slice %get3A_13 {offsets = [0, 0], sizes = [1, 256], strides = [1, 1]} : vector<1x2048xf32> to vector<1x256xf32>
    %slice3A_97 = vector.extract_strided_slice %get3A_18 {offsets = [0, 0], sizes = [1, 256], strides = [1, 1]} : vector<1x2048xf32> to vector<1x256xf32>
    %slice3A_98 = vector.extract_strided_slice %mul3A {offsets = [0, 0], sizes = [1, 256], strides = [1, 1]} : vector<1x2048xf32> to vector<1x256xf32>
    %min3A_99 = vector.broadcast %reshape3A_89 : vector<256x1xf32> to vector<256x256xf32>
    %min3A_100 = vector.broadcast %slice3A_96 : vector<1x256xf32> to vector<256x256xf32>
    %min3A_101 = arith.minimumf %min3A_99, %min3A_100 : vector<256x256xf32>
    %max3A_102 = vector.broadcast %reshape3A_85 : vector<256x1xf32> to vector<256x256xf32>
    %max3A_103 = vector.broadcast %slice3A_94 : vector<1x256xf32> to vector<256x256xf32>
    %max3A_104 = arith.maximumf %max3A_102, %max3A_103 : vector<256x256xf32>
    %sub3A_105 = arith.subf %min3A_101, %max3A_104 : vector<256x256xf32>
    %max3A_106 = arith.constant 0.000000e+00 : f32
    %max3A_107 = vector.broadcast %max3A_106 : f32 to vector<256x256xf32>
    %max3A_108 = arith.maximumf %sub3A_105, %max3A_107 : vector<256x256xf32>
    %min3A_109 = vector.broadcast %reshape3A_91 : vector<256x1xf32> to vector<256x256xf32>
    %min3A_110 = vector.broadcast %slice3A_97 : vector<1x256xf32> to vector<256x256xf32>
    %min3A_111 = arith.minimumf %min3A_109, %min3A_110 : vector<256x256xf32>
    %max3A_112 = vector.broadcast %reshape3A_87 : vector<256x1xf32> to vector<256x256xf32>
    %max3A_113 = vector.broadcast %slice3A_95 : vector<1x256xf32> to vector<256x256xf32>
    %max3A_114 = arith.maximumf %max3A_112, %max3A_113 : vector<256x256xf32>
    %sub3A_115 = arith.subf %min3A_111, %max3A_114 : vector<256x256xf32>
    %max3A_116 = arith.constant 0.000000e+00 : f32
    %max3A_117 = vector.broadcast %max3A_116 : f32 to vector<256x256xf32>
    %max3A_118 = arith.maximumf %sub3A_115, %max3A_117 : vector<256x256xf32>
    %mul3A_119 = arith.mulf %max3A_108, %max3A_118 : vector<256x256xf32>
    %add3A_120 = vector.broadcast %reshape3A_93 : vector<256x1xf32> to vector<256x256xf32>
    %add3A_121 = vector.broadcast %slice3A_98 : vector<1x256xf32> to vector<256x256xf32>
    %add3A_122 = arith.addf %add3A_120, %add3A_121 : vector<256x256xf32>
    %sub3A_123 = arith.subf %add3A_122, %mul3A_119 : vector<256x256xf32>
    %max3A_124 = arith.constant 9.99999971E-10 : f32
    %max3A_125 = vector.broadcast %max3A_124 : f32 to vector<256x256xf32>
    %max3A_126 = arith.maximumf %sub3A_123, %max3A_125 : vector<256x256xf32>
    %div3A_127 = arith.divf %mul3A_119, %max3A_126 : vector<256x256xf32>
    %gt3A_128 = arith.constant 0.699999988 : f32
    %gt3A_129 = vector.broadcast %gt3A_128 : f32 to vector<256x256xf32>
    %gt3A_130 = arith.cmpf ogt, %div3A_127, %gt3A_129 : vector<256x256xf32>
    %jit3A_131 = arith.constant 1.000000e+00 : f32
    %jit3A_132 = arith.constant 0.000000e+00 : f32
    %broadcast_in_dim3A_133 = vector.broadcast %jit3A_131 : f32 to vector<256x256xf32>
    %broadcast_in_dim3A_134 = vector.broadcast %jit3A_132 : f32 to vector<256x256xf32>
    %select_n3A_135 = arith.select %gt3A_130, %broadcast_in_dim3A_133, %broadcast_in_dim3A_134 : vector<256x256xi1>, vector<256x256xf32>
    %mul3A_136 = vector.broadcast %while3A_80#0 : vector<1x256xf32> to vector<256x256xf32>
    %mul3A_137 = arith.mulf %select_n3A_135, %mul3A_136 : vector<256x256xf32>
    %reduce_max3A = arith.constant dense<0xFF800000> : vector<256xf32>
    %reduce_max3A_138 = vector.multi_reduction <maximumf>, %mul3A_137, %reduce_max3A [1] : vector<256x256xf32> to vector<256xf32>
    %get3A_139 = arith.constant 0 : index
    %get3A_140 = arith.constant 256 : index
    %get3A_141 = vector.load %arg4[%get3A_139, %get3A_140] : memref<1x2048xf32, #tpu.memory_space<vmem>>, vector<1x256xf32>
    %reshape3A_142 = vector.shape_cast %reduce_max3A_138 : vector<256xf32> to vector<1x256xf32>
    %sub3A_143 = arith.constant 1.000000e+00 : f32
    %sub3A_144 = vector.broadcast %sub3A_143 : f32 to vector<1x256xf32>
    %sub3A_145 = arith.subf %sub3A_144, %reshape3A_142 : vector<1x256xf32>
    %mul3A_146 = arith.mulf %get3A_141, %sub3A_145 : vector<1x256xf32>
    %swap3A_147 = arith.constant 0 : index
    %swap3A_148 = arith.constant 256 : index
    %swap3A_149 = vector.load %arg4[%swap3A_147, %swap3A_148] : memref<1x2048xf32, #tpu.memory_space<vmem>>, vector<1x256xf32>
    tpu.vector_store %arg4[%swap3A_147, %swap3A_148], %mul3A_146 {strides = array<i32>} : memref<1x2048xf32, #tpu.memory_space<vmem>>, vector<1x256xf32>,
    %slice3A_150 = vector.extract_strided_slice %get3A_3 {offsets = [0, 512], sizes = [1, 256], strides = [1, 1]} : vector<1x2048xf32> to vector<1x256xf32>
    %reshape3A_151 = vector.shape_cast %slice3A_150 : vector<1x256xf32> to vector<256x1xf32>
    %slice3A_152 = vector.extract_strided_slice %get3A_8 {offsets = [0, 512], sizes = [1, 256], strides = [1, 1]} : vector<1x2048xf32> to vector<1x256xf32>
    %reshape3A_153 = vector.shape_cast %slice3A_152 : vector<1x256xf32> to vector<256x1xf32>
    %slice3A_154 = vector.extract_strided_slice %get3A_13 {offsets = [0, 512], sizes = [1, 256], strides = [1, 1]} : vector<1x2048xf32> to vector<1x256xf32>
    %reshape3A_155 = vector.shape_cast %slice3A_154 : vector<1x256xf32> to vector<256x1xf32>
    %slice3A_156 = vector.extract_strided_slice %get3A_18 {offsets = [0, 512], sizes = [1, 256], strides = [1, 1]} : vector<1x2048xf32> to vector<1x256xf32>
    %reshape3A_157 = vector.shape_cast %slice3A_156 : vector<1x256xf32> to vector<256x1xf32>
    %slice3A_158 = vector.extract_strided_slice %mul3A {offsets = [0, 512], sizes = [1, 256], strides = [1, 1]} : vector<1x2048xf32> to vector<1x256xf32>
    %reshape3A_159 = vector.shape_cast %slice3A_158 : vector<1x256xf32> to vector<256x1xf32>
    %slice3A_160 = vector.extract_strided_slice %get3A_3 {offsets = [0, 0], sizes = [1, 256], strides = [1, 1]} : vector<1x2048xf32> to vector<1x256xf32>
    %slice3A_161 = vector.extract_strided_slice %get3A_8 {offsets = [0, 0], sizes = [1, 256], strides = [1, 1]} : vector<1x2048xf32> to vector<1x256xf32>
    %slice3A_162 = vector.extract_strided_slice %get3A_13 {offsets = [0, 0], sizes = [1, 256], strides = [1, 1]} : vector<1x2048xf32> to vector<1x256xf32>
    %slice3A_163 = vector.extract_strided_slice %get3A_18 {offsets = [0, 0], sizes = [1, 256], strides = [1, 1]} : vector<1x2048xf32> to vector<1x256xf32>
    %slice3A_164 = vector.extract_strided_slice %mul3A {offsets = [0, 0], sizes = [1, 256], strides = [1, 1]} : vector<1x2048xf32> to vector<1x256xf32>
    %min3A_165 = vector.broadcast %reshape3A_155 : vector<256x1xf32> to vector<256x256xf32>
    %min3A_166 = vector.broadcast %slice3A_162 : vector<1x256xf32> to vector<256x256xf32>
    %min3A_167 = arith.minimumf %min3A_165, %min3A_166 : vector<256x256xf32>
    %max3A_168 = vector.broadcast %reshape3A_151 : vector<256x1xf32> to vector<256x256xf32>
    %max3A_169 = vector.broadcast %slice3A_160 : vector<1x256xf32> to vector<256x256xf32>
    %max3A_170 = arith.maximumf %max3A_168, %max3A_169 : vector<256x256xf32>
    %sub3A_171 = arith.subf %min3A_167, %max3A_170 : vector<256x256xf32>
    %max3A_172 = arith.constant 0.000000e+00 : f32
    %max3A_173 = vector.broadcast %max3A_172 : f32 to vector<256x256xf32>
    %max3A_174 = arith.maximumf %sub3A_171, %max3A_173 : vector<256x256xf32>
    %min3A_175 = vector.broadcast %reshape3A_157 : vector<256x1xf32> to vector<256x256xf32>
    %min3A_176 = vector.broadcast %slice3A_163 : vector<1x256xf32> to vector<256x256xf32>
    %min3A_177 = arith.minimumf %min3A_175, %min3A_176 : vector<256x256xf32>
    %max3A_178 = vector.broadcast %reshape3A_153 : vector<256x1xf32> to vector<256x256xf32>
    %max3A_179 = vector.broadcast %slice3A_161 : vector<1x256xf32> to vector<256x256xf32>
    %max3A_180 = arith.maximumf %max3A_178, %max3A_179 : vector<256x256xf32>
    %sub3A_181 = arith.subf %min3A_177, %max3A_180 : vector<256x256xf32>
    %max3A_182 = arith.constant 0.000000e+00 : f32
    %max3A_183 = vector.broadcast %max3A_182 : f32 to vector<256x256xf32>
    %max3A_184 = arith.maximumf %sub3A_181, %max3A_183 : vector<256x256xf32>
    %mul3A_185 = arith.mulf %max3A_174, %max3A_184 : vector<256x256xf32>
    %add3A_186 = vector.broadcast %reshape3A_159 : vector<256x1xf32> to vector<256x256xf32>
    %add3A_187 = vector.broadcast %slice3A_164 : vector<1x256xf32> to vector<256x256xf32>
    %add3A_188 = arith.addf %add3A_186, %add3A_187 : vector<256x256xf32>
    %sub3A_189 = arith.subf %add3A_188, %mul3A_185 : vector<256x256xf32>
    %max3A_190 = arith.constant 9.99999971E-10 : f32
    %max3A_191 = vector.broadcast %max3A_190 : f32 to vector<256x256xf32>
    %max3A_192 = arith.maximumf %sub3A_189, %max3A_191 : vector<256x256xf32>
    %div3A_193 = arith.divf %mul3A_185, %max3A_192 : vector<256x256xf32>
    %gt3A_194 = arith.constant 0.699999988 : f32
    %gt3A_195 = vector.broadcast %gt3A_194 : f32 to vector<256x256xf32>
    %gt3A_196 = arith.cmpf ogt, %div3A_193, %gt3A_195 : vector<256x256xf32>
    %jit3A_197 = arith.constant 1.000000e+00 : f32
    %jit3A_198 = arith.constant 0.000000e+00 : f32
    %broadcast_in_dim3A_199 = vector.broadcast %jit3A_197 : f32 to vector<256x256xf32>
    %broadcast_in_dim3A_200 = vector.broadcast %jit3A_198 : f32 to vector<256x256xf32>
    %select_n3A_201 = arith.select %gt3A_196, %broadcast_in_dim3A_199, %broadcast_in_dim3A_200 : vector<256x256xi1>, vector<256x256xf32>
    %mul3A_202 = vector.broadcast %while3A_80#0 : vector<1x256xf32> to vector<256x256xf32>
    %mul3A_203 = arith.mulf %select_n3A_201, %mul3A_202 : vector<256x256xf32>
    %reduce_max3A_204 = arith.constant dense<0xFF800000> : vector<256xf32>
    %reduce_max3A_205 = vector.multi_reduction <maximumf>, %mul3A_203, %reduce_max3A_204 [1] : vector<256x256xf32> to vector<256xf32>
    %get3A_206 = arith.constant 0 : index
    %get3A_207 = arith.constant 512 : index
    %get3A_208 = vector.load %arg4[%get3A_206, %get3A_207] : memref<1x2048xf32, #tpu.memory_space<vmem>>, vector<1x256xf32>
    %reshape3A_209 = vector.shape_cast %reduce_max3A_205 : vector<256xf32> to vector<1x256xf32>
    %sub3A_210 = arith.constant 1.000000e+00 : f32
    %sub3A_211 = vector.broadcast %sub3A_210 : f32 to vector<1x256xf32>
    %sub3A_212 = arith.subf %sub3A_211, %reshape3A_209 : vector<1x256xf32>
    %mul3A_213 = arith.mulf %get3A_208, %sub3A_212 : vector<1x256xf32>
    %swap3A_214 = arith.constant 0 : index
    %swap3A_215 = arith.constant 512 : index
    %swap3A_216 = vector.load %arg4[%swap3A_214, %swap3A_215] : memref<1x2048xf32, #tpu.memory_space<vmem>>, vector<1x256xf32>
    tpu.vector_store %arg4[%swap3A_214, %swap3A_215], %mul3A_213 {strides = array<i32>} : memref<1x2048xf32, #tpu.memory_space<vmem>>, vector<1x256xf32>,
    %slice3A_217 = vector.extract_strided_slice %get3A_3 {offsets = [0, 768], sizes = [1, 256], strides = [1, 1]} : vector<1x2048xf32> to vector<1x256xf32>
    %reshape3A_218 = vector.shape_cast %slice3A_217 : vector<1x256xf32> to vector<256x1xf32>
    %slice3A_219 = vector.extract_strided_slice %get3A_8 {offsets = [0, 768], sizes = [1, 256], strides = [1, 1]} : vector<1x2048xf32> to vector<1x256xf32>
    %reshape3A_220 = vector.shape_cast %slice3A_219 : vector<1x256xf32> to vector<256x1xf32>
    %slice3A_221 = vector.extract_strided_slice %get3A_13 {offsets = [0, 768], sizes = [1, 256], strides = [1, 1]} : vector<1x2048xf32> to vector<1x256xf32>
    %reshape3A_222 = vector.shape_cast %slice3A_221 : vector<1x256xf32> to vector<256x1xf32>
    %slice3A_223 = vector.extract_strided_slice %get3A_18 {offsets = [0, 768], sizes = [1, 256], strides = [1, 1]} : vector<1x2048xf32> to vector<1x256xf32>
    %reshape3A_224 = vector.shape_cast %slice3A_223 : vector<1x256xf32> to vector<256x1xf32>
    %slice3A_225 = vector.extract_strided_slice %mul3A {offsets = [0, 768], sizes = [1, 256], strides = [1, 1]} : vector<1x2048xf32> to vector<1x256xf32>
    %reshape3A_226 = vector.shape_cast %slice3A_225 : vector<1x256xf32> to vector<256x1xf32>
    %slice3A_227 = vector.extract_strided_slice %get3A_3 {offsets = [0, 0], sizes = [1, 256], strides = [1, 1]} : vector<1x2048xf32> to vector<1x256xf32>
    %slice3A_228 = vector.extract_strided_slice %get3A_8 {offsets = [0, 0], sizes = [1, 256], strides = [1, 1]} : vector<1x2048xf32> to vector<1x256xf32>
    %slice3A_229 = vector.extract_strided_slice %get3A_13 {offsets = [0, 0], sizes = [1, 256], strides = [1, 1]} : vector<1x2048xf32> to vector<1x256xf32>
    %slice3A_230 = vector.extract_strided_slice %get3A_18 {offsets = [0, 0], sizes = [1, 256], strides = [1, 1]} : vector<1x2048xf32> to vector<1x256xf32>
    %slice3A_231 = vector.extract_strided_slice %mul3A {offsets = [0, 0], sizes = [1, 256], strides = [1, 1]} : vector<1x2048xf32> to vector<1x256xf32>
    %min3A_232 = vector.broadcast %reshape3A_222 : vector<256x1xf32> to vector<256x256xf32>
    %min3A_233 = vector.broadcast %slice3A_229 : vector<1x256xf32> to vector<256x256xf32>
    %min3A_234 = arith.minimumf %min3A_232, %min3A_233 : vector<256x256xf32>
    %max3A_235 = vector.broadcast %reshape3A_218 : vector<256x1xf32> to vector<256x256xf32>
    %max3A_236 = vector.broadcast %slice3A_227 : vector<1x256xf32> to vector<256x256xf32>
    %max3A_237 = arith.maximumf %max3A_235, %max3A_236 : vector<256x256xf32>
    %sub3A_238 = arith.subf %min3A_234, %max3A_237 : vector<256x256xf32>
    %max3A_239 = arith.constant 0.000000e+00 : f32
    %max3A_240 = vector.broadcast %max3A_239 : f32 to vector<256x256xf32>
    %max3A_241 = arith.maximumf %sub3A_238, %max3A_240 : vector<256x256xf32>
    %min3A_242 = vector.broadcast %reshape3A_224 : vector<256x1xf32> to vector<256x256xf32>
    %min3A_243 = vector.broadcast %slice3A_230 : vector<1x256xf32> to vector<256x256xf32>
    %min3A_244 = arith.minimumf %min3A_242, %min3A_243 : vector<256x256xf32>
    %max3A_245 = vector.broadcast %reshape3A_220 : vector<256x1xf32> to vector<256x256xf32>
    %max3A_246 = vector.broadcast %slice3A_228 : vector<1x256xf32> to vector<256x256xf32>
    %max3A_247 = arith.maximumf %max3A_245, %max3A_246 : vector<256x256xf32>
    %sub3A_248 = arith.subf %min3A_244, %max3A_247 : vector<256x256xf32>
    %max3A_249 = arith.constant 0.000000e+00 : f32
    %max3A_250 = vector.broadcast %max3A_249 : f32 to vector<256x256xf32>
    %max3A_251 = arith.maximumf %sub3A_248, %max3A_250 : vector<256x256xf32>
    %mul3A_252 = arith.mulf %max3A_241, %max3A_251 : vector<256x256xf32>
    %add3A_253 = vector.broadcast %reshape3A_226 : vector<256x1xf32> to vector<256x256xf32>
    %add3A_254 = vector.broadcast %slice3A_231 : vector<1x256xf32> to vector<256x256xf32>
    %add3A_255 = arith.addf %add3A_253, %add3A_254 : vector<256x256xf32>
    %sub3A_256 = arith.subf %add3A_255, %mul3A_252 : vector<256x256xf32>
    %max3A_257 = arith.constant 9.99999971E-10 : f32
    %max3A_258 = vector.broadcast %max3A_257 : f32 to vector<256x256xf32>
    %max3A_259 = arith.maximumf %sub3A_256, %max3A_258 : vector<256x256xf32>
    %div3A_260 = arith.divf %mul3A_252, %max3A_259 : vector<256x256xf32>
    %gt3A_261 = arith.constant 0.699999988 : f32
    %gt3A_262 = vector.broadcast %gt3A_261 : f32 to vector<256x256xf32>
    %gt3A_263 = arith.cmpf ogt, %div3A_260, %gt3A_262 : vector<256x256xf32>
    %jit3A_264 = arith.constant 1.000000e+00 : f32
    %jit3A_265 = arith.constant 0.000000e+00 : f32
    %broadcast_in_dim3A_266 = vector.broadcast %jit3A_264 : f32 to vector<256x256xf32>
    %broadcast_in_dim3A_267 = vector.broadcast %jit3A_265 : f32 to vector<256x256xf32>
    %select_n3A_268 = arith.select %gt3A_263, %broadcast_in_dim3A_266, %broadcast_in_dim3A_267 : vector<256x256xi1>, vector<256x256xf32>
    %mul3A_269 = vector.broadcast %while3A_80#0 : vector<1x256xf32> to vector<256x256xf32>
    %mul3A_270 = arith.mulf %select_n3A_268, %mul3A_269 : vector<256x256xf32>
    %reduce_max3A_271 = arith.constant dense<0xFF800000> : vector<256xf32>
    %reduce_max3A_272 = vector.multi_reduction <maximumf>, %mul3A_270, %reduce_max3A_271 [1] : vector<256x256xf32> to vector<256xf32>
    %get3A_273 = arith.constant 0 : index
    %get3A_274 = arith.constant 768 : index
    %get3A_275 = vector.load %arg4[%get3A_273, %get3A_274] : memref<1x2048xf32, #tpu.memory_space<vmem>>, vector<1x256xf32>
    %reshape3A_276 = vector.shape_cast %reduce_max3A_272 : vector<256xf32> to vector<1x256xf32>
    %sub3A_277 = arith.constant 1.000000e+00 : f32
    %sub3A_278 = vector.broadcast %sub3A_277 : f32 to vector<1x256xf32>
    %sub3A_279 = arith.subf %sub3A_278, %reshape3A_276 : vector<1x256xf32>
    %mul3A_280 = arith.mulf %get3A_275, %sub3A_279 : vector<1x256xf32>
    %swap3A_281 = arith.constant 0 : index
    %swap3A_282 = arith.constant 768 : index
    %swap3A_283 = vector.load %arg4[%swap3A_281, %swap3A_282] : memref<1x2048xf32, #tpu.memory_space<vmem>>, vector<1x256xf32>
    tpu.vector_store %arg4[%swap3A_281, %swap3A_282], %mul3A_280 {strides = array<i32>} : memref<1x2048xf32, #tpu.memory_space<vmem>>, vector<1x256xf32>,
    %slice3A_284 = vector.extract_strided_slice %get3A_3 {offsets = [0, 1024], sizes = [1, 256], strides = [1, 1]} : vector<1x2048xf32> to vector<1x256xf32>
    %reshape3A_285 = vector.shape_cast %slice3A_284 : vector<1x256xf32> to vector<256x1xf32>
    %slice3A_286 = vector.extract_strided_slice %get3A_8 {offsets = [0, 1024], sizes = [1, 256], strides = [1, 1]} : vector<1x2048xf32> to vector<1x256xf32>
    %reshape3A_287 = vector.shape_cast %slice3A_286 : vector<1x256xf32> to vector<256x1xf32>
    %slice3A_288 = vector.extract_strided_slice %get3A_13 {offsets = [0, 1024], sizes = [1, 256], strides = [1, 1]} : vector<1x2048xf32> to vector<1x256xf32>
    %reshape3A_289 = vector.shape_cast %slice3A_288 : vector<1x256xf32> to vector<256x1xf32>
    %slice3A_290 = vector.extract_strided_slice %get3A_18 {offsets = [0, 1024], sizes = [1, 256], strides = [1, 1]} : vector<1x2048xf32> to vector<1x256xf32>
    %reshape3A_291 = vector.shape_cast %slice3A_290 : vector<1x256xf32> to vector<256x1xf32>
    %slice3A_292 = vector.extract_strided_slice %mul3A {offsets = [0, 1024], sizes = [1, 256], strides = [1, 1]} : vector<1x2048xf32> to vector<1x256xf32>
    %reshape3A_293 = vector.shape_cast %slice3A_292 : vector<1x256xf32> to vector<256x1xf32>
    %slice3A_294 = vector.extract_strided_slice %get3A_3 {offsets = [0, 0], sizes = [1, 256], strides = [1, 1]} : vector<1x2048xf32> to vector<1x256xf32>
    %slice3A_295 = vector.extract_strided_slice %get3A_8 {offsets = [0, 0], sizes = [1, 256], strides = [1, 1]} : vector<1x2048xf32> to vector<1x256xf32>
    %slice3A_296 = vector.extract_strided_slice %get3A_13 {offsets = [0, 0], sizes = [1, 256], strides = [1, 1]} : vector<1x2048xf32> to vector<1x256xf32>
    %slice3A_297 = vector.extract_strided_slice %get3A_18 {offsets = [0, 0], sizes = [1, 256], strides = [1, 1]} : vector<1x2048xf32> to vector<1x256xf32>
    %slice3A_298 = vector.extract_strided_slice %mul3A {offsets = [0, 0], sizes = [1, 256], strides = [1, 1]} : vector<1x2048xf32> to vector<1x256xf32>
    %min3A_299 = vector.broadcast %reshape3A_289 : vector<256x1xf32> to vector<256x256xf32>
    %min3A_300 = vector.broadcast %slice3A_296 : vector<1x256xf32> to vector<256x256xf32>
    %min3A_301 = arith.minimumf %min3A_299, %min3A_300 : vector<256x256xf32>
    %max3A_302 = vector.broadcast %reshape3A_285 : vector<256x1xf32> to vector<256x256xf32>
    %max3A_303 = vector.broadcast %slice3A_294 : vector<1x256xf32> to vector<256x256xf32>
    %max3A_304 = arith.maximumf %max3A_302, %max3A_303 : vector<256x256xf32>
    %sub3A_305 = arith.subf %min3A_301, %max3A_304 : vector<256x256xf32>
    %max3A_306 = arith.constant 0.000000e+00 : f32
    %max3A_307 = vector.broadcast %max3A_306 : f32 to vector<256x256xf32>
    %max3A_308 = arith.maximumf %sub3A_305, %max3A_307 : vector<256x256xf32>
    %min3A_309 = vector.broadcast %reshape3A_291 : vector<256x1xf32> to vector<256x256xf32>
    %min3A_310 = vector.broadcast %slice3A_297 : vector<1x256xf32> to vector<256x256xf32>
    %min3A_311 = arith.minimumf %min3A_309, %min3A_310 : vector<256x256xf32>
    %max3A_312 = vector.broadcast %reshape3A_287 : vector<256x1xf32> to vector<256x256xf32>
    %max3A_313 = vector.broadcast %slice3A_295 : vector<1x256xf32> to vector<256x256xf32>
    %max3A_314 = arith.maximumf %max3A_312, %max3A_313 : vector<256x256xf32>
    %sub3A_315 = arith.subf %min3A_311, %max3A_314 : vector<256x256xf32>
    %max3A_316 = arith.constant 0.000000e+00 : f32
    %max3A_317 = vector.broadcast %max3A_316 : f32 to vector<256x256xf32>
    %max3A_318 = arith.maximumf %sub3A_315, %max3A_317 : vector<256x256xf32>
    %mul3A_319 = arith.mulf %max3A_308, %max3A_318 : vector<256x256xf32>
    %add3A_320 = vector.broadcast %reshape3A_293 : vector<256x1xf32> to vector<256x256xf32>
    %add3A_321 = vector.broadcast %slice3A_298 : vector<1x256xf32> to vector<256x256xf32>
    %add3A_322 = arith.addf %add3A_320, %add3A_321 : vector<256x256xf32>
    %sub3A_323 = arith.subf %add3A_322, %mul3A_319 : vector<256x256xf32>
    %max3A_324 = arith.constant 9.99999971E-10 : f32
    %max3A_325 = vector.broadcast %max3A_324 : f32 to vector<256x256xf32>
    %max3A_326 = arith.maximumf %sub3A_323, %max3A_325 : vector<256x256xf32>
    %div3A_327 = arith.divf %mul3A_319, %max3A_326 : vector<256x256xf32>
    %gt3A_328 = arith.constant 0.699999988 : f32
    %gt3A_329 = vector.broadcast %gt3A_328 : f32 to vector<256x256xf32>
    %gt3A_330 = arith.cmpf ogt, %div3A_327, %gt3A_329 : vector<256x256xf32>
    %jit3A_331 = arith.constant 1.000000e+00 : f32
    %jit3A_332 = arith.constant 0.000000e+00 : f32
    %broadcast_in_dim3A_333 = vector.broadcast %jit3A_331 : f32 to vector<256x256xf32>
    %broadcast_in_dim3A_334 = vector.broadcast %jit3A_332 : f32 to vector<256x256xf32>
    %select_n3A_335 = arith.select %gt3A_330, %broadcast_in_dim3A_333, %broadcast_in_dim3A_334 : vector<256x256xi1>, vector<256x256xf32>
    %mul3A_336 = vector.broadcast %while3A_80#0 : vector<1x256xf32> to vector<256x256xf32>
    %mul3A_337 = arith.mulf %select_n3A_335, %mul3A_336 : vector<256x256xf32>
    %reduce_max3A_338 = arith.constant dense<0xFF800000> : vector<256xf32>
    %reduce_max3A_339 = vector.multi_reduction <maximumf>, %mul3A_337, %reduce_max3A_338 [1] : vector<256x256xf32> to vector<256xf32>
    %get3A_340 = arith.constant 0 : index
    %get3A_341 = arith.constant 1024 : index
    %get3A_342 = vector.load %arg4[%get3A_340, %get3A_341] : memref<1x2048xf32, #tpu.memory_space<vmem>>, vector<1x256xf32>
    %reshape3A_343 = vector.shape_cast %reduce_max3A_339 : vector<256xf32> to vector<1x256xf32>
    %sub3A_344 = arith.constant 1.000000e+00 : f32
    %sub3A_345 = vector.broadcast %sub3A_344 : f32 to vector<1x256xf32>
    %sub3A_346 = arith.subf %sub3A_345, %reshape3A_343 : vector<1x256xf32>
    %mul3A_347 = arith.mulf %get3A_342, %sub3A_346 : vector<1x256xf32>
    %swap3A_348 = arith.constant 0 : index
    %swap3A_349 = arith.constant 1024 : index
    %swap3A_350 = vector.load %arg4[%swap3A_348, %swap3A_349] : memref<1x2048xf32, #tpu.memory_space<vmem>>, vector<1x256xf32>
    tpu.vector_store %arg4[%swap3A_348, %swap3A_349], %mul3A_347 {strides = array<i32>} : memref<1x2048xf32, #tpu.memory_space<vmem>>, vector<1x256xf32>,
    %slice3A_351 = vector.extract_strided_slice %get3A_3 {offsets = [0, 1280], sizes = [1, 256], strides = [1, 1]} : vector<1x2048xf32> to vector<1x256xf32>
    %reshape3A_352 = vector.shape_cast %slice3A_351 : vector<1x256xf32> to vector<256x1xf32>
    %slice3A_353 = vector.extract_strided_slice %get3A_8 {offsets = [0, 1280], sizes = [1, 256], strides = [1, 1]} : vector<1x2048xf32> to vector<1x256xf32>
    %reshape3A_354 = vector.shape_cast %slice3A_353 : vector<1x256xf32> to vector<256x1xf32>
    %slice3A_355 = vector.extract_strided_slice %get3A_13 {offsets = [0, 1280], sizes = [1, 256], strides = [1, 1]} : vector<1x2048xf32> to vector<1x256xf32>
    %reshape3A_356 = vector.shape_cast %slice3A_355 : vector<1x256xf32> to vector<256x1xf32>
    %slice3A_357 = vector.extract_strided_slice %get3A_18 {offsets = [0, 1280], sizes = [1, 256], strides = [1, 1]} : vector<1x2048xf32> to vector<1x256xf32>
    %reshape3A_358 = vector.shape_cast %slice3A_357 : vector<1x256xf32> to vector<256x1xf32>
    %slice3A_359 = vector.extract_strided_slice %mul3A {offsets = [0, 1280], sizes = [1, 256], strides = [1, 1]} : vector<1x2048xf32> to vector<1x256xf32>
    %reshape3A_360 = vector.shape_cast %slice3A_359 : vector<1x256xf32> to vector<256x1xf32>
    %slice3A_361 = vector.extract_strided_slice %get3A_3 {offsets = [0, 0], sizes = [1, 256], strides = [1, 1]} : vector<1x2048xf32> to vector<1x256xf32>
    %slice3A_362 = vector.extract_strided_slice %get3A_8 {offsets = [0, 0], sizes = [1, 256], strides = [1, 1]} : vector<1x2048xf32> to vector<1x256xf32>
    %slice3A_363 = vector.extract_strided_slice %get3A_13 {offsets = [0, 0], sizes = [1, 256], strides = [1, 1]} : vector<1x2048xf32> to vector<1x256xf32>
    %slice3A_364 = vector.extract_strided_slice %get3A_18 {offsets = [0, 0], sizes = [1, 256], strides = [1, 1]} : vector<1x2048xf32> to vector<1x256xf32>
    %slice3A_365 = vector.extract_strided_slice %mul3A {offsets = [0, 0], sizes = [1, 256], strides = [1, 1]} : vector<1x2048xf32> to vector<1x256xf32>
    %min3A_366 = vector.broadcast %reshape3A_356 : vector<256x1xf32> to vector<256x256xf32>
    %min3A_367 = vector.broadcast %slice3A_363 : vector<1x256xf32> to vector<256x256xf32>
    %min3A_368 = arith.minimumf %min3A_366, %min3A_367 : vector<256x256xf32>
    %max3A_369 = vector.broadcast %reshape3A_352 : vector<256x1xf32> to vector<256x256xf32>
    %max3A_370 = vector.broadcast %slice3A_361 : vector<1x256xf32> to vector<256x256xf32>
    %max3A_371 = arith.maximumf %max3A_369, %max3A_370 : vector<256x256xf32>
    %sub3A_372 = arith.subf %min3A_368, %max3A_371 : vector<256x256xf32>
    %max3A_373 = arith.constant 0.000000e+00 : f32
    %max3A_374 = vector.broadcast %max3A_373 : f32 to vector<256x256xf32>
    %max3A_375 = arith.maximumf %sub3A_372, %max3A_374 : vector<256x256xf32>
    %min3A_376 = vector.broadcast %reshape3A_358 : vector<256x1xf32> to vector<256x256xf32>
    %min3A_377 = vector.broadcast %slice3A_364 : vector<1x256xf32> to vector<256x256xf32>
    %min3A_378 = arith.minimumf %min3A_376, %min3A_377 : vector<256x256xf32>
    %max3A_379 = vector.broadcast %reshape3A_354 : vector<256x1xf32> to vector<256x256xf32>
    %max3A_380 = vector.broadcast %slice3A_362 : vector<1x256xf32> to vector<256x256xf32>
    %max3A_381 = arith.maximumf %max3A_379, %max3A_380 : vector<256x256xf32>
    %sub3A_382 = arith.subf %min3A_378, %max3A_381 : vector<256x256xf32>
    %max3A_383 = arith.constant 0.000000e+00 : f32
    %max3A_384 = vector.broadcast %max3A_383 : f32 to vector<256x256xf32>
    %max3A_385 = arith.maximumf %sub3A_382, %max3A_384 : vector<256x256xf32>
    %mul3A_386 = arith.mulf %max3A_375, %max3A_385 : vector<256x256xf32>
    %add3A_387 = vector.broadcast %reshape3A_360 : vector<256x1xf32> to vector<256x256xf32>
    %add3A_388 = vector.broadcast %slice3A_365 : vector<1x256xf32> to vector<256x256xf32>
    %add3A_389 = arith.addf %add3A_387, %add3A_388 : vector<256x256xf32>
    %sub3A_390 = arith.subf %add3A_389, %mul3A_386 : vector<256x256xf32>
    %max3A_391 = arith.constant 9.99999971E-10 : f32
    %max3A_392 = vector.broadcast %max3A_391 : f32 to vector<256x256xf32>
    %max3A_393 = arith.maximumf %sub3A_390, %max3A_392 : vector<256x256xf32>
    %div3A_394 = arith.divf %mul3A_386, %max3A_393 : vector<256x256xf32>
    %gt3A_395 = arith.constant 0.699999988 : f32
    %gt3A_396 = vector.broadcast %gt3A_395 : f32 to vector<256x256xf32>
    %gt3A_397 = arith.cmpf ogt, %div3A_394, %gt3A_396 : vector<256x256xf32>
    %jit3A_398 = arith.constant 1.000000e+00 : f32
    %jit3A_399 = arith.constant 0.000000e+00 : f32
    %broadcast_in_dim3A_400 = vector.broadcast %jit3A_398 : f32 to vector<256x256xf32>
    %broadcast_in_dim3A_401 = vector.broadcast %jit3A_399 : f32 to vector<256x256xf32>
    %select_n3A_402 = arith.select %gt3A_397, %broadcast_in_dim3A_400, %broadcast_in_dim3A_401 : vector<256x256xi1>, vector<256x256xf32>
    %mul3A_403 = vector.broadcast %while3A_80#0 : vector<1x256xf32> to vector<256x256xf32>
    %mul3A_404 = arith.mulf %select_n3A_402, %mul3A_403 : vector<256x256xf32>
    %reduce_max3A_405 = arith.constant dense<0xFF800000> : vector<256xf32>
    %reduce_max3A_406 = vector.multi_reduction <maximumf>, %mul3A_404, %reduce_max3A_405 [1] : vector<256x256xf32> to vector<256xf32>
    %get3A_407 = arith.constant 0 : index
    %get3A_408 = arith.constant 1280 : index
    %get3A_409 = vector.load %arg4[%get3A_407, %get3A_408] : memref<1x2048xf32, #tpu.memory_space<vmem>>, vector<1x256xf32>
    %reshape3A_410 = vector.shape_cast %reduce_max3A_406 : vector<256xf32> to vector<1x256xf32>
    %sub3A_411 = arith.constant 1.000000e+00 : f32
    %sub3A_412 = vector.broadcast %sub3A_411 : f32 to vector<1x256xf32>
    %sub3A_413 = arith.subf %sub3A_412, %reshape3A_410 : vector<1x256xf32>
    %mul3A_414 = arith.mulf %get3A_409, %sub3A_413 : vector<1x256xf32>
    %swap3A_415 = arith.constant 0 : index
    %swap3A_416 = arith.constant 1280 : index
    %swap3A_417 = vector.load %arg4[%swap3A_415, %swap3A_416] : memref<1x2048xf32, #tpu.memory_space<vmem>>, vector<1x256xf32>
    tpu.vector_store %arg4[%swap3A_415, %swap3A_416], %mul3A_414 {strides = array<i32>} : memref<1x2048xf32, #tpu.memory_space<vmem>>, vector<1x256xf32>,
    %slice3A_418 = vector.extract_strided_slice %get3A_3 {offsets = [0, 1536], sizes = [1, 256], strides = [1, 1]} : vector<1x2048xf32> to vector<1x256xf32>
    %reshape3A_419 = vector.shape_cast %slice3A_418 : vector<1x256xf32> to vector<256x1xf32>
    %slice3A_420 = vector.extract_strided_slice %get3A_8 {offsets = [0, 1536], sizes = [1, 256], strides = [1, 1]} : vector<1x2048xf32> to vector<1x256xf32>
    %reshape3A_421 = vector.shape_cast %slice3A_420 : vector<1x256xf32> to vector<256x1xf32>
    %slice3A_422 = vector.extract_strided_slice %get3A_13 {offsets = [0, 1536], sizes = [1, 256], strides = [1, 1]} : vector<1x2048xf32> to vector<1x256xf32>
    %reshape3A_423 = vector.shape_cast %slice3A_422 : vector<1x256xf32> to vector<256x1xf32>
    %slice3A_424 = vector.extract_strided_slice %get3A_18 {offsets = [0, 1536], sizes = [1, 256], strides = [1, 1]} : vector<1x2048xf32> to vector<1x256xf32>
    %reshape3A_425 = vector.shape_cast %slice3A_424 : vector<1x256xf32> to vector<256x1xf32>
    %slice3A_426 = vector.extract_strided_slice %mul3A {offsets = [0, 1536], sizes = [1, 256], strides = [1, 1]} : vector<1x2048xf32> to vector<1x256xf32>
    %reshape3A_427 = vector.shape_cast %slice3A_426 : vector<1x256xf32> to vector<256x1xf32>
    %slice3A_428 = vector.extract_strided_slice %get3A_3 {offsets = [0, 0], sizes = [1, 256], strides = [1, 1]} : vector<1x2048xf32> to vector<1x256xf32>
    %slice3A_429 = vector.extract_strided_slice %get3A_8 {offsets = [0, 0], sizes = [1, 256], strides = [1, 1]} : vector<1x2048xf32> to vector<1x256xf32>
    %slice3A_430 = vector.extract_strided_slice %get3A_13 {offsets = [0, 0], sizes = [1, 256], strides = [1, 1]} : vector<1x2048xf32> to vector<1x256xf32>
    %slice3A_431 = vector.extract_strided_slice %get3A_18 {offsets = [0, 0], sizes = [1, 256], strides = [1, 1]} : vector<1x2048xf32> to vector<1x256xf32>
    %slice3A_432 = vector.extract_strided_slice %mul3A {offsets = [0, 0], sizes = [1, 256], strides = [1, 1]} : vector<1x2048xf32> to vector<1x256xf32>
    %min3A_433 = vector.broadcast %reshape3A_423 : vector<256x1xf32> to vector<256x256xf32>
    %min3A_434 = vector.broadcast %slice3A_430 : vector<1x256xf32> to vector<256x256xf32>
    %min3A_435 = arith.minimumf %min3A_433, %min3A_434 : vector<256x256xf32>
    %max3A_436 = vector.broadcast %reshape3A_419 : vector<256x1xf32> to vector<256x256xf32>
    %max3A_437 = vector.broadcast %slice3A_428 : vector<1x256xf32> to vector<256x256xf32>
    %max3A_438 = arith.maximumf %max3A_436, %max3A_437 : vector<256x256xf32>
    %sub3A_439 = arith.subf %min3A_435, %max3A_438 : vector<256x256xf32>
    %max3A_440 = arith.constant 0.000000e+00 : f32
    %max3A_441 = vector.broadcast %max3A_440 : f32 to vector<256x256xf32>
    %max3A_442 = arith.maximumf %sub3A_439, %max3A_441 : vector<256x256xf32>
    %min3A_443 = vector.broadcast %reshape3A_425 : vector<256x1xf32> to vector<256x256xf32>
    %min3A_444 = vector.broadcast %slice3A_431 : vector<1x256xf32> to vector<256x256xf32>
    %min3A_445 = arith.minimumf %min3A_443, %min3A_444 : vector<256x256xf32>
    %max3A_446 = vector.broadcast %reshape3A_421 : vector<256x1xf32> to vector<256x256xf32>
    %max3A_447 = vector.broadcast %slice3A_429 : vector<1x256xf32> to vector<256x256xf32>
    %max3A_448 = arith.maximumf %max3A_446, %max3A_447 : vector<256x256xf32>
    %sub3A_449 = arith.subf %min3A_445, %max3A_448 : vector<256x256xf32>
    %max3A_450 = arith.constant 0.000000e+00 : f32
    %max3A_451 = vector.broadcast %max3A_450 : f32 to vector<256x256xf32>
    %max3A_452 = arith.maximumf %sub3A_449, %max3A_451 : vector<256x256xf32>
    %mul3A_453 = arith.mulf %max3A_442, %max3A_452 : vector<256x256xf32>
    %add3A_454 = vector.broadcast %reshape3A_427 : vector<256x1xf32> to vector<256x256xf32>
    %add3A_455 = vector.broadcast %slice3A_432 : vector<1x256xf32> to vector<256x256xf32>
    %add3A_456 = arith.addf %add3A_454, %add3A_455 : vector<256x256xf32>
    %sub3A_457 = arith.subf %add3A_456, %mul3A_453 : vector<256x256xf32>
    %max3A_458 = arith.constant 9.99999971E-10 : f32
    %max3A_459 = vector.broadcast %max3A_458 : f32 to vector<256x256xf32>
    %max3A_460 = arith.maximumf %sub3A_457, %max3A_459 : vector<256x256xf32>
    %div3A_461 = arith.divf %mul3A_453, %max3A_460 : vector<256x256xf32>
    %gt3A_462 = arith.constant 0.699999988 : f32
    %gt3A_463 = vector.broadcast %gt3A_462 : f32 to vector<256x256xf32>
    %gt3A_464 = arith.cmpf ogt, %div3A_461, %gt3A_463 : vector<256x256xf32>
    %jit3A_465 = arith.constant 1.000000e+00 : f32
    %jit3A_466 = arith.constant 0.000000e+00 : f32
    %broadcast_in_dim3A_467 = vector.broadcast %jit3A_465 : f32 to vector<256x256xf32>
    %broadcast_in_dim3A_468 = vector.broadcast %jit3A_466 : f32 to vector<256x256xf32>
    %select_n3A_469 = arith.select %gt3A_464, %broadcast_in_dim3A_467, %broadcast_in_dim3A_468 : vector<256x256xi1>, vector<256x256xf32>
    %mul3A_470 = vector.broadcast %while3A_80#0 : vector<1x256xf32> to vector<256x256xf32>
    %mul3A_471 = arith.mulf %select_n3A_469, %mul3A_470 : vector<256x256xf32>
    %reduce_max3A_472 = arith.constant dense<0xFF800000> : vector<256xf32>
    %reduce_max3A_473 = vector.multi_reduction <maximumf>, %mul3A_471, %reduce_max3A_472 [1] : vector<256x256xf32> to vector<256xf32>
    %get3A_474 = arith.constant 0 : index
    %get3A_475 = arith.constant 1536 : index
    %get3A_476 = vector.load %arg4[%get3A_474, %get3A_475] : memref<1x2048xf32, #tpu.memory_space<vmem>>, vector<1x256xf32>
    %reshape3A_477 = vector.shape_cast %reduce_max3A_473 : vector<256xf32> to vector<1x256xf32>
    %sub3A_478 = arith.constant 1.000000e+00 : f32
    %sub3A_479 = vector.broadcast %sub3A_478 : f32 to vector<1x256xf32>
    %sub3A_480 = arith.subf %sub3A_479, %reshape3A_477 : vector<1x256xf32>
    %mul3A_481 = arith.mulf %get3A_476, %sub3A_480 : vector<1x256xf32>
    %swap3A_482 = arith.constant 0 : index
    %swap3A_483 = arith.constant 1536 : index
    %swap3A_484 = vector.load %arg4[%swap3A_482, %swap3A_483] : memref<1x2048xf32, #tpu.memory_space<vmem>>, vector<1x256xf32>
    tpu.vector_store %arg4[%swap3A_482, %swap3A_483], %mul3A_481 {strides = array<i32>} : memref<1x2048xf32, #tpu.memory_space<vmem>>, vector<1x256xf32>,
    %slice3A_485 = vector.extract_strided_slice %get3A_3 {offsets = [0, 1792], sizes = [1, 256], strides = [1, 1]} : vector<1x2048xf32> to vector<1x256xf32>
    %reshape3A_486 = vector.shape_cast %slice3A_485 : vector<1x256xf32> to vector<256x1xf32>
    %slice3A_487 = vector.extract_strided_slice %get3A_8 {offsets = [0, 1792], sizes = [1, 256], strides = [1, 1]} : vector<1x2048xf32> to vector<1x256xf32>
    %reshape3A_488 = vector.shape_cast %slice3A_487 : vector<1x256xf32> to vector<256x1xf32>
    %slice3A_489 = vector.extract_strided_slice %get3A_13 {offsets = [0, 1792], sizes = [1, 256], strides = [1, 1]} : vector<1x2048xf32> to vector<1x256xf32>
    %reshape3A_490 = vector.shape_cast %slice3A_489 : vector<1x256xf32> to vector<256x1xf32>
    %slice3A_491 = vector.extract_strided_slice %get3A_18 {offsets = [0, 1792], sizes = [1, 256], strides = [1, 1]} : vector<1x2048xf32> to vector<1x256xf32>
    %reshape3A_492 = vector.shape_cast %slice3A_491 : vector<1x256xf32> to vector<256x1xf32>
    %slice3A_493 = vector.extract_strided_slice %mul3A {offsets = [0, 1792], sizes = [1, 256], strides = [1, 1]} : vector<1x2048xf32> to vector<1x256xf32>
    %reshape3A_494 = vector.shape_cast %slice3A_493 : vector<1x256xf32> to vector<256x1xf32>
    %slice3A_495 = vector.extract_strided_slice %get3A_3 {offsets = [0, 0], sizes = [1, 256], strides = [1, 1]} : vector<1x2048xf32> to vector<1x256xf32>
    %slice3A_496 = vector.extract_strided_slice %get3A_8 {offsets = [0, 0], sizes = [1, 256], strides = [1, 1]} : vector<1x2048xf32> to vector<1x256xf32>
    %slice3A_497 = vector.extract_strided_slice %get3A_13 {offsets = [0, 0], sizes = [1, 256], strides = [1, 1]} : vector<1x2048xf32> to vector<1x256xf32>
    %slice3A_498 = vector.extract_strided_slice %get3A_18 {offsets = [0, 0], sizes = [1, 256], strides = [1, 1]} : vector<1x2048xf32> to vector<1x256xf32>
    %slice3A_499 = vector.extract_strided_slice %mul3A {offsets = [0, 0], sizes = [1, 256], strides = [1, 1]} : vector<1x2048xf32> to vector<1x256xf32>
    %min3A_500 = vector.broadcast %reshape3A_490 : vector<256x1xf32> to vector<256x256xf32>
    %min3A_501 = vector.broadcast %slice3A_497 : vector<1x256xf32> to vector<256x256xf32>
    %min3A_502 = arith.minimumf %min3A_500, %min3A_501 : vector<256x256xf32>
    %max3A_503 = vector.broadcast %reshape3A_486 : vector<256x1xf32> to vector<256x256xf32>
    %max3A_504 = vector.broadcast %slice3A_495 : vector<1x256xf32> to vector<256x256xf32>
    %max3A_505 = arith.maximumf %max3A_503, %max3A_504 : vector<256x256xf32>
    %sub3A_506 = arith.subf %min3A_502, %max3A_505 : vector<256x256xf32>
    %max3A_507 = arith.constant 0.000000e+00 : f32
    %max3A_508 = vector.broadcast %max3A_507 : f32 to vector<256x256xf32>
    %max3A_509 = arith.maximumf %sub3A_506, %max3A_508 : vector<256x256xf32>
    %min3A_510 = vector.broadcast %reshape3A_492 : vector<256x1xf32> to vector<256x256xf32>
    %min3A_511 = vector.broadcast %slice3A_498 : vector<1x256xf32> to vector<256x256xf32>
    %min3A_512 = arith.minimumf %min3A_510, %min3A_511 : vector<256x256xf32>
    %max3A_513 = vector.broadcast %reshape3A_488 : vector<256x1xf32> to vector<256x256xf32>
    %max3A_514 = vector.broadcast %slice3A_496 : vector<1x256xf32> to vector<256x256xf32>
    %max3A_515 = arith.maximumf %max3A_513, %max3A_514 : vector<256x256xf32>
    %sub3A_516 = arith.subf %min3A_512, %max3A_515 : vector<256x256xf32>
    %max3A_517 = arith.constant 0.000000e+00 : f32
    %max3A_518 = vector.broadcast %max3A_517 : f32 to vector<256x256xf32>
    %max3A_519 = arith.maximumf %sub3A_516, %max3A_518 : vector<256x256xf32>
    %mul3A_520 = arith.mulf %max3A_509, %max3A_519 : vector<256x256xf32>
    %add3A_521 = vector.broadcast %reshape3A_494 : vector<256x1xf32> to vector<256x256xf32>
    %add3A_522 = vector.broadcast %slice3A_499 : vector<1x256xf32> to vector<256x256xf32>
    %add3A_523 = arith.addf %add3A_521, %add3A_522 : vector<256x256xf32>
    %sub3A_524 = arith.subf %add3A_523, %mul3A_520 : vector<256x256xf32>
    %max3A_525 = arith.constant 9.99999971E-10 : f32
    %max3A_526 = vector.broadcast %max3A_525 : f32 to vector<256x256xf32>
    %max3A_527 = arith.maximumf %sub3A_524, %max3A_526 : vector<256x256xf32>
    %div3A_528 = arith.divf %mul3A_520, %max3A_527 : vector<256x256xf32>
    %gt3A_529 = arith.constant 0.699999988 : f32
    %gt3A_530 = vector.broadcast %gt3A_529 : f32 to vector<256x256xf32>
    %gt3A_531 = arith.cmpf ogt, %div3A_528, %gt3A_530 : vector<256x256xf32>
    %jit3A_532 = arith.constant 1.000000e+00 : f32
    %jit3A_533 = arith.constant 0.000000e+00 : f32
    %broadcast_in_dim3A_534 = vector.broadcast %jit3A_532 : f32 to vector<256x256xf32>
    %broadcast_in_dim3A_535 = vector.broadcast %jit3A_533 : f32 to vector<256x256xf32>
    %select_n3A_536 = arith.select %gt3A_531, %broadcast_in_dim3A_534, %broadcast_in_dim3A_535 : vector<256x256xi1>, vector<256x256xf32>
    %mul3A_537 = vector.broadcast %while3A_80#0 : vector<1x256xf32> to vector<256x256xf32>
    %mul3A_538 = arith.mulf %select_n3A_536, %mul3A_537 : vector<256x256xf32>
    %reduce_max3A_539 = arith.constant dense<0xFF800000> : vector<256xf32>
    %reduce_max3A_540 = vector.multi_reduction <maximumf>, %mul3A_538, %reduce_max3A_539 [1] : vector<256x256xf32> to vector<256xf32>
    %get3A_541 = arith.constant 0 : index
    %get3A_542 = arith.constant 1792 : index
    %get3A_543 = vector.load %arg4[%get3A_541, %get3A_542] : memref<1x2048xf32, #tpu.memory_space<vmem>>, vector<1x256xf32>
    %reshape3A_544 = vector.shape_cast %reduce_max3A_540 : vector<256xf32> to vector<1x256xf32>
    %sub3A_545 = arith.constant 1.000000e+00 : f32
    %sub3A_546 = vector.broadcast %sub3A_545 : f32 to vector<1x256xf32>
    %sub3A_547 = arith.subf %sub3A_546, %reshape3A_544 : vector<1x256xf32>
    %mul3A_548 = arith.mulf %get3A_543, %sub3A_547 : vector<1x256xf32>
    %swap3A_549 = arith.constant 0 : index
    %swap3A_550 = arith.constant 1792 : index
    %swap3A_551 = vector.load %arg4[%swap3A_549, %swap3A_550] : memref<1x2048xf32, #tpu.memory_space<vmem>>, vector<1x256xf32>
    tpu.vector_store %arg4[%swap3A_549, %swap3A_550], %mul3A_548 {strides = array<i32>} : memref<1x2048xf32, #tpu.memory_space<vmem>>, vector<1x256xf32>,
    %slice3A_552 = vector.extract_strided_slice %get3A_3 {offsets = [0, 256], sizes = [1, 256], strides = [1, 1]} : vector<1x2048xf32> to vector<1x256xf32>
    %reshape3A_553 = vector.shape_cast %slice3A_552 : vector<1x256xf32> to vector<256x1xf32>
    %slice3A_554 = vector.extract_strided_slice %get3A_8 {offsets = [0, 256], sizes = [1, 256], strides = [1, 1]} : vector<1x2048xf32> to vector<1x256xf32>
    %reshape3A_555 = vector.shape_cast %slice3A_554 : vector<1x256xf32> to vector<256x1xf32>
    %slice3A_556 = vector.extract_strided_slice %get3A_13 {offsets = [0, 256], sizes = [1, 256], strides = [1, 1]} : vector<1x2048xf32> to vector<1x256xf32>
    %reshape3A_557 = vector.shape_cast %slice3A_556 : vector<1x256xf32> to vector<256x1xf32>
    %slice3A_558 = vector.extract_strided_slice %get3A_18 {offsets = [0, 256], sizes = [1, 256], strides = [1, 1]} : vector<1x2048xf32> to vector<1x256xf32>
    %reshape3A_559 = vector.shape_cast %slice3A_558 : vector<1x256xf32> to vector<256x1xf32>
    %slice3A_560 = vector.extract_strided_slice %mul3A {offsets = [0, 256], sizes = [1, 256], strides = [1, 1]} : vector<1x2048xf32> to vector<1x256xf32>
    %reshape3A_561 = vector.shape_cast %slice3A_560 : vector<1x256xf32> to vector<256x1xf32>
    %slice3A_562 = vector.extract_strided_slice %get3A_3 {offsets = [0, 256], sizes = [1, 256], strides = [1, 1]} : vector<1x2048xf32> to vector<1x256xf32>
    %slice3A_563 = vector.extract_strided_slice %get3A_8 {offsets = [0, 256], sizes = [1, 256], strides = [1, 1]} : vector<1x2048xf32> to vector<1x256xf32>
    %slice3A_564 = vector.extract_strided_slice %get3A_13 {offsets = [0, 256], sizes = [1, 256], strides = [1, 1]} : vector<1x2048xf32> to vector<1x256xf32>
    %slice3A_565 = vector.extract_strided_slice %get3A_18 {offsets = [0, 256], sizes = [1, 256], strides = [1, 1]} : vector<1x2048xf32> to vector<1x256xf32>
    %slice3A_566 = vector.extract_strided_slice %mul3A {offsets = [0, 256], sizes = [1, 256], strides = [1, 1]} : vector<1x2048xf32> to vector<1x256xf32>
    %min3A_567 = vector.broadcast %reshape3A_557 : vector<256x1xf32> to vector<256x256xf32>
    %min3A_568 = vector.broadcast %slice3A_564 : vector<1x256xf32> to vector<256x256xf32>
    %min3A_569 = arith.minimumf %min3A_567, %min3A_568 : vector<256x256xf32>
    %max3A_570 = vector.broadcast %reshape3A_553 : vector<256x1xf32> to vector<256x256xf32>
    %max3A_571 = vector.broadcast %slice3A_562 : vector<1x256xf32> to vector<256x256xf32>
    %max3A_572 = arith.maximumf %max3A_570, %max3A_571 : vector<256x256xf32>
    %sub3A_573 = arith.subf %min3A_569, %max3A_572 : vector<256x256xf32>
    %max3A_574 = arith.constant 0.000000e+00 : f32
    %max3A_575 = vector.broadcast %max3A_574 : f32 to vector<256x256xf32>
    %max3A_576 = arith.maximumf %sub3A_573, %max3A_575 : vector<256x256xf32>
    %min3A_577 = vector.broadcast %reshape3A_559 : vector<256x1xf32> to vector<256x256xf32>
    %min3A_578 = vector.broadcast %slice3A_565 : vector<1x256xf32> to vector<256x256xf32>
    %min3A_579 = arith.minimumf %min3A_577, %min3A_578 : vector<256x256xf32>
    %max3A_580 = vector.broadcast %reshape3A_555 : vector<256x1xf32> to vector<256x256xf32>
    %max3A_581 = vector.broadcast %slice3A_563 : vector<1x256xf32> to vector<256x256xf32>
    %max3A_582 = arith.maximumf %max3A_580, %max3A_581 : vector<256x256xf32>
    %sub3A_583 = arith.subf %min3A_579, %max3A_582 : vector<256x256xf32>
    %max3A_584 = arith.constant 0.000000e+00 : f32
    %max3A_585 = vector.broadcast %max3A_584 : f32 to vector<256x256xf32>
    %max3A_586 = arith.maximumf %sub3A_583, %max3A_585 : vector<256x256xf32>
    %mul3A_587 = arith.mulf %max3A_576, %max3A_586 : vector<256x256xf32>
    %add3A_588 = vector.broadcast %reshape3A_561 : vector<256x1xf32> to vector<256x256xf32>
    %add3A_589 = vector.broadcast %slice3A_566 : vector<1x256xf32> to vector<256x256xf32>
    %add3A_590 = arith.addf %add3A_588, %add3A_589 : vector<256x256xf32>
    %sub3A_591 = arith.subf %add3A_590, %mul3A_587 : vector<256x256xf32>
    %max3A_592 = arith.constant 9.99999971E-10 : f32
    %max3A_593 = vector.broadcast %max3A_592 : f32 to vector<256x256xf32>
    %max3A_594 = arith.maximumf %sub3A_591, %max3A_593 : vector<256x256xf32>
    %div3A_595 = arith.divf %mul3A_587, %max3A_594 : vector<256x256xf32>
    %iota3A_596 = tpu.iota {dimensions = array<i32: 1>} : vector<1x256xi32>
    %iota3A_597 = tpu.iota {dimensions = array<i32: 0>} : vector<256x1xi32>
    %gt3A_598 = arith.constant 0.699999988 : f32
    %gt3A_599 = vector.broadcast %gt3A_598 : f32 to vector<256x256xf32>
    %gt3A_600 = arith.cmpf ogt, %div3A_595, %gt3A_599 : vector<256x256xf32>
    %lt3A_601 = vector.broadcast %iota3A_596 : vector<1x256xi32> to vector<256x256xi32>
    %lt3A_602 = vector.broadcast %iota3A_597 : vector<256x1xi32> to vector<256x256xi32>
    %lt3A_603 = arith.cmpi slt, %lt3A_601, %lt3A_602 : vector<256x256xi32>
    %and3A_604 = arith.andi %gt3A_600, %lt3A_603 : vector<256x256xi1>
    %jit3A_605 = arith.constant 1.000000e+00 : f32
    %jit3A_606 = arith.constant 0.000000e+00 : f32
    %broadcast_in_dim3A_607 = vector.broadcast %jit3A_605 : f32 to vector<256x256xf32>
    %broadcast_in_dim3A_608 = vector.broadcast %jit3A_606 : f32 to vector<256x256xf32>
    %select_n3A_609 = arith.select %and3A_604, %broadcast_in_dim3A_607, %broadcast_in_dim3A_608 : vector<256x256xi1>, vector<256x256xf32>
    %get3A_610 = arith.constant 0 : index
    %get3A_611 = arith.constant 256 : index
    %get3A_612 = vector.load %arg4[%get3A_610, %get3A_611] : memref<1x2048xf32, #tpu.memory_space<vmem>>, vector<1x256xf32>
    %while3A_613 = arith.constant true
    %while3A_614 = arith.constant 0 : i32
    %while3A_615:3 = scf.while (%while3A_2503 = %get3A_612, %while3A_2504 = %while3A_613, %while3A_2505 = %while3A_614) : (vector<1x256xf32>, i1, i32) -> (vector<1x256xf32>, i1, i32) {
      %lt3A_2506 = arith.constant 258 : i32
      %lt3A_2507 = arith.cmpi slt, %while3A_2505, %lt3A_2506 : i32
      %and3A_2508 = arith.andi %while3A_2504, %lt3A_2507 : i1
      scf.condition(%and3A_2508) %while3A_2503, %while3A_2504, %while3A_2505 : vector<1x256xf32>, i1, i32
    } do {
    ^bb0(%while3A_2503: vector<1x256xf32>, %while3A_2504: i1, %while3A_2505: i32):
      %mul3A_2506 = vector.broadcast %while3A_2503 : vector<1x256xf32> to vector<256x256xf32>
      %mul3A_2507 = arith.mulf %select_n3A_609, %mul3A_2506 : vector<256x256xf32>
      %reduce_max3A_2508 = arith.constant dense<0xFF800000> : vector<256xf32>
      %reduce_max3A_2509 = vector.multi_reduction <maximumf>, %mul3A_2507, %reduce_max3A_2508 [1] : vector<256x256xf32> to vector<256xf32>
      %reshape3A_2510 = vector.shape_cast %reduce_max3A_2509 : vector<256xf32> to vector<1x256xf32>
      %sub3A_2511 = arith.constant 1.000000e+00 : f32
      %sub3A_2512 = vector.broadcast %sub3A_2511 : f32 to vector<1x256xf32>
      %sub3A_2513 = arith.subf %sub3A_2512, %reshape3A_2510 : vector<1x256xf32>
      %mul3A_2514 = arith.mulf %get3A_612, %sub3A_2513 : vector<1x256xf32>
      %ne3A = arith.cmpf one, %mul3A_2514, %while3A_2503 : vector<1x256xf32>
      %reduce_or3A = arith.constant 1.000000e+00 : f32
      %reduce_or3A_2515 = arith.constant 0.000000e+00 : f32
      %reduce_or3A_2516 = vector.broadcast %reduce_or3A : f32 to vector<1x256xf32>
      %reduce_or3A_2517 = vector.broadcast %reduce_or3A_2515 : f32 to vector<1x256xf32>
      %reduce_or3A_2518 = arith.select %ne3A, %reduce_or3A_2516, %reduce_or3A_2517 : vector<1x256xi1>, vector<1x256xf32>
      %reduce_or3A_2519 = vector.shape_cast %reduce_or3A_2518 : vector<1x256xf32> to vector<1x1x256xf32>
      %reduce_or3A_2520 = arith.constant dense<0xFF800000> : vector<1xf32>
      %reduce_or3A_2521 = vector.multi_reduction <maximumf>, %reduce_or3A_2519, %reduce_or3A_2520 [1, 2] : vector<1x1x256xf32> to vector<1xf32>
      %reduce_or3A_2522 = vector.shape_cast %reduce_or3A_2521 : vector<1xf32> to vector<1x1x1xf32>
      %reduce_or3A_2523 = vector.extract %reduce_or3A_2522[0, 0, 0] : f32 from vector<1x1x1xf32>
      %reduce_or3A_2524 = arith.constant 0.000000e+00 : f32
      %reduce_or3A_2525 = arith.cmpf ogt, %reduce_or3A_2523, %reduce_or3A_2524 : f32
      %add3A_2526 = arith.constant 1 : i32
      %add3A_2527 = arith.addi %while3A_2505, %add3A_2526 : i32
      scf.yield %mul3A_2514, %reduce_or3A_2525, %add3A_2527 : vector<1x256xf32>, i1, i32
    }
    %swap3A_616 = arith.constant 0 : index
    %swap3A_617 = arith.constant 256 : index
    %swap3A_618 = vector.load %arg4[%swap3A_616, %swap3A_617] : memref<1x2048xf32, #tpu.memory_space<vmem>>, vector<1x256xf32>
    tpu.vector_store %arg4[%swap3A_616, %swap3A_617], %while3A_615#0 {strides = array<i32>} : memref<1x2048xf32, #tpu.memory_space<vmem>>, vector<1x256xf32>,
    %slice3A_619 = vector.extract_strided_slice %get3A_3 {offsets = [0, 512], sizes = [1, 256], strides = [1, 1]} : vector<1x2048xf32> to vector<1x256xf32>
    %reshape3A_620 = vector.shape_cast %slice3A_619 : vector<1x256xf32> to vector<256x1xf32>
    %slice3A_621 = vector.extract_strided_slice %get3A_8 {offsets = [0, 512], sizes = [1, 256], strides = [1, 1]} : vector<1x2048xf32> to vector<1x256xf32>
    %reshape3A_622 = vector.shape_cast %slice3A_621 : vector<1x256xf32> to vector<256x1xf32>
    %slice3A_623 = vector.extract_strided_slice %get3A_13 {offsets = [0, 512], sizes = [1, 256], strides = [1, 1]} : vector<1x2048xf32> to vector<1x256xf32>
    %reshape3A_624 = vector.shape_cast %slice3A_623 : vector<1x256xf32> to vector<256x1xf32>
    %slice3A_625 = vector.extract_strided_slice %get3A_18 {offsets = [0, 512], sizes = [1, 256], strides = [1, 1]} : vector<1x2048xf32> to vector<1x256xf32>
    %reshape3A_626 = vector.shape_cast %slice3A_625 : vector<1x256xf32> to vector<256x1xf32>
    %slice3A_627 = vector.extract_strided_slice %mul3A {offsets = [0, 512], sizes = [1, 256], strides = [1, 1]} : vector<1x2048xf32> to vector<1x256xf32>
    %reshape3A_628 = vector.shape_cast %slice3A_627 : vector<1x256xf32> to vector<256x1xf32>
    %slice3A_629 = vector.extract_strided_slice %get3A_3 {offsets = [0, 256], sizes = [1, 256], strides = [1, 1]} : vector<1x2048xf32> to vector<1x256xf32>
    %slice3A_630 = vector.extract_strided_slice %get3A_8 {offsets = [0, 256], sizes = [1, 256], strides = [1, 1]} : vector<1x2048xf32> to vector<1x256xf32>
    %slice3A_631 = vector.extract_strided_slice %get3A_13 {offsets = [0, 256], sizes = [1, 256], strides = [1, 1]} : vector<1x2048xf32> to vector<1x256xf32>
    %slice3A_632 = vector.extract_strided_slice %get3A_18 {offsets = [0, 256], sizes = [1, 256], strides = [1, 1]} : vector<1x2048xf32> to vector<1x256xf32>
    %slice3A_633 = vector.extract_strided_slice %mul3A {offsets = [0, 256], sizes = [1, 256], strides = [1, 1]} : vector<1x2048xf32> to vector<1x256xf32>
    %min3A_634 = vector.broadcast %reshape3A_624 : vector<256x1xf32> to vector<256x256xf32>
    %min3A_635 = vector.broadcast %slice3A_631 : vector<1x256xf32> to vector<256x256xf32>
    %min3A_636 = arith.minimumf %min3A_634, %min3A_635 : vector<256x256xf32>
    %max3A_637 = vector.broadcast %reshape3A_620 : vector<256x1xf32> to vector<256x256xf32>
    %max3A_638 = vector.broadcast %slice3A_629 : vector<1x256xf32> to vector<256x256xf32>
    %max3A_639 = arith.maximumf %max3A_637, %max3A_638 : vector<256x256xf32>
    %sub3A_640 = arith.subf %min3A_636, %max3A_639 : vector<256x256xf32>
    %max3A_641 = arith.constant 0.000000e+00 : f32
    %max3A_642 = vector.broadcast %max3A_641 : f32 to vector<256x256xf32>
    %max3A_643 = arith.maximumf %sub3A_640, %max3A_642 : vector<256x256xf32>
    %min3A_644 = vector.broadcast %reshape3A_626 : vector<256x1xf32> to vector<256x256xf32>
    %min3A_645 = vector.broadcast %slice3A_632 : vector<1x256xf32> to vector<256x256xf32>
    %min3A_646 = arith.minimumf %min3A_644, %min3A_645 : vector<256x256xf32>
    %max3A_647 = vector.broadcast %reshape3A_622 : vector<256x1xf32> to vector<256x256xf32>
    %max3A_648 = vector.broadcast %slice3A_630 : vector<1x256xf32> to vector<256x256xf32>
    %max3A_649 = arith.maximumf %max3A_647, %max3A_648 : vector<256x256xf32>
    %sub3A_650 = arith.subf %min3A_646, %max3A_649 : vector<256x256xf32>
    %max3A_651 = arith.constant 0.000000e+00 : f32
    %max3A_652 = vector.broadcast %max3A_651 : f32 to vector<256x256xf32>
    %max3A_653 = arith.maximumf %sub3A_650, %max3A_652 : vector<256x256xf32>
    %mul3A_654 = arith.mulf %max3A_643, %max3A_653 : vector<256x256xf32>
    %add3A_655 = vector.broadcast %reshape3A_628 : vector<256x1xf32> to vector<256x256xf32>
    %add3A_656 = vector.broadcast %slice3A_633 : vector<1x256xf32> to vector<256x256xf32>
    %add3A_657 = arith.addf %add3A_655, %add3A_656 : vector<256x256xf32>
    %sub3A_658 = arith.subf %add3A_657, %mul3A_654 : vector<256x256xf32>
    %max3A_659 = arith.constant 9.99999971E-10 : f32
    %max3A_660 = vector.broadcast %max3A_659 : f32 to vector<256x256xf32>
    %max3A_661 = arith.maximumf %sub3A_658, %max3A_660 : vector<256x256xf32>
    %div3A_662 = arith.divf %mul3A_654, %max3A_661 : vector<256x256xf32>
    %gt3A_663 = arith.constant 0.699999988 : f32
    %gt3A_664 = vector.broadcast %gt3A_663 : f32 to vector<256x256xf32>
    %gt3A_665 = arith.cmpf ogt, %div3A_662, %gt3A_664 : vector<256x256xf32>
    %jit3A_666 = arith.constant 1.000000e+00 : f32
    %jit3A_667 = arith.constant 0.000000e+00 : f32
    %broadcast_in_dim3A_668 = vector.broadcast %jit3A_666 : f32 to vector<256x256xf32>
    %broadcast_in_dim3A_669 = vector.broadcast %jit3A_667 : f32 to vector<256x256xf32>
    %select_n3A_670 = arith.select %gt3A_665, %broadcast_in_dim3A_668, %broadcast_in_dim3A_669 : vector<256x256xi1>, vector<256x256xf32>
    %mul3A_671 = vector.broadcast %while3A_615#0 : vector<1x256xf32> to vector<256x256xf32>
    %mul3A_672 = arith.mulf %select_n3A_670, %mul3A_671 : vector<256x256xf32>
    %reduce_max3A_673 = arith.constant dense<0xFF800000> : vector<256xf32>
    %reduce_max3A_674 = vector.multi_reduction <maximumf>, %mul3A_672, %reduce_max3A_673 [1] : vector<256x256xf32> to vector<256xf32>
    %get3A_675 = arith.constant 0 : index
    %get3A_676 = arith.constant 512 : index
    %get3A_677 = vector.load %arg4[%get3A_675, %get3A_676] : memref<1x2048xf32, #tpu.memory_space<vmem>>, vector<1x256xf32>
    %reshape3A_678 = vector.shape_cast %reduce_max3A_674 : vector<256xf32> to vector<1x256xf32>
    %sub3A_679 = arith.constant 1.000000e+00 : f32
    %sub3A_680 = vector.broadcast %sub3A_679 : f32 to vector<1x256xf32>
    %sub3A_681 = arith.subf %sub3A_680, %reshape3A_678 : vector<1x256xf32>
    %mul3A_682 = arith.mulf %get3A_677, %sub3A_681 : vector<1x256xf32>
    %swap3A_683 = arith.constant 0 : index
    %swap3A_684 = arith.constant 512 : index
    %swap3A_685 = vector.load %arg4[%swap3A_683, %swap3A_684] : memref<1x2048xf32, #tpu.memory_space<vmem>>, vector<1x256xf32>
    tpu.vector_store %arg4[%swap3A_683, %swap3A_684], %mul3A_682 {strides = array<i32>} : memref<1x2048xf32, #tpu.memory_space<vmem>>, vector<1x256xf32>,
    %slice3A_686 = vector.extract_strided_slice %get3A_3 {offsets = [0, 768], sizes = [1, 256], strides = [1, 1]} : vector<1x2048xf32> to vector<1x256xf32>
    %reshape3A_687 = vector.shape_cast %slice3A_686 : vector<1x256xf32> to vector<256x1xf32>
    %slice3A_688 = vector.extract_strided_slice %get3A_8 {offsets = [0, 768], sizes = [1, 256], strides = [1, 1]} : vector<1x2048xf32> to vector<1x256xf32>
    %reshape3A_689 = vector.shape_cast %slice3A_688 : vector<1x256xf32> to vector<256x1xf32>
    %slice3A_690 = vector.extract_strided_slice %get3A_13 {offsets = [0, 768], sizes = [1, 256], strides = [1, 1]} : vector<1x2048xf32> to vector<1x256xf32>
    %reshape3A_691 = vector.shape_cast %slice3A_690 : vector<1x256xf32> to vector<256x1xf32>
    %slice3A_692 = vector.extract_strided_slice %get3A_18 {offsets = [0, 768], sizes = [1, 256], strides = [1, 1]} : vector<1x2048xf32> to vector<1x256xf32>
    %reshape3A_693 = vector.shape_cast %slice3A_692 : vector<1x256xf32> to vector<256x1xf32>
    %slice3A_694 = vector.extract_strided_slice %mul3A {offsets = [0, 768], sizes = [1, 256], strides = [1, 1]} : vector<1x2048xf32> to vector<1x256xf32>
    %reshape3A_695 = vector.shape_cast %slice3A_694 : vector<1x256xf32> to vector<256x1xf32>
    %slice3A_696 = vector.extract_strided_slice %get3A_3 {offsets = [0, 256], sizes = [1, 256], strides = [1, 1]} : vector<1x2048xf32> to vector<1x256xf32>
    %slice3A_697 = vector.extract_strided_slice %get3A_8 {offsets = [0, 256], sizes = [1, 256], strides = [1, 1]} : vector<1x2048xf32> to vector<1x256xf32>
    %slice3A_698 = vector.extract_strided_slice %get3A_13 {offsets = [0, 256], sizes = [1, 256], strides = [1, 1]} : vector<1x2048xf32> to vector<1x256xf32>
    %slice3A_699 = vector.extract_strided_slice %get3A_18 {offsets = [0, 256], sizes = [1, 256], strides = [1, 1]} : vector<1x2048xf32> to vector<1x256xf32>
    %slice3A_700 = vector.extract_strided_slice %mul3A {offsets = [0, 256], sizes = [1, 256], strides = [1, 1]} : vector<1x2048xf32> to vector<1x256xf32>
    %min3A_701 = vector.broadcast %reshape3A_691 : vector<256x1xf32> to vector<256x256xf32>
    %min3A_702 = vector.broadcast %slice3A_698 : vector<1x256xf32> to vector<256x256xf32>
    %min3A_703 = arith.minimumf %min3A_701, %min3A_702 : vector<256x256xf32>
    %max3A_704 = vector.broadcast %reshape3A_687 : vector<256x1xf32> to vector<256x256xf32>
    %max3A_705 = vector.broadcast %slice3A_696 : vector<1x256xf32> to vector<256x256xf32>
    %max3A_706 = arith.maximumf %max3A_704, %max3A_705 : vector<256x256xf32>
    %sub3A_707 = arith.subf %min3A_703, %max3A_706 : vector<256x256xf32>
    %max3A_708 = arith.constant 0.000000e+00 : f32
    %max3A_709 = vector.broadcast %max3A_708 : f32 to vector<256x256xf32>
    %max3A_710 = arith.maximumf %sub3A_707, %max3A_709 : vector<256x256xf32>
    %min3A_711 = vector.broadcast %reshape3A_693 : vector<256x1xf32> to vector<256x256xf32>
    %min3A_712 = vector.broadcast %slice3A_699 : vector<1x256xf32> to vector<256x256xf32>
    %min3A_713 = arith.minimumf %min3A_711, %min3A_712 : vector<256x256xf32>
    %max3A_714 = vector.broadcast %reshape3A_689 : vector<256x1xf32> to vector<256x256xf32>
    %max3A_715 = vector.broadcast %slice3A_697 : vector<1x256xf32> to vector<256x256xf32>
    %max3A_716 = arith.maximumf %max3A_714, %max3A_715 : vector<256x256xf32>
    %sub3A_717 = arith.subf %min3A_713, %max3A_716 : vector<256x256xf32>
    %max3A_718 = arith.constant 0.000000e+00 : f32
    %max3A_719 = vector.broadcast %max3A_718 : f32 to vector<256x256xf32>
    %max3A_720 = arith.maximumf %sub3A_717, %max3A_719 : vector<256x256xf32>
    %mul3A_721 = arith.mulf %max3A_710, %max3A_720 : vector<256x256xf32>
    %add3A_722 = vector.broadcast %reshape3A_695 : vector<256x1xf32> to vector<256x256xf32>
    %add3A_723 = vector.broadcast %slice3A_700 : vector<1x256xf32> to vector<256x256xf32>
    %add3A_724 = arith.addf %add3A_722, %add3A_723 : vector<256x256xf32>
    %sub3A_725 = arith.subf %add3A_724, %mul3A_721 : vector<256x256xf32>
    %max3A_726 = arith.constant 9.99999971E-10 : f32
    %max3A_727 = vector.broadcast %max3A_726 : f32 to vector<256x256xf32>
    %max3A_728 = arith.maximumf %sub3A_725, %max3A_727 : vector<256x256xf32>
    %div3A_729 = arith.divf %mul3A_721, %max3A_728 : vector<256x256xf32>
    %gt3A_730 = arith.constant 0.699999988 : f32
    %gt3A_731 = vector.broadcast %gt3A_730 : f32 to vector<256x256xf32>
    %gt3A_732 = arith.cmpf ogt, %div3A_729, %gt3A_731 : vector<256x256xf32>
    %jit3A_733 = arith.constant 1.000000e+00 : f32
    %jit3A_734 = arith.constant 0.000000e+00 : f32
    %broadcast_in_dim3A_735 = vector.broadcast %jit3A_733 : f32 to vector<256x256xf32>
    %broadcast_in_dim3A_736 = vector.broadcast %jit3A_734 : f32 to vector<256x256xf32>
    %select_n3A_737 = arith.select %gt3A_732, %broadcast_in_dim3A_735, %broadcast_in_dim3A_736 : vector<256x256xi1>, vector<256x256xf32>
    %mul3A_738 = vector.broadcast %while3A_615#0 : vector<1x256xf32> to vector<256x256xf32>
    %mul3A_739 = arith.mulf %select_n3A_737, %mul3A_738 : vector<256x256xf32>
    %reduce_max3A_740 = arith.constant dense<0xFF800000> : vector<256xf32>
    %reduce_max3A_741 = vector.multi_reduction <maximumf>, %mul3A_739, %reduce_max3A_740 [1] : vector<256x256xf32> to vector<256xf32>
    %get3A_742 = arith.constant 0 : index
    %get3A_743 = arith.constant 768 : index
    %get3A_744 = vector.load %arg4[%get3A_742, %get3A_743] : memref<1x2048xf32, #tpu.memory_space<vmem>>, vector<1x256xf32>
    %reshape3A_745 = vector.shape_cast %reduce_max3A_741 : vector<256xf32> to vector<1x256xf32>
    %sub3A_746 = arith.constant 1.000000e+00 : f32
    %sub3A_747 = vector.broadcast %sub3A_746 : f32 to vector<1x256xf32>
    %sub3A_748 = arith.subf %sub3A_747, %reshape3A_745 : vector<1x256xf32>
    %mul3A_749 = arith.mulf %get3A_744, %sub3A_748 : vector<1x256xf32>
    %swap3A_750 = arith.constant 0 : index
    %swap3A_751 = arith.constant 768 : index
    %swap3A_752 = vector.load %arg4[%swap3A_750, %swap3A_751] : memref<1x2048xf32, #tpu.memory_space<vmem>>, vector<1x256xf32>
    tpu.vector_store %arg4[%swap3A_750, %swap3A_751], %mul3A_749 {strides = array<i32>} : memref<1x2048xf32, #tpu.memory_space<vmem>>, vector<1x256xf32>,
    %slice3A_753 = vector.extract_strided_slice %get3A_3 {offsets = [0, 1024], sizes = [1, 256], strides = [1, 1]} : vector<1x2048xf32> to vector<1x256xf32>
    %reshape3A_754 = vector.shape_cast %slice3A_753 : vector<1x256xf32> to vector<256x1xf32>
    %slice3A_755 = vector.extract_strided_slice %get3A_8 {offsets = [0, 1024], sizes = [1, 256], strides = [1, 1]} : vector<1x2048xf32> to vector<1x256xf32>
    %reshape3A_756 = vector.shape_cast %slice3A_755 : vector<1x256xf32> to vector<256x1xf32>
    %slice3A_757 = vector.extract_strided_slice %get3A_13 {offsets = [0, 1024], sizes = [1, 256], strides = [1, 1]} : vector<1x2048xf32> to vector<1x256xf32>
    %reshape3A_758 = vector.shape_cast %slice3A_757 : vector<1x256xf32> to vector<256x1xf32>
    %slice3A_759 = vector.extract_strided_slice %get3A_18 {offsets = [0, 1024], sizes = [1, 256], strides = [1, 1]} : vector<1x2048xf32> to vector<1x256xf32>
    %reshape3A_760 = vector.shape_cast %slice3A_759 : vector<1x256xf32> to vector<256x1xf32>
    %slice3A_761 = vector.extract_strided_slice %mul3A {offsets = [0, 1024], sizes = [1, 256], strides = [1, 1]} : vector<1x2048xf32> to vector<1x256xf32>
    %reshape3A_762 = vector.shape_cast %slice3A_761 : vector<1x256xf32> to vector<256x1xf32>
    %slice3A_763 = vector.extract_strided_slice %get3A_3 {offsets = [0, 256], sizes = [1, 256], strides = [1, 1]} : vector<1x2048xf32> to vector<1x256xf32>
    %slice3A_764 = vector.extract_strided_slice %get3A_8 {offsets = [0, 256], sizes = [1, 256], strides = [1, 1]} : vector<1x2048xf32> to vector<1x256xf32>
    %slice3A_765 = vector.extract_strided_slice %get3A_13 {offsets = [0, 256], sizes = [1, 256], strides = [1, 1]} : vector<1x2048xf32> to vector<1x256xf32>
    %slice3A_766 = vector.extract_strided_slice %get3A_18 {offsets = [0, 256], sizes = [1, 256], strides = [1, 1]} : vector<1x2048xf32> to vector<1x256xf32>
    %slice3A_767 = vector.extract_strided_slice %mul3A {offsets = [0, 256], sizes = [1, 256], strides = [1, 1]} : vector<1x2048xf32> to vector<1x256xf32>
    %min3A_768 = vector.broadcast %reshape3A_758 : vector<256x1xf32> to vector<256x256xf32>
    %min3A_769 = vector.broadcast %slice3A_765 : vector<1x256xf32> to vector<256x256xf32>
    %min3A_770 = arith.minimumf %min3A_768, %min3A_769 : vector<256x256xf32>
    %max3A_771 = vector.broadcast %reshape3A_754 : vector<256x1xf32> to vector<256x256xf32>
    %max3A_772 = vector.broadcast %slice3A_763 : vector<1x256xf32> to vector<256x256xf32>
    %max3A_773 = arith.maximumf %max3A_771, %max3A_772 : vector<256x256xf32>
    %sub3A_774 = arith.subf %min3A_770, %max3A_773 : vector<256x256xf32>
    %max3A_775 = arith.constant 0.000000e+00 : f32
    %max3A_776 = vector.broadcast %max3A_775 : f32 to vector<256x256xf32>
    %max3A_777 = arith.maximumf %sub3A_774, %max3A_776 : vector<256x256xf32>
    %min3A_778 = vector.broadcast %reshape3A_760 : vector<256x1xf32> to vector<256x256xf32>
    %min3A_779 = vector.broadcast %slice3A_766 : vector<1x256xf32> to vector<256x256xf32>
    %min3A_780 = arith.minimumf %min3A_778, %min3A_779 : vector<256x256xf32>
    %max3A_781 = vector.broadcast %reshape3A_756 : vector<256x1xf32> to vector<256x256xf32>
    %max3A_782 = vector.broadcast %slice3A_764 : vector<1x256xf32> to vector<256x256xf32>
    %max3A_783 = arith.maximumf %max3A_781, %max3A_782 : vector<256x256xf32>
    %sub3A_784 = arith.subf %min3A_780, %max3A_783 : vector<256x256xf32>
    %max3A_785 = arith.constant 0.000000e+00 : f32
    %max3A_786 = vector.broadcast %max3A_785 : f32 to vector<256x256xf32>
    %max3A_787 = arith.maximumf %sub3A_784, %max3A_786 : vector<256x256xf32>
    %mul3A_788 = arith.mulf %max3A_777, %max3A_787 : vector<256x256xf32>
    %add3A_789 = vector.broadcast %reshape3A_762 : vector<256x1xf32> to vector<256x256xf32>
    %add3A_790 = vector.broadcast %slice3A_767 : vector<1x256xf32> to vector<256x256xf32>
    %add3A_791 = arith.addf %add3A_789, %add3A_790 : vector<256x256xf32>
    %sub3A_792 = arith.subf %add3A_791, %mul3A_788 : vector<256x256xf32>
    %max3A_793 = arith.constant 9.99999971E-10 : f32
    %max3A_794 = vector.broadcast %max3A_793 : f32 to vector<256x256xf32>
    %max3A_795 = arith.maximumf %sub3A_792, %max3A_794 : vector<256x256xf32>
    %div3A_796 = arith.divf %mul3A_788, %max3A_795 : vector<256x256xf32>
    %gt3A_797 = arith.constant 0.699999988 : f32
    %gt3A_798 = vector.broadcast %gt3A_797 : f32 to vector<256x256xf32>
    %gt3A_799 = arith.cmpf ogt, %div3A_796, %gt3A_798 : vector<256x256xf32>
    %jit3A_800 = arith.constant 1.000000e+00 : f32
    %jit3A_801 = arith.constant 0.000000e+00 : f32
    %broadcast_in_dim3A_802 = vector.broadcast %jit3A_800 : f32 to vector<256x256xf32>
    %broadcast_in_dim3A_803 = vector.broadcast %jit3A_801 : f32 to vector<256x256xf32>
    %select_n3A_804 = arith.select %gt3A_799, %broadcast_in_dim3A_802, %broadcast_in_dim3A_803 : vector<256x256xi1>, vector<256x256xf32>
    %mul3A_805 = vector.broadcast %while3A_615#0 : vector<1x256xf32> to vector<256x256xf32>
    %mul3A_806 = arith.mulf %select_n3A_804, %mul3A_805 : vector<256x256xf32>
    %reduce_max3A_807 = arith.constant dense<0xFF800000> : vector<256xf32>
    %reduce_max3A_808 = vector.multi_reduction <maximumf>, %mul3A_806, %reduce_max3A_807 [1] : vector<256x256xf32> to vector<256xf32>
    %get3A_809 = arith.constant 0 : index
    %get3A_810 = arith.constant 1024 : index
    %get3A_811 = vector.load %arg4[%get3A_809, %get3A_810] : memref<1x2048xf32, #tpu.memory_space<vmem>>, vector<1x256xf32>
    %reshape3A_812 = vector.shape_cast %reduce_max3A_808 : vector<256xf32> to vector<1x256xf32>
    %sub3A_813 = arith.constant 1.000000e+00 : f32
    %sub3A_814 = vector.broadcast %sub3A_813 : f32 to vector<1x256xf32>
    %sub3A_815 = arith.subf %sub3A_814, %reshape3A_812 : vector<1x256xf32>
    %mul3A_816 = arith.mulf %get3A_811, %sub3A_815 : vector<1x256xf32>
    %swap3A_817 = arith.constant 0 : index
    %swap3A_818 = arith.constant 1024 : index
    %swap3A_819 = vector.load %arg4[%swap3A_817, %swap3A_818] : memref<1x2048xf32, #tpu.memory_space<vmem>>, vector<1x256xf32>
    tpu.vector_store %arg4[%swap3A_817, %swap3A_818], %mul3A_816 {strides = array<i32>} : memref<1x2048xf32, #tpu.memory_space<vmem>>, vector<1x256xf32>,
    %slice3A_820 = vector.extract_strided_slice %get3A_3 {offsets = [0, 1280], sizes = [1, 256], strides = [1, 1]} : vector<1x2048xf32> to vector<1x256xf32>
    %reshape3A_821 = vector.shape_cast %slice3A_820 : vector<1x256xf32> to vector<256x1xf32>
    %slice3A_822 = vector.extract_strided_slice %get3A_8 {offsets = [0, 1280], sizes = [1, 256], strides = [1, 1]} : vector<1x2048xf32> to vector<1x256xf32>
    %reshape3A_823 = vector.shape_cast %slice3A_822 : vector<1x256xf32> to vector<256x1xf32>
    %slice3A_824 = vector.extract_strided_slice %get3A_13 {offsets = [0, 1280], sizes = [1, 256], strides = [1, 1]} : vector<1x2048xf32> to vector<1x256xf32>
    %reshape3A_825 = vector.shape_cast %slice3A_824 : vector<1x256xf32> to vector<256x1xf32>
    %slice3A_826 = vector.extract_strided_slice %get3A_18 {offsets = [0, 1280], sizes = [1, 256], strides = [1, 1]} : vector<1x2048xf32> to vector<1x256xf32>
    %reshape3A_827 = vector.shape_cast %slice3A_826 : vector<1x256xf32> to vector<256x1xf32>
    %slice3A_828 = vector.extract_strided_slice %mul3A {offsets = [0, 1280], sizes = [1, 256], strides = [1, 1]} : vector<1x2048xf32> to vector<1x256xf32>
    %reshape3A_829 = vector.shape_cast %slice3A_828 : vector<1x256xf32> to vector<256x1xf32>
    %slice3A_830 = vector.extract_strided_slice %get3A_3 {offsets = [0, 256], sizes = [1, 256], strides = [1, 1]} : vector<1x2048xf32> to vector<1x256xf32>
    %slice3A_831 = vector.extract_strided_slice %get3A_8 {offsets = [0, 256], sizes = [1, 256], strides = [1, 1]} : vector<1x2048xf32> to vector<1x256xf32>
    %slice3A_832 = vector.extract_strided_slice %get3A_13 {offsets = [0, 256], sizes = [1, 256], strides = [1, 1]} : vector<1x2048xf32> to vector<1x256xf32>
    %slice3A_833 = vector.extract_strided_slice %get3A_18 {offsets = [0, 256], sizes = [1, 256], strides = [1, 1]} : vector<1x2048xf32> to vector<1x256xf32>
    %slice3A_834 = vector.extract_strided_slice %mul3A {offsets = [0, 256], sizes = [1, 256], strides = [1, 1]} : vector<1x2048xf32> to vector<1x256xf32>
    %min3A_835 = vector.broadcast %reshape3A_825 : vector<256x1xf32> to vector<256x256xf32>
    %min3A_836 = vector.broadcast %slice3A_832 : vector<1x256xf32> to vector<256x256xf32>
    %min3A_837 = arith.minimumf %min3A_835, %min3A_836 : vector<256x256xf32>
    %max3A_838 = vector.broadcast %reshape3A_821 : vector<256x1xf32> to vector<256x256xf32>
    %max3A_839 = vector.broadcast %slice3A_830 : vector<1x256xf32> to vector<256x256xf32>
    %max3A_840 = arith.maximumf %max3A_838, %max3A_839 : vector<256x256xf32>
    %sub3A_841 = arith.subf %min3A_837, %max3A_840 : vector<256x256xf32>
    %max3A_842 = arith.constant 0.000000e+00 : f32
    %max3A_843 = vector.broadcast %max3A_842 : f32 to vector<256x256xf32>
    %max3A_844 = arith.maximumf %sub3A_841, %max3A_843 : vector<256x256xf32>
    %min3A_845 = vector.broadcast %reshape3A_827 : vector<256x1xf32> to vector<256x256xf32>
    %min3A_846 = vector.broadcast %slice3A_833 : vector<1x256xf32> to vector<256x256xf32>
    %min3A_847 = arith.minimumf %min3A_845, %min3A_846 : vector<256x256xf32>
    %max3A_848 = vector.broadcast %reshape3A_823 : vector<256x1xf32> to vector<256x256xf32>
    %max3A_849 = vector.broadcast %slice3A_831 : vector<1x256xf32> to vector<256x256xf32>
    %max3A_850 = arith.maximumf %max3A_848, %max3A_849 : vector<256x256xf32>
    %sub3A_851 = arith.subf %min3A_847, %max3A_850 : vector<256x256xf32>
    %max3A_852 = arith.constant 0.000000e+00 : f32
    %max3A_853 = vector.broadcast %max3A_852 : f32 to vector<256x256xf32>
    %max3A_854 = arith.maximumf %sub3A_851, %max3A_853 : vector<256x256xf32>
    %mul3A_855 = arith.mulf %max3A_844, %max3A_854 : vector<256x256xf32>
    %add3A_856 = vector.broadcast %reshape3A_829 : vector<256x1xf32> to vector<256x256xf32>
    %add3A_857 = vector.broadcast %slice3A_834 : vector<1x256xf32> to vector<256x256xf32>
    %add3A_858 = arith.addf %add3A_856, %add3A_857 : vector<256x256xf32>
    %sub3A_859 = arith.subf %add3A_858, %mul3A_855 : vector<256x256xf32>
    %max3A_860 = arith.constant 9.99999971E-10 : f32
    %max3A_861 = vector.broadcast %max3A_860 : f32 to vector<256x256xf32>
    %max3A_862 = arith.maximumf %sub3A_859, %max3A_861 : vector<256x256xf32>
    %div3A_863 = arith.divf %mul3A_855, %max3A_862 : vector<256x256xf32>
    %gt3A_864 = arith.constant 0.699999988 : f32
    %gt3A_865 = vector.broadcast %gt3A_864 : f32 to vector<256x256xf32>
    %gt3A_866 = arith.cmpf ogt, %div3A_863, %gt3A_865 : vector<256x256xf32>
    %jit3A_867 = arith.constant 1.000000e+00 : f32
    %jit3A_868 = arith.constant 0.000000e+00 : f32
    %broadcast_in_dim3A_869 = vector.broadcast %jit3A_867 : f32 to vector<256x256xf32>
    %broadcast_in_dim3A_870 = vector.broadcast %jit3A_868 : f32 to vector<256x256xf32>
    %select_n3A_871 = arith.select %gt3A_866, %broadcast_in_dim3A_869, %broadcast_in_dim3A_870 : vector<256x256xi1>, vector<256x256xf32>
    %mul3A_872 = vector.broadcast %while3A_615#0 : vector<1x256xf32> to vector<256x256xf32>
    %mul3A_873 = arith.mulf %select_n3A_871, %mul3A_872 : vector<256x256xf32>
    %reduce_max3A_874 = arith.constant dense<0xFF800000> : vector<256xf32>
    %reduce_max3A_875 = vector.multi_reduction <maximumf>, %mul3A_873, %reduce_max3A_874 [1] : vector<256x256xf32> to vector<256xf32>
    %get3A_876 = arith.constant 0 : index
    %get3A_877 = arith.constant 1280 : index
    %get3A_878 = vector.load %arg4[%get3A_876, %get3A_877] : memref<1x2048xf32, #tpu.memory_space<vmem>>, vector<1x256xf32>
    %reshape3A_879 = vector.shape_cast %reduce_max3A_875 : vector<256xf32> to vector<1x256xf32>
    %sub3A_880 = arith.constant 1.000000e+00 : f32
    %sub3A_881 = vector.broadcast %sub3A_880 : f32 to vector<1x256xf32>
    %sub3A_882 = arith.subf %sub3A_881, %reshape3A_879 : vector<1x256xf32>
    %mul3A_883 = arith.mulf %get3A_878, %sub3A_882 : vector<1x256xf32>
    %swap3A_884 = arith.constant 0 : index
    %swap3A_885 = arith.constant 1280 : index
    %swap3A_886 = vector.load %arg4[%swap3A_884, %swap3A_885] : memref<1x2048xf32, #tpu.memory_space<vmem>>, vector<1x256xf32>
    tpu.vector_store %arg4[%swap3A_884, %swap3A_885], %mul3A_883 {strides = array<i32>} : memref<1x2048xf32, #tpu.memory_space<vmem>>, vector<1x256xf32>,
    %slice3A_887 = vector.extract_strided_slice %get3A_3 {offsets = [0, 1536], sizes = [1, 256], strides = [1, 1]} : vector<1x2048xf32> to vector<1x256xf32>
    %reshape3A_888 = vector.shape_cast %slice3A_887 : vector<1x256xf32> to vector<256x1xf32>
    %slice3A_889 = vector.extract_strided_slice %get3A_8 {offsets = [0, 1536], sizes = [1, 256], strides = [1, 1]} : vector<1x2048xf32> to vector<1x256xf32>
    %reshape3A_890 = vector.shape_cast %slice3A_889 : vector<1x256xf32> to vector<256x1xf32>
    %slice3A_891 = vector.extract_strided_slice %get3A_13 {offsets = [0, 1536], sizes = [1, 256], strides = [1, 1]} : vector<1x2048xf32> to vector<1x256xf32>
    %reshape3A_892 = vector.shape_cast %slice3A_891 : vector<1x256xf32> to vector<256x1xf32>
    %slice3A_893 = vector.extract_strided_slice %get3A_18 {offsets = [0, 1536], sizes = [1, 256], strides = [1, 1]} : vector<1x2048xf32> to vector<1x256xf32>
    %reshape3A_894 = vector.shape_cast %slice3A_893 : vector<1x256xf32> to vector<256x1xf32>
    %slice3A_895 = vector.extract_strided_slice %mul3A {offsets = [0, 1536], sizes = [1, 256], strides = [1, 1]} : vector<1x2048xf32> to vector<1x256xf32>
    %reshape3A_896 = vector.shape_cast %slice3A_895 : vector<1x256xf32> to vector<256x1xf32>
    %slice3A_897 = vector.extract_strided_slice %get3A_3 {offsets = [0, 256], sizes = [1, 256], strides = [1, 1]} : vector<1x2048xf32> to vector<1x256xf32>
    %slice3A_898 = vector.extract_strided_slice %get3A_8 {offsets = [0, 256], sizes = [1, 256], strides = [1, 1]} : vector<1x2048xf32> to vector<1x256xf32>
    %slice3A_899 = vector.extract_strided_slice %get3A_13 {offsets = [0, 256], sizes = [1, 256], strides = [1, 1]} : vector<1x2048xf32> to vector<1x256xf32>
    %slice3A_900 = vector.extract_strided_slice %get3A_18 {offsets = [0, 256], sizes = [1, 256], strides = [1, 1]} : vector<1x2048xf32> to vector<1x256xf32>
    %slice3A_901 = vector.extract_strided_slice %mul3A {offsets = [0, 256], sizes = [1, 256], strides = [1, 1]} : vector<1x2048xf32> to vector<1x256xf32>
    %min3A_902 = vector.broadcast %reshape3A_892 : vector<256x1xf32> to vector<256x256xf32>
    %min3A_903 = vector.broadcast %slice3A_899 : vector<1x256xf32> to vector<256x256xf32>
    %min3A_904 = arith.minimumf %min3A_902, %min3A_903 : vector<256x256xf32>
    %max3A_905 = vector.broadcast %reshape3A_888 : vector<256x1xf32> to vector<256x256xf32>
    %max3A_906 = vector.broadcast %slice3A_897 : vector<1x256xf32> to vector<256x256xf32>
    %max3A_907 = arith.maximumf %max3A_905, %max3A_906 : vector<256x256xf32>
    %sub3A_908 = arith.subf %min3A_904, %max3A_907 : vector<256x256xf32>
    %max3A_909 = arith.constant 0.000000e+00 : f32
    %max3A_910 = vector.broadcast %max3A_909 : f32 to vector<256x256xf32>
    %max3A_911 = arith.maximumf %sub3A_908, %max3A_910 : vector<256x256xf32>
    %min3A_912 = vector.broadcast %reshape3A_894 : vector<256x1xf32> to vector<256x256xf32>
    %min3A_913 = vector.broadcast %slice3A_900 : vector<1x256xf32> to vector<256x256xf32>
    %min3A_914 = arith.minimumf %min3A_912, %min3A_913 : vector<256x256xf32>
    %max3A_915 = vector.broadcast %reshape3A_890 : vector<256x1xf32> to vector<256x256xf32>
    %max3A_916 = vector.broadcast %slice3A_898 : vector<1x256xf32> to vector<256x256xf32>
    %max3A_917 = arith.maximumf %max3A_915, %max3A_916 : vector<256x256xf32>
    %sub3A_918 = arith.subf %min3A_914, %max3A_917 : vector<256x256xf32>
    %max3A_919 = arith.constant 0.000000e+00 : f32
    %max3A_920 = vector.broadcast %max3A_919 : f32 to vector<256x256xf32>
    %max3A_921 = arith.maximumf %sub3A_918, %max3A_920 : vector<256x256xf32>
    %mul3A_922 = arith.mulf %max3A_911, %max3A_921 : vector<256x256xf32>
    %add3A_923 = vector.broadcast %reshape3A_896 : vector<256x1xf32> to vector<256x256xf32>
    %add3A_924 = vector.broadcast %slice3A_901 : vector<1x256xf32> to vector<256x256xf32>
    %add3A_925 = arith.addf %add3A_923, %add3A_924 : vector<256x256xf32>
    %sub3A_926 = arith.subf %add3A_925, %mul3A_922 : vector<256x256xf32>
    %max3A_927 = arith.constant 9.99999971E-10 : f32
    %max3A_928 = vector.broadcast %max3A_927 : f32 to vector<256x256xf32>
    %max3A_929 = arith.maximumf %sub3A_926, %max3A_928 : vector<256x256xf32>
    %div3A_930 = arith.divf %mul3A_922, %max3A_929 : vector<256x256xf32>
    %gt3A_931 = arith.constant 0.699999988 : f32
    %gt3A_932 = vector.broadcast %gt3A_931 : f32 to vector<256x256xf32>
    %gt3A_933 = arith.cmpf ogt, %div3A_930, %gt3A_932 : vector<256x256xf32>
    %jit3A_934 = arith.constant 1.000000e+00 : f32
    %jit3A_935 = arith.constant 0.000000e+00 : f32
    %broadcast_in_dim3A_936 = vector.broadcast %jit3A_934 : f32 to vector<256x256xf32>
    %broadcast_in_dim3A_937 = vector.broadcast %jit3A_935 : f32 to vector<256x256xf32>
    %select_n3A_938 = arith.select %gt3A_933, %broadcast_in_dim3A_936, %broadcast_in_dim3A_937 : vector<256x256xi1>, vector<256x256xf32>
    %mul3A_939 = vector.broadcast %while3A_615#0 : vector<1x256xf32> to vector<256x256xf32>
    %mul3A_940 = arith.mulf %select_n3A_938, %mul3A_939 : vector<256x256xf32>
    %reduce_max3A_941 = arith.constant dense<0xFF800000> : vector<256xf32>
    %reduce_max3A_942 = vector.multi_reduction <maximumf>, %mul3A_940, %reduce_max3A_941 [1] : vector<256x256xf32> to vector<256xf32>
    %get3A_943 = arith.constant 0 : index
    %get3A_944 = arith.constant 1536 : index
    %get3A_945 = vector.load %arg4[%get3A_943, %get3A_944] : memref<1x2048xf32, #tpu.memory_space<vmem>>, vector<1x256xf32>
    %reshape3A_946 = vector.shape_cast %reduce_max3A_942 : vector<256xf32> to vector<1x256xf32>
    %sub3A_947 = arith.constant 1.000000e+00 : f32
    %sub3A_948 = vector.broadcast %sub3A_947 : f32 to vector<1x256xf32>
    %sub3A_949 = arith.subf %sub3A_948, %reshape3A_946 : vector<1x256xf32>
    %mul3A_950 = arith.mulf %get3A_945, %sub3A_949 : vector<1x256xf32>
    %swap3A_951 = arith.constant 0 : index
    %swap3A_952 = arith.constant 1536 : index
    %swap3A_953 = vector.load %arg4[%swap3A_951, %swap3A_952] : memref<1x2048xf32, #tpu.memory_space<vmem>>, vector<1x256xf32>
    tpu.vector_store %arg4[%swap3A_951, %swap3A_952], %mul3A_950 {strides = array<i32>} : memref<1x2048xf32, #tpu.memory_space<vmem>>, vector<1x256xf32>,
    %slice3A_954 = vector.extract_strided_slice %get3A_3 {offsets = [0, 1792], sizes = [1, 256], strides = [1, 1]} : vector<1x2048xf32> to vector<1x256xf32>
    %reshape3A_955 = vector.shape_cast %slice3A_954 : vector<1x256xf32> to vector<256x1xf32>
    %slice3A_956 = vector.extract_strided_slice %get3A_8 {offsets = [0, 1792], sizes = [1, 256], strides = [1, 1]} : vector<1x2048xf32> to vector<1x256xf32>
    %reshape3A_957 = vector.shape_cast %slice3A_956 : vector<1x256xf32> to vector<256x1xf32>
    %slice3A_958 = vector.extract_strided_slice %get3A_13 {offsets = [0, 1792], sizes = [1, 256], strides = [1, 1]} : vector<1x2048xf32> to vector<1x256xf32>
    %reshape3A_959 = vector.shape_cast %slice3A_958 : vector<1x256xf32> to vector<256x1xf32>
    %slice3A_960 = vector.extract_strided_slice %get3A_18 {offsets = [0, 1792], sizes = [1, 256], strides = [1, 1]} : vector<1x2048xf32> to vector<1x256xf32>
    %reshape3A_961 = vector.shape_cast %slice3A_960 : vector<1x256xf32> to vector<256x1xf32>
    %slice3A_962 = vector.extract_strided_slice %mul3A {offsets = [0, 1792], sizes = [1, 256], strides = [1, 1]} : vector<1x2048xf32> to vector<1x256xf32>
    %reshape3A_963 = vector.shape_cast %slice3A_962 : vector<1x256xf32> to vector<256x1xf32>
    %slice3A_964 = vector.extract_strided_slice %get3A_3 {offsets = [0, 256], sizes = [1, 256], strides = [1, 1]} : vector<1x2048xf32> to vector<1x256xf32>
    %slice3A_965 = vector.extract_strided_slice %get3A_8 {offsets = [0, 256], sizes = [1, 256], strides = [1, 1]} : vector<1x2048xf32> to vector<1x256xf32>
    %slice3A_966 = vector.extract_strided_slice %get3A_13 {offsets = [0, 256], sizes = [1, 256], strides = [1, 1]} : vector<1x2048xf32> to vector<1x256xf32>
    %slice3A_967 = vector.extract_strided_slice %get3A_18 {offsets = [0, 256], sizes = [1, 256], strides = [1, 1]} : vector<1x2048xf32> to vector<1x256xf32>
    %slice3A_968 = vector.extract_strided_slice %mul3A {offsets = [0, 256], sizes = [1, 256], strides = [1, 1]} : vector<1x2048xf32> to vector<1x256xf32>
    %min3A_969 = vector.broadcast %reshape3A_959 : vector<256x1xf32> to vector<256x256xf32>
    %min3A_970 = vector.broadcast %slice3A_966 : vector<1x256xf32> to vector<256x256xf32>
    %min3A_971 = arith.minimumf %min3A_969, %min3A_970 : vector<256x256xf32>
    %max3A_972 = vector.broadcast %reshape3A_955 : vector<256x1xf32> to vector<256x256xf32>
    %max3A_973 = vector.broadcast %slice3A_964 : vector<1x256xf32> to vector<256x256xf32>
    %max3A_974 = arith.maximumf %max3A_972, %max3A_973 : vector<256x256xf32>
    %sub3A_975 = arith.subf %min3A_971, %max3A_974 : vector<256x256xf32>
    %max3A_976 = arith.constant 0.000000e+00 : f32
    %max3A_977 = vector.broadcast %max3A_976 : f32 to vector<256x256xf32>
    %max3A_978 = arith.maximumf %sub3A_975, %max3A_977 : vector<256x256xf32>
    %min3A_979 = vector.broadcast %reshape3A_961 : vector<256x1xf32> to vector<256x256xf32>
    %min3A_980 = vector.broadcast %slice3A_967 : vector<1x256xf32> to vector<256x256xf32>
    %min3A_981 = arith.minimumf %min3A_979, %min3A_980 : vector<256x256xf32>
    %max3A_982 = vector.broadcast %reshape3A_957 : vector<256x1xf32> to vector<256x256xf32>
    %max3A_983 = vector.broadcast %slice3A_965 : vector<1x256xf32> to vector<256x256xf32>
    %max3A_984 = arith.maximumf %max3A_982, %max3A_983 : vector<256x256xf32>
    %sub3A_985 = arith.subf %min3A_981, %max3A_984 : vector<256x256xf32>
    %max3A_986 = arith.constant 0.000000e+00 : f32
    %max3A_987 = vector.broadcast %max3A_986 : f32 to vector<256x256xf32>
    %max3A_988 = arith.maximumf %sub3A_985, %max3A_987 : vector<256x256xf32>
    %mul3A_989 = arith.mulf %max3A_978, %max3A_988 : vector<256x256xf32>
    %add3A_990 = vector.broadcast %reshape3A_963 : vector<256x1xf32> to vector<256x256xf32>
    %add3A_991 = vector.broadcast %slice3A_968 : vector<1x256xf32> to vector<256x256xf32>
    %add3A_992 = arith.addf %add3A_990, %add3A_991 : vector<256x256xf32>
    %sub3A_993 = arith.subf %add3A_992, %mul3A_989 : vector<256x256xf32>
    %max3A_994 = arith.constant 9.99999971E-10 : f32
    %max3A_995 = vector.broadcast %max3A_994 : f32 to vector<256x256xf32>
    %max3A_996 = arith.maximumf %sub3A_993, %max3A_995 : vector<256x256xf32>
    %div3A_997 = arith.divf %mul3A_989, %max3A_996 : vector<256x256xf32>
    %gt3A_998 = arith.constant 0.699999988 : f32
    %gt3A_999 = vector.broadcast %gt3A_998 : f32 to vector<256x256xf32>
    %gt3A_1000 = arith.cmpf ogt, %div3A_997, %gt3A_999 : vector<256x256xf32>
    %jit3A_1001 = arith.constant 1.000000e+00 : f32
    %jit3A_1002 = arith.constant 0.000000e+00 : f32
    %broadcast_in_dim3A_1003 = vector.broadcast %jit3A_1001 : f32 to vector<256x256xf32>
    %broadcast_in_dim3A_1004 = vector.broadcast %jit3A_1002 : f32 to vector<256x256xf32>
    %select_n3A_1005 = arith.select %gt3A_1000, %broadcast_in_dim3A_1003, %broadcast_in_dim3A_1004 : vector<256x256xi1>, vector<256x256xf32>
    %mul3A_1006 = vector.broadcast %while3A_615#0 : vector<1x256xf32> to vector<256x256xf32>
    %mul3A_1007 = arith.mulf %select_n3A_1005, %mul3A_1006 : vector<256x256xf32>
    %reduce_max3A_1008 = arith.constant dense<0xFF800000> : vector<256xf32>
    %reduce_max3A_1009 = vector.multi_reduction <maximumf>, %mul3A_1007, %reduce_max3A_1008 [1] : vector<256x256xf32> to vector<256xf32>
    %get3A_1010 = arith.constant 0 : index
    %get3A_1011 = arith.constant 1792 : index
    %get3A_1012 = vector.load %arg4[%get3A_1010, %get3A_1011] : memref<1x2048xf32, #tpu.memory_space<vmem>>, vector<1x256xf32>
    %reshape3A_1013 = vector.shape_cast %reduce_max3A_1009 : vector<256xf32> to vector<1x256xf32>
    %sub3A_1014 = arith.constant 1.000000e+00 : f32
    %sub3A_1015 = vector.broadcast %sub3A_1014 : f32 to vector<1x256xf32>
    %sub3A_1016 = arith.subf %sub3A_1015, %reshape3A_1013 : vector<1x256xf32>
    %mul3A_1017 = arith.mulf %get3A_1012, %sub3A_1016 : vector<1x256xf32>
    %swap3A_1018 = arith.constant 0 : index
    %swap3A_1019 = arith.constant 1792 : index
    %swap3A_1020 = vector.load %arg4[%swap3A_1018, %swap3A_1019] : memref<1x2048xf32, #tpu.memory_space<vmem>>, vector<1x256xf32>
    tpu.vector_store %arg4[%swap3A_1018, %swap3A_1019], %mul3A_1017 {strides = array<i32>} : memref<1x2048xf32, #tpu.memory_space<vmem>>, vector<1x256xf32>,
    %slice3A_1021 = vector.extract_strided_slice %get3A_3 {offsets = [0, 512], sizes = [1, 256], strides = [1, 1]} : vector<1x2048xf32> to vector<1x256xf32>
    %reshape3A_1022 = vector.shape_cast %slice3A_1021 : vector<1x256xf32> to vector<256x1xf32>
    %slice3A_1023 = vector.extract_strided_slice %get3A_8 {offsets = [0, 512], sizes = [1, 256], strides = [1, 1]} : vector<1x2048xf32> to vector<1x256xf32>
    %reshape3A_1024 = vector.shape_cast %slice3A_1023 : vector<1x256xf32> to vector<256x1xf32>
    %slice3A_1025 = vector.extract_strided_slice %get3A_13 {offsets = [0, 512], sizes = [1, 256], strides = [1, 1]} : vector<1x2048xf32> to vector<1x256xf32>
    %reshape3A_1026 = vector.shape_cast %slice3A_1025 : vector<1x256xf32> to vector<256x1xf32>
    %slice3A_1027 = vector.extract_strided_slice %get3A_18 {offsets = [0, 512], sizes = [1, 256], strides = [1, 1]} : vector<1x2048xf32> to vector<1x256xf32>
    %reshape3A_1028 = vector.shape_cast %slice3A_1027 : vector<1x256xf32> to vector<256x1xf32>
    %slice3A_1029 = vector.extract_strided_slice %mul3A {offsets = [0, 512], sizes = [1, 256], strides = [1, 1]} : vector<1x2048xf32> to vector<1x256xf32>
    %reshape3A_1030 = vector.shape_cast %slice3A_1029 : vector<1x256xf32> to vector<256x1xf32>
    %slice3A_1031 = vector.extract_strided_slice %get3A_3 {offsets = [0, 512], sizes = [1, 256], strides = [1, 1]} : vector<1x2048xf32> to vector<1x256xf32>
    %slice3A_1032 = vector.extract_strided_slice %get3A_8 {offsets = [0, 512], sizes = [1, 256], strides = [1, 1]} : vector<1x2048xf32> to vector<1x256xf32>
    %slice3A_1033 = vector.extract_strided_slice %get3A_13 {offsets = [0, 512], sizes = [1, 256], strides = [1, 1]} : vector<1x2048xf32> to vector<1x256xf32>
    %slice3A_1034 = vector.extract_strided_slice %get3A_18 {offsets = [0, 512], sizes = [1, 256], strides = [1, 1]} : vector<1x2048xf32> to vector<1x256xf32>
    %slice3A_1035 = vector.extract_strided_slice %mul3A {offsets = [0, 512], sizes = [1, 256], strides = [1, 1]} : vector<1x2048xf32> to vector<1x256xf32>
    %min3A_1036 = vector.broadcast %reshape3A_1026 : vector<256x1xf32> to vector<256x256xf32>
    %min3A_1037 = vector.broadcast %slice3A_1033 : vector<1x256xf32> to vector<256x256xf32>
    %min3A_1038 = arith.minimumf %min3A_1036, %min3A_1037 : vector<256x256xf32>
    %max3A_1039 = vector.broadcast %reshape3A_1022 : vector<256x1xf32> to vector<256x256xf32>
    %max3A_1040 = vector.broadcast %slice3A_1031 : vector<1x256xf32> to vector<256x256xf32>
    %max3A_1041 = arith.maximumf %max3A_1039, %max3A_1040 : vector<256x256xf32>
    %sub3A_1042 = arith.subf %min3A_1038, %max3A_1041 : vector<256x256xf32>
    %max3A_1043 = arith.constant 0.000000e+00 : f32
    %max3A_1044 = vector.broadcast %max3A_1043 : f32 to vector<256x256xf32>
    %max3A_1045 = arith.maximumf %sub3A_1042, %max3A_1044 : vector<256x256xf32>
    %min3A_1046 = vector.broadcast %reshape3A_1028 : vector<256x1xf32> to vector<256x256xf32>
    %min3A_1047 = vector.broadcast %slice3A_1034 : vector<1x256xf32> to vector<256x256xf32>
    %min3A_1048 = arith.minimumf %min3A_1046, %min3A_1047 : vector<256x256xf32>
    %max3A_1049 = vector.broadcast %reshape3A_1024 : vector<256x1xf32> to vector<256x256xf32>
    %max3A_1050 = vector.broadcast %slice3A_1032 : vector<1x256xf32> to vector<256x256xf32>
    %max3A_1051 = arith.maximumf %max3A_1049, %max3A_1050 : vector<256x256xf32>
    %sub3A_1052 = arith.subf %min3A_1048, %max3A_1051 : vector<256x256xf32>
    %max3A_1053 = arith.constant 0.000000e+00 : f32
    %max3A_1054 = vector.broadcast %max3A_1053 : f32 to vector<256x256xf32>
    %max3A_1055 = arith.maximumf %sub3A_1052, %max3A_1054 : vector<256x256xf32>
    %mul3A_1056 = arith.mulf %max3A_1045, %max3A_1055 : vector<256x256xf32>
    %add3A_1057 = vector.broadcast %reshape3A_1030 : vector<256x1xf32> to vector<256x256xf32>
    %add3A_1058 = vector.broadcast %slice3A_1035 : vector<1x256xf32> to vector<256x256xf32>
    %add3A_1059 = arith.addf %add3A_1057, %add3A_1058 : vector<256x256xf32>
    %sub3A_1060 = arith.subf %add3A_1059, %mul3A_1056 : vector<256x256xf32>
    %max3A_1061 = arith.constant 9.99999971E-10 : f32
    %max3A_1062 = vector.broadcast %max3A_1061 : f32 to vector<256x256xf32>
    %max3A_1063 = arith.maximumf %sub3A_1060, %max3A_1062 : vector<256x256xf32>
    %div3A_1064 = arith.divf %mul3A_1056, %max3A_1063 : vector<256x256xf32>
    %iota3A_1065 = tpu.iota {dimensions = array<i32: 1>} : vector<1x256xi32>
    %iota3A_1066 = tpu.iota {dimensions = array<i32: 0>} : vector<256x1xi32>
    %gt3A_1067 = arith.constant 0.699999988 : f32
    %gt3A_1068 = vector.broadcast %gt3A_1067 : f32 to vector<256x256xf32>
    %gt3A_1069 = arith.cmpf ogt, %div3A_1064, %gt3A_1068 : vector<256x256xf32>
    %lt3A_1070 = vector.broadcast %iota3A_1065 : vector<1x256xi32> to vector<256x256xi32>
    %lt3A_1071 = vector.broadcast %iota3A_1066 : vector<256x1xi32> to vector<256x256xi32>
    %lt3A_1072 = arith.cmpi slt, %lt3A_1070, %lt3A_1071 : vector<256x256xi32>
    %and3A_1073 = arith.andi %gt3A_1069, %lt3A_1072 : vector<256x256xi1>
    %jit3A_1074 = arith.constant 1.000000e+00 : f32
    %jit3A_1075 = arith.constant 0.000000e+00 : f32
    %broadcast_in_dim3A_1076 = vector.broadcast %jit3A_1074 : f32 to vector<256x256xf32>
    %broadcast_in_dim3A_1077 = vector.broadcast %jit3A_1075 : f32 to vector<256x256xf32>
    %select_n3A_1078 = arith.select %and3A_1073, %broadcast_in_dim3A_1076, %broadcast_in_dim3A_1077 : vector<256x256xi1>, vector<256x256xf32>
    %get3A_1079 = arith.constant 0 : index
    %get3A_1080 = arith.constant 512 : index
    %get3A_1081 = vector.load %arg4[%get3A_1079, %get3A_1080] : memref<1x2048xf32, #tpu.memory_space<vmem>>, vector<1x256xf32>
    %while3A_1082 = arith.constant true
    %while3A_1083 = arith.constant 0 : i32
    %while3A_1084:3 = scf.while (%while3A_2503 = %get3A_1081, %while3A_2504 = %while3A_1082, %while3A_2505 = %while3A_1083) : (vector<1x256xf32>, i1, i32) -> (vector<1x256xf32>, i1, i32) {
      %lt3A_2506 = arith.constant 258 : i32
      %lt3A_2507 = arith.cmpi slt, %while3A_2505, %lt3A_2506 : i32
      %and3A_2508 = arith.andi %while3A_2504, %lt3A_2507 : i1
      scf.condition(%and3A_2508) %while3A_2503, %while3A_2504, %while3A_2505 : vector<1x256xf32>, i1, i32
    } do {
    ^bb0(%while3A_2503: vector<1x256xf32>, %while3A_2504: i1, %while3A_2505: i32):
      %mul3A_2506 = vector.broadcast %while3A_2503 : vector<1x256xf32> to vector<256x256xf32>
      %mul3A_2507 = arith.mulf %select_n3A_1078, %mul3A_2506 : vector<256x256xf32>
      %reduce_max3A_2508 = arith.constant dense<0xFF800000> : vector<256xf32>
      %reduce_max3A_2509 = vector.multi_reduction <maximumf>, %mul3A_2507, %reduce_max3A_2508 [1] : vector<256x256xf32> to vector<256xf32>
      %reshape3A_2510 = vector.shape_cast %reduce_max3A_2509 : vector<256xf32> to vector<1x256xf32>
      %sub3A_2511 = arith.constant 1.000000e+00 : f32
      %sub3A_2512 = vector.broadcast %sub3A_2511 : f32 to vector<1x256xf32>
      %sub3A_2513 = arith.subf %sub3A_2512, %reshape3A_2510 : vector<1x256xf32>
      %mul3A_2514 = arith.mulf %get3A_1081, %sub3A_2513 : vector<1x256xf32>
      %ne3A = arith.cmpf one, %mul3A_2514, %while3A_2503 : vector<1x256xf32>
      %reduce_or3A = arith.constant 1.000000e+00 : f32
      %reduce_or3A_2515 = arith.constant 0.000000e+00 : f32
      %reduce_or3A_2516 = vector.broadcast %reduce_or3A : f32 to vector<1x256xf32>
      %reduce_or3A_2517 = vector.broadcast %reduce_or3A_2515 : f32 to vector<1x256xf32>
      %reduce_or3A_2518 = arith.select %ne3A, %reduce_or3A_2516, %reduce_or3A_2517 : vector<1x256xi1>, vector<1x256xf32>
      %reduce_or3A_2519 = vector.shape_cast %reduce_or3A_2518 : vector<1x256xf32> to vector<1x1x256xf32>
      %reduce_or3A_2520 = arith.constant dense<0xFF800000> : vector<1xf32>
      %reduce_or3A_2521 = vector.multi_reduction <maximumf>, %reduce_or3A_2519, %reduce_or3A_2520 [1, 2] : vector<1x1x256xf32> to vector<1xf32>
      %reduce_or3A_2522 = vector.shape_cast %reduce_or3A_2521 : vector<1xf32> to vector<1x1x1xf32>
      %reduce_or3A_2523 = vector.extract %reduce_or3A_2522[0, 0, 0] : f32 from vector<1x1x1xf32>
      %reduce_or3A_2524 = arith.constant 0.000000e+00 : f32
      %reduce_or3A_2525 = arith.cmpf ogt, %reduce_or3A_2523, %reduce_or3A_2524 : f32
      %add3A_2526 = arith.constant 1 : i32
      %add3A_2527 = arith.addi %while3A_2505, %add3A_2526 : i32
      scf.yield %mul3A_2514, %reduce_or3A_2525, %add3A_2527 : vector<1x256xf32>, i1, i32
    }
    %swap3A_1085 = arith.constant 0 : index
    %swap3A_1086 = arith.constant 512 : index
    %swap3A_1087 = vector.load %arg4[%swap3A_1085, %swap3A_1086] : memref<1x2048xf32, #tpu.memory_space<vmem>>, vector<1x256xf32>
    tpu.vector_store %arg4[%swap3A_1085, %swap3A_1086], %while3A_1084#0 {strides = array<i32>} : memref<1x2048xf32, #tpu.memory_space<vmem>>, vector<1x256xf32>,
    %slice3A_1088 = vector.extract_strided_slice %get3A_3 {offsets = [0, 768], sizes = [1, 256], strides = [1, 1]} : vector<1x2048xf32> to vector<1x256xf32>
    %reshape3A_1089 = vector.shape_cast %slice3A_1088 : vector<1x256xf32> to vector<256x1xf32>
    %slice3A_1090 = vector.extract_strided_slice %get3A_8 {offsets = [0, 768], sizes = [1, 256], strides = [1, 1]} : vector<1x2048xf32> to vector<1x256xf32>
    %reshape3A_1091 = vector.shape_cast %slice3A_1090 : vector<1x256xf32> to vector<256x1xf32>
    %slice3A_1092 = vector.extract_strided_slice %get3A_13 {offsets = [0, 768], sizes = [1, 256], strides = [1, 1]} : vector<1x2048xf32> to vector<1x256xf32>
    %reshape3A_1093 = vector.shape_cast %slice3A_1092 : vector<1x256xf32> to vector<256x1xf32>
    %slice3A_1094 = vector.extract_strided_slice %get3A_18 {offsets = [0, 768], sizes = [1, 256], strides = [1, 1]} : vector<1x2048xf32> to vector<1x256xf32>
    %reshape3A_1095 = vector.shape_cast %slice3A_1094 : vector<1x256xf32> to vector<256x1xf32>
    %slice3A_1096 = vector.extract_strided_slice %mul3A {offsets = [0, 768], sizes = [1, 256], strides = [1, 1]} : vector<1x2048xf32> to vector<1x256xf32>
    %reshape3A_1097 = vector.shape_cast %slice3A_1096 : vector<1x256xf32> to vector<256x1xf32>
    %slice3A_1098 = vector.extract_strided_slice %get3A_3 {offsets = [0, 512], sizes = [1, 256], strides = [1, 1]} : vector<1x2048xf32> to vector<1x256xf32>
    %slice3A_1099 = vector.extract_strided_slice %get3A_8 {offsets = [0, 512], sizes = [1, 256], strides = [1, 1]} : vector<1x2048xf32> to vector<1x256xf32>
    %slice3A_1100 = vector.extract_strided_slice %get3A_13 {offsets = [0, 512], sizes = [1, 256], strides = [1, 1]} : vector<1x2048xf32> to vector<1x256xf32>
    %slice3A_1101 = vector.extract_strided_slice %get3A_18 {offsets = [0, 512], sizes = [1, 256], strides = [1, 1]} : vector<1x2048xf32> to vector<1x256xf32>
    %slice3A_1102 = vector.extract_strided_slice %mul3A {offsets = [0, 512], sizes = [1, 256], strides = [1, 1]} : vector<1x2048xf32> to vector<1x256xf32>
    %min3A_1103 = vector.broadcast %reshape3A_1093 : vector<256x1xf32> to vector<256x256xf32>
    %min3A_1104 = vector.broadcast %slice3A_1100 : vector<1x256xf32> to vector<256x256xf32>
    %min3A_1105 = arith.minimumf %min3A_1103, %min3A_1104 : vector<256x256xf32>
    %max3A_1106 = vector.broadcast %reshape3A_1089 : vector<256x1xf32> to vector<256x256xf32>
    %max3A_1107 = vector.broadcast %slice3A_1098 : vector<1x256xf32> to vector<256x256xf32>
    %max3A_1108 = arith.maximumf %max3A_1106, %max3A_1107 : vector<256x256xf32>
    %sub3A_1109 = arith.subf %min3A_1105, %max3A_1108 : vector<256x256xf32>
    %max3A_1110 = arith.constant 0.000000e+00 : f32
    %max3A_1111 = vector.broadcast %max3A_1110 : f32 to vector<256x256xf32>
    %max3A_1112 = arith.maximumf %sub3A_1109, %max3A_1111 : vector<256x256xf32>
    %min3A_1113 = vector.broadcast %reshape3A_1095 : vector<256x1xf32> to vector<256x256xf32>
    %min3A_1114 = vector.broadcast %slice3A_1101 : vector<1x256xf32> to vector<256x256xf32>
    %min3A_1115 = arith.minimumf %min3A_1113, %min3A_1114 : vector<256x256xf32>
    %max3A_1116 = vector.broadcast %reshape3A_1091 : vector<256x1xf32> to vector<256x256xf32>
    %max3A_1117 = vector.broadcast %slice3A_1099 : vector<1x256xf32> to vector<256x256xf32>
    %max3A_1118 = arith.maximumf %max3A_1116, %max3A_1117 : vector<256x256xf32>
    %sub3A_1119 = arith.subf %min3A_1115, %max3A_1118 : vector<256x256xf32>
    %max3A_1120 = arith.constant 0.000000e+00 : f32
    %max3A_1121 = vector.broadcast %max3A_1120 : f32 to vector<256x256xf32>
    %max3A_1122 = arith.maximumf %sub3A_1119, %max3A_1121 : vector<256x256xf32>
    %mul3A_1123 = arith.mulf %max3A_1112, %max3A_1122 : vector<256x256xf32>
    %add3A_1124 = vector.broadcast %reshape3A_1097 : vector<256x1xf32> to vector<256x256xf32>
    %add3A_1125 = vector.broadcast %slice3A_1102 : vector<1x256xf32> to vector<256x256xf32>
    %add3A_1126 = arith.addf %add3A_1124, %add3A_1125 : vector<256x256xf32>
    %sub3A_1127 = arith.subf %add3A_1126, %mul3A_1123 : vector<256x256xf32>
    %max3A_1128 = arith.constant 9.99999971E-10 : f32
    %max3A_1129 = vector.broadcast %max3A_1128 : f32 to vector<256x256xf32>
    %max3A_1130 = arith.maximumf %sub3A_1127, %max3A_1129 : vector<256x256xf32>
    %div3A_1131 = arith.divf %mul3A_1123, %max3A_1130 : vector<256x256xf32>
    %gt3A_1132 = arith.constant 0.699999988 : f32
    %gt3A_1133 = vector.broadcast %gt3A_1132 : f32 to vector<256x256xf32>
    %gt3A_1134 = arith.cmpf ogt, %div3A_1131, %gt3A_1133 : vector<256x256xf32>
    %jit3A_1135 = arith.constant 1.000000e+00 : f32
    %jit3A_1136 = arith.constant 0.000000e+00 : f32
    %broadcast_in_dim3A_1137 = vector.broadcast %jit3A_1135 : f32 to vector<256x256xf32>
    %broadcast_in_dim3A_1138 = vector.broadcast %jit3A_1136 : f32 to vector<256x256xf32>
    %select_n3A_1139 = arith.select %gt3A_1134, %broadcast_in_dim3A_1137, %broadcast_in_dim3A_1138 : vector<256x256xi1>, vector<256x256xf32>
    %mul3A_1140 = vector.broadcast %while3A_1084#0 : vector<1x256xf32> to vector<256x256xf32>
    %mul3A_1141 = arith.mulf %select_n3A_1139, %mul3A_1140 : vector<256x256xf32>
    %reduce_max3A_1142 = arith.constant dense<0xFF800000> : vector<256xf32>
    %reduce_max3A_1143 = vector.multi_reduction <maximumf>, %mul3A_1141, %reduce_max3A_1142 [1] : vector<256x256xf32> to vector<256xf32>
    %get3A_1144 = arith.constant 0 : index
    %get3A_1145 = arith.constant 768 : index
    %get3A_1146 = vector.load %arg4[%get3A_1144, %get3A_1145] : memref<1x2048xf32, #tpu.memory_space<vmem>>, vector<1x256xf32>
    %reshape3A_1147 = vector.shape_cast %reduce_max3A_1143 : vector<256xf32> to vector<1x256xf32>
    %sub3A_1148 = arith.constant 1.000000e+00 : f32
    %sub3A_1149 = vector.broadcast %sub3A_1148 : f32 to vector<1x256xf32>
    %sub3A_1150 = arith.subf %sub3A_1149, %reshape3A_1147 : vector<1x256xf32>
    %mul3A_1151 = arith.mulf %get3A_1146, %sub3A_1150 : vector<1x256xf32>
    %swap3A_1152 = arith.constant 0 : index
    %swap3A_1153 = arith.constant 768 : index
    %swap3A_1154 = vector.load %arg4[%swap3A_1152, %swap3A_1153] : memref<1x2048xf32, #tpu.memory_space<vmem>>, vector<1x256xf32>
    tpu.vector_store %arg4[%swap3A_1152, %swap3A_1153], %mul3A_1151 {strides = array<i32>} : memref<1x2048xf32, #tpu.memory_space<vmem>>, vector<1x256xf32>,
    %slice3A_1155 = vector.extract_strided_slice %get3A_3 {offsets = [0, 1024], sizes = [1, 256], strides = [1, 1]} : vector<1x2048xf32> to vector<1x256xf32>
    %reshape3A_1156 = vector.shape_cast %slice3A_1155 : vector<1x256xf32> to vector<256x1xf32>
    %slice3A_1157 = vector.extract_strided_slice %get3A_8 {offsets = [0, 1024], sizes = [1, 256], strides = [1, 1]} : vector<1x2048xf32> to vector<1x256xf32>
    %reshape3A_1158 = vector.shape_cast %slice3A_1157 : vector<1x256xf32> to vector<256x1xf32>
    %slice3A_1159 = vector.extract_strided_slice %get3A_13 {offsets = [0, 1024], sizes = [1, 256], strides = [1, 1]} : vector<1x2048xf32> to vector<1x256xf32>
    %reshape3A_1160 = vector.shape_cast %slice3A_1159 : vector<1x256xf32> to vector<256x1xf32>
    %slice3A_1161 = vector.extract_strided_slice %get3A_18 {offsets = [0, 1024], sizes = [1, 256], strides = [1, 1]} : vector<1x2048xf32> to vector<1x256xf32>
    %reshape3A_1162 = vector.shape_cast %slice3A_1161 : vector<1x256xf32> to vector<256x1xf32>
    %slice3A_1163 = vector.extract_strided_slice %mul3A {offsets = [0, 1024], sizes = [1, 256], strides = [1, 1]} : vector<1x2048xf32> to vector<1x256xf32>
    %reshape3A_1164 = vector.shape_cast %slice3A_1163 : vector<1x256xf32> to vector<256x1xf32>
    %slice3A_1165 = vector.extract_strided_slice %get3A_3 {offsets = [0, 512], sizes = [1, 256], strides = [1, 1]} : vector<1x2048xf32> to vector<1x256xf32>
    %slice3A_1166 = vector.extract_strided_slice %get3A_8 {offsets = [0, 512], sizes = [1, 256], strides = [1, 1]} : vector<1x2048xf32> to vector<1x256xf32>
    %slice3A_1167 = vector.extract_strided_slice %get3A_13 {offsets = [0, 512], sizes = [1, 256], strides = [1, 1]} : vector<1x2048xf32> to vector<1x256xf32>
    %slice3A_1168 = vector.extract_strided_slice %get3A_18 {offsets = [0, 512], sizes = [1, 256], strides = [1, 1]} : vector<1x2048xf32> to vector<1x256xf32>
    %slice3A_1169 = vector.extract_strided_slice %mul3A {offsets = [0, 512], sizes = [1, 256], strides = [1, 1]} : vector<1x2048xf32> to vector<1x256xf32>
    %min3A_1170 = vector.broadcast %reshape3A_1160 : vector<256x1xf32> to vector<256x256xf32>
    %min3A_1171 = vector.broadcast %slice3A_1167 : vector<1x256xf32> to vector<256x256xf32>
    %min3A_1172 = arith.minimumf %min3A_1170, %min3A_1171 : vector<256x256xf32>
    %max3A_1173 = vector.broadcast %reshape3A_1156 : vector<256x1xf32> to vector<256x256xf32>
    %max3A_1174 = vector.broadcast %slice3A_1165 : vector<1x256xf32> to vector<256x256xf32>
    %max3A_1175 = arith.maximumf %max3A_1173, %max3A_1174 : vector<256x256xf32>
    %sub3A_1176 = arith.subf %min3A_1172, %max3A_1175 : vector<256x256xf32>
    %max3A_1177 = arith.constant 0.000000e+00 : f32
    %max3A_1178 = vector.broadcast %max3A_1177 : f32 to vector<256x256xf32>
    %max3A_1179 = arith.maximumf %sub3A_1176, %max3A_1178 : vector<256x256xf32>
    %min3A_1180 = vector.broadcast %reshape3A_1162 : vector<256x1xf32> to vector<256x256xf32>
    %min3A_1181 = vector.broadcast %slice3A_1168 : vector<1x256xf32> to vector<256x256xf32>
    %min3A_1182 = arith.minimumf %min3A_1180, %min3A_1181 : vector<256x256xf32>
    %max3A_1183 = vector.broadcast %reshape3A_1158 : vector<256x1xf32> to vector<256x256xf32>
    %max3A_1184 = vector.broadcast %slice3A_1166 : vector<1x256xf32> to vector<256x256xf32>
    %max3A_1185 = arith.maximumf %max3A_1183, %max3A_1184 : vector<256x256xf32>
    %sub3A_1186 = arith.subf %min3A_1182, %max3A_1185 : vector<256x256xf32>
    %max3A_1187 = arith.constant 0.000000e+00 : f32
    %max3A_1188 = vector.broadcast %max3A_1187 : f32 to vector<256x256xf32>
    %max3A_1189 = arith.maximumf %sub3A_1186, %max3A_1188 : vector<256x256xf32>
    %mul3A_1190 = arith.mulf %max3A_1179, %max3A_1189 : vector<256x256xf32>
    %add3A_1191 = vector.broadcast %reshape3A_1164 : vector<256x1xf32> to vector<256x256xf32>
    %add3A_1192 = vector.broadcast %slice3A_1169 : vector<1x256xf32> to vector<256x256xf32>
    %add3A_1193 = arith.addf %add3A_1191, %add3A_1192 : vector<256x256xf32>
    %sub3A_1194 = arith.subf %add3A_1193, %mul3A_1190 : vector<256x256xf32>
    %max3A_1195 = arith.constant 9.99999971E-10 : f32
    %max3A_1196 = vector.broadcast %max3A_1195 : f32 to vector<256x256xf32>
    %max3A_1197 = arith.maximumf %sub3A_1194, %max3A_1196 : vector<256x256xf32>
    %div3A_1198 = arith.divf %mul3A_1190, %max3A_1197 : vector<256x256xf32>
    %gt3A_1199 = arith.constant 0.699999988 : f32
    %gt3A_1200 = vector.broadcast %gt3A_1199 : f32 to vector<256x256xf32>
    %gt3A_1201 = arith.cmpf ogt, %div3A_1198, %gt3A_1200 : vector<256x256xf32>
    %jit3A_1202 = arith.constant 1.000000e+00 : f32
    %jit3A_1203 = arith.constant 0.000000e+00 : f32
    %broadcast_in_dim3A_1204 = vector.broadcast %jit3A_1202 : f32 to vector<256x256xf32>
    %broadcast_in_dim3A_1205 = vector.broadcast %jit3A_1203 : f32 to vector<256x256xf32>
    %select_n3A_1206 = arith.select %gt3A_1201, %broadcast_in_dim3A_1204, %broadcast_in_dim3A_1205 : vector<256x256xi1>, vector<256x256xf32>
    %mul3A_1207 = vector.broadcast %while3A_1084#0 : vector<1x256xf32> to vector<256x256xf32>
    %mul3A_1208 = arith.mulf %select_n3A_1206, %mul3A_1207 : vector<256x256xf32>
    %reduce_max3A_1209 = arith.constant dense<0xFF800000> : vector<256xf32>
    %reduce_max3A_1210 = vector.multi_reduction <maximumf>, %mul3A_1208, %reduce_max3A_1209 [1] : vector<256x256xf32> to vector<256xf32>
    %get3A_1211 = arith.constant 0 : index
    %get3A_1212 = arith.constant 1024 : index
    %get3A_1213 = vector.load %arg4[%get3A_1211, %get3A_1212] : memref<1x2048xf32, #tpu.memory_space<vmem>>, vector<1x256xf32>
    %reshape3A_1214 = vector.shape_cast %reduce_max3A_1210 : vector<256xf32> to vector<1x256xf32>
    %sub3A_1215 = arith.constant 1.000000e+00 : f32
    %sub3A_1216 = vector.broadcast %sub3A_1215 : f32 to vector<1x256xf32>
    %sub3A_1217 = arith.subf %sub3A_1216, %reshape3A_1214 : vector<1x256xf32>
    %mul3A_1218 = arith.mulf %get3A_1213, %sub3A_1217 : vector<1x256xf32>
    %swap3A_1219 = arith.constant 0 : index
    %swap3A_1220 = arith.constant 1024 : index
    %swap3A_1221 = vector.load %arg4[%swap3A_1219, %swap3A_1220] : memref<1x2048xf32, #tpu.memory_space<vmem>>, vector<1x256xf32>
    tpu.vector_store %arg4[%swap3A_1219, %swap3A_1220], %mul3A_1218 {strides = array<i32>} : memref<1x2048xf32, #tpu.memory_space<vmem>>, vector<1x256xf32>,
    %slice3A_1222 = vector.extract_strided_slice %get3A_3 {offsets = [0, 1280], sizes = [1, 256], strides = [1, 1]} : vector<1x2048xf32> to vector<1x256xf32>
    %reshape3A_1223 = vector.shape_cast %slice3A_1222 : vector<1x256xf32> to vector<256x1xf32>
    %slice3A_1224 = vector.extract_strided_slice %get3A_8 {offsets = [0, 1280], sizes = [1, 256], strides = [1, 1]} : vector<1x2048xf32> to vector<1x256xf32>
    %reshape3A_1225 = vector.shape_cast %slice3A_1224 : vector<1x256xf32> to vector<256x1xf32>
    %slice3A_1226 = vector.extract_strided_slice %get3A_13 {offsets = [0, 1280], sizes = [1, 256], strides = [1, 1]} : vector<1x2048xf32> to vector<1x256xf32>
    %reshape3A_1227 = vector.shape_cast %slice3A_1226 : vector<1x256xf32> to vector<256x1xf32>
    %slice3A_1228 = vector.extract_strided_slice %get3A_18 {offsets = [0, 1280], sizes = [1, 256], strides = [1, 1]} : vector<1x2048xf32> to vector<1x256xf32>
    %reshape3A_1229 = vector.shape_cast %slice3A_1228 : vector<1x256xf32> to vector<256x1xf32>
    %slice3A_1230 = vector.extract_strided_slice %mul3A {offsets = [0, 1280], sizes = [1, 256], strides = [1, 1]} : vector<1x2048xf32> to vector<1x256xf32>
    %reshape3A_1231 = vector.shape_cast %slice3A_1230 : vector<1x256xf32> to vector<256x1xf32>
    %slice3A_1232 = vector.extract_strided_slice %get3A_3 {offsets = [0, 512], sizes = [1, 256], strides = [1, 1]} : vector<1x2048xf32> to vector<1x256xf32>
    %slice3A_1233 = vector.extract_strided_slice %get3A_8 {offsets = [0, 512], sizes = [1, 256], strides = [1, 1]} : vector<1x2048xf32> to vector<1x256xf32>
    %slice3A_1234 = vector.extract_strided_slice %get3A_13 {offsets = [0, 512], sizes = [1, 256], strides = [1, 1]} : vector<1x2048xf32> to vector<1x256xf32>
    %slice3A_1235 = vector.extract_strided_slice %get3A_18 {offsets = [0, 512], sizes = [1, 256], strides = [1, 1]} : vector<1x2048xf32> to vector<1x256xf32>
    %slice3A_1236 = vector.extract_strided_slice %mul3A {offsets = [0, 512], sizes = [1, 256], strides = [1, 1]} : vector<1x2048xf32> to vector<1x256xf32>
    %min3A_1237 = vector.broadcast %reshape3A_1227 : vector<256x1xf32> to vector<256x256xf32>
    %min3A_1238 = vector.broadcast %slice3A_1234 : vector<1x256xf32> to vector<256x256xf32>
    %min3A_1239 = arith.minimumf %min3A_1237, %min3A_1238 : vector<256x256xf32>
    %max3A_1240 = vector.broadcast %reshape3A_1223 : vector<256x1xf32> to vector<256x256xf32>
    %max3A_1241 = vector.broadcast %slice3A_1232 : vector<1x256xf32> to vector<256x256xf32>
    %max3A_1242 = arith.maximumf %max3A_1240, %max3A_1241 : vector<256x256xf32>
    %sub3A_1243 = arith.subf %min3A_1239, %max3A_1242 : vector<256x256xf32>
    %max3A_1244 = arith.constant 0.000000e+00 : f32
    %max3A_1245 = vector.broadcast %max3A_1244 : f32 to vector<256x256xf32>
    %max3A_1246 = arith.maximumf %sub3A_1243, %max3A_1245 : vector<256x256xf32>
    %min3A_1247 = vector.broadcast %reshape3A_1229 : vector<256x1xf32> to vector<256x256xf32>
    %min3A_1248 = vector.broadcast %slice3A_1235 : vector<1x256xf32> to vector<256x256xf32>
    %min3A_1249 = arith.minimumf %min3A_1247, %min3A_1248 : vector<256x256xf32>
    %max3A_1250 = vector.broadcast %reshape3A_1225 : vector<256x1xf32> to vector<256x256xf32>
    %max3A_1251 = vector.broadcast %slice3A_1233 : vector<1x256xf32> to vector<256x256xf32>
    %max3A_1252 = arith.maximumf %max3A_1250, %max3A_1251 : vector<256x256xf32>
    %sub3A_1253 = arith.subf %min3A_1249, %max3A_1252 : vector<256x256xf32>
    %max3A_1254 = arith.constant 0.000000e+00 : f32
    %max3A_1255 = vector.broadcast %max3A_1254 : f32 to vector<256x256xf32>
    %max3A_1256 = arith.maximumf %sub3A_1253, %max3A_1255 : vector<256x256xf32>
    %mul3A_1257 = arith.mulf %max3A_1246, %max3A_1256 : vector<256x256xf32>
    %add3A_1258 = vector.broadcast %reshape3A_1231 : vector<256x1xf32> to vector<256x256xf32>
    %add3A_1259 = vector.broadcast %slice3A_1236 : vector<1x256xf32> to vector<256x256xf32>
    %add3A_1260 = arith.addf %add3A_1258, %add3A_1259 : vector<256x256xf32>
    %sub3A_1261 = arith.subf %add3A_1260, %mul3A_1257 : vector<256x256xf32>
    %max3A_1262 = arith.constant 9.99999971E-10 : f32
    %max3A_1263 = vector.broadcast %max3A_1262 : f32 to vector<256x256xf32>
    %max3A_1264 = arith.maximumf %sub3A_1261, %max3A_1263 : vector<256x256xf32>
    %div3A_1265 = arith.divf %mul3A_1257, %max3A_1264 : vector<256x256xf32>
    %gt3A_1266 = arith.constant 0.699999988 : f32
    %gt3A_1267 = vector.broadcast %gt3A_1266 : f32 to vector<256x256xf32>
    %gt3A_1268 = arith.cmpf ogt, %div3A_1265, %gt3A_1267 : vector<256x256xf32>
    %jit3A_1269 = arith.constant 1.000000e+00 : f32
    %jit3A_1270 = arith.constant 0.000000e+00 : f32
    %broadcast_in_dim3A_1271 = vector.broadcast %jit3A_1269 : f32 to vector<256x256xf32>
    %broadcast_in_dim3A_1272 = vector.broadcast %jit3A_1270 : f32 to vector<256x256xf32>
    %select_n3A_1273 = arith.select %gt3A_1268, %broadcast_in_dim3A_1271, %broadcast_in_dim3A_1272 : vector<256x256xi1>, vector<256x256xf32>
    %mul3A_1274 = vector.broadcast %while3A_1084#0 : vector<1x256xf32> to vector<256x256xf32>
    %mul3A_1275 = arith.mulf %select_n3A_1273, %mul3A_1274 : vector<256x256xf32>
    %reduce_max3A_1276 = arith.constant dense<0xFF800000> : vector<256xf32>
    %reduce_max3A_1277 = vector.multi_reduction <maximumf>, %mul3A_1275, %reduce_max3A_1276 [1] : vector<256x256xf32> to vector<256xf32>
    %get3A_1278 = arith.constant 0 : index
    %get3A_1279 = arith.constant 1280 : index
    %get3A_1280 = vector.load %arg4[%get3A_1278, %get3A_1279] : memref<1x2048xf32, #tpu.memory_space<vmem>>, vector<1x256xf32>
    %reshape3A_1281 = vector.shape_cast %reduce_max3A_1277 : vector<256xf32> to vector<1x256xf32>
    %sub3A_1282 = arith.constant 1.000000e+00 : f32
    %sub3A_1283 = vector.broadcast %sub3A_1282 : f32 to vector<1x256xf32>
    %sub3A_1284 = arith.subf %sub3A_1283, %reshape3A_1281 : vector<1x256xf32>
    %mul3A_1285 = arith.mulf %get3A_1280, %sub3A_1284 : vector<1x256xf32>
    %swap3A_1286 = arith.constant 0 : index
    %swap3A_1287 = arith.constant 1280 : index
    %swap3A_1288 = vector.load %arg4[%swap3A_1286, %swap3A_1287] : memref<1x2048xf32, #tpu.memory_space<vmem>>, vector<1x256xf32>
    tpu.vector_store %arg4[%swap3A_1286, %swap3A_1287], %mul3A_1285 {strides = array<i32>} : memref<1x2048xf32, #tpu.memory_space<vmem>>, vector<1x256xf32>,
    %slice3A_1289 = vector.extract_strided_slice %get3A_3 {offsets = [0, 1536], sizes = [1, 256], strides = [1, 1]} : vector<1x2048xf32> to vector<1x256xf32>
    %reshape3A_1290 = vector.shape_cast %slice3A_1289 : vector<1x256xf32> to vector<256x1xf32>
    %slice3A_1291 = vector.extract_strided_slice %get3A_8 {offsets = [0, 1536], sizes = [1, 256], strides = [1, 1]} : vector<1x2048xf32> to vector<1x256xf32>
    %reshape3A_1292 = vector.shape_cast %slice3A_1291 : vector<1x256xf32> to vector<256x1xf32>
    %slice3A_1293 = vector.extract_strided_slice %get3A_13 {offsets = [0, 1536], sizes = [1, 256], strides = [1, 1]} : vector<1x2048xf32> to vector<1x256xf32>
    %reshape3A_1294 = vector.shape_cast %slice3A_1293 : vector<1x256xf32> to vector<256x1xf32>
    %slice3A_1295 = vector.extract_strided_slice %get3A_18 {offsets = [0, 1536], sizes = [1, 256], strides = [1, 1]} : vector<1x2048xf32> to vector<1x256xf32>
    %reshape3A_1296 = vector.shape_cast %slice3A_1295 : vector<1x256xf32> to vector<256x1xf32>
    %slice3A_1297 = vector.extract_strided_slice %mul3A {offsets = [0, 1536], sizes = [1, 256], strides = [1, 1]} : vector<1x2048xf32> to vector<1x256xf32>
    %reshape3A_1298 = vector.shape_cast %slice3A_1297 : vector<1x256xf32> to vector<256x1xf32>
    %slice3A_1299 = vector.extract_strided_slice %get3A_3 {offsets = [0, 512], sizes = [1, 256], strides = [1, 1]} : vector<1x2048xf32> to vector<1x256xf32>
    %slice3A_1300 = vector.extract_strided_slice %get3A_8 {offsets = [0, 512], sizes = [1, 256], strides = [1, 1]} : vector<1x2048xf32> to vector<1x256xf32>
    %slice3A_1301 = vector.extract_strided_slice %get3A_13 {offsets = [0, 512], sizes = [1, 256], strides = [1, 1]} : vector<1x2048xf32> to vector<1x256xf32>
    %slice3A_1302 = vector.extract_strided_slice %get3A_18 {offsets = [0, 512], sizes = [1, 256], strides = [1, 1]} : vector<1x2048xf32> to vector<1x256xf32>
    %slice3A_1303 = vector.extract_strided_slice %mul3A {offsets = [0, 512], sizes = [1, 256], strides = [1, 1]} : vector<1x2048xf32> to vector<1x256xf32>
    %min3A_1304 = vector.broadcast %reshape3A_1294 : vector<256x1xf32> to vector<256x256xf32>
    %min3A_1305 = vector.broadcast %slice3A_1301 : vector<1x256xf32> to vector<256x256xf32>
    %min3A_1306 = arith.minimumf %min3A_1304, %min3A_1305 : vector<256x256xf32>
    %max3A_1307 = vector.broadcast %reshape3A_1290 : vector<256x1xf32> to vector<256x256xf32>
    %max3A_1308 = vector.broadcast %slice3A_1299 : vector<1x256xf32> to vector<256x256xf32>
    %max3A_1309 = arith.maximumf %max3A_1307, %max3A_1308 : vector<256x256xf32>
    %sub3A_1310 = arith.subf %min3A_1306, %max3A_1309 : vector<256x256xf32>
    %max3A_1311 = arith.constant 0.000000e+00 : f32
    %max3A_1312 = vector.broadcast %max3A_1311 : f32 to vector<256x256xf32>
    %max3A_1313 = arith.maximumf %sub3A_1310, %max3A_1312 : vector<256x256xf32>
    %min3A_1314 = vector.broadcast %reshape3A_1296 : vector<256x1xf32> to vector<256x256xf32>
    %min3A_1315 = vector.broadcast %slice3A_1302 : vector<1x256xf32> to vector<256x256xf32>
    %min3A_1316 = arith.minimumf %min3A_1314, %min3A_1315 : vector<256x256xf32>
    %max3A_1317 = vector.broadcast %reshape3A_1292 : vector<256x1xf32> to vector<256x256xf32>
    %max3A_1318 = vector.broadcast %slice3A_1300 : vector<1x256xf32> to vector<256x256xf32>
    %max3A_1319 = arith.maximumf %max3A_1317, %max3A_1318 : vector<256x256xf32>
    %sub3A_1320 = arith.subf %min3A_1316, %max3A_1319 : vector<256x256xf32>
    %max3A_1321 = arith.constant 0.000000e+00 : f32
    %max3A_1322 = vector.broadcast %max3A_1321 : f32 to vector<256x256xf32>
    %max3A_1323 = arith.maximumf %sub3A_1320, %max3A_1322 : vector<256x256xf32>
    %mul3A_1324 = arith.mulf %max3A_1313, %max3A_1323 : vector<256x256xf32>
    %add3A_1325 = vector.broadcast %reshape3A_1298 : vector<256x1xf32> to vector<256x256xf32>
    %add3A_1326 = vector.broadcast %slice3A_1303 : vector<1x256xf32> to vector<256x256xf32>
    %add3A_1327 = arith.addf %add3A_1325, %add3A_1326 : vector<256x256xf32>
    %sub3A_1328 = arith.subf %add3A_1327, %mul3A_1324 : vector<256x256xf32>
    %max3A_1329 = arith.constant 9.99999971E-10 : f32
    %max3A_1330 = vector.broadcast %max3A_1329 : f32 to vector<256x256xf32>
    %max3A_1331 = arith.maximumf %sub3A_1328, %max3A_1330 : vector<256x256xf32>
    %div3A_1332 = arith.divf %mul3A_1324, %max3A_1331 : vector<256x256xf32>
    %gt3A_1333 = arith.constant 0.699999988 : f32
    %gt3A_1334 = vector.broadcast %gt3A_1333 : f32 to vector<256x256xf32>
    %gt3A_1335 = arith.cmpf ogt, %div3A_1332, %gt3A_1334 : vector<256x256xf32>
    %jit3A_1336 = arith.constant 1.000000e+00 : f32
    %jit3A_1337 = arith.constant 0.000000e+00 : f32
    %broadcast_in_dim3A_1338 = vector.broadcast %jit3A_1336 : f32 to vector<256x256xf32>
    %broadcast_in_dim3A_1339 = vector.broadcast %jit3A_1337 : f32 to vector<256x256xf32>
    %select_n3A_1340 = arith.select %gt3A_1335, %broadcast_in_dim3A_1338, %broadcast_in_dim3A_1339 : vector<256x256xi1>, vector<256x256xf32>
    %mul3A_1341 = vector.broadcast %while3A_1084#0 : vector<1x256xf32> to vector<256x256xf32>
    %mul3A_1342 = arith.mulf %select_n3A_1340, %mul3A_1341 : vector<256x256xf32>
    %reduce_max3A_1343 = arith.constant dense<0xFF800000> : vector<256xf32>
    %reduce_max3A_1344 = vector.multi_reduction <maximumf>, %mul3A_1342, %reduce_max3A_1343 [1] : vector<256x256xf32> to vector<256xf32>
    %get3A_1345 = arith.constant 0 : index
    %get3A_1346 = arith.constant 1536 : index
    %get3A_1347 = vector.load %arg4[%get3A_1345, %get3A_1346] : memref<1x2048xf32, #tpu.memory_space<vmem>>, vector<1x256xf32>
    %reshape3A_1348 = vector.shape_cast %reduce_max3A_1344 : vector<256xf32> to vector<1x256xf32>
    %sub3A_1349 = arith.constant 1.000000e+00 : f32
    %sub3A_1350 = vector.broadcast %sub3A_1349 : f32 to vector<1x256xf32>
    %sub3A_1351 = arith.subf %sub3A_1350, %reshape3A_1348 : vector<1x256xf32>
    %mul3A_1352 = arith.mulf %get3A_1347, %sub3A_1351 : vector<1x256xf32>
    %swap3A_1353 = arith.constant 0 : index
    %swap3A_1354 = arith.constant 1536 : index
    %swap3A_1355 = vector.load %arg4[%swap3A_1353, %swap3A_1354] : memref<1x2048xf32, #tpu.memory_space<vmem>>, vector<1x256xf32>
    tpu.vector_store %arg4[%swap3A_1353, %swap3A_1354], %mul3A_1352 {strides = array<i32>} : memref<1x2048xf32, #tpu.memory_space<vmem>>, vector<1x256xf32>,
    %slice3A_1356 = vector.extract_strided_slice %get3A_3 {offsets = [0, 1792], sizes = [1, 256], strides = [1, 1]} : vector<1x2048xf32> to vector<1x256xf32>
    %reshape3A_1357 = vector.shape_cast %slice3A_1356 : vector<1x256xf32> to vector<256x1xf32>
    %slice3A_1358 = vector.extract_strided_slice %get3A_8 {offsets = [0, 1792], sizes = [1, 256], strides = [1, 1]} : vector<1x2048xf32> to vector<1x256xf32>
    %reshape3A_1359 = vector.shape_cast %slice3A_1358 : vector<1x256xf32> to vector<256x1xf32>
    %slice3A_1360 = vector.extract_strided_slice %get3A_13 {offsets = [0, 1792], sizes = [1, 256], strides = [1, 1]} : vector<1x2048xf32> to vector<1x256xf32>
    %reshape3A_1361 = vector.shape_cast %slice3A_1360 : vector<1x256xf32> to vector<256x1xf32>
    %slice3A_1362 = vector.extract_strided_slice %get3A_18 {offsets = [0, 1792], sizes = [1, 256], strides = [1, 1]} : vector<1x2048xf32> to vector<1x256xf32>
    %reshape3A_1363 = vector.shape_cast %slice3A_1362 : vector<1x256xf32> to vector<256x1xf32>
    %slice3A_1364 = vector.extract_strided_slice %mul3A {offsets = [0, 1792], sizes = [1, 256], strides = [1, 1]} : vector<1x2048xf32> to vector<1x256xf32>
    %reshape3A_1365 = vector.shape_cast %slice3A_1364 : vector<1x256xf32> to vector<256x1xf32>
    %slice3A_1366 = vector.extract_strided_slice %get3A_3 {offsets = [0, 512], sizes = [1, 256], strides = [1, 1]} : vector<1x2048xf32> to vector<1x256xf32>
    %slice3A_1367 = vector.extract_strided_slice %get3A_8 {offsets = [0, 512], sizes = [1, 256], strides = [1, 1]} : vector<1x2048xf32> to vector<1x256xf32>
    %slice3A_1368 = vector.extract_strided_slice %get3A_13 {offsets = [0, 512], sizes = [1, 256], strides = [1, 1]} : vector<1x2048xf32> to vector<1x256xf32>
    %slice3A_1369 = vector.extract_strided_slice %get3A_18 {offsets = [0, 512], sizes = [1, 256], strides = [1, 1]} : vector<1x2048xf32> to vector<1x256xf32>
    %slice3A_1370 = vector.extract_strided_slice %mul3A {offsets = [0, 512], sizes = [1, 256], strides = [1, 1]} : vector<1x2048xf32> to vector<1x256xf32>
    %min3A_1371 = vector.broadcast %reshape3A_1361 : vector<256x1xf32> to vector<256x256xf32>
    %min3A_1372 = vector.broadcast %slice3A_1368 : vector<1x256xf32> to vector<256x256xf32>
    %min3A_1373 = arith.minimumf %min3A_1371, %min3A_1372 : vector<256x256xf32>
    %max3A_1374 = vector.broadcast %reshape3A_1357 : vector<256x1xf32> to vector<256x256xf32>
    %max3A_1375 = vector.broadcast %slice3A_1366 : vector<1x256xf32> to vector<256x256xf32>
    %max3A_1376 = arith.maximumf %max3A_1374, %max3A_1375 : vector<256x256xf32>
    %sub3A_1377 = arith.subf %min3A_1373, %max3A_1376 : vector<256x256xf32>
    %max3A_1378 = arith.constant 0.000000e+00 : f32
    %max3A_1379 = vector.broadcast %max3A_1378 : f32 to vector<256x256xf32>
    %max3A_1380 = arith.maximumf %sub3A_1377, %max3A_1379 : vector<256x256xf32>
    %min3A_1381 = vector.broadcast %reshape3A_1363 : vector<256x1xf32> to vector<256x256xf32>
    %min3A_1382 = vector.broadcast %slice3A_1369 : vector<1x256xf32> to vector<256x256xf32>
    %min3A_1383 = arith.minimumf %min3A_1381, %min3A_1382 : vector<256x256xf32>
    %max3A_1384 = vector.broadcast %reshape3A_1359 : vector<256x1xf32> to vector<256x256xf32>
    %max3A_1385 = vector.broadcast %slice3A_1367 : vector<1x256xf32> to vector<256x256xf32>
    %max3A_1386 = arith.maximumf %max3A_1384, %max3A_1385 : vector<256x256xf32>
    %sub3A_1387 = arith.subf %min3A_1383, %max3A_1386 : vector<256x256xf32>
    %max3A_1388 = arith.constant 0.000000e+00 : f32
    %max3A_1389 = vector.broadcast %max3A_1388 : f32 to vector<256x256xf32>
    %max3A_1390 = arith.maximumf %sub3A_1387, %max3A_1389 : vector<256x256xf32>
    %mul3A_1391 = arith.mulf %max3A_1380, %max3A_1390 : vector<256x256xf32>
    %add3A_1392 = vector.broadcast %reshape3A_1365 : vector<256x1xf32> to vector<256x256xf32>
    %add3A_1393 = vector.broadcast %slice3A_1370 : vector<1x256xf32> to vector<256x256xf32>
    %add3A_1394 = arith.addf %add3A_1392, %add3A_1393 : vector<256x256xf32>
    %sub3A_1395 = arith.subf %add3A_1394, %mul3A_1391 : vector<256x256xf32>
    %max3A_1396 = arith.constant 9.99999971E-10 : f32
    %max3A_1397 = vector.broadcast %max3A_1396 : f32 to vector<256x256xf32>
    %max3A_1398 = arith.maximumf %sub3A_1395, %max3A_1397 : vector<256x256xf32>
    %div3A_1399 = arith.divf %mul3A_1391, %max3A_1398 : vector<256x256xf32>
    %gt3A_1400 = arith.constant 0.699999988 : f32
    %gt3A_1401 = vector.broadcast %gt3A_1400 : f32 to vector<256x256xf32>
    %gt3A_1402 = arith.cmpf ogt, %div3A_1399, %gt3A_1401 : vector<256x256xf32>
    %jit3A_1403 = arith.constant 1.000000e+00 : f32
    %jit3A_1404 = arith.constant 0.000000e+00 : f32
    %broadcast_in_dim3A_1405 = vector.broadcast %jit3A_1403 : f32 to vector<256x256xf32>
    %broadcast_in_dim3A_1406 = vector.broadcast %jit3A_1404 : f32 to vector<256x256xf32>
    %select_n3A_1407 = arith.select %gt3A_1402, %broadcast_in_dim3A_1405, %broadcast_in_dim3A_1406 : vector<256x256xi1>, vector<256x256xf32>
    %mul3A_1408 = vector.broadcast %while3A_1084#0 : vector<1x256xf32> to vector<256x256xf32>
    %mul3A_1409 = arith.mulf %select_n3A_1407, %mul3A_1408 : vector<256x256xf32>
    %reduce_max3A_1410 = arith.constant dense<0xFF800000> : vector<256xf32>
    %reduce_max3A_1411 = vector.multi_reduction <maximumf>, %mul3A_1409, %reduce_max3A_1410 [1] : vector<256x256xf32> to vector<256xf32>
    %get3A_1412 = arith.constant 0 : index
    %get3A_1413 = arith.constant 1792 : index
    %get3A_1414 = vector.load %arg4[%get3A_1412, %get3A_1413] : memref<1x2048xf32, #tpu.memory_space<vmem>>, vector<1x256xf32>
    %reshape3A_1415 = vector.shape_cast %reduce_max3A_1411 : vector<256xf32> to vector<1x256xf32>
    %sub3A_1416 = arith.constant 1.000000e+00 : f32
    %sub3A_1417 = vector.broadcast %sub3A_1416 : f32 to vector<1x256xf32>
    %sub3A_1418 = arith.subf %sub3A_1417, %reshape3A_1415 : vector<1x256xf32>
    %mul3A_1419 = arith.mulf %get3A_1414, %sub3A_1418 : vector<1x256xf32>
    %swap3A_1420 = arith.constant 0 : index
    %swap3A_1421 = arith.constant 1792 : index
    %swap3A_1422 = vector.load %arg4[%swap3A_1420, %swap3A_1421] : memref<1x2048xf32, #tpu.memory_space<vmem>>, vector<1x256xf32>
    tpu.vector_store %arg4[%swap3A_1420, %swap3A_1421], %mul3A_1419 {strides = array<i32>} : memref<1x2048xf32, #tpu.memory_space<vmem>>, vector<1x256xf32>,
    %slice3A_1423 = vector.extract_strided_slice %get3A_3 {offsets = [0, 768], sizes = [1, 256], strides = [1, 1]} : vector<1x2048xf32> to vector<1x256xf32>
    %reshape3A_1424 = vector.shape_cast %slice3A_1423 : vector<1x256xf32> to vector<256x1xf32>
    %slice3A_1425 = vector.extract_strided_slice %get3A_8 {offsets = [0, 768], sizes = [1, 256], strides = [1, 1]} : vector<1x2048xf32> to vector<1x256xf32>
    %reshape3A_1426 = vector.shape_cast %slice3A_1425 : vector<1x256xf32> to vector<256x1xf32>
    %slice3A_1427 = vector.extract_strided_slice %get3A_13 {offsets = [0, 768], sizes = [1, 256], strides = [1, 1]} : vector<1x2048xf32> to vector<1x256xf32>
    %reshape3A_1428 = vector.shape_cast %slice3A_1427 : vector<1x256xf32> to vector<256x1xf32>
    %slice3A_1429 = vector.extract_strided_slice %get3A_18 {offsets = [0, 768], sizes = [1, 256], strides = [1, 1]} : vector<1x2048xf32> to vector<1x256xf32>
    %reshape3A_1430 = vector.shape_cast %slice3A_1429 : vector<1x256xf32> to vector<256x1xf32>
    %slice3A_1431 = vector.extract_strided_slice %mul3A {offsets = [0, 768], sizes = [1, 256], strides = [1, 1]} : vector<1x2048xf32> to vector<1x256xf32>
    %reshape3A_1432 = vector.shape_cast %slice3A_1431 : vector<1x256xf32> to vector<256x1xf32>
    %slice3A_1433 = vector.extract_strided_slice %get3A_3 {offsets = [0, 768], sizes = [1, 256], strides = [1, 1]} : vector<1x2048xf32> to vector<1x256xf32>
    %slice3A_1434 = vector.extract_strided_slice %get3A_8 {offsets = [0, 768], sizes = [1, 256], strides = [1, 1]} : vector<1x2048xf32> to vector<1x256xf32>
    %slice3A_1435 = vector.extract_strided_slice %get3A_13 {offsets = [0, 768], sizes = [1, 256], strides = [1, 1]} : vector<1x2048xf32> to vector<1x256xf32>
    %slice3A_1436 = vector.extract_strided_slice %get3A_18 {offsets = [0, 768], sizes = [1, 256], strides = [1, 1]} : vector<1x2048xf32> to vector<1x256xf32>
    %slice3A_1437 = vector.extract_strided_slice %mul3A {offsets = [0, 768], sizes = [1, 256], strides = [1, 1]} : vector<1x2048xf32> to vector<1x256xf32>
    %min3A_1438 = vector.broadcast %reshape3A_1428 : vector<256x1xf32> to vector<256x256xf32>
    %min3A_1439 = vector.broadcast %slice3A_1435 : vector<1x256xf32> to vector<256x256xf32>
    %min3A_1440 = arith.minimumf %min3A_1438, %min3A_1439 : vector<256x256xf32>
    %max3A_1441 = vector.broadcast %reshape3A_1424 : vector<256x1xf32> to vector<256x256xf32>
    %max3A_1442 = vector.broadcast %slice3A_1433 : vector<1x256xf32> to vector<256x256xf32>
    %max3A_1443 = arith.maximumf %max3A_1441, %max3A_1442 : vector<256x256xf32>
    %sub3A_1444 = arith.subf %min3A_1440, %max3A_1443 : vector<256x256xf32>
    %max3A_1445 = arith.constant 0.000000e+00 : f32
    %max3A_1446 = vector.broadcast %max3A_1445 : f32 to vector<256x256xf32>
    %max3A_1447 = arith.maximumf %sub3A_1444, %max3A_1446 : vector<256x256xf32>
    %min3A_1448 = vector.broadcast %reshape3A_1430 : vector<256x1xf32> to vector<256x256xf32>
    %min3A_1449 = vector.broadcast %slice3A_1436 : vector<1x256xf32> to vector<256x256xf32>
    %min3A_1450 = arith.minimumf %min3A_1448, %min3A_1449 : vector<256x256xf32>
    %max3A_1451 = vector.broadcast %reshape3A_1426 : vector<256x1xf32> to vector<256x256xf32>
    %max3A_1452 = vector.broadcast %slice3A_1434 : vector<1x256xf32> to vector<256x256xf32>
    %max3A_1453 = arith.maximumf %max3A_1451, %max3A_1452 : vector<256x256xf32>
    %sub3A_1454 = arith.subf %min3A_1450, %max3A_1453 : vector<256x256xf32>
    %max3A_1455 = arith.constant 0.000000e+00 : f32
    %max3A_1456 = vector.broadcast %max3A_1455 : f32 to vector<256x256xf32>
    %max3A_1457 = arith.maximumf %sub3A_1454, %max3A_1456 : vector<256x256xf32>
    %mul3A_1458 = arith.mulf %max3A_1447, %max3A_1457 : vector<256x256xf32>
    %add3A_1459 = vector.broadcast %reshape3A_1432 : vector<256x1xf32> to vector<256x256xf32>
    %add3A_1460 = vector.broadcast %slice3A_1437 : vector<1x256xf32> to vector<256x256xf32>
    %add3A_1461 = arith.addf %add3A_1459, %add3A_1460 : vector<256x256xf32>
    %sub3A_1462 = arith.subf %add3A_1461, %mul3A_1458 : vector<256x256xf32>
    %max3A_1463 = arith.constant 9.99999971E-10 : f32
    %max3A_1464 = vector.broadcast %max3A_1463 : f32 to vector<256x256xf32>
    %max3A_1465 = arith.maximumf %sub3A_1462, %max3A_1464 : vector<256x256xf32>
    %div3A_1466 = arith.divf %mul3A_1458, %max3A_1465 : vector<256x256xf32>
    %iota3A_1467 = tpu.iota {dimensions = array<i32: 1>} : vector<1x256xi32>
    %iota3A_1468 = tpu.iota {dimensions = array<i32: 0>} : vector<256x1xi32>
    %gt3A_1469 = arith.constant 0.699999988 : f32
    %gt3A_1470 = vector.broadcast %gt3A_1469 : f32 to vector<256x256xf32>
    %gt3A_1471 = arith.cmpf ogt, %div3A_1466, %gt3A_1470 : vector<256x256xf32>
    %lt3A_1472 = vector.broadcast %iota3A_1467 : vector<1x256xi32> to vector<256x256xi32>
    %lt3A_1473 = vector.broadcast %iota3A_1468 : vector<256x1xi32> to vector<256x256xi32>
    %lt3A_1474 = arith.cmpi slt, %lt3A_1472, %lt3A_1473 : vector<256x256xi32>
    %and3A_1475 = arith.andi %gt3A_1471, %lt3A_1474 : vector<256x256xi1>
    %jit3A_1476 = arith.constant 1.000000e+00 : f32
    %jit3A_1477 = arith.constant 0.000000e+00 : f32
    %broadcast_in_dim3A_1478 = vector.broadcast %jit3A_1476 : f32 to vector<256x256xf32>
    %broadcast_in_dim3A_1479 = vector.broadcast %jit3A_1477 : f32 to vector<256x256xf32>
    %select_n3A_1480 = arith.select %and3A_1475, %broadcast_in_dim3A_1478, %broadcast_in_dim3A_1479 : vector<256x256xi1>, vector<256x256xf32>
    %get3A_1481 = arith.constant 0 : index
    %get3A_1482 = arith.constant 768 : index
    %get3A_1483 = vector.load %arg4[%get3A_1481, %get3A_1482] : memref<1x2048xf32, #tpu.memory_space<vmem>>, vector<1x256xf32>
    %while3A_1484 = arith.constant true
    %while3A_1485 = arith.constant 0 : i32
    %while3A_1486:3 = scf.while (%while3A_2503 = %get3A_1483, %while3A_2504 = %while3A_1484, %while3A_2505 = %while3A_1485) : (vector<1x256xf32>, i1, i32) -> (vector<1x256xf32>, i1, i32) {
      %lt3A_2506 = arith.constant 258 : i32
      %lt3A_2507 = arith.cmpi slt, %while3A_2505, %lt3A_2506 : i32
      %and3A_2508 = arith.andi %while3A_2504, %lt3A_2507 : i1
      scf.condition(%and3A_2508) %while3A_2503, %while3A_2504, %while3A_2505 : vector<1x256xf32>, i1, i32
    } do {
    ^bb0(%while3A_2503: vector<1x256xf32>, %while3A_2504: i1, %while3A_2505: i32):
      %mul3A_2506 = vector.broadcast %while3A_2503 : vector<1x256xf32> to vector<256x256xf32>
      %mul3A_2507 = arith.mulf %select_n3A_1480, %mul3A_2506 : vector<256x256xf32>
      %reduce_max3A_2508 = arith.constant dense<0xFF800000> : vector<256xf32>
      %reduce_max3A_2509 = vector.multi_reduction <maximumf>, %mul3A_2507, %reduce_max3A_2508 [1] : vector<256x256xf32> to vector<256xf32>
      %reshape3A_2510 = vector.shape_cast %reduce_max3A_2509 : vector<256xf32> to vector<1x256xf32>
      %sub3A_2511 = arith.constant 1.000000e+00 : f32
      %sub3A_2512 = vector.broadcast %sub3A_2511 : f32 to vector<1x256xf32>
      %sub3A_2513 = arith.subf %sub3A_2512, %reshape3A_2510 : vector<1x256xf32>
      %mul3A_2514 = arith.mulf %get3A_1483, %sub3A_2513 : vector<1x256xf32>
      %ne3A = arith.cmpf one, %mul3A_2514, %while3A_2503 : vector<1x256xf32>
      %reduce_or3A = arith.constant 1.000000e+00 : f32
      %reduce_or3A_2515 = arith.constant 0.000000e+00 : f32
      %reduce_or3A_2516 = vector.broadcast %reduce_or3A : f32 to vector<1x256xf32>
      %reduce_or3A_2517 = vector.broadcast %reduce_or3A_2515 : f32 to vector<1x256xf32>
      %reduce_or3A_2518 = arith.select %ne3A, %reduce_or3A_2516, %reduce_or3A_2517 : vector<1x256xi1>, vector<1x256xf32>
      %reduce_or3A_2519 = vector.shape_cast %reduce_or3A_2518 : vector<1x256xf32> to vector<1x1x256xf32>
      %reduce_or3A_2520 = arith.constant dense<0xFF800000> : vector<1xf32>
      %reduce_or3A_2521 = vector.multi_reduction <maximumf>, %reduce_or3A_2519, %reduce_or3A_2520 [1, 2] : vector<1x1x256xf32> to vector<1xf32>
      %reduce_or3A_2522 = vector.shape_cast %reduce_or3A_2521 : vector<1xf32> to vector<1x1x1xf32>
      %reduce_or3A_2523 = vector.extract %reduce_or3A_2522[0, 0, 0] : f32 from vector<1x1x1xf32>
      %reduce_or3A_2524 = arith.constant 0.000000e+00 : f32
      %reduce_or3A_2525 = arith.cmpf ogt, %reduce_or3A_2523, %reduce_or3A_2524 : f32
      %add3A_2526 = arith.constant 1 : i32
      %add3A_2527 = arith.addi %while3A_2505, %add3A_2526 : i32
      scf.yield %mul3A_2514, %reduce_or3A_2525, %add3A_2527 : vector<1x256xf32>, i1, i32
    }
    %swap3A_1487 = arith.constant 0 : index
    %swap3A_1488 = arith.constant 768 : index
    %swap3A_1489 = vector.load %arg4[%swap3A_1487, %swap3A_1488] : memref<1x2048xf32, #tpu.memory_space<vmem>>, vector<1x256xf32>
    tpu.vector_store %arg4[%swap3A_1487, %swap3A_1488], %while3A_1486#0 {strides = array<i32>} : memref<1x2048xf32, #tpu.memory_space<vmem>>, vector<1x256xf32>,
    %slice3A_1490 = vector.extract_strided_slice %get3A_3 {offsets = [0, 1024], sizes = [1, 256], strides = [1, 1]} : vector<1x2048xf32> to vector<1x256xf32>
    %reshape3A_1491 = vector.shape_cast %slice3A_1490 : vector<1x256xf32> to vector<256x1xf32>
    %slice3A_1492 = vector.extract_strided_slice %get3A_8 {offsets = [0, 1024], sizes = [1, 256], strides = [1, 1]} : vector<1x2048xf32> to vector<1x256xf32>
    %reshape3A_1493 = vector.shape_cast %slice3A_1492 : vector<1x256xf32> to vector<256x1xf32>
    %slice3A_1494 = vector.extract_strided_slice %get3A_13 {offsets = [0, 1024], sizes = [1, 256], strides = [1, 1]} : vector<1x2048xf32> to vector<1x256xf32>
    %reshape3A_1495 = vector.shape_cast %slice3A_1494 : vector<1x256xf32> to vector<256x1xf32>
    %slice3A_1496 = vector.extract_strided_slice %get3A_18 {offsets = [0, 1024], sizes = [1, 256], strides = [1, 1]} : vector<1x2048xf32> to vector<1x256xf32>
    %reshape3A_1497 = vector.shape_cast %slice3A_1496 : vector<1x256xf32> to vector<256x1xf32>
    %slice3A_1498 = vector.extract_strided_slice %mul3A {offsets = [0, 1024], sizes = [1, 256], strides = [1, 1]} : vector<1x2048xf32> to vector<1x256xf32>
    %reshape3A_1499 = vector.shape_cast %slice3A_1498 : vector<1x256xf32> to vector<256x1xf32>
    %slice3A_1500 = vector.extract_strided_slice %get3A_3 {offsets = [0, 768], sizes = [1, 256], strides = [1, 1]} : vector<1x2048xf32> to vector<1x256xf32>
    %slice3A_1501 = vector.extract_strided_slice %get3A_8 {offsets = [0, 768], sizes = [1, 256], strides = [1, 1]} : vector<1x2048xf32> to vector<1x256xf32>
    %slice3A_1502 = vector.extract_strided_slice %get3A_13 {offsets = [0, 768], sizes = [1, 256], strides = [1, 1]} : vector<1x2048xf32> to vector<1x256xf32>
    %slice3A_1503 = vector.extract_strided_slice %get3A_18 {offsets = [0, 768], sizes = [1, 256], strides = [1, 1]} : vector<1x2048xf32> to vector<1x256xf32>
    %slice3A_1504 = vector.extract_strided_slice %mul3A {offsets = [0, 768], sizes = [1, 256], strides = [1, 1]} : vector<1x2048xf32> to vector<1x256xf32>
    %min3A_1505 = vector.broadcast %reshape3A_1495 : vector<256x1xf32> to vector<256x256xf32>
    %min3A_1506 = vector.broadcast %slice3A_1502 : vector<1x256xf32> to vector<256x256xf32>
    %min3A_1507 = arith.minimumf %min3A_1505, %min3A_1506 : vector<256x256xf32>
    %max3A_1508 = vector.broadcast %reshape3A_1491 : vector<256x1xf32> to vector<256x256xf32>
    %max3A_1509 = vector.broadcast %slice3A_1500 : vector<1x256xf32> to vector<256x256xf32>
    %max3A_1510 = arith.maximumf %max3A_1508, %max3A_1509 : vector<256x256xf32>
    %sub3A_1511 = arith.subf %min3A_1507, %max3A_1510 : vector<256x256xf32>
    %max3A_1512 = arith.constant 0.000000e+00 : f32
    %max3A_1513 = vector.broadcast %max3A_1512 : f32 to vector<256x256xf32>
    %max3A_1514 = arith.maximumf %sub3A_1511, %max3A_1513 : vector<256x256xf32>
    %min3A_1515 = vector.broadcast %reshape3A_1497 : vector<256x1xf32> to vector<256x256xf32>
    %min3A_1516 = vector.broadcast %slice3A_1503 : vector<1x256xf32> to vector<256x256xf32>
    %min3A_1517 = arith.minimumf %min3A_1515, %min3A_1516 : vector<256x256xf32>
    %max3A_1518 = vector.broadcast %reshape3A_1493 : vector<256x1xf32> to vector<256x256xf32>
    %max3A_1519 = vector.broadcast %slice3A_1501 : vector<1x256xf32> to vector<256x256xf32>
    %max3A_1520 = arith.maximumf %max3A_1518, %max3A_1519 : vector<256x256xf32>
    %sub3A_1521 = arith.subf %min3A_1517, %max3A_1520 : vector<256x256xf32>
    %max3A_1522 = arith.constant 0.000000e+00 : f32
    %max3A_1523 = vector.broadcast %max3A_1522 : f32 to vector<256x256xf32>
    %max3A_1524 = arith.maximumf %sub3A_1521, %max3A_1523 : vector<256x256xf32>
    %mul3A_1525 = arith.mulf %max3A_1514, %max3A_1524 : vector<256x256xf32>
    %add3A_1526 = vector.broadcast %reshape3A_1499 : vector<256x1xf32> to vector<256x256xf32>
    %add3A_1527 = vector.broadcast %slice3A_1504 : vector<1x256xf32> to vector<256x256xf32>
    %add3A_1528 = arith.addf %add3A_1526, %add3A_1527 : vector<256x256xf32>
    %sub3A_1529 = arith.subf %add3A_1528, %mul3A_1525 : vector<256x256xf32>
    %max3A_1530 = arith.constant 9.99999971E-10 : f32
    %max3A_1531 = vector.broadcast %max3A_1530 : f32 to vector<256x256xf32>
    %max3A_1532 = arith.maximumf %sub3A_1529, %max3A_1531 : vector<256x256xf32>
    %div3A_1533 = arith.divf %mul3A_1525, %max3A_1532 : vector<256x256xf32>
    %gt3A_1534 = arith.constant 0.699999988 : f32
    %gt3A_1535 = vector.broadcast %gt3A_1534 : f32 to vector<256x256xf32>
    %gt3A_1536 = arith.cmpf ogt, %div3A_1533, %gt3A_1535 : vector<256x256xf32>
    %jit3A_1537 = arith.constant 1.000000e+00 : f32
    %jit3A_1538 = arith.constant 0.000000e+00 : f32
    %broadcast_in_dim3A_1539 = vector.broadcast %jit3A_1537 : f32 to vector<256x256xf32>
    %broadcast_in_dim3A_1540 = vector.broadcast %jit3A_1538 : f32 to vector<256x256xf32>
    %select_n3A_1541 = arith.select %gt3A_1536, %broadcast_in_dim3A_1539, %broadcast_in_dim3A_1540 : vector<256x256xi1>, vector<256x256xf32>
    %mul3A_1542 = vector.broadcast %while3A_1486#0 : vector<1x256xf32> to vector<256x256xf32>
    %mul3A_1543 = arith.mulf %select_n3A_1541, %mul3A_1542 : vector<256x256xf32>
    %reduce_max3A_1544 = arith.constant dense<0xFF800000> : vector<256xf32>
    %reduce_max3A_1545 = vector.multi_reduction <maximumf>, %mul3A_1543, %reduce_max3A_1544 [1] : vector<256x256xf32> to vector<256xf32>
    %get3A_1546 = arith.constant 0 : index
    %get3A_1547 = arith.constant 1024 : index
    %get3A_1548 = vector.load %arg4[%get3A_1546, %get3A_1547] : memref<1x2048xf32, #tpu.memory_space<vmem>>, vector<1x256xf32>
    %reshape3A_1549 = vector.shape_cast %reduce_max3A_1545 : vector<256xf32> to vector<1x256xf32>
    %sub3A_1550 = arith.constant 1.000000e+00 : f32
    %sub3A_1551 = vector.broadcast %sub3A_1550 : f32 to vector<1x256xf32>
    %sub3A_1552 = arith.subf %sub3A_1551, %reshape3A_1549 : vector<1x256xf32>
    %mul3A_1553 = arith.mulf %get3A_1548, %sub3A_1552 : vector<1x256xf32>
    %swap3A_1554 = arith.constant 0 : index
    %swap3A_1555 = arith.constant 1024 : index
    %swap3A_1556 = vector.load %arg4[%swap3A_1554, %swap3A_1555] : memref<1x2048xf32, #tpu.memory_space<vmem>>, vector<1x256xf32>
    tpu.vector_store %arg4[%swap3A_1554, %swap3A_1555], %mul3A_1553 {strides = array<i32>} : memref<1x2048xf32, #tpu.memory_space<vmem>>, vector<1x256xf32>,
    %slice3A_1557 = vector.extract_strided_slice %get3A_3 {offsets = [0, 1280], sizes = [1, 256], strides = [1, 1]} : vector<1x2048xf32> to vector<1x256xf32>
    %reshape3A_1558 = vector.shape_cast %slice3A_1557 : vector<1x256xf32> to vector<256x1xf32>
    %slice3A_1559 = vector.extract_strided_slice %get3A_8 {offsets = [0, 1280], sizes = [1, 256], strides = [1, 1]} : vector<1x2048xf32> to vector<1x256xf32>
    %reshape3A_1560 = vector.shape_cast %slice3A_1559 : vector<1x256xf32> to vector<256x1xf32>
    %slice3A_1561 = vector.extract_strided_slice %get3A_13 {offsets = [0, 1280], sizes = [1, 256], strides = [1, 1]} : vector<1x2048xf32> to vector<1x256xf32>
    %reshape3A_1562 = vector.shape_cast %slice3A_1561 : vector<1x256xf32> to vector<256x1xf32>
    %slice3A_1563 = vector.extract_strided_slice %get3A_18 {offsets = [0, 1280], sizes = [1, 256], strides = [1, 1]} : vector<1x2048xf32> to vector<1x256xf32>
    %reshape3A_1564 = vector.shape_cast %slice3A_1563 : vector<1x256xf32> to vector<256x1xf32>
    %slice3A_1565 = vector.extract_strided_slice %mul3A {offsets = [0, 1280], sizes = [1, 256], strides = [1, 1]} : vector<1x2048xf32> to vector<1x256xf32>
    %reshape3A_1566 = vector.shape_cast %slice3A_1565 : vector<1x256xf32> to vector<256x1xf32>
    %slice3A_1567 = vector.extract_strided_slice %get3A_3 {offsets = [0, 768], sizes = [1, 256], strides = [1, 1]} : vector<1x2048xf32> to vector<1x256xf32>
    %slice3A_1568 = vector.extract_strided_slice %get3A_8 {offsets = [0, 768], sizes = [1, 256], strides = [1, 1]} : vector<1x2048xf32> to vector<1x256xf32>
    %slice3A_1569 = vector.extract_strided_slice %get3A_13 {offsets = [0, 768], sizes = [1, 256], strides = [1, 1]} : vector<1x2048xf32> to vector<1x256xf32>
    %slice3A_1570 = vector.extract_strided_slice %get3A_18 {offsets = [0, 768], sizes = [1, 256], strides = [1, 1]} : vector<1x2048xf32> to vector<1x256xf32>
    %slice3A_1571 = vector.extract_strided_slice %mul3A {offsets = [0, 768], sizes = [1, 256], strides = [1, 1]} : vector<1x2048xf32> to vector<1x256xf32>
    %min3A_1572 = vector.broadcast %reshape3A_1562 : vector<256x1xf32> to vector<256x256xf32>
    %min3A_1573 = vector.broadcast %slice3A_1569 : vector<1x256xf32> to vector<256x256xf32>
    %min3A_1574 = arith.minimumf %min3A_1572, %min3A_1573 : vector<256x256xf32>
    %max3A_1575 = vector.broadcast %reshape3A_1558 : vector<256x1xf32> to vector<256x256xf32>
    %max3A_1576 = vector.broadcast %slice3A_1567 : vector<1x256xf32> to vector<256x256xf32>
    %max3A_1577 = arith.maximumf %max3A_1575, %max3A_1576 : vector<256x256xf32>
    %sub3A_1578 = arith.subf %min3A_1574, %max3A_1577 : vector<256x256xf32>
    %max3A_1579 = arith.constant 0.000000e+00 : f32
    %max3A_1580 = vector.broadcast %max3A_1579 : f32 to vector<256x256xf32>
    %max3A_1581 = arith.maximumf %sub3A_1578, %max3A_1580 : vector<256x256xf32>
    %min3A_1582 = vector.broadcast %reshape3A_1564 : vector<256x1xf32> to vector<256x256xf32>
    %min3A_1583 = vector.broadcast %slice3A_1570 : vector<1x256xf32> to vector<256x256xf32>
    %min3A_1584 = arith.minimumf %min3A_1582, %min3A_1583 : vector<256x256xf32>
    %max3A_1585 = vector.broadcast %reshape3A_1560 : vector<256x1xf32> to vector<256x256xf32>
    %max3A_1586 = vector.broadcast %slice3A_1568 : vector<1x256xf32> to vector<256x256xf32>
    %max3A_1587 = arith.maximumf %max3A_1585, %max3A_1586 : vector<256x256xf32>
    %sub3A_1588 = arith.subf %min3A_1584, %max3A_1587 : vector<256x256xf32>
    %max3A_1589 = arith.constant 0.000000e+00 : f32
    %max3A_1590 = vector.broadcast %max3A_1589 : f32 to vector<256x256xf32>
    %max3A_1591 = arith.maximumf %sub3A_1588, %max3A_1590 : vector<256x256xf32>
    %mul3A_1592 = arith.mulf %max3A_1581, %max3A_1591 : vector<256x256xf32>
    %add3A_1593 = vector.broadcast %reshape3A_1566 : vector<256x1xf32> to vector<256x256xf32>
    %add3A_1594 = vector.broadcast %slice3A_1571 : vector<1x256xf32> to vector<256x256xf32>
    %add3A_1595 = arith.addf %add3A_1593, %add3A_1594 : vector<256x256xf32>
    %sub3A_1596 = arith.subf %add3A_1595, %mul3A_1592 : vector<256x256xf32>
    %max3A_1597 = arith.constant 9.99999971E-10 : f32
    %max3A_1598 = vector.broadcast %max3A_1597 : f32 to vector<256x256xf32>
    %max3A_1599 = arith.maximumf %sub3A_1596, %max3A_1598 : vector<256x256xf32>
    %div3A_1600 = arith.divf %mul3A_1592, %max3A_1599 : vector<256x256xf32>
    %gt3A_1601 = arith.constant 0.699999988 : f32
    %gt3A_1602 = vector.broadcast %gt3A_1601 : f32 to vector<256x256xf32>
    %gt3A_1603 = arith.cmpf ogt, %div3A_1600, %gt3A_1602 : vector<256x256xf32>
    %jit3A_1604 = arith.constant 1.000000e+00 : f32
    %jit3A_1605 = arith.constant 0.000000e+00 : f32
    %broadcast_in_dim3A_1606 = vector.broadcast %jit3A_1604 : f32 to vector<256x256xf32>
    %broadcast_in_dim3A_1607 = vector.broadcast %jit3A_1605 : f32 to vector<256x256xf32>
    %select_n3A_1608 = arith.select %gt3A_1603, %broadcast_in_dim3A_1606, %broadcast_in_dim3A_1607 : vector<256x256xi1>, vector<256x256xf32>
    %mul3A_1609 = vector.broadcast %while3A_1486#0 : vector<1x256xf32> to vector<256x256xf32>
    %mul3A_1610 = arith.mulf %select_n3A_1608, %mul3A_1609 : vector<256x256xf32>
    %reduce_max3A_1611 = arith.constant dense<0xFF800000> : vector<256xf32>
    %reduce_max3A_1612 = vector.multi_reduction <maximumf>, %mul3A_1610, %reduce_max3A_1611 [1] : vector<256x256xf32> to vector<256xf32>
    %get3A_1613 = arith.constant 0 : index
    %get3A_1614 = arith.constant 1280 : index
    %get3A_1615 = vector.load %arg4[%get3A_1613, %get3A_1614] : memref<1x2048xf32, #tpu.memory_space<vmem>>, vector<1x256xf32>
    %reshape3A_1616 = vector.shape_cast %reduce_max3A_1612 : vector<256xf32> to vector<1x256xf32>
    %sub3A_1617 = arith.constant 1.000000e+00 : f32
    %sub3A_1618 = vector.broadcast %sub3A_1617 : f32 to vector<1x256xf32>
    %sub3A_1619 = arith.subf %sub3A_1618, %reshape3A_1616 : vector<1x256xf32>
    %mul3A_1620 = arith.mulf %get3A_1615, %sub3A_1619 : vector<1x256xf32>
    %swap3A_1621 = arith.constant 0 : index
    %swap3A_1622 = arith.constant 1280 : index
    %swap3A_1623 = vector.load %arg4[%swap3A_1621, %swap3A_1622] : memref<1x2048xf32, #tpu.memory_space<vmem>>, vector<1x256xf32>
    tpu.vector_store %arg4[%swap3A_1621, %swap3A_1622], %mul3A_1620 {strides = array<i32>} : memref<1x2048xf32, #tpu.memory_space<vmem>>, vector<1x256xf32>,
    %slice3A_1624 = vector.extract_strided_slice %get3A_3 {offsets = [0, 1536], sizes = [1, 256], strides = [1, 1]} : vector<1x2048xf32> to vector<1x256xf32>
    %reshape3A_1625 = vector.shape_cast %slice3A_1624 : vector<1x256xf32> to vector<256x1xf32>
    %slice3A_1626 = vector.extract_strided_slice %get3A_8 {offsets = [0, 1536], sizes = [1, 256], strides = [1, 1]} : vector<1x2048xf32> to vector<1x256xf32>
    %reshape3A_1627 = vector.shape_cast %slice3A_1626 : vector<1x256xf32> to vector<256x1xf32>
    %slice3A_1628 = vector.extract_strided_slice %get3A_13 {offsets = [0, 1536], sizes = [1, 256], strides = [1, 1]} : vector<1x2048xf32> to vector<1x256xf32>
    %reshape3A_1629 = vector.shape_cast %slice3A_1628 : vector<1x256xf32> to vector<256x1xf32>
    %slice3A_1630 = vector.extract_strided_slice %get3A_18 {offsets = [0, 1536], sizes = [1, 256], strides = [1, 1]} : vector<1x2048xf32> to vector<1x256xf32>
    %reshape3A_1631 = vector.shape_cast %slice3A_1630 : vector<1x256xf32> to vector<256x1xf32>
    %slice3A_1632 = vector.extract_strided_slice %mul3A {offsets = [0, 1536], sizes = [1, 256], strides = [1, 1]} : vector<1x2048xf32> to vector<1x256xf32>
    %reshape3A_1633 = vector.shape_cast %slice3A_1632 : vector<1x256xf32> to vector<256x1xf32>
    %slice3A_1634 = vector.extract_strided_slice %get3A_3 {offsets = [0, 768], sizes = [1, 256], strides = [1, 1]} : vector<1x2048xf32> to vector<1x256xf32>
    %slice3A_1635 = vector.extract_strided_slice %get3A_8 {offsets = [0, 768], sizes = [1, 256], strides = [1, 1]} : vector<1x2048xf32> to vector<1x256xf32>
    %slice3A_1636 = vector.extract_strided_slice %get3A_13 {offsets = [0, 768], sizes = [1, 256], strides = [1, 1]} : vector<1x2048xf32> to vector<1x256xf32>
    %slice3A_1637 = vector.extract_strided_slice %get3A_18 {offsets = [0, 768], sizes = [1, 256], strides = [1, 1]} : vector<1x2048xf32> to vector<1x256xf32>
    %slice3A_1638 = vector.extract_strided_slice %mul3A {offsets = [0, 768], sizes = [1, 256], strides = [1, 1]} : vector<1x2048xf32> to vector<1x256xf32>
    %min3A_1639 = vector.broadcast %reshape3A_1629 : vector<256x1xf32> to vector<256x256xf32>
    %min3A_1640 = vector.broadcast %slice3A_1636 : vector<1x256xf32> to vector<256x256xf32>
    %min3A_1641 = arith.minimumf %min3A_1639, %min3A_1640 : vector<256x256xf32>
    %max3A_1642 = vector.broadcast %reshape3A_1625 : vector<256x1xf32> to vector<256x256xf32>
    %max3A_1643 = vector.broadcast %slice3A_1634 : vector<1x256xf32> to vector<256x256xf32>
    %max3A_1644 = arith.maximumf %max3A_1642, %max3A_1643 : vector<256x256xf32>
    %sub3A_1645 = arith.subf %min3A_1641, %max3A_1644 : vector<256x256xf32>
    %max3A_1646 = arith.constant 0.000000e+00 : f32
    %max3A_1647 = vector.broadcast %max3A_1646 : f32 to vector<256x256xf32>
    %max3A_1648 = arith.maximumf %sub3A_1645, %max3A_1647 : vector<256x256xf32>
    %min3A_1649 = vector.broadcast %reshape3A_1631 : vector<256x1xf32> to vector<256x256xf32>
    %min3A_1650 = vector.broadcast %slice3A_1637 : vector<1x256xf32> to vector<256x256xf32>
    %min3A_1651 = arith.minimumf %min3A_1649, %min3A_1650 : vector<256x256xf32>
    %max3A_1652 = vector.broadcast %reshape3A_1627 : vector<256x1xf32> to vector<256x256xf32>
    %max3A_1653 = vector.broadcast %slice3A_1635 : vector<1x256xf32> to vector<256x256xf32>
    %max3A_1654 = arith.maximumf %max3A_1652, %max3A_1653 : vector<256x256xf32>
    %sub3A_1655 = arith.subf %min3A_1651, %max3A_1654 : vector<256x256xf32>
    %max3A_1656 = arith.constant 0.000000e+00 : f32
    %max3A_1657 = vector.broadcast %max3A_1656 : f32 to vector<256x256xf32>
    %max3A_1658 = arith.maximumf %sub3A_1655, %max3A_1657 : vector<256x256xf32>
    %mul3A_1659 = arith.mulf %max3A_1648, %max3A_1658 : vector<256x256xf32>
    %add3A_1660 = vector.broadcast %reshape3A_1633 : vector<256x1xf32> to vector<256x256xf32>
    %add3A_1661 = vector.broadcast %slice3A_1638 : vector<1x256xf32> to vector<256x256xf32>
    %add3A_1662 = arith.addf %add3A_1660, %add3A_1661 : vector<256x256xf32>
    %sub3A_1663 = arith.subf %add3A_1662, %mul3A_1659 : vector<256x256xf32>
    %max3A_1664 = arith.constant 9.99999971E-10 : f32
    %max3A_1665 = vector.broadcast %max3A_1664 : f32 to vector<256x256xf32>
    %max3A_1666 = arith.maximumf %sub3A_1663, %max3A_1665 : vector<256x256xf32>
    %div3A_1667 = arith.divf %mul3A_1659, %max3A_1666 : vector<256x256xf32>
    %gt3A_1668 = arith.constant 0.699999988 : f32
    %gt3A_1669 = vector.broadcast %gt3A_1668 : f32 to vector<256x256xf32>
    %gt3A_1670 = arith.cmpf ogt, %div3A_1667, %gt3A_1669 : vector<256x256xf32>
    %jit3A_1671 = arith.constant 1.000000e+00 : f32
    %jit3A_1672 = arith.constant 0.000000e+00 : f32
    %broadcast_in_dim3A_1673 = vector.broadcast %jit3A_1671 : f32 to vector<256x256xf32>
    %broadcast_in_dim3A_1674 = vector.broadcast %jit3A_1672 : f32 to vector<256x256xf32>
    %select_n3A_1675 = arith.select %gt3A_1670, %broadcast_in_dim3A_1673, %broadcast_in_dim3A_1674 : vector<256x256xi1>, vector<256x256xf32>
    %mul3A_1676 = vector.broadcast %while3A_1486#0 : vector<1x256xf32> to vector<256x256xf32>
    %mul3A_1677 = arith.mulf %select_n3A_1675, %mul3A_1676 : vector<256x256xf32>
    %reduce_max3A_1678 = arith.constant dense<0xFF800000> : vector<256xf32>
    %reduce_max3A_1679 = vector.multi_reduction <maximumf>, %mul3A_1677, %reduce_max3A_1678 [1] : vector<256x256xf32> to vector<256xf32>
    %get3A_1680 = arith.constant 0 : index
    %get3A_1681 = arith.constant 1536 : index
    %get3A_1682 = vector.load %arg4[%get3A_1680, %get3A_1681] : memref<1x2048xf32, #tpu.memory_space<vmem>>, vector<1x256xf32>
    %reshape3A_1683 = vector.shape_cast %reduce_max3A_1679 : vector<256xf32> to vector<1x256xf32>
    %sub3A_1684 = arith.constant 1.000000e+00 : f32
    %sub3A_1685 = vector.broadcast %sub3A_1684 : f32 to vector<1x256xf32>
    %sub3A_1686 = arith.subf %sub3A_1685, %reshape3A_1683 : vector<1x256xf32>
    %mul3A_1687 = arith.mulf %get3A_1682, %sub3A_1686 : vector<1x256xf32>
    %swap3A_1688 = arith.constant 0 : index
    %swap3A_1689 = arith.constant 1536 : index
    %swap3A_1690 = vector.load %arg4[%swap3A_1688, %swap3A_1689] : memref<1x2048xf32, #tpu.memory_space<vmem>>, vector<1x256xf32>
    tpu.vector_store %arg4[%swap3A_1688, %swap3A_1689], %mul3A_1687 {strides = array<i32>} : memref<1x2048xf32, #tpu.memory_space<vmem>>, vector<1x256xf32>,
    %slice3A_1691 = vector.extract_strided_slice %get3A_3 {offsets = [0, 1792], sizes = [1, 256], strides = [1, 1]} : vector<1x2048xf32> to vector<1x256xf32>
    %reshape3A_1692 = vector.shape_cast %slice3A_1691 : vector<1x256xf32> to vector<256x1xf32>
    %slice3A_1693 = vector.extract_strided_slice %get3A_8 {offsets = [0, 1792], sizes = [1, 256], strides = [1, 1]} : vector<1x2048xf32> to vector<1x256xf32>
    %reshape3A_1694 = vector.shape_cast %slice3A_1693 : vector<1x256xf32> to vector<256x1xf32>
    %slice3A_1695 = vector.extract_strided_slice %get3A_13 {offsets = [0, 1792], sizes = [1, 256], strides = [1, 1]} : vector<1x2048xf32> to vector<1x256xf32>
    %reshape3A_1696 = vector.shape_cast %slice3A_1695 : vector<1x256xf32> to vector<256x1xf32>
    %slice3A_1697 = vector.extract_strided_slice %get3A_18 {offsets = [0, 1792], sizes = [1, 256], strides = [1, 1]} : vector<1x2048xf32> to vector<1x256xf32>
    %reshape3A_1698 = vector.shape_cast %slice3A_1697 : vector<1x256xf32> to vector<256x1xf32>
    %slice3A_1699 = vector.extract_strided_slice %mul3A {offsets = [0, 1792], sizes = [1, 256], strides = [1, 1]} : vector<1x2048xf32> to vector<1x256xf32>
    %reshape3A_1700 = vector.shape_cast %slice3A_1699 : vector<1x256xf32> to vector<256x1xf32>
    %slice3A_1701 = vector.extract_strided_slice %get3A_3 {offsets = [0, 768], sizes = [1, 256], strides = [1, 1]} : vector<1x2048xf32> to vector<1x256xf32>
    %slice3A_1702 = vector.extract_strided_slice %get3A_8 {offsets = [0, 768], sizes = [1, 256], strides = [1, 1]} : vector<1x2048xf32> to vector<1x256xf32>
    %slice3A_1703 = vector.extract_strided_slice %get3A_13 {offsets = [0, 768], sizes = [1, 256], strides = [1, 1]} : vector<1x2048xf32> to vector<1x256xf32>
    %slice3A_1704 = vector.extract_strided_slice %get3A_18 {offsets = [0, 768], sizes = [1, 256], strides = [1, 1]} : vector<1x2048xf32> to vector<1x256xf32>
    %slice3A_1705 = vector.extract_strided_slice %mul3A {offsets = [0, 768], sizes = [1, 256], strides = [1, 1]} : vector<1x2048xf32> to vector<1x256xf32>
    %min3A_1706 = vector.broadcast %reshape3A_1696 : vector<256x1xf32> to vector<256x256xf32>
    %min3A_1707 = vector.broadcast %slice3A_1703 : vector<1x256xf32> to vector<256x256xf32>
    %min3A_1708 = arith.minimumf %min3A_1706, %min3A_1707 : vector<256x256xf32>
    %max3A_1709 = vector.broadcast %reshape3A_1692 : vector<256x1xf32> to vector<256x256xf32>
    %max3A_1710 = vector.broadcast %slice3A_1701 : vector<1x256xf32> to vector<256x256xf32>
    %max3A_1711 = arith.maximumf %max3A_1709, %max3A_1710 : vector<256x256xf32>
    %sub3A_1712 = arith.subf %min3A_1708, %max3A_1711 : vector<256x256xf32>
    %max3A_1713 = arith.constant 0.000000e+00 : f32
    %max3A_1714 = vector.broadcast %max3A_1713 : f32 to vector<256x256xf32>
    %max3A_1715 = arith.maximumf %sub3A_1712, %max3A_1714 : vector<256x256xf32>
    %min3A_1716 = vector.broadcast %reshape3A_1698 : vector<256x1xf32> to vector<256x256xf32>
    %min3A_1717 = vector.broadcast %slice3A_1704 : vector<1x256xf32> to vector<256x256xf32>
    %min3A_1718 = arith.minimumf %min3A_1716, %min3A_1717 : vector<256x256xf32>
    %max3A_1719 = vector.broadcast %reshape3A_1694 : vector<256x1xf32> to vector<256x256xf32>
    %max3A_1720 = vector.broadcast %slice3A_1702 : vector<1x256xf32> to vector<256x256xf32>
    %max3A_1721 = arith.maximumf %max3A_1719, %max3A_1720 : vector<256x256xf32>
    %sub3A_1722 = arith.subf %min3A_1718, %max3A_1721 : vector<256x256xf32>
    %max3A_1723 = arith.constant 0.000000e+00 : f32
    %max3A_1724 = vector.broadcast %max3A_1723 : f32 to vector<256x256xf32>
    %max3A_1725 = arith.maximumf %sub3A_1722, %max3A_1724 : vector<256x256xf32>
    %mul3A_1726 = arith.mulf %max3A_1715, %max3A_1725 : vector<256x256xf32>
    %add3A_1727 = vector.broadcast %reshape3A_1700 : vector<256x1xf32> to vector<256x256xf32>
    %add3A_1728 = vector.broadcast %slice3A_1705 : vector<1x256xf32> to vector<256x256xf32>
    %add3A_1729 = arith.addf %add3A_1727, %add3A_1728 : vector<256x256xf32>
    %sub3A_1730 = arith.subf %add3A_1729, %mul3A_1726 : vector<256x256xf32>
    %max3A_1731 = arith.constant 9.99999971E-10 : f32
    %max3A_1732 = vector.broadcast %max3A_1731 : f32 to vector<256x256xf32>
    %max3A_1733 = arith.maximumf %sub3A_1730, %max3A_1732 : vector<256x256xf32>
    %div3A_1734 = arith.divf %mul3A_1726, %max3A_1733 : vector<256x256xf32>
    %gt3A_1735 = arith.constant 0.699999988 : f32
    %gt3A_1736 = vector.broadcast %gt3A_1735 : f32 to vector<256x256xf32>
    %gt3A_1737 = arith.cmpf ogt, %div3A_1734, %gt3A_1736 : vector<256x256xf32>
    %jit3A_1738 = arith.constant 1.000000e+00 : f32
    %jit3A_1739 = arith.constant 0.000000e+00 : f32
    %broadcast_in_dim3A_1740 = vector.broadcast %jit3A_1738 : f32 to vector<256x256xf32>
    %broadcast_in_dim3A_1741 = vector.broadcast %jit3A_1739 : f32 to vector<256x256xf32>
    %select_n3A_1742 = arith.select %gt3A_1737, %broadcast_in_dim3A_1740, %broadcast_in_dim3A_1741 : vector<256x256xi1>, vector<256x256xf32>
    %mul3A_1743 = vector.broadcast %while3A_1486#0 : vector<1x256xf32> to vector<256x256xf32>
    %mul3A_1744 = arith.mulf %select_n3A_1742, %mul3A_1743 : vector<256x256xf32>
    %reduce_max3A_1745 = arith.constant dense<0xFF800000> : vector<256xf32>
    %reduce_max3A_1746 = vector.multi_reduction <maximumf>, %mul3A_1744, %reduce_max3A_1745 [1] : vector<256x256xf32> to vector<256xf32>
    %get3A_1747 = arith.constant 0 : index
    %get3A_1748 = arith.constant 1792 : index
    %get3A_1749 = vector.load %arg4[%get3A_1747, %get3A_1748] : memref<1x2048xf32, #tpu.memory_space<vmem>>, vector<1x256xf32>
    %reshape3A_1750 = vector.shape_cast %reduce_max3A_1746 : vector<256xf32> to vector<1x256xf32>
    %sub3A_1751 = arith.constant 1.000000e+00 : f32
    %sub3A_1752 = vector.broadcast %sub3A_1751 : f32 to vector<1x256xf32>
    %sub3A_1753 = arith.subf %sub3A_1752, %reshape3A_1750 : vector<1x256xf32>
    %mul3A_1754 = arith.mulf %get3A_1749, %sub3A_1753 : vector<1x256xf32>
    %swap3A_1755 = arith.constant 0 : index
    %swap3A_1756 = arith.constant 1792 : index
    %swap3A_1757 = vector.load %arg4[%swap3A_1755, %swap3A_1756] : memref<1x2048xf32, #tpu.memory_space<vmem>>, vector<1x256xf32>
    tpu.vector_store %arg4[%swap3A_1755, %swap3A_1756], %mul3A_1754 {strides = array<i32>} : memref<1x2048xf32, #tpu.memory_space<vmem>>, vector<1x256xf32>,
    %slice3A_1758 = vector.extract_strided_slice %get3A_3 {offsets = [0, 1024], sizes = [1, 256], strides = [1, 1]} : vector<1x2048xf32> to vector<1x256xf32>
    %reshape3A_1759 = vector.shape_cast %slice3A_1758 : vector<1x256xf32> to vector<256x1xf32>
    %slice3A_1760 = vector.extract_strided_slice %get3A_8 {offsets = [0, 1024], sizes = [1, 256], strides = [1, 1]} : vector<1x2048xf32> to vector<1x256xf32>
    %reshape3A_1761 = vector.shape_cast %slice3A_1760 : vector<1x256xf32> to vector<256x1xf32>
    %slice3A_1762 = vector.extract_strided_slice %get3A_13 {offsets = [0, 1024], sizes = [1, 256], strides = [1, 1]} : vector<1x2048xf32> to vector<1x256xf32>
    %reshape3A_1763 = vector.shape_cast %slice3A_1762 : vector<1x256xf32> to vector<256x1xf32>
    %slice3A_1764 = vector.extract_strided_slice %get3A_18 {offsets = [0, 1024], sizes = [1, 256], strides = [1, 1]} : vector<1x2048xf32> to vector<1x256xf32>
    %reshape3A_1765 = vector.shape_cast %slice3A_1764 : vector<1x256xf32> to vector<256x1xf32>
    %slice3A_1766 = vector.extract_strided_slice %mul3A {offsets = [0, 1024], sizes = [1, 256], strides = [1, 1]} : vector<1x2048xf32> to vector<1x256xf32>
    %reshape3A_1767 = vector.shape_cast %slice3A_1766 : vector<1x256xf32> to vector<256x1xf32>
    %slice3A_1768 = vector.extract_strided_slice %get3A_3 {offsets = [0, 1024], sizes = [1, 256], strides = [1, 1]} : vector<1x2048xf32> to vector<1x256xf32>
    %slice3A_1769 = vector.extract_strided_slice %get3A_8 {offsets = [0, 1024], sizes = [1, 256], strides = [1, 1]} : vector<1x2048xf32> to vector<1x256xf32>
    %slice3A_1770 = vector.extract_strided_slice %get3A_13 {offsets = [0, 1024], sizes = [1, 256], strides = [1, 1]} : vector<1x2048xf32> to vector<1x256xf32>
    %slice3A_1771 = vector.extract_strided_slice %get3A_18 {offsets = [0, 1024], sizes = [1, 256], strides = [1, 1]} : vector<1x2048xf32> to vector<1x256xf32>
    %slice3A_1772 = vector.extract_strided_slice %mul3A {offsets = [0, 1024], sizes = [1, 256], strides = [1, 1]} : vector<1x2048xf32> to vector<1x256xf32>
    %min3A_1773 = vector.broadcast %reshape3A_1763 : vector<256x1xf32> to vector<256x256xf32>
    %min3A_1774 = vector.broadcast %slice3A_1770 : vector<1x256xf32> to vector<256x256xf32>
    %min3A_1775 = arith.minimumf %min3A_1773, %min3A_1774 : vector<256x256xf32>
    %max3A_1776 = vector.broadcast %reshape3A_1759 : vector<256x1xf32> to vector<256x256xf32>
    %max3A_1777 = vector.broadcast %slice3A_1768 : vector<1x256xf32> to vector<256x256xf32>
    %max3A_1778 = arith.maximumf %max3A_1776, %max3A_1777 : vector<256x256xf32>
    %sub3A_1779 = arith.subf %min3A_1775, %max3A_1778 : vector<256x256xf32>
    %max3A_1780 = arith.constant 0.000000e+00 : f32
    %max3A_1781 = vector.broadcast %max3A_1780 : f32 to vector<256x256xf32>
    %max3A_1782 = arith.maximumf %sub3A_1779, %max3A_1781 : vector<256x256xf32>
    %min3A_1783 = vector.broadcast %reshape3A_1765 : vector<256x1xf32> to vector<256x256xf32>
    %min3A_1784 = vector.broadcast %slice3A_1771 : vector<1x256xf32> to vector<256x256xf32>
    %min3A_1785 = arith.minimumf %min3A_1783, %min3A_1784 : vector<256x256xf32>
    %max3A_1786 = vector.broadcast %reshape3A_1761 : vector<256x1xf32> to vector<256x256xf32>
    %max3A_1787 = vector.broadcast %slice3A_1769 : vector<1x256xf32> to vector<256x256xf32>
    %max3A_1788 = arith.maximumf %max3A_1786, %max3A_1787 : vector<256x256xf32>
    %sub3A_1789 = arith.subf %min3A_1785, %max3A_1788 : vector<256x256xf32>
    %max3A_1790 = arith.constant 0.000000e+00 : f32
    %max3A_1791 = vector.broadcast %max3A_1790 : f32 to vector<256x256xf32>
    %max3A_1792 = arith.maximumf %sub3A_1789, %max3A_1791 : vector<256x256xf32>
    %mul3A_1793 = arith.mulf %max3A_1782, %max3A_1792 : vector<256x256xf32>
    %add3A_1794 = vector.broadcast %reshape3A_1767 : vector<256x1xf32> to vector<256x256xf32>
    %add3A_1795 = vector.broadcast %slice3A_1772 : vector<1x256xf32> to vector<256x256xf32>
    %add3A_1796 = arith.addf %add3A_1794, %add3A_1795 : vector<256x256xf32>
    %sub3A_1797 = arith.subf %add3A_1796, %mul3A_1793 : vector<256x256xf32>
    %max3A_1798 = arith.constant 9.99999971E-10 : f32
    %max3A_1799 = vector.broadcast %max3A_1798 : f32 to vector<256x256xf32>
    %max3A_1800 = arith.maximumf %sub3A_1797, %max3A_1799 : vector<256x256xf32>
    %div3A_1801 = arith.divf %mul3A_1793, %max3A_1800 : vector<256x256xf32>
    %iota3A_1802 = tpu.iota {dimensions = array<i32: 1>} : vector<1x256xi32>
    %iota3A_1803 = tpu.iota {dimensions = array<i32: 0>} : vector<256x1xi32>
    %gt3A_1804 = arith.constant 0.699999988 : f32
    %gt3A_1805 = vector.broadcast %gt3A_1804 : f32 to vector<256x256xf32>
    %gt3A_1806 = arith.cmpf ogt, %div3A_1801, %gt3A_1805 : vector<256x256xf32>
    %lt3A_1807 = vector.broadcast %iota3A_1802 : vector<1x256xi32> to vector<256x256xi32>
    %lt3A_1808 = vector.broadcast %iota3A_1803 : vector<256x1xi32> to vector<256x256xi32>
    %lt3A_1809 = arith.cmpi slt, %lt3A_1807, %lt3A_1808 : vector<256x256xi32>
    %and3A_1810 = arith.andi %gt3A_1806, %lt3A_1809 : vector<256x256xi1>
    %jit3A_1811 = arith.constant 1.000000e+00 : f32
    %jit3A_1812 = arith.constant 0.000000e+00 : f32
    %broadcast_in_dim3A_1813 = vector.broadcast %jit3A_1811 : f32 to vector<256x256xf32>
    %broadcast_in_dim3A_1814 = vector.broadcast %jit3A_1812 : f32 to vector<256x256xf32>
    %select_n3A_1815 = arith.select %and3A_1810, %broadcast_in_dim3A_1813, %broadcast_in_dim3A_1814 : vector<256x256xi1>, vector<256x256xf32>
    %get3A_1816 = arith.constant 0 : index
    %get3A_1817 = arith.constant 1024 : index
    %get3A_1818 = vector.load %arg4[%get3A_1816, %get3A_1817] : memref<1x2048xf32, #tpu.memory_space<vmem>>, vector<1x256xf32>
    %while3A_1819 = arith.constant true
    %while3A_1820 = arith.constant 0 : i32
    %while3A_1821:3 = scf.while (%while3A_2503 = %get3A_1818, %while3A_2504 = %while3A_1819, %while3A_2505 = %while3A_1820) : (vector<1x256xf32>, i1, i32) -> (vector<1x256xf32>, i1, i32) {
      %lt3A_2506 = arith.constant 258 : i32
      %lt3A_2507 = arith.cmpi slt, %while3A_2505, %lt3A_2506 : i32
      %and3A_2508 = arith.andi %while3A_2504, %lt3A_2507 : i1
      scf.condition(%and3A_2508) %while3A_2503, %while3A_2504, %while3A_2505 : vector<1x256xf32>, i1, i32
    } do {
    ^bb0(%while3A_2503: vector<1x256xf32>, %while3A_2504: i1, %while3A_2505: i32):
      %mul3A_2506 = vector.broadcast %while3A_2503 : vector<1x256xf32> to vector<256x256xf32>
      %mul3A_2507 = arith.mulf %select_n3A_1815, %mul3A_2506 : vector<256x256xf32>
      %reduce_max3A_2508 = arith.constant dense<0xFF800000> : vector<256xf32>
      %reduce_max3A_2509 = vector.multi_reduction <maximumf>, %mul3A_2507, %reduce_max3A_2508 [1] : vector<256x256xf32> to vector<256xf32>
      %reshape3A_2510 = vector.shape_cast %reduce_max3A_2509 : vector<256xf32> to vector<1x256xf32>
      %sub3A_2511 = arith.constant 1.000000e+00 : f32
      %sub3A_2512 = vector.broadcast %sub3A_2511 : f32 to vector<1x256xf32>
      %sub3A_2513 = arith.subf %sub3A_2512, %reshape3A_2510 : vector<1x256xf32>
      %mul3A_2514 = arith.mulf %get3A_1818, %sub3A_2513 : vector<1x256xf32>
      %ne3A = arith.cmpf one, %mul3A_2514, %while3A_2503 : vector<1x256xf32>
      %reduce_or3A = arith.constant 1.000000e+00 : f32
      %reduce_or3A_2515 = arith.constant 0.000000e+00 : f32
      %reduce_or3A_2516 = vector.broadcast %reduce_or3A : f32 to vector<1x256xf32>
      %reduce_or3A_2517 = vector.broadcast %reduce_or3A_2515 : f32 to vector<1x256xf32>
      %reduce_or3A_2518 = arith.select %ne3A, %reduce_or3A_2516, %reduce_or3A_2517 : vector<1x256xi1>, vector<1x256xf32>
      %reduce_or3A_2519 = vector.shape_cast %reduce_or3A_2518 : vector<1x256xf32> to vector<1x1x256xf32>
      %reduce_or3A_2520 = arith.constant dense<0xFF800000> : vector<1xf32>
      %reduce_or3A_2521 = vector.multi_reduction <maximumf>, %reduce_or3A_2519, %reduce_or3A_2520 [1, 2] : vector<1x1x256xf32> to vector<1xf32>
      %reduce_or3A_2522 = vector.shape_cast %reduce_or3A_2521 : vector<1xf32> to vector<1x1x1xf32>
      %reduce_or3A_2523 = vector.extract %reduce_or3A_2522[0, 0, 0] : f32 from vector<1x1x1xf32>
      %reduce_or3A_2524 = arith.constant 0.000000e+00 : f32
      %reduce_or3A_2525 = arith.cmpf ogt, %reduce_or3A_2523, %reduce_or3A_2524 : f32
      %add3A_2526 = arith.constant 1 : i32
      %add3A_2527 = arith.addi %while3A_2505, %add3A_2526 : i32
      scf.yield %mul3A_2514, %reduce_or3A_2525, %add3A_2527 : vector<1x256xf32>, i1, i32
    }
    %swap3A_1822 = arith.constant 0 : index
    %swap3A_1823 = arith.constant 1024 : index
    %swap3A_1824 = vector.load %arg4[%swap3A_1822, %swap3A_1823] : memref<1x2048xf32, #tpu.memory_space<vmem>>, vector<1x256xf32>
    tpu.vector_store %arg4[%swap3A_1822, %swap3A_1823], %while3A_1821#0 {strides = array<i32>} : memref<1x2048xf32, #tpu.memory_space<vmem>>, vector<1x256xf32>,
    %slice3A_1825 = vector.extract_strided_slice %get3A_3 {offsets = [0, 1280], sizes = [1, 256], strides = [1, 1]} : vector<1x2048xf32> to vector<1x256xf32>
    %reshape3A_1826 = vector.shape_cast %slice3A_1825 : vector<1x256xf32> to vector<256x1xf32>
    %slice3A_1827 = vector.extract_strided_slice %get3A_8 {offsets = [0, 1280], sizes = [1, 256], strides = [1, 1]} : vector<1x2048xf32> to vector<1x256xf32>
    %reshape3A_1828 = vector.shape_cast %slice3A_1827 : vector<1x256xf32> to vector<256x1xf32>
    %slice3A_1829 = vector.extract_strided_slice %get3A_13 {offsets = [0, 1280], sizes = [1, 256], strides = [1, 1]} : vector<1x2048xf32> to vector<1x256xf32>
    %reshape3A_1830 = vector.shape_cast %slice3A_1829 : vector<1x256xf32> to vector<256x1xf32>
    %slice3A_1831 = vector.extract_strided_slice %get3A_18 {offsets = [0, 1280], sizes = [1, 256], strides = [1, 1]} : vector<1x2048xf32> to vector<1x256xf32>
    %reshape3A_1832 = vector.shape_cast %slice3A_1831 : vector<1x256xf32> to vector<256x1xf32>
    %slice3A_1833 = vector.extract_strided_slice %mul3A {offsets = [0, 1280], sizes = [1, 256], strides = [1, 1]} : vector<1x2048xf32> to vector<1x256xf32>
    %reshape3A_1834 = vector.shape_cast %slice3A_1833 : vector<1x256xf32> to vector<256x1xf32>
    %slice3A_1835 = vector.extract_strided_slice %get3A_3 {offsets = [0, 1024], sizes = [1, 256], strides = [1, 1]} : vector<1x2048xf32> to vector<1x256xf32>
    %slice3A_1836 = vector.extract_strided_slice %get3A_8 {offsets = [0, 1024], sizes = [1, 256], strides = [1, 1]} : vector<1x2048xf32> to vector<1x256xf32>
    %slice3A_1837 = vector.extract_strided_slice %get3A_13 {offsets = [0, 1024], sizes = [1, 256], strides = [1, 1]} : vector<1x2048xf32> to vector<1x256xf32>
    %slice3A_1838 = vector.extract_strided_slice %get3A_18 {offsets = [0, 1024], sizes = [1, 256], strides = [1, 1]} : vector<1x2048xf32> to vector<1x256xf32>
    %slice3A_1839 = vector.extract_strided_slice %mul3A {offsets = [0, 1024], sizes = [1, 256], strides = [1, 1]} : vector<1x2048xf32> to vector<1x256xf32>
    %min3A_1840 = vector.broadcast %reshape3A_1830 : vector<256x1xf32> to vector<256x256xf32>
    %min3A_1841 = vector.broadcast %slice3A_1837 : vector<1x256xf32> to vector<256x256xf32>
    %min3A_1842 = arith.minimumf %min3A_1840, %min3A_1841 : vector<256x256xf32>
    %max3A_1843 = vector.broadcast %reshape3A_1826 : vector<256x1xf32> to vector<256x256xf32>
    %max3A_1844 = vector.broadcast %slice3A_1835 : vector<1x256xf32> to vector<256x256xf32>
    %max3A_1845 = arith.maximumf %max3A_1843, %max3A_1844 : vector<256x256xf32>
    %sub3A_1846 = arith.subf %min3A_1842, %max3A_1845 : vector<256x256xf32>
    %max3A_1847 = arith.constant 0.000000e+00 : f32
    %max3A_1848 = vector.broadcast %max3A_1847 : f32 to vector<256x256xf32>
    %max3A_1849 = arith.maximumf %sub3A_1846, %max3A_1848 : vector<256x256xf32>
    %min3A_1850 = vector.broadcast %reshape3A_1832 : vector<256x1xf32> to vector<256x256xf32>
    %min3A_1851 = vector.broadcast %slice3A_1838 : vector<1x256xf32> to vector<256x256xf32>
    %min3A_1852 = arith.minimumf %min3A_1850, %min3A_1851 : vector<256x256xf32>
    %max3A_1853 = vector.broadcast %reshape3A_1828 : vector<256x1xf32> to vector<256x256xf32>
    %max3A_1854 = vector.broadcast %slice3A_1836 : vector<1x256xf32> to vector<256x256xf32>
    %max3A_1855 = arith.maximumf %max3A_1853, %max3A_1854 : vector<256x256xf32>
    %sub3A_1856 = arith.subf %min3A_1852, %max3A_1855 : vector<256x256xf32>
    %max3A_1857 = arith.constant 0.000000e+00 : f32
    %max3A_1858 = vector.broadcast %max3A_1857 : f32 to vector<256x256xf32>
    %max3A_1859 = arith.maximumf %sub3A_1856, %max3A_1858 : vector<256x256xf32>
    %mul3A_1860 = arith.mulf %max3A_1849, %max3A_1859 : vector<256x256xf32>
    %add3A_1861 = vector.broadcast %reshape3A_1834 : vector<256x1xf32> to vector<256x256xf32>
    %add3A_1862 = vector.broadcast %slice3A_1839 : vector<1x256xf32> to vector<256x256xf32>
    %add3A_1863 = arith.addf %add3A_1861, %add3A_1862 : vector<256x256xf32>
    %sub3A_1864 = arith.subf %add3A_1863, %mul3A_1860 : vector<256x256xf32>
    %max3A_1865 = arith.constant 9.99999971E-10 : f32
    %max3A_1866 = vector.broadcast %max3A_1865 : f32 to vector<256x256xf32>
    %max3A_1867 = arith.maximumf %sub3A_1864, %max3A_1866 : vector<256x256xf32>
    %div3A_1868 = arith.divf %mul3A_1860, %max3A_1867 : vector<256x256xf32>
    %gt3A_1869 = arith.constant 0.699999988 : f32
    %gt3A_1870 = vector.broadcast %gt3A_1869 : f32 to vector<256x256xf32>
    %gt3A_1871 = arith.cmpf ogt, %div3A_1868, %gt3A_1870 : vector<256x256xf32>
    %jit3A_1872 = arith.constant 1.000000e+00 : f32
    %jit3A_1873 = arith.constant 0.000000e+00 : f32
    %broadcast_in_dim3A_1874 = vector.broadcast %jit3A_1872 : f32 to vector<256x256xf32>
    %broadcast_in_dim3A_1875 = vector.broadcast %jit3A_1873 : f32 to vector<256x256xf32>
    %select_n3A_1876 = arith.select %gt3A_1871, %broadcast_in_dim3A_1874, %broadcast_in_dim3A_1875 : vector<256x256xi1>, vector<256x256xf32>
    %mul3A_1877 = vector.broadcast %while3A_1821#0 : vector<1x256xf32> to vector<256x256xf32>
    %mul3A_1878 = arith.mulf %select_n3A_1876, %mul3A_1877 : vector<256x256xf32>
    %reduce_max3A_1879 = arith.constant dense<0xFF800000> : vector<256xf32>
    %reduce_max3A_1880 = vector.multi_reduction <maximumf>, %mul3A_1878, %reduce_max3A_1879 [1] : vector<256x256xf32> to vector<256xf32>
    %get3A_1881 = arith.constant 0 : index
    %get3A_1882 = arith.constant 1280 : index
    %get3A_1883 = vector.load %arg4[%get3A_1881, %get3A_1882] : memref<1x2048xf32, #tpu.memory_space<vmem>>, vector<1x256xf32>
    %reshape3A_1884 = vector.shape_cast %reduce_max3A_1880 : vector<256xf32> to vector<1x256xf32>
    %sub3A_1885 = arith.constant 1.000000e+00 : f32
    %sub3A_1886 = vector.broadcast %sub3A_1885 : f32 to vector<1x256xf32>
    %sub3A_1887 = arith.subf %sub3A_1886, %reshape3A_1884 : vector<1x256xf32>
    %mul3A_1888 = arith.mulf %get3A_1883, %sub3A_1887 : vector<1x256xf32>
    %swap3A_1889 = arith.constant 0 : index
    %swap3A_1890 = arith.constant 1280 : index
    %swap3A_1891 = vector.load %arg4[%swap3A_1889, %swap3A_1890] : memref<1x2048xf32, #tpu.memory_space<vmem>>, vector<1x256xf32>
    tpu.vector_store %arg4[%swap3A_1889, %swap3A_1890], %mul3A_1888 {strides = array<i32>} : memref<1x2048xf32, #tpu.memory_space<vmem>>, vector<1x256xf32>,
    %slice3A_1892 = vector.extract_strided_slice %get3A_3 {offsets = [0, 1536], sizes = [1, 256], strides = [1, 1]} : vector<1x2048xf32> to vector<1x256xf32>
    %reshape3A_1893 = vector.shape_cast %slice3A_1892 : vector<1x256xf32> to vector<256x1xf32>
    %slice3A_1894 = vector.extract_strided_slice %get3A_8 {offsets = [0, 1536], sizes = [1, 256], strides = [1, 1]} : vector<1x2048xf32> to vector<1x256xf32>
    %reshape3A_1895 = vector.shape_cast %slice3A_1894 : vector<1x256xf32> to vector<256x1xf32>
    %slice3A_1896 = vector.extract_strided_slice %get3A_13 {offsets = [0, 1536], sizes = [1, 256], strides = [1, 1]} : vector<1x2048xf32> to vector<1x256xf32>
    %reshape3A_1897 = vector.shape_cast %slice3A_1896 : vector<1x256xf32> to vector<256x1xf32>
    %slice3A_1898 = vector.extract_strided_slice %get3A_18 {offsets = [0, 1536], sizes = [1, 256], strides = [1, 1]} : vector<1x2048xf32> to vector<1x256xf32>
    %reshape3A_1899 = vector.shape_cast %slice3A_1898 : vector<1x256xf32> to vector<256x1xf32>
    %slice3A_1900 = vector.extract_strided_slice %mul3A {offsets = [0, 1536], sizes = [1, 256], strides = [1, 1]} : vector<1x2048xf32> to vector<1x256xf32>
    %reshape3A_1901 = vector.shape_cast %slice3A_1900 : vector<1x256xf32> to vector<256x1xf32>
    %slice3A_1902 = vector.extract_strided_slice %get3A_3 {offsets = [0, 1024], sizes = [1, 256], strides = [1, 1]} : vector<1x2048xf32> to vector<1x256xf32>
    %slice3A_1903 = vector.extract_strided_slice %get3A_8 {offsets = [0, 1024], sizes = [1, 256], strides = [1, 1]} : vector<1x2048xf32> to vector<1x256xf32>
    %slice3A_1904 = vector.extract_strided_slice %get3A_13 {offsets = [0, 1024], sizes = [1, 256], strides = [1, 1]} : vector<1x2048xf32> to vector<1x256xf32>
    %slice3A_1905 = vector.extract_strided_slice %get3A_18 {offsets = [0, 1024], sizes = [1, 256], strides = [1, 1]} : vector<1x2048xf32> to vector<1x256xf32>
    %slice3A_1906 = vector.extract_strided_slice %mul3A {offsets = [0, 1024], sizes = [1, 256], strides = [1, 1]} : vector<1x2048xf32> to vector<1x256xf32>
    %min3A_1907 = vector.broadcast %reshape3A_1897 : vector<256x1xf32> to vector<256x256xf32>
    %min3A_1908 = vector.broadcast %slice3A_1904 : vector<1x256xf32> to vector<256x256xf32>
    %min3A_1909 = arith.minimumf %min3A_1907, %min3A_1908 : vector<256x256xf32>
    %max3A_1910 = vector.broadcast %reshape3A_1893 : vector<256x1xf32> to vector<256x256xf32>
    %max3A_1911 = vector.broadcast %slice3A_1902 : vector<1x256xf32> to vector<256x256xf32>
    %max3A_1912 = arith.maximumf %max3A_1910, %max3A_1911 : vector<256x256xf32>
    %sub3A_1913 = arith.subf %min3A_1909, %max3A_1912 : vector<256x256xf32>
    %max3A_1914 = arith.constant 0.000000e+00 : f32
    %max3A_1915 = vector.broadcast %max3A_1914 : f32 to vector<256x256xf32>
    %max3A_1916 = arith.maximumf %sub3A_1913, %max3A_1915 : vector<256x256xf32>
    %min3A_1917 = vector.broadcast %reshape3A_1899 : vector<256x1xf32> to vector<256x256xf32>
    %min3A_1918 = vector.broadcast %slice3A_1905 : vector<1x256xf32> to vector<256x256xf32>
    %min3A_1919 = arith.minimumf %min3A_1917, %min3A_1918 : vector<256x256xf32>
    %max3A_1920 = vector.broadcast %reshape3A_1895 : vector<256x1xf32> to vector<256x256xf32>
    %max3A_1921 = vector.broadcast %slice3A_1903 : vector<1x256xf32> to vector<256x256xf32>
    %max3A_1922 = arith.maximumf %max3A_1920, %max3A_1921 : vector<256x256xf32>
    %sub3A_1923 = arith.subf %min3A_1919, %max3A_1922 : vector<256x256xf32>
    %max3A_1924 = arith.constant 0.000000e+00 : f32
    %max3A_1925 = vector.broadcast %max3A_1924 : f32 to vector<256x256xf32>
    %max3A_1926 = arith.maximumf %sub3A_1923, %max3A_1925 : vector<256x256xf32>
    %mul3A_1927 = arith.mulf %max3A_1916, %max3A_1926 : vector<256x256xf32>
    %add3A_1928 = vector.broadcast %reshape3A_1901 : vector<256x1xf32> to vector<256x256xf32>
    %add3A_1929 = vector.broadcast %slice3A_1906 : vector<1x256xf32> to vector<256x256xf32>
    %add3A_1930 = arith.addf %add3A_1928, %add3A_1929 : vector<256x256xf32>
    %sub3A_1931 = arith.subf %add3A_1930, %mul3A_1927 : vector<256x256xf32>
    %max3A_1932 = arith.constant 9.99999971E-10 : f32
    %max3A_1933 = vector.broadcast %max3A_1932 : f32 to vector<256x256xf32>
    %max3A_1934 = arith.maximumf %sub3A_1931, %max3A_1933 : vector<256x256xf32>
    %div3A_1935 = arith.divf %mul3A_1927, %max3A_1934 : vector<256x256xf32>
    %gt3A_1936 = arith.constant 0.699999988 : f32
    %gt3A_1937 = vector.broadcast %gt3A_1936 : f32 to vector<256x256xf32>
    %gt3A_1938 = arith.cmpf ogt, %div3A_1935, %gt3A_1937 : vector<256x256xf32>
    %jit3A_1939 = arith.constant 1.000000e+00 : f32
    %jit3A_1940 = arith.constant 0.000000e+00 : f32
    %broadcast_in_dim3A_1941 = vector.broadcast %jit3A_1939 : f32 to vector<256x256xf32>
    %broadcast_in_dim3A_1942 = vector.broadcast %jit3A_1940 : f32 to vector<256x256xf32>
    %select_n3A_1943 = arith.select %gt3A_1938, %broadcast_in_dim3A_1941, %broadcast_in_dim3A_1942 : vector<256x256xi1>, vector<256x256xf32>
    %mul3A_1944 = vector.broadcast %while3A_1821#0 : vector<1x256xf32> to vector<256x256xf32>
    %mul3A_1945 = arith.mulf %select_n3A_1943, %mul3A_1944 : vector<256x256xf32>
    %reduce_max3A_1946 = arith.constant dense<0xFF800000> : vector<256xf32>
    %reduce_max3A_1947 = vector.multi_reduction <maximumf>, %mul3A_1945, %reduce_max3A_1946 [1] : vector<256x256xf32> to vector<256xf32>
    %get3A_1948 = arith.constant 0 : index
    %get3A_1949 = arith.constant 1536 : index
    %get3A_1950 = vector.load %arg4[%get3A_1948, %get3A_1949] : memref<1x2048xf32, #tpu.memory_space<vmem>>, vector<1x256xf32>
    %reshape3A_1951 = vector.shape_cast %reduce_max3A_1947 : vector<256xf32> to vector<1x256xf32>
    %sub3A_1952 = arith.constant 1.000000e+00 : f32
    %sub3A_1953 = vector.broadcast %sub3A_1952 : f32 to vector<1x256xf32>
    %sub3A_1954 = arith.subf %sub3A_1953, %reshape3A_1951 : vector<1x256xf32>
    %mul3A_1955 = arith.mulf %get3A_1950, %sub3A_1954 : vector<1x256xf32>
    %swap3A_1956 = arith.constant 0 : index
    %swap3A_1957 = arith.constant 1536 : index
    %swap3A_1958 = vector.load %arg4[%swap3A_1956, %swap3A_1957] : memref<1x2048xf32, #tpu.memory_space<vmem>>, vector<1x256xf32>
    tpu.vector_store %arg4[%swap3A_1956, %swap3A_1957], %mul3A_1955 {strides = array<i32>} : memref<1x2048xf32, #tpu.memory_space<vmem>>, vector<1x256xf32>,
    %slice3A_1959 = vector.extract_strided_slice %get3A_3 {offsets = [0, 1792], sizes = [1, 256], strides = [1, 1]} : vector<1x2048xf32> to vector<1x256xf32>
    %reshape3A_1960 = vector.shape_cast %slice3A_1959 : vector<1x256xf32> to vector<256x1xf32>
    %slice3A_1961 = vector.extract_strided_slice %get3A_8 {offsets = [0, 1792], sizes = [1, 256], strides = [1, 1]} : vector<1x2048xf32> to vector<1x256xf32>
    %reshape3A_1962 = vector.shape_cast %slice3A_1961 : vector<1x256xf32> to vector<256x1xf32>
    %slice3A_1963 = vector.extract_strided_slice %get3A_13 {offsets = [0, 1792], sizes = [1, 256], strides = [1, 1]} : vector<1x2048xf32> to vector<1x256xf32>
    %reshape3A_1964 = vector.shape_cast %slice3A_1963 : vector<1x256xf32> to vector<256x1xf32>
    %slice3A_1965 = vector.extract_strided_slice %get3A_18 {offsets = [0, 1792], sizes = [1, 256], strides = [1, 1]} : vector<1x2048xf32> to vector<1x256xf32>
    %reshape3A_1966 = vector.shape_cast %slice3A_1965 : vector<1x256xf32> to vector<256x1xf32>
    %slice3A_1967 = vector.extract_strided_slice %mul3A {offsets = [0, 1792], sizes = [1, 256], strides = [1, 1]} : vector<1x2048xf32> to vector<1x256xf32>
    %reshape3A_1968 = vector.shape_cast %slice3A_1967 : vector<1x256xf32> to vector<256x1xf32>
    %slice3A_1969 = vector.extract_strided_slice %get3A_3 {offsets = [0, 1024], sizes = [1, 256], strides = [1, 1]} : vector<1x2048xf32> to vector<1x256xf32>
    %slice3A_1970 = vector.extract_strided_slice %get3A_8 {offsets = [0, 1024], sizes = [1, 256], strides = [1, 1]} : vector<1x2048xf32> to vector<1x256xf32>
    %slice3A_1971 = vector.extract_strided_slice %get3A_13 {offsets = [0, 1024], sizes = [1, 256], strides = [1, 1]} : vector<1x2048xf32> to vector<1x256xf32>
    %slice3A_1972 = vector.extract_strided_slice %get3A_18 {offsets = [0, 1024], sizes = [1, 256], strides = [1, 1]} : vector<1x2048xf32> to vector<1x256xf32>
    %slice3A_1973 = vector.extract_strided_slice %mul3A {offsets = [0, 1024], sizes = [1, 256], strides = [1, 1]} : vector<1x2048xf32> to vector<1x256xf32>
    %min3A_1974 = vector.broadcast %reshape3A_1964 : vector<256x1xf32> to vector<256x256xf32>
    %min3A_1975 = vector.broadcast %slice3A_1971 : vector<1x256xf32> to vector<256x256xf32>
    %min3A_1976 = arith.minimumf %min3A_1974, %min3A_1975 : vector<256x256xf32>
    %max3A_1977 = vector.broadcast %reshape3A_1960 : vector<256x1xf32> to vector<256x256xf32>
    %max3A_1978 = vector.broadcast %slice3A_1969 : vector<1x256xf32> to vector<256x256xf32>
    %max3A_1979 = arith.maximumf %max3A_1977, %max3A_1978 : vector<256x256xf32>
    %sub3A_1980 = arith.subf %min3A_1976, %max3A_1979 : vector<256x256xf32>
    %max3A_1981 = arith.constant 0.000000e+00 : f32
    %max3A_1982 = vector.broadcast %max3A_1981 : f32 to vector<256x256xf32>
    %max3A_1983 = arith.maximumf %sub3A_1980, %max3A_1982 : vector<256x256xf32>
    %min3A_1984 = vector.broadcast %reshape3A_1966 : vector<256x1xf32> to vector<256x256xf32>
    %min3A_1985 = vector.broadcast %slice3A_1972 : vector<1x256xf32> to vector<256x256xf32>
    %min3A_1986 = arith.minimumf %min3A_1984, %min3A_1985 : vector<256x256xf32>
    %max3A_1987 = vector.broadcast %reshape3A_1962 : vector<256x1xf32> to vector<256x256xf32>
    %max3A_1988 = vector.broadcast %slice3A_1970 : vector<1x256xf32> to vector<256x256xf32>
    %max3A_1989 = arith.maximumf %max3A_1987, %max3A_1988 : vector<256x256xf32>
    %sub3A_1990 = arith.subf %min3A_1986, %max3A_1989 : vector<256x256xf32>
    %max3A_1991 = arith.constant 0.000000e+00 : f32
    %max3A_1992 = vector.broadcast %max3A_1991 : f32 to vector<256x256xf32>
    %max3A_1993 = arith.maximumf %sub3A_1990, %max3A_1992 : vector<256x256xf32>
    %mul3A_1994 = arith.mulf %max3A_1983, %max3A_1993 : vector<256x256xf32>
    %add3A_1995 = vector.broadcast %reshape3A_1968 : vector<256x1xf32> to vector<256x256xf32>
    %add3A_1996 = vector.broadcast %slice3A_1973 : vector<1x256xf32> to vector<256x256xf32>
    %add3A_1997 = arith.addf %add3A_1995, %add3A_1996 : vector<256x256xf32>
    %sub3A_1998 = arith.subf %add3A_1997, %mul3A_1994 : vector<256x256xf32>
    %max3A_1999 = arith.constant 9.99999971E-10 : f32
    %max3A_2000 = vector.broadcast %max3A_1999 : f32 to vector<256x256xf32>
    %max3A_2001 = arith.maximumf %sub3A_1998, %max3A_2000 : vector<256x256xf32>
    %div3A_2002 = arith.divf %mul3A_1994, %max3A_2001 : vector<256x256xf32>
    %gt3A_2003 = arith.constant 0.699999988 : f32
    %gt3A_2004 = vector.broadcast %gt3A_2003 : f32 to vector<256x256xf32>
    %gt3A_2005 = arith.cmpf ogt, %div3A_2002, %gt3A_2004 : vector<256x256xf32>
    %jit3A_2006 = arith.constant 1.000000e+00 : f32
    %jit3A_2007 = arith.constant 0.000000e+00 : f32
    %broadcast_in_dim3A_2008 = vector.broadcast %jit3A_2006 : f32 to vector<256x256xf32>
    %broadcast_in_dim3A_2009 = vector.broadcast %jit3A_2007 : f32 to vector<256x256xf32>
    %select_n3A_2010 = arith.select %gt3A_2005, %broadcast_in_dim3A_2008, %broadcast_in_dim3A_2009 : vector<256x256xi1>, vector<256x256xf32>
    %mul3A_2011 = vector.broadcast %while3A_1821#0 : vector<1x256xf32> to vector<256x256xf32>
    %mul3A_2012 = arith.mulf %select_n3A_2010, %mul3A_2011 : vector<256x256xf32>
    %reduce_max3A_2013 = arith.constant dense<0xFF800000> : vector<256xf32>
    %reduce_max3A_2014 = vector.multi_reduction <maximumf>, %mul3A_2012, %reduce_max3A_2013 [1] : vector<256x256xf32> to vector<256xf32>
    %get3A_2015 = arith.constant 0 : index
    %get3A_2016 = arith.constant 1792 : index
    %get3A_2017 = vector.load %arg4[%get3A_2015, %get3A_2016] : memref<1x2048xf32, #tpu.memory_space<vmem>>, vector<1x256xf32>
    %reshape3A_2018 = vector.shape_cast %reduce_max3A_2014 : vector<256xf32> to vector<1x256xf32>
    %sub3A_2019 = arith.constant 1.000000e+00 : f32
    %sub3A_2020 = vector.broadcast %sub3A_2019 : f32 to vector<1x256xf32>
    %sub3A_2021 = arith.subf %sub3A_2020, %reshape3A_2018 : vector<1x256xf32>
    %mul3A_2022 = arith.mulf %get3A_2017, %sub3A_2021 : vector<1x256xf32>
    %swap3A_2023 = arith.constant 0 : index
    %swap3A_2024 = arith.constant 1792 : index
    %swap3A_2025 = vector.load %arg4[%swap3A_2023, %swap3A_2024] : memref<1x2048xf32, #tpu.memory_space<vmem>>, vector<1x256xf32>
    tpu.vector_store %arg4[%swap3A_2023, %swap3A_2024], %mul3A_2022 {strides = array<i32>} : memref<1x2048xf32, #tpu.memory_space<vmem>>, vector<1x256xf32>,
    %slice3A_2026 = vector.extract_strided_slice %get3A_3 {offsets = [0, 1280], sizes = [1, 256], strides = [1, 1]} : vector<1x2048xf32> to vector<1x256xf32>
    %reshape3A_2027 = vector.shape_cast %slice3A_2026 : vector<1x256xf32> to vector<256x1xf32>
    %slice3A_2028 = vector.extract_strided_slice %get3A_8 {offsets = [0, 1280], sizes = [1, 256], strides = [1, 1]} : vector<1x2048xf32> to vector<1x256xf32>
    %reshape3A_2029 = vector.shape_cast %slice3A_2028 : vector<1x256xf32> to vector<256x1xf32>
    %slice3A_2030 = vector.extract_strided_slice %get3A_13 {offsets = [0, 1280], sizes = [1, 256], strides = [1, 1]} : vector<1x2048xf32> to vector<1x256xf32>
    %reshape3A_2031 = vector.shape_cast %slice3A_2030 : vector<1x256xf32> to vector<256x1xf32>
    %slice3A_2032 = vector.extract_strided_slice %get3A_18 {offsets = [0, 1280], sizes = [1, 256], strides = [1, 1]} : vector<1x2048xf32> to vector<1x256xf32>
    %reshape3A_2033 = vector.shape_cast %slice3A_2032 : vector<1x256xf32> to vector<256x1xf32>
    %slice3A_2034 = vector.extract_strided_slice %mul3A {offsets = [0, 1280], sizes = [1, 256], strides = [1, 1]} : vector<1x2048xf32> to vector<1x256xf32>
    %reshape3A_2035 = vector.shape_cast %slice3A_2034 : vector<1x256xf32> to vector<256x1xf32>
    %slice3A_2036 = vector.extract_strided_slice %get3A_3 {offsets = [0, 1280], sizes = [1, 256], strides = [1, 1]} : vector<1x2048xf32> to vector<1x256xf32>
    %slice3A_2037 = vector.extract_strided_slice %get3A_8 {offsets = [0, 1280], sizes = [1, 256], strides = [1, 1]} : vector<1x2048xf32> to vector<1x256xf32>
    %slice3A_2038 = vector.extract_strided_slice %get3A_13 {offsets = [0, 1280], sizes = [1, 256], strides = [1, 1]} : vector<1x2048xf32> to vector<1x256xf32>
    %slice3A_2039 = vector.extract_strided_slice %get3A_18 {offsets = [0, 1280], sizes = [1, 256], strides = [1, 1]} : vector<1x2048xf32> to vector<1x256xf32>
    %slice3A_2040 = vector.extract_strided_slice %mul3A {offsets = [0, 1280], sizes = [1, 256], strides = [1, 1]} : vector<1x2048xf32> to vector<1x256xf32>
    %min3A_2041 = vector.broadcast %reshape3A_2031 : vector<256x1xf32> to vector<256x256xf32>
    %min3A_2042 = vector.broadcast %slice3A_2038 : vector<1x256xf32> to vector<256x256xf32>
    %min3A_2043 = arith.minimumf %min3A_2041, %min3A_2042 : vector<256x256xf32>
    %max3A_2044 = vector.broadcast %reshape3A_2027 : vector<256x1xf32> to vector<256x256xf32>
    %max3A_2045 = vector.broadcast %slice3A_2036 : vector<1x256xf32> to vector<256x256xf32>
    %max3A_2046 = arith.maximumf %max3A_2044, %max3A_2045 : vector<256x256xf32>
    %sub3A_2047 = arith.subf %min3A_2043, %max3A_2046 : vector<256x256xf32>
    %max3A_2048 = arith.constant 0.000000e+00 : f32
    %max3A_2049 = vector.broadcast %max3A_2048 : f32 to vector<256x256xf32>
    %max3A_2050 = arith.maximumf %sub3A_2047, %max3A_2049 : vector<256x256xf32>
    %min3A_2051 = vector.broadcast %reshape3A_2033 : vector<256x1xf32> to vector<256x256xf32>
    %min3A_2052 = vector.broadcast %slice3A_2039 : vector<1x256xf32> to vector<256x256xf32>
    %min3A_2053 = arith.minimumf %min3A_2051, %min3A_2052 : vector<256x256xf32>
    %max3A_2054 = vector.broadcast %reshape3A_2029 : vector<256x1xf32> to vector<256x256xf32>
    %max3A_2055 = vector.broadcast %slice3A_2037 : vector<1x256xf32> to vector<256x256xf32>
    %max3A_2056 = arith.maximumf %max3A_2054, %max3A_2055 : vector<256x256xf32>
    %sub3A_2057 = arith.subf %min3A_2053, %max3A_2056 : vector<256x256xf32>
    %max3A_2058 = arith.constant 0.000000e+00 : f32
    %max3A_2059 = vector.broadcast %max3A_2058 : f32 to vector<256x256xf32>
    %max3A_2060 = arith.maximumf %sub3A_2057, %max3A_2059 : vector<256x256xf32>
    %mul3A_2061 = arith.mulf %max3A_2050, %max3A_2060 : vector<256x256xf32>
    %add3A_2062 = vector.broadcast %reshape3A_2035 : vector<256x1xf32> to vector<256x256xf32>
    %add3A_2063 = vector.broadcast %slice3A_2040 : vector<1x256xf32> to vector<256x256xf32>
    %add3A_2064 = arith.addf %add3A_2062, %add3A_2063 : vector<256x256xf32>
    %sub3A_2065 = arith.subf %add3A_2064, %mul3A_2061 : vector<256x256xf32>
    %max3A_2066 = arith.constant 9.99999971E-10 : f32
    %max3A_2067 = vector.broadcast %max3A_2066 : f32 to vector<256x256xf32>
    %max3A_2068 = arith.maximumf %sub3A_2065, %max3A_2067 : vector<256x256xf32>
    %div3A_2069 = arith.divf %mul3A_2061, %max3A_2068 : vector<256x256xf32>
    %iota3A_2070 = tpu.iota {dimensions = array<i32: 1>} : vector<1x256xi32>
    %iota3A_2071 = tpu.iota {dimensions = array<i32: 0>} : vector<256x1xi32>
    %gt3A_2072 = arith.constant 0.699999988 : f32
    %gt3A_2073 = vector.broadcast %gt3A_2072 : f32 to vector<256x256xf32>
    %gt3A_2074 = arith.cmpf ogt, %div3A_2069, %gt3A_2073 : vector<256x256xf32>
    %lt3A_2075 = vector.broadcast %iota3A_2070 : vector<1x256xi32> to vector<256x256xi32>
    %lt3A_2076 = vector.broadcast %iota3A_2071 : vector<256x1xi32> to vector<256x256xi32>
    %lt3A_2077 = arith.cmpi slt, %lt3A_2075, %lt3A_2076 : vector<256x256xi32>
    %and3A_2078 = arith.andi %gt3A_2074, %lt3A_2077 : vector<256x256xi1>
    %jit3A_2079 = arith.constant 1.000000e+00 : f32
    %jit3A_2080 = arith.constant 0.000000e+00 : f32
    %broadcast_in_dim3A_2081 = vector.broadcast %jit3A_2079 : f32 to vector<256x256xf32>
    %broadcast_in_dim3A_2082 = vector.broadcast %jit3A_2080 : f32 to vector<256x256xf32>
    %select_n3A_2083 = arith.select %and3A_2078, %broadcast_in_dim3A_2081, %broadcast_in_dim3A_2082 : vector<256x256xi1>, vector<256x256xf32>
    %get3A_2084 = arith.constant 0 : index
    %get3A_2085 = arith.constant 1280 : index
    %get3A_2086 = vector.load %arg4[%get3A_2084, %get3A_2085] : memref<1x2048xf32, #tpu.memory_space<vmem>>, vector<1x256xf32>
    %while3A_2087 = arith.constant true
    %while3A_2088 = arith.constant 0 : i32
    %while3A_2089:3 = scf.while (%while3A_2503 = %get3A_2086, %while3A_2504 = %while3A_2087, %while3A_2505 = %while3A_2088) : (vector<1x256xf32>, i1, i32) -> (vector<1x256xf32>, i1, i32) {
      %lt3A_2506 = arith.constant 258 : i32
      %lt3A_2507 = arith.cmpi slt, %while3A_2505, %lt3A_2506 : i32
      %and3A_2508 = arith.andi %while3A_2504, %lt3A_2507 : i1
      scf.condition(%and3A_2508) %while3A_2503, %while3A_2504, %while3A_2505 : vector<1x256xf32>, i1, i32
    } do {
    ^bb0(%while3A_2503: vector<1x256xf32>, %while3A_2504: i1, %while3A_2505: i32):
      %mul3A_2506 = vector.broadcast %while3A_2503 : vector<1x256xf32> to vector<256x256xf32>
      %mul3A_2507 = arith.mulf %select_n3A_2083, %mul3A_2506 : vector<256x256xf32>
      %reduce_max3A_2508 = arith.constant dense<0xFF800000> : vector<256xf32>
      %reduce_max3A_2509 = vector.multi_reduction <maximumf>, %mul3A_2507, %reduce_max3A_2508 [1] : vector<256x256xf32> to vector<256xf32>
      %reshape3A_2510 = vector.shape_cast %reduce_max3A_2509 : vector<256xf32> to vector<1x256xf32>
      %sub3A_2511 = arith.constant 1.000000e+00 : f32
      %sub3A_2512 = vector.broadcast %sub3A_2511 : f32 to vector<1x256xf32>
      %sub3A_2513 = arith.subf %sub3A_2512, %reshape3A_2510 : vector<1x256xf32>
      %mul3A_2514 = arith.mulf %get3A_2086, %sub3A_2513 : vector<1x256xf32>
      %ne3A = arith.cmpf one, %mul3A_2514, %while3A_2503 : vector<1x256xf32>
      %reduce_or3A = arith.constant 1.000000e+00 : f32
      %reduce_or3A_2515 = arith.constant 0.000000e+00 : f32
      %reduce_or3A_2516 = vector.broadcast %reduce_or3A : f32 to vector<1x256xf32>
      %reduce_or3A_2517 = vector.broadcast %reduce_or3A_2515 : f32 to vector<1x256xf32>
      %reduce_or3A_2518 = arith.select %ne3A, %reduce_or3A_2516, %reduce_or3A_2517 : vector<1x256xi1>, vector<1x256xf32>
      %reduce_or3A_2519 = vector.shape_cast %reduce_or3A_2518 : vector<1x256xf32> to vector<1x1x256xf32>
      %reduce_or3A_2520 = arith.constant dense<0xFF800000> : vector<1xf32>
      %reduce_or3A_2521 = vector.multi_reduction <maximumf>, %reduce_or3A_2519, %reduce_or3A_2520 [1, 2] : vector<1x1x256xf32> to vector<1xf32>
      %reduce_or3A_2522 = vector.shape_cast %reduce_or3A_2521 : vector<1xf32> to vector<1x1x1xf32>
      %reduce_or3A_2523 = vector.extract %reduce_or3A_2522[0, 0, 0] : f32 from vector<1x1x1xf32>
      %reduce_or3A_2524 = arith.constant 0.000000e+00 : f32
      %reduce_or3A_2525 = arith.cmpf ogt, %reduce_or3A_2523, %reduce_or3A_2524 : f32
      %add3A_2526 = arith.constant 1 : i32
      %add3A_2527 = arith.addi %while3A_2505, %add3A_2526 : i32
      scf.yield %mul3A_2514, %reduce_or3A_2525, %add3A_2527 : vector<1x256xf32>, i1, i32
    }
    %swap3A_2090 = arith.constant 0 : index
    %swap3A_2091 = arith.constant 1280 : index
    %swap3A_2092 = vector.load %arg4[%swap3A_2090, %swap3A_2091] : memref<1x2048xf32, #tpu.memory_space<vmem>>, vector<1x256xf32>
    tpu.vector_store %arg4[%swap3A_2090, %swap3A_2091], %while3A_2089#0 {strides = array<i32>} : memref<1x2048xf32, #tpu.memory_space<vmem>>, vector<1x256xf32>,
    %slice3A_2093 = vector.extract_strided_slice %get3A_3 {offsets = [0, 1536], sizes = [1, 256], strides = [1, 1]} : vector<1x2048xf32> to vector<1x256xf32>
    %reshape3A_2094 = vector.shape_cast %slice3A_2093 : vector<1x256xf32> to vector<256x1xf32>
    %slice3A_2095 = vector.extract_strided_slice %get3A_8 {offsets = [0, 1536], sizes = [1, 256], strides = [1, 1]} : vector<1x2048xf32> to vector<1x256xf32>
    %reshape3A_2096 = vector.shape_cast %slice3A_2095 : vector<1x256xf32> to vector<256x1xf32>
    %slice3A_2097 = vector.extract_strided_slice %get3A_13 {offsets = [0, 1536], sizes = [1, 256], strides = [1, 1]} : vector<1x2048xf32> to vector<1x256xf32>
    %reshape3A_2098 = vector.shape_cast %slice3A_2097 : vector<1x256xf32> to vector<256x1xf32>
    %slice3A_2099 = vector.extract_strided_slice %get3A_18 {offsets = [0, 1536], sizes = [1, 256], strides = [1, 1]} : vector<1x2048xf32> to vector<1x256xf32>
    %reshape3A_2100 = vector.shape_cast %slice3A_2099 : vector<1x256xf32> to vector<256x1xf32>
    %slice3A_2101 = vector.extract_strided_slice %mul3A {offsets = [0, 1536], sizes = [1, 256], strides = [1, 1]} : vector<1x2048xf32> to vector<1x256xf32>
    %reshape3A_2102 = vector.shape_cast %slice3A_2101 : vector<1x256xf32> to vector<256x1xf32>
    %slice3A_2103 = vector.extract_strided_slice %get3A_3 {offsets = [0, 1280], sizes = [1, 256], strides = [1, 1]} : vector<1x2048xf32> to vector<1x256xf32>
    %slice3A_2104 = vector.extract_strided_slice %get3A_8 {offsets = [0, 1280], sizes = [1, 256], strides = [1, 1]} : vector<1x2048xf32> to vector<1x256xf32>
    %slice3A_2105 = vector.extract_strided_slice %get3A_13 {offsets = [0, 1280], sizes = [1, 256], strides = [1, 1]} : vector<1x2048xf32> to vector<1x256xf32>
    %slice3A_2106 = vector.extract_strided_slice %get3A_18 {offsets = [0, 1280], sizes = [1, 256], strides = [1, 1]} : vector<1x2048xf32> to vector<1x256xf32>
    %slice3A_2107 = vector.extract_strided_slice %mul3A {offsets = [0, 1280], sizes = [1, 256], strides = [1, 1]} : vector<1x2048xf32> to vector<1x256xf32>
    %min3A_2108 = vector.broadcast %reshape3A_2098 : vector<256x1xf32> to vector<256x256xf32>
    %min3A_2109 = vector.broadcast %slice3A_2105 : vector<1x256xf32> to vector<256x256xf32>
    %min3A_2110 = arith.minimumf %min3A_2108, %min3A_2109 : vector<256x256xf32>
    %max3A_2111 = vector.broadcast %reshape3A_2094 : vector<256x1xf32> to vector<256x256xf32>
    %max3A_2112 = vector.broadcast %slice3A_2103 : vector<1x256xf32> to vector<256x256xf32>
    %max3A_2113 = arith.maximumf %max3A_2111, %max3A_2112 : vector<256x256xf32>
    %sub3A_2114 = arith.subf %min3A_2110, %max3A_2113 : vector<256x256xf32>
    %max3A_2115 = arith.constant 0.000000e+00 : f32
    %max3A_2116 = vector.broadcast %max3A_2115 : f32 to vector<256x256xf32>
    %max3A_2117 = arith.maximumf %sub3A_2114, %max3A_2116 : vector<256x256xf32>
    %min3A_2118 = vector.broadcast %reshape3A_2100 : vector<256x1xf32> to vector<256x256xf32>
    %min3A_2119 = vector.broadcast %slice3A_2106 : vector<1x256xf32> to vector<256x256xf32>
    %min3A_2120 = arith.minimumf %min3A_2118, %min3A_2119 : vector<256x256xf32>
    %max3A_2121 = vector.broadcast %reshape3A_2096 : vector<256x1xf32> to vector<256x256xf32>
    %max3A_2122 = vector.broadcast %slice3A_2104 : vector<1x256xf32> to vector<256x256xf32>
    %max3A_2123 = arith.maximumf %max3A_2121, %max3A_2122 : vector<256x256xf32>
    %sub3A_2124 = arith.subf %min3A_2120, %max3A_2123 : vector<256x256xf32>
    %max3A_2125 = arith.constant 0.000000e+00 : f32
    %max3A_2126 = vector.broadcast %max3A_2125 : f32 to vector<256x256xf32>
    %max3A_2127 = arith.maximumf %sub3A_2124, %max3A_2126 : vector<256x256xf32>
    %mul3A_2128 = arith.mulf %max3A_2117, %max3A_2127 : vector<256x256xf32>
    %add3A_2129 = vector.broadcast %reshape3A_2102 : vector<256x1xf32> to vector<256x256xf32>
    %add3A_2130 = vector.broadcast %slice3A_2107 : vector<1x256xf32> to vector<256x256xf32>
    %add3A_2131 = arith.addf %add3A_2129, %add3A_2130 : vector<256x256xf32>
    %sub3A_2132 = arith.subf %add3A_2131, %mul3A_2128 : vector<256x256xf32>
    %max3A_2133 = arith.constant 9.99999971E-10 : f32
    %max3A_2134 = vector.broadcast %max3A_2133 : f32 to vector<256x256xf32>
    %max3A_2135 = arith.maximumf %sub3A_2132, %max3A_2134 : vector<256x256xf32>
    %div3A_2136 = arith.divf %mul3A_2128, %max3A_2135 : vector<256x256xf32>
    %gt3A_2137 = arith.constant 0.699999988 : f32
    %gt3A_2138 = vector.broadcast %gt3A_2137 : f32 to vector<256x256xf32>
    %gt3A_2139 = arith.cmpf ogt, %div3A_2136, %gt3A_2138 : vector<256x256xf32>
    %jit3A_2140 = arith.constant 1.000000e+00 : f32
    %jit3A_2141 = arith.constant 0.000000e+00 : f32
    %broadcast_in_dim3A_2142 = vector.broadcast %jit3A_2140 : f32 to vector<256x256xf32>
    %broadcast_in_dim3A_2143 = vector.broadcast %jit3A_2141 : f32 to vector<256x256xf32>
    %select_n3A_2144 = arith.select %gt3A_2139, %broadcast_in_dim3A_2142, %broadcast_in_dim3A_2143 : vector<256x256xi1>, vector<256x256xf32>
    %mul3A_2145 = vector.broadcast %while3A_2089#0 : vector<1x256xf32> to vector<256x256xf32>
    %mul3A_2146 = arith.mulf %select_n3A_2144, %mul3A_2145 : vector<256x256xf32>
    %reduce_max3A_2147 = arith.constant dense<0xFF800000> : vector<256xf32>
    %reduce_max3A_2148 = vector.multi_reduction <maximumf>, %mul3A_2146, %reduce_max3A_2147 [1] : vector<256x256xf32> to vector<256xf32>
    %get3A_2149 = arith.constant 0 : index
    %get3A_2150 = arith.constant 1536 : index
    %get3A_2151 = vector.load %arg4[%get3A_2149, %get3A_2150] : memref<1x2048xf32, #tpu.memory_space<vmem>>, vector<1x256xf32>
    %reshape3A_2152 = vector.shape_cast %reduce_max3A_2148 : vector<256xf32> to vector<1x256xf32>
    %sub3A_2153 = arith.constant 1.000000e+00 : f32
    %sub3A_2154 = vector.broadcast %sub3A_2153 : f32 to vector<1x256xf32>
    %sub3A_2155 = arith.subf %sub3A_2154, %reshape3A_2152 : vector<1x256xf32>
    %mul3A_2156 = arith.mulf %get3A_2151, %sub3A_2155 : vector<1x256xf32>
    %swap3A_2157 = arith.constant 0 : index
    %swap3A_2158 = arith.constant 1536 : index
    %swap3A_2159 = vector.load %arg4[%swap3A_2157, %swap3A_2158] : memref<1x2048xf32, #tpu.memory_space<vmem>>, vector<1x256xf32>
    tpu.vector_store %arg4[%swap3A_2157, %swap3A_2158], %mul3A_2156 {strides = array<i32>} : memref<1x2048xf32, #tpu.memory_space<vmem>>, vector<1x256xf32>,
    %slice3A_2160 = vector.extract_strided_slice %get3A_3 {offsets = [0, 1792], sizes = [1, 256], strides = [1, 1]} : vector<1x2048xf32> to vector<1x256xf32>
    %reshape3A_2161 = vector.shape_cast %slice3A_2160 : vector<1x256xf32> to vector<256x1xf32>
    %slice3A_2162 = vector.extract_strided_slice %get3A_8 {offsets = [0, 1792], sizes = [1, 256], strides = [1, 1]} : vector<1x2048xf32> to vector<1x256xf32>
    %reshape3A_2163 = vector.shape_cast %slice3A_2162 : vector<1x256xf32> to vector<256x1xf32>
    %slice3A_2164 = vector.extract_strided_slice %get3A_13 {offsets = [0, 1792], sizes = [1, 256], strides = [1, 1]} : vector<1x2048xf32> to vector<1x256xf32>
    %reshape3A_2165 = vector.shape_cast %slice3A_2164 : vector<1x256xf32> to vector<256x1xf32>
    %slice3A_2166 = vector.extract_strided_slice %get3A_18 {offsets = [0, 1792], sizes = [1, 256], strides = [1, 1]} : vector<1x2048xf32> to vector<1x256xf32>
    %reshape3A_2167 = vector.shape_cast %slice3A_2166 : vector<1x256xf32> to vector<256x1xf32>
    %slice3A_2168 = vector.extract_strided_slice %mul3A {offsets = [0, 1792], sizes = [1, 256], strides = [1, 1]} : vector<1x2048xf32> to vector<1x256xf32>
    %reshape3A_2169 = vector.shape_cast %slice3A_2168 : vector<1x256xf32> to vector<256x1xf32>
    %slice3A_2170 = vector.extract_strided_slice %get3A_3 {offsets = [0, 1280], sizes = [1, 256], strides = [1, 1]} : vector<1x2048xf32> to vector<1x256xf32>
    %slice3A_2171 = vector.extract_strided_slice %get3A_8 {offsets = [0, 1280], sizes = [1, 256], strides = [1, 1]} : vector<1x2048xf32> to vector<1x256xf32>
    %slice3A_2172 = vector.extract_strided_slice %get3A_13 {offsets = [0, 1280], sizes = [1, 256], strides = [1, 1]} : vector<1x2048xf32> to vector<1x256xf32>
    %slice3A_2173 = vector.extract_strided_slice %get3A_18 {offsets = [0, 1280], sizes = [1, 256], strides = [1, 1]} : vector<1x2048xf32> to vector<1x256xf32>
    %slice3A_2174 = vector.extract_strided_slice %mul3A {offsets = [0, 1280], sizes = [1, 256], strides = [1, 1]} : vector<1x2048xf32> to vector<1x256xf32>
    %min3A_2175 = vector.broadcast %reshape3A_2165 : vector<256x1xf32> to vector<256x256xf32>
    %min3A_2176 = vector.broadcast %slice3A_2172 : vector<1x256xf32> to vector<256x256xf32>
    %min3A_2177 = arith.minimumf %min3A_2175, %min3A_2176 : vector<256x256xf32>
    %max3A_2178 = vector.broadcast %reshape3A_2161 : vector<256x1xf32> to vector<256x256xf32>
    %max3A_2179 = vector.broadcast %slice3A_2170 : vector<1x256xf32> to vector<256x256xf32>
    %max3A_2180 = arith.maximumf %max3A_2178, %max3A_2179 : vector<256x256xf32>
    %sub3A_2181 = arith.subf %min3A_2177, %max3A_2180 : vector<256x256xf32>
    %max3A_2182 = arith.constant 0.000000e+00 : f32
    %max3A_2183 = vector.broadcast %max3A_2182 : f32 to vector<256x256xf32>
    %max3A_2184 = arith.maximumf %sub3A_2181, %max3A_2183 : vector<256x256xf32>
    %min3A_2185 = vector.broadcast %reshape3A_2167 : vector<256x1xf32> to vector<256x256xf32>
    %min3A_2186 = vector.broadcast %slice3A_2173 : vector<1x256xf32> to vector<256x256xf32>
    %min3A_2187 = arith.minimumf %min3A_2185, %min3A_2186 : vector<256x256xf32>
    %max3A_2188 = vector.broadcast %reshape3A_2163 : vector<256x1xf32> to vector<256x256xf32>
    %max3A_2189 = vector.broadcast %slice3A_2171 : vector<1x256xf32> to vector<256x256xf32>
    %max3A_2190 = arith.maximumf %max3A_2188, %max3A_2189 : vector<256x256xf32>
    %sub3A_2191 = arith.subf %min3A_2187, %max3A_2190 : vector<256x256xf32>
    %max3A_2192 = arith.constant 0.000000e+00 : f32
    %max3A_2193 = vector.broadcast %max3A_2192 : f32 to vector<256x256xf32>
    %max3A_2194 = arith.maximumf %sub3A_2191, %max3A_2193 : vector<256x256xf32>
    %mul3A_2195 = arith.mulf %max3A_2184, %max3A_2194 : vector<256x256xf32>
    %add3A_2196 = vector.broadcast %reshape3A_2169 : vector<256x1xf32> to vector<256x256xf32>
    %add3A_2197 = vector.broadcast %slice3A_2174 : vector<1x256xf32> to vector<256x256xf32>
    %add3A_2198 = arith.addf %add3A_2196, %add3A_2197 : vector<256x256xf32>
    %sub3A_2199 = arith.subf %add3A_2198, %mul3A_2195 : vector<256x256xf32>
    %max3A_2200 = arith.constant 9.99999971E-10 : f32
    %max3A_2201 = vector.broadcast %max3A_2200 : f32 to vector<256x256xf32>
    %max3A_2202 = arith.maximumf %sub3A_2199, %max3A_2201 : vector<256x256xf32>
    %div3A_2203 = arith.divf %mul3A_2195, %max3A_2202 : vector<256x256xf32>
    %gt3A_2204 = arith.constant 0.699999988 : f32
    %gt3A_2205 = vector.broadcast %gt3A_2204 : f32 to vector<256x256xf32>
    %gt3A_2206 = arith.cmpf ogt, %div3A_2203, %gt3A_2205 : vector<256x256xf32>
    %jit3A_2207 = arith.constant 1.000000e+00 : f32
    %jit3A_2208 = arith.constant 0.000000e+00 : f32
    %broadcast_in_dim3A_2209 = vector.broadcast %jit3A_2207 : f32 to vector<256x256xf32>
    %broadcast_in_dim3A_2210 = vector.broadcast %jit3A_2208 : f32 to vector<256x256xf32>
    %select_n3A_2211 = arith.select %gt3A_2206, %broadcast_in_dim3A_2209, %broadcast_in_dim3A_2210 : vector<256x256xi1>, vector<256x256xf32>
    %mul3A_2212 = vector.broadcast %while3A_2089#0 : vector<1x256xf32> to vector<256x256xf32>
    %mul3A_2213 = arith.mulf %select_n3A_2211, %mul3A_2212 : vector<256x256xf32>
    %reduce_max3A_2214 = arith.constant dense<0xFF800000> : vector<256xf32>
    %reduce_max3A_2215 = vector.multi_reduction <maximumf>, %mul3A_2213, %reduce_max3A_2214 [1] : vector<256x256xf32> to vector<256xf32>
    %get3A_2216 = arith.constant 0 : index
    %get3A_2217 = arith.constant 1792 : index
    %get3A_2218 = vector.load %arg4[%get3A_2216, %get3A_2217] : memref<1x2048xf32, #tpu.memory_space<vmem>>, vector<1x256xf32>
    %reshape3A_2219 = vector.shape_cast %reduce_max3A_2215 : vector<256xf32> to vector<1x256xf32>
    %sub3A_2220 = arith.constant 1.000000e+00 : f32
    %sub3A_2221 = vector.broadcast %sub3A_2220 : f32 to vector<1x256xf32>
    %sub3A_2222 = arith.subf %sub3A_2221, %reshape3A_2219 : vector<1x256xf32>
    %mul3A_2223 = arith.mulf %get3A_2218, %sub3A_2222 : vector<1x256xf32>
    %swap3A_2224 = arith.constant 0 : index
    %swap3A_2225 = arith.constant 1792 : index
    %swap3A_2226 = vector.load %arg4[%swap3A_2224, %swap3A_2225] : memref<1x2048xf32, #tpu.memory_space<vmem>>, vector<1x256xf32>
    tpu.vector_store %arg4[%swap3A_2224, %swap3A_2225], %mul3A_2223 {strides = array<i32>} : memref<1x2048xf32, #tpu.memory_space<vmem>>, vector<1x256xf32>,
    %slice3A_2227 = vector.extract_strided_slice %get3A_3 {offsets = [0, 1536], sizes = [1, 256], strides = [1, 1]} : vector<1x2048xf32> to vector<1x256xf32>
    %reshape3A_2228 = vector.shape_cast %slice3A_2227 : vector<1x256xf32> to vector<256x1xf32>
    %slice3A_2229 = vector.extract_strided_slice %get3A_8 {offsets = [0, 1536], sizes = [1, 256], strides = [1, 1]} : vector<1x2048xf32> to vector<1x256xf32>
    %reshape3A_2230 = vector.shape_cast %slice3A_2229 : vector<1x256xf32> to vector<256x1xf32>
    %slice3A_2231 = vector.extract_strided_slice %get3A_13 {offsets = [0, 1536], sizes = [1, 256], strides = [1, 1]} : vector<1x2048xf32> to vector<1x256xf32>
    %reshape3A_2232 = vector.shape_cast %slice3A_2231 : vector<1x256xf32> to vector<256x1xf32>
    %slice3A_2233 = vector.extract_strided_slice %get3A_18 {offsets = [0, 1536], sizes = [1, 256], strides = [1, 1]} : vector<1x2048xf32> to vector<1x256xf32>
    %reshape3A_2234 = vector.shape_cast %slice3A_2233 : vector<1x256xf32> to vector<256x1xf32>
    %slice3A_2235 = vector.extract_strided_slice %mul3A {offsets = [0, 1536], sizes = [1, 256], strides = [1, 1]} : vector<1x2048xf32> to vector<1x256xf32>
    %reshape3A_2236 = vector.shape_cast %slice3A_2235 : vector<1x256xf32> to vector<256x1xf32>
    %slice3A_2237 = vector.extract_strided_slice %get3A_3 {offsets = [0, 1536], sizes = [1, 256], strides = [1, 1]} : vector<1x2048xf32> to vector<1x256xf32>
    %slice3A_2238 = vector.extract_strided_slice %get3A_8 {offsets = [0, 1536], sizes = [1, 256], strides = [1, 1]} : vector<1x2048xf32> to vector<1x256xf32>
    %slice3A_2239 = vector.extract_strided_slice %get3A_13 {offsets = [0, 1536], sizes = [1, 256], strides = [1, 1]} : vector<1x2048xf32> to vector<1x256xf32>
    %slice3A_2240 = vector.extract_strided_slice %get3A_18 {offsets = [0, 1536], sizes = [1, 256], strides = [1, 1]} : vector<1x2048xf32> to vector<1x256xf32>
    %slice3A_2241 = vector.extract_strided_slice %mul3A {offsets = [0, 1536], sizes = [1, 256], strides = [1, 1]} : vector<1x2048xf32> to vector<1x256xf32>
    %min3A_2242 = vector.broadcast %reshape3A_2232 : vector<256x1xf32> to vector<256x256xf32>
    %min3A_2243 = vector.broadcast %slice3A_2239 : vector<1x256xf32> to vector<256x256xf32>
    %min3A_2244 = arith.minimumf %min3A_2242, %min3A_2243 : vector<256x256xf32>
    %max3A_2245 = vector.broadcast %reshape3A_2228 : vector<256x1xf32> to vector<256x256xf32>
    %max3A_2246 = vector.broadcast %slice3A_2237 : vector<1x256xf32> to vector<256x256xf32>
    %max3A_2247 = arith.maximumf %max3A_2245, %max3A_2246 : vector<256x256xf32>
    %sub3A_2248 = arith.subf %min3A_2244, %max3A_2247 : vector<256x256xf32>
    %max3A_2249 = arith.constant 0.000000e+00 : f32
    %max3A_2250 = vector.broadcast %max3A_2249 : f32 to vector<256x256xf32>
    %max3A_2251 = arith.maximumf %sub3A_2248, %max3A_2250 : vector<256x256xf32>
    %min3A_2252 = vector.broadcast %reshape3A_2234 : vector<256x1xf32> to vector<256x256xf32>
    %min3A_2253 = vector.broadcast %slice3A_2240 : vector<1x256xf32> to vector<256x256xf32>
    %min3A_2254 = arith.minimumf %min3A_2252, %min3A_2253 : vector<256x256xf32>
    %max3A_2255 = vector.broadcast %reshape3A_2230 : vector<256x1xf32> to vector<256x256xf32>
    %max3A_2256 = vector.broadcast %slice3A_2238 : vector<1x256xf32> to vector<256x256xf32>
    %max3A_2257 = arith.maximumf %max3A_2255, %max3A_2256 : vector<256x256xf32>
    %sub3A_2258 = arith.subf %min3A_2254, %max3A_2257 : vector<256x256xf32>
    %max3A_2259 = arith.constant 0.000000e+00 : f32
    %max3A_2260 = vector.broadcast %max3A_2259 : f32 to vector<256x256xf32>
    %max3A_2261 = arith.maximumf %sub3A_2258, %max3A_2260 : vector<256x256xf32>
    %mul3A_2262 = arith.mulf %max3A_2251, %max3A_2261 : vector<256x256xf32>
    %add3A_2263 = vector.broadcast %reshape3A_2236 : vector<256x1xf32> to vector<256x256xf32>
    %add3A_2264 = vector.broadcast %slice3A_2241 : vector<1x256xf32> to vector<256x256xf32>
    %add3A_2265 = arith.addf %add3A_2263, %add3A_2264 : vector<256x256xf32>
    %sub3A_2266 = arith.subf %add3A_2265, %mul3A_2262 : vector<256x256xf32>
    %max3A_2267 = arith.constant 9.99999971E-10 : f32
    %max3A_2268 = vector.broadcast %max3A_2267 : f32 to vector<256x256xf32>
    %max3A_2269 = arith.maximumf %sub3A_2266, %max3A_2268 : vector<256x256xf32>
    %div3A_2270 = arith.divf %mul3A_2262, %max3A_2269 : vector<256x256xf32>
    %iota3A_2271 = tpu.iota {dimensions = array<i32: 1>} : vector<1x256xi32>
    %iota3A_2272 = tpu.iota {dimensions = array<i32: 0>} : vector<256x1xi32>
    %gt3A_2273 = arith.constant 0.699999988 : f32
    %gt3A_2274 = vector.broadcast %gt3A_2273 : f32 to vector<256x256xf32>
    %gt3A_2275 = arith.cmpf ogt, %div3A_2270, %gt3A_2274 : vector<256x256xf32>
    %lt3A_2276 = vector.broadcast %iota3A_2271 : vector<1x256xi32> to vector<256x256xi32>
    %lt3A_2277 = vector.broadcast %iota3A_2272 : vector<256x1xi32> to vector<256x256xi32>
    %lt3A_2278 = arith.cmpi slt, %lt3A_2276, %lt3A_2277 : vector<256x256xi32>
    %and3A_2279 = arith.andi %gt3A_2275, %lt3A_2278 : vector<256x256xi1>
    %jit3A_2280 = arith.constant 1.000000e+00 : f32
    %jit3A_2281 = arith.constant 0.000000e+00 : f32
    %broadcast_in_dim3A_2282 = vector.broadcast %jit3A_2280 : f32 to vector<256x256xf32>
    %broadcast_in_dim3A_2283 = vector.broadcast %jit3A_2281 : f32 to vector<256x256xf32>
    %select_n3A_2284 = arith.select %and3A_2279, %broadcast_in_dim3A_2282, %broadcast_in_dim3A_2283 : vector<256x256xi1>, vector<256x256xf32>
    %get3A_2285 = arith.constant 0 : index
    %get3A_2286 = arith.constant 1536 : index
    %get3A_2287 = vector.load %arg4[%get3A_2285, %get3A_2286] : memref<1x2048xf32, #tpu.memory_space<vmem>>, vector<1x256xf32>
    %while3A_2288 = arith.constant true
    %while3A_2289 = arith.constant 0 : i32
    %while3A_2290:3 = scf.while (%while3A_2503 = %get3A_2287, %while3A_2504 = %while3A_2288, %while3A_2505 = %while3A_2289) : (vector<1x256xf32>, i1, i32) -> (vector<1x256xf32>, i1, i32) {
      %lt3A_2506 = arith.constant 258 : i32
      %lt3A_2507 = arith.cmpi slt, %while3A_2505, %lt3A_2506 : i32
      %and3A_2508 = arith.andi %while3A_2504, %lt3A_2507 : i1
      scf.condition(%and3A_2508) %while3A_2503, %while3A_2504, %while3A_2505 : vector<1x256xf32>, i1, i32
    } do {
    ^bb0(%while3A_2503: vector<1x256xf32>, %while3A_2504: i1, %while3A_2505: i32):
      %mul3A_2506 = vector.broadcast %while3A_2503 : vector<1x256xf32> to vector<256x256xf32>
      %mul3A_2507 = arith.mulf %select_n3A_2284, %mul3A_2506 : vector<256x256xf32>
      %reduce_max3A_2508 = arith.constant dense<0xFF800000> : vector<256xf32>
      %reduce_max3A_2509 = vector.multi_reduction <maximumf>, %mul3A_2507, %reduce_max3A_2508 [1] : vector<256x256xf32> to vector<256xf32>
      %reshape3A_2510 = vector.shape_cast %reduce_max3A_2509 : vector<256xf32> to vector<1x256xf32>
      %sub3A_2511 = arith.constant 1.000000e+00 : f32
      %sub3A_2512 = vector.broadcast %sub3A_2511 : f32 to vector<1x256xf32>
      %sub3A_2513 = arith.subf %sub3A_2512, %reshape3A_2510 : vector<1x256xf32>
      %mul3A_2514 = arith.mulf %get3A_2287, %sub3A_2513 : vector<1x256xf32>
      %ne3A = arith.cmpf one, %mul3A_2514, %while3A_2503 : vector<1x256xf32>
      %reduce_or3A = arith.constant 1.000000e+00 : f32
      %reduce_or3A_2515 = arith.constant 0.000000e+00 : f32
      %reduce_or3A_2516 = vector.broadcast %reduce_or3A : f32 to vector<1x256xf32>
      %reduce_or3A_2517 = vector.broadcast %reduce_or3A_2515 : f32 to vector<1x256xf32>
      %reduce_or3A_2518 = arith.select %ne3A, %reduce_or3A_2516, %reduce_or3A_2517 : vector<1x256xi1>, vector<1x256xf32>
      %reduce_or3A_2519 = vector.shape_cast %reduce_or3A_2518 : vector<1x256xf32> to vector<1x1x256xf32>
      %reduce_or3A_2520 = arith.constant dense<0xFF800000> : vector<1xf32>
      %reduce_or3A_2521 = vector.multi_reduction <maximumf>, %reduce_or3A_2519, %reduce_or3A_2520 [1, 2] : vector<1x1x256xf32> to vector<1xf32>
      %reduce_or3A_2522 = vector.shape_cast %reduce_or3A_2521 : vector<1xf32> to vector<1x1x1xf32>
      %reduce_or3A_2523 = vector.extract %reduce_or3A_2522[0, 0, 0] : f32 from vector<1x1x1xf32>
      %reduce_or3A_2524 = arith.constant 0.000000e+00 : f32
      %reduce_or3A_2525 = arith.cmpf ogt, %reduce_or3A_2523, %reduce_or3A_2524 : f32
      %add3A_2526 = arith.constant 1 : i32
      %add3A_2527 = arith.addi %while3A_2505, %add3A_2526 : i32
      scf.yield %mul3A_2514, %reduce_or3A_2525, %add3A_2527 : vector<1x256xf32>, i1, i32
    }
    %swap3A_2291 = arith.constant 0 : index
    %swap3A_2292 = arith.constant 1536 : index
    %swap3A_2293 = vector.load %arg4[%swap3A_2291, %swap3A_2292] : memref<1x2048xf32, #tpu.memory_space<vmem>>, vector<1x256xf32>
    tpu.vector_store %arg4[%swap3A_2291, %swap3A_2292], %while3A_2290#0 {strides = array<i32>} : memref<1x2048xf32, #tpu.memory_space<vmem>>, vector<1x256xf32>,
    %slice3A_2294 = vector.extract_strided_slice %get3A_3 {offsets = [0, 1792], sizes = [1, 256], strides = [1, 1]} : vector<1x2048xf32> to vector<1x256xf32>
    %reshape3A_2295 = vector.shape_cast %slice3A_2294 : vector<1x256xf32> to vector<256x1xf32>
    %slice3A_2296 = vector.extract_strided_slice %get3A_8 {offsets = [0, 1792], sizes = [1, 256], strides = [1, 1]} : vector<1x2048xf32> to vector<1x256xf32>
    %reshape3A_2297 = vector.shape_cast %slice3A_2296 : vector<1x256xf32> to vector<256x1xf32>
    %slice3A_2298 = vector.extract_strided_slice %get3A_13 {offsets = [0, 1792], sizes = [1, 256], strides = [1, 1]} : vector<1x2048xf32> to vector<1x256xf32>
    %reshape3A_2299 = vector.shape_cast %slice3A_2298 : vector<1x256xf32> to vector<256x1xf32>
    %slice3A_2300 = vector.extract_strided_slice %get3A_18 {offsets = [0, 1792], sizes = [1, 256], strides = [1, 1]} : vector<1x2048xf32> to vector<1x256xf32>
    %reshape3A_2301 = vector.shape_cast %slice3A_2300 : vector<1x256xf32> to vector<256x1xf32>
    %slice3A_2302 = vector.extract_strided_slice %mul3A {offsets = [0, 1792], sizes = [1, 256], strides = [1, 1]} : vector<1x2048xf32> to vector<1x256xf32>
    %reshape3A_2303 = vector.shape_cast %slice3A_2302 : vector<1x256xf32> to vector<256x1xf32>
    %slice3A_2304 = vector.extract_strided_slice %get3A_3 {offsets = [0, 1536], sizes = [1, 256], strides = [1, 1]} : vector<1x2048xf32> to vector<1x256xf32>
    %slice3A_2305 = vector.extract_strided_slice %get3A_8 {offsets = [0, 1536], sizes = [1, 256], strides = [1, 1]} : vector<1x2048xf32> to vector<1x256xf32>
    %slice3A_2306 = vector.extract_strided_slice %get3A_13 {offsets = [0, 1536], sizes = [1, 256], strides = [1, 1]} : vector<1x2048xf32> to vector<1x256xf32>
    %slice3A_2307 = vector.extract_strided_slice %get3A_18 {offsets = [0, 1536], sizes = [1, 256], strides = [1, 1]} : vector<1x2048xf32> to vector<1x256xf32>
    %slice3A_2308 = vector.extract_strided_slice %mul3A {offsets = [0, 1536], sizes = [1, 256], strides = [1, 1]} : vector<1x2048xf32> to vector<1x256xf32>
    %min3A_2309 = vector.broadcast %reshape3A_2299 : vector<256x1xf32> to vector<256x256xf32>
    %min3A_2310 = vector.broadcast %slice3A_2306 : vector<1x256xf32> to vector<256x256xf32>
    %min3A_2311 = arith.minimumf %min3A_2309, %min3A_2310 : vector<256x256xf32>
    %max3A_2312 = vector.broadcast %reshape3A_2295 : vector<256x1xf32> to vector<256x256xf32>
    %max3A_2313 = vector.broadcast %slice3A_2304 : vector<1x256xf32> to vector<256x256xf32>
    %max3A_2314 = arith.maximumf %max3A_2312, %max3A_2313 : vector<256x256xf32>
    %sub3A_2315 = arith.subf %min3A_2311, %max3A_2314 : vector<256x256xf32>
    %max3A_2316 = arith.constant 0.000000e+00 : f32
    %max3A_2317 = vector.broadcast %max3A_2316 : f32 to vector<256x256xf32>
    %max3A_2318 = arith.maximumf %sub3A_2315, %max3A_2317 : vector<256x256xf32>
    %min3A_2319 = vector.broadcast %reshape3A_2301 : vector<256x1xf32> to vector<256x256xf32>
    %min3A_2320 = vector.broadcast %slice3A_2307 : vector<1x256xf32> to vector<256x256xf32>
    %min3A_2321 = arith.minimumf %min3A_2319, %min3A_2320 : vector<256x256xf32>
    %max3A_2322 = vector.broadcast %reshape3A_2297 : vector<256x1xf32> to vector<256x256xf32>
    %max3A_2323 = vector.broadcast %slice3A_2305 : vector<1x256xf32> to vector<256x256xf32>
    %max3A_2324 = arith.maximumf %max3A_2322, %max3A_2323 : vector<256x256xf32>
    %sub3A_2325 = arith.subf %min3A_2321, %max3A_2324 : vector<256x256xf32>
    %max3A_2326 = arith.constant 0.000000e+00 : f32
    %max3A_2327 = vector.broadcast %max3A_2326 : f32 to vector<256x256xf32>
    %max3A_2328 = arith.maximumf %sub3A_2325, %max3A_2327 : vector<256x256xf32>
    %mul3A_2329 = arith.mulf %max3A_2318, %max3A_2328 : vector<256x256xf32>
    %add3A_2330 = vector.broadcast %reshape3A_2303 : vector<256x1xf32> to vector<256x256xf32>
    %add3A_2331 = vector.broadcast %slice3A_2308 : vector<1x256xf32> to vector<256x256xf32>
    %add3A_2332 = arith.addf %add3A_2330, %add3A_2331 : vector<256x256xf32>
    %sub3A_2333 = arith.subf %add3A_2332, %mul3A_2329 : vector<256x256xf32>
    %max3A_2334 = arith.constant 9.99999971E-10 : f32
    %max3A_2335 = vector.broadcast %max3A_2334 : f32 to vector<256x256xf32>
    %max3A_2336 = arith.maximumf %sub3A_2333, %max3A_2335 : vector<256x256xf32>
    %div3A_2337 = arith.divf %mul3A_2329, %max3A_2336 : vector<256x256xf32>
    %gt3A_2338 = arith.constant 0.699999988 : f32
    %gt3A_2339 = vector.broadcast %gt3A_2338 : f32 to vector<256x256xf32>
    %gt3A_2340 = arith.cmpf ogt, %div3A_2337, %gt3A_2339 : vector<256x256xf32>
    %jit3A_2341 = arith.constant 1.000000e+00 : f32
    %jit3A_2342 = arith.constant 0.000000e+00 : f32
    %broadcast_in_dim3A_2343 = vector.broadcast %jit3A_2341 : f32 to vector<256x256xf32>
    %broadcast_in_dim3A_2344 = vector.broadcast %jit3A_2342 : f32 to vector<256x256xf32>
    %select_n3A_2345 = arith.select %gt3A_2340, %broadcast_in_dim3A_2343, %broadcast_in_dim3A_2344 : vector<256x256xi1>, vector<256x256xf32>
    %mul3A_2346 = vector.broadcast %while3A_2290#0 : vector<1x256xf32> to vector<256x256xf32>
    %mul3A_2347 = arith.mulf %select_n3A_2345, %mul3A_2346 : vector<256x256xf32>
    %reduce_max3A_2348 = arith.constant dense<0xFF800000> : vector<256xf32>
    %reduce_max3A_2349 = vector.multi_reduction <maximumf>, %mul3A_2347, %reduce_max3A_2348 [1] : vector<256x256xf32> to vector<256xf32>
    %get3A_2350 = arith.constant 0 : index
    %get3A_2351 = arith.constant 1792 : index
    %get3A_2352 = vector.load %arg4[%get3A_2350, %get3A_2351] : memref<1x2048xf32, #tpu.memory_space<vmem>>, vector<1x256xf32>
    %reshape3A_2353 = vector.shape_cast %reduce_max3A_2349 : vector<256xf32> to vector<1x256xf32>
    %sub3A_2354 = arith.constant 1.000000e+00 : f32
    %sub3A_2355 = vector.broadcast %sub3A_2354 : f32 to vector<1x256xf32>
    %sub3A_2356 = arith.subf %sub3A_2355, %reshape3A_2353 : vector<1x256xf32>
    %mul3A_2357 = arith.mulf %get3A_2352, %sub3A_2356 : vector<1x256xf32>
    %swap3A_2358 = arith.constant 0 : index
    %swap3A_2359 = arith.constant 1792 : index
    %swap3A_2360 = vector.load %arg4[%swap3A_2358, %swap3A_2359] : memref<1x2048xf32, #tpu.memory_space<vmem>>, vector<1x256xf32>
    tpu.vector_store %arg4[%swap3A_2358, %swap3A_2359], %mul3A_2357 {strides = array<i32>} : memref<1x2048xf32, #tpu.memory_space<vmem>>, vector<1x256xf32>,
    %slice3A_2361 = vector.extract_strided_slice %get3A_3 {offsets = [0, 1792], sizes = [1, 256], strides = [1, 1]} : vector<1x2048xf32> to vector<1x256xf32>
    %reshape3A_2362 = vector.shape_cast %slice3A_2361 : vector<1x256xf32> to vector<256x1xf32>
    %slice3A_2363 = vector.extract_strided_slice %get3A_8 {offsets = [0, 1792], sizes = [1, 256], strides = [1, 1]} : vector<1x2048xf32> to vector<1x256xf32>
    %reshape3A_2364 = vector.shape_cast %slice3A_2363 : vector<1x256xf32> to vector<256x1xf32>
    %slice3A_2365 = vector.extract_strided_slice %get3A_13 {offsets = [0, 1792], sizes = [1, 256], strides = [1, 1]} : vector<1x2048xf32> to vector<1x256xf32>
    %reshape3A_2366 = vector.shape_cast %slice3A_2365 : vector<1x256xf32> to vector<256x1xf32>
    %slice3A_2367 = vector.extract_strided_slice %get3A_18 {offsets = [0, 1792], sizes = [1, 256], strides = [1, 1]} : vector<1x2048xf32> to vector<1x256xf32>
    %reshape3A_2368 = vector.shape_cast %slice3A_2367 : vector<1x256xf32> to vector<256x1xf32>
    %slice3A_2369 = vector.extract_strided_slice %mul3A {offsets = [0, 1792], sizes = [1, 256], strides = [1, 1]} : vector<1x2048xf32> to vector<1x256xf32>
    %reshape3A_2370 = vector.shape_cast %slice3A_2369 : vector<1x256xf32> to vector<256x1xf32>
    %slice3A_2371 = vector.extract_strided_slice %get3A_3 {offsets = [0, 1792], sizes = [1, 256], strides = [1, 1]} : vector<1x2048xf32> to vector<1x256xf32>
    %slice3A_2372 = vector.extract_strided_slice %get3A_8 {offsets = [0, 1792], sizes = [1, 256], strides = [1, 1]} : vector<1x2048xf32> to vector<1x256xf32>
    %slice3A_2373 = vector.extract_strided_slice %get3A_13 {offsets = [0, 1792], sizes = [1, 256], strides = [1, 1]} : vector<1x2048xf32> to vector<1x256xf32>
    %slice3A_2374 = vector.extract_strided_slice %get3A_18 {offsets = [0, 1792], sizes = [1, 256], strides = [1, 1]} : vector<1x2048xf32> to vector<1x256xf32>
    %slice3A_2375 = vector.extract_strided_slice %mul3A {offsets = [0, 1792], sizes = [1, 256], strides = [1, 1]} : vector<1x2048xf32> to vector<1x256xf32>
    %min3A_2376 = vector.broadcast %reshape3A_2366 : vector<256x1xf32> to vector<256x256xf32>
    %min3A_2377 = vector.broadcast %slice3A_2373 : vector<1x256xf32> to vector<256x256xf32>
    %min3A_2378 = arith.minimumf %min3A_2376, %min3A_2377 : vector<256x256xf32>
    %max3A_2379 = vector.broadcast %reshape3A_2362 : vector<256x1xf32> to vector<256x256xf32>
    %max3A_2380 = vector.broadcast %slice3A_2371 : vector<1x256xf32> to vector<256x256xf32>
    %max3A_2381 = arith.maximumf %max3A_2379, %max3A_2380 : vector<256x256xf32>
    %sub3A_2382 = arith.subf %min3A_2378, %max3A_2381 : vector<256x256xf32>
    %max3A_2383 = arith.constant 0.000000e+00 : f32
    %max3A_2384 = vector.broadcast %max3A_2383 : f32 to vector<256x256xf32>
    %max3A_2385 = arith.maximumf %sub3A_2382, %max3A_2384 : vector<256x256xf32>
    %min3A_2386 = vector.broadcast %reshape3A_2368 : vector<256x1xf32> to vector<256x256xf32>
    %min3A_2387 = vector.broadcast %slice3A_2374 : vector<1x256xf32> to vector<256x256xf32>
    %min3A_2388 = arith.minimumf %min3A_2386, %min3A_2387 : vector<256x256xf32>
    %max3A_2389 = vector.broadcast %reshape3A_2364 : vector<256x1xf32> to vector<256x256xf32>
    %max3A_2390 = vector.broadcast %slice3A_2372 : vector<1x256xf32> to vector<256x256xf32>
    %max3A_2391 = arith.maximumf %max3A_2389, %max3A_2390 : vector<256x256xf32>
    %sub3A_2392 = arith.subf %min3A_2388, %max3A_2391 : vector<256x256xf32>
    %max3A_2393 = arith.constant 0.000000e+00 : f32
    %max3A_2394 = vector.broadcast %max3A_2393 : f32 to vector<256x256xf32>
    %max3A_2395 = arith.maximumf %sub3A_2392, %max3A_2394 : vector<256x256xf32>
    %mul3A_2396 = arith.mulf %max3A_2385, %max3A_2395 : vector<256x256xf32>
    %add3A_2397 = vector.broadcast %reshape3A_2370 : vector<256x1xf32> to vector<256x256xf32>
    %add3A_2398 = vector.broadcast %slice3A_2375 : vector<1x256xf32> to vector<256x256xf32>
    %add3A_2399 = arith.addf %add3A_2397, %add3A_2398 : vector<256x256xf32>
    %sub3A_2400 = arith.subf %add3A_2399, %mul3A_2396 : vector<256x256xf32>
    %max3A_2401 = arith.constant 9.99999971E-10 : f32
    %max3A_2402 = vector.broadcast %max3A_2401 : f32 to vector<256x256xf32>
    %max3A_2403 = arith.maximumf %sub3A_2400, %max3A_2402 : vector<256x256xf32>
    %div3A_2404 = arith.divf %mul3A_2396, %max3A_2403 : vector<256x256xf32>
    %iota3A_2405 = tpu.iota {dimensions = array<i32: 1>} : vector<1x256xi32>
    %iota3A_2406 = tpu.iota {dimensions = array<i32: 0>} : vector<256x1xi32>
    %gt3A_2407 = arith.constant 0.699999988 : f32
    %gt3A_2408 = vector.broadcast %gt3A_2407 : f32 to vector<256x256xf32>
    %gt3A_2409 = arith.cmpf ogt, %div3A_2404, %gt3A_2408 : vector<256x256xf32>
    %lt3A_2410 = vector.broadcast %iota3A_2405 : vector<1x256xi32> to vector<256x256xi32>
    %lt3A_2411 = vector.broadcast %iota3A_2406 : vector<256x1xi32> to vector<256x256xi32>
    %lt3A_2412 = arith.cmpi slt, %lt3A_2410, %lt3A_2411 : vector<256x256xi32>
    %and3A_2413 = arith.andi %gt3A_2409, %lt3A_2412 : vector<256x256xi1>
    %jit3A_2414 = arith.constant 1.000000e+00 : f32
    %jit3A_2415 = arith.constant 0.000000e+00 : f32
    %broadcast_in_dim3A_2416 = vector.broadcast %jit3A_2414 : f32 to vector<256x256xf32>
    %broadcast_in_dim3A_2417 = vector.broadcast %jit3A_2415 : f32 to vector<256x256xf32>
    %select_n3A_2418 = arith.select %and3A_2413, %broadcast_in_dim3A_2416, %broadcast_in_dim3A_2417 : vector<256x256xi1>, vector<256x256xf32>
    %get3A_2419 = arith.constant 0 : index
    %get3A_2420 = arith.constant 1792 : index
    %get3A_2421 = vector.load %arg4[%get3A_2419, %get3A_2420] : memref<1x2048xf32, #tpu.memory_space<vmem>>, vector<1x256xf32>
    %while3A_2422 = arith.constant true
    %while3A_2423 = arith.constant 0 : i32
    %while3A_2424:3 = scf.while (%while3A_2503 = %get3A_2421, %while3A_2504 = %while3A_2422, %while3A_2505 = %while3A_2423) : (vector<1x256xf32>, i1, i32) -> (vector<1x256xf32>, i1, i32) {
      %lt3A_2506 = arith.constant 258 : i32
      %lt3A_2507 = arith.cmpi slt, %while3A_2505, %lt3A_2506 : i32
      %and3A_2508 = arith.andi %while3A_2504, %lt3A_2507 : i1
      scf.condition(%and3A_2508) %while3A_2503, %while3A_2504, %while3A_2505 : vector<1x256xf32>, i1, i32
    } do {
    ^bb0(%while3A_2503: vector<1x256xf32>, %while3A_2504: i1, %while3A_2505: i32):
      %mul3A_2506 = vector.broadcast %while3A_2503 : vector<1x256xf32> to vector<256x256xf32>
      %mul3A_2507 = arith.mulf %select_n3A_2418, %mul3A_2506 : vector<256x256xf32>
      %reduce_max3A_2508 = arith.constant dense<0xFF800000> : vector<256xf32>
      %reduce_max3A_2509 = vector.multi_reduction <maximumf>, %mul3A_2507, %reduce_max3A_2508 [1] : vector<256x256xf32> to vector<256xf32>
      %reshape3A_2510 = vector.shape_cast %reduce_max3A_2509 : vector<256xf32> to vector<1x256xf32>
      %sub3A_2511 = arith.constant 1.000000e+00 : f32
      %sub3A_2512 = vector.broadcast %sub3A_2511 : f32 to vector<1x256xf32>
      %sub3A_2513 = arith.subf %sub3A_2512, %reshape3A_2510 : vector<1x256xf32>
      %mul3A_2514 = arith.mulf %get3A_2421, %sub3A_2513 : vector<1x256xf32>
      %ne3A = arith.cmpf one, %mul3A_2514, %while3A_2503 : vector<1x256xf32>
      %reduce_or3A = arith.constant 1.000000e+00 : f32
      %reduce_or3A_2515 = arith.constant 0.000000e+00 : f32
      %reduce_or3A_2516 = vector.broadcast %reduce_or3A : f32 to vector<1x256xf32>
      %reduce_or3A_2517 = vector.broadcast %reduce_or3A_2515 : f32 to vector<1x256xf32>
      %reduce_or3A_2518 = arith.select %ne3A, %reduce_or3A_2516, %reduce_or3A_2517 : vector<1x256xi1>, vector<1x256xf32>
      %reduce_or3A_2519 = vector.shape_cast %reduce_or3A_2518 : vector<1x256xf32> to vector<1x1x256xf32>
      %reduce_or3A_2520 = arith.constant dense<0xFF800000> : vector<1xf32>
      %reduce_or3A_2521 = vector.multi_reduction <maximumf>, %reduce_or3A_2519, %reduce_or3A_2520 [1, 2] : vector<1x1x256xf32> to vector<1xf32>
      %reduce_or3A_2522 = vector.shape_cast %reduce_or3A_2521 : vector<1xf32> to vector<1x1x1xf32>
      %reduce_or3A_2523 = vector.extract %reduce_or3A_2522[0, 0, 0] : f32 from vector<1x1x1xf32>
      %reduce_or3A_2524 = arith.constant 0.000000e+00 : f32
      %reduce_or3A_2525 = arith.cmpf ogt, %reduce_or3A_2523, %reduce_or3A_2524 : f32
      %add3A_2526 = arith.constant 1 : i32
      %add3A_2527 = arith.addi %while3A_2505, %add3A_2526 : i32
      scf.yield %mul3A_2514, %reduce_or3A_2525, %add3A_2527 : vector<1x256xf32>, i1, i32
    }
    %swap3A_2425 = arith.constant 0 : index
    %swap3A_2426 = arith.constant 1792 : index
    %swap3A_2427 = vector.load %arg4[%swap3A_2425, %swap3A_2426] : memref<1x2048xf32, #tpu.memory_space<vmem>>, vector<1x256xf32>
    tpu.vector_store %arg4[%swap3A_2425, %swap3A_2426], %while3A_2424#0 {strides = array<i32>} : memref<1x2048xf32, #tpu.memory_space<vmem>>, vector<1x256xf32>,
    %get3A_2428 = arith.constant 0 : index
    %get3A_2429 = arith.constant 0 : index
    %get3A_2430 = vector.load %arg4[%get3A_2428, %get3A_2429] : memref<1x2048xf32, #tpu.memory_space<vmem>>, vector<1x2048xf32>
    %gt3A_2431 = arith.constant 5.000000e-01 : f32
    %gt3A_2432 = vector.broadcast %gt3A_2431 : f32 to vector<1x2048xf32>
    %gt3A_2433 = arith.cmpf ogt, %get3A_2430, %gt3A_2432 : vector<1x2048xf32>
    %get3A_2434 = arith.constant 0 : index
    %get3A_2435 = arith.constant 0 : index
    %get3A_2436 = arith.constant 0 : index
    %get3A_2437 = vector.load %arg2[%get3A_2434, %get3A_2435, %get3A_2436] : memref<1x1x2048xf32, #tpu.memory_space<vmem>>, vector<1x1x2048xf32>
    %get3A_2438 = vector.shape_cast %get3A_2437 : vector<1x1x2048xf32> to vector<1x2048xf32>
    %gt3A_2439 = arith.constant -1.000000e+08 : f32
    %gt3A_2440 = vector.broadcast %gt3A_2439 : f32 to vector<1x2048xf32>
    %gt3A_2441 = arith.cmpf ogt, %get3A_2438, %gt3A_2440 : vector<1x2048xf32>
    %and3A_2442 = arith.andi %gt3A_2433, %gt3A_2441 : vector<1x2048xi1>
    %lt3A_2443 = arith.constant 2000 : i32
    %lt3A_2444 = vector.broadcast %lt3A_2443 : i32 to vector<1x2048xi32>
    %lt3A_2445 = arith.cmpi slt, %iota3A, %lt3A_2444 : vector<1x2048xi32>
    %and3A_2446 = arith.andi %and3A_2442, %lt3A_2445 : vector<1x2048xi1>
    %get3A_2447 = arith.constant 0 : index
    %get3A_2448 = arith.constant 0 : index
    %get3A_2449 = arith.constant 0 : index
    %get3A_2450 = vector.load %arg1[%get3A_2447, %get3A_2448, %get3A_2449] : memref<1x4x2048xf32, #tpu.memory_space<vmem>>, vector<1x1x2048xf32>
    %get3A_2451 = vector.shape_cast %get3A_2450 : vector<1x1x2048xf32> to vector<1x2048xf32>
    %jit3A_2452 = arith.constant 0.000000e+00 : f32
    %broadcast_in_dim3A_2453 = vector.broadcast %jit3A_2452 : f32 to vector<1x2048xf32>
    %select_n3A_2454 = arith.select %and3A_2446, %get3A_2451, %broadcast_in_dim3A_2453 : vector<1x2048xi1>, vector<1x2048xf32>
    %swap3A_2455 = arith.constant 0 : index
    %swap3A_2456 = arith.constant 0 : index
    %swap3A_2457 = arith.constant 0 : index
    %swap3A_2458 = vector.load %arg3[%swap3A_2455, %swap3A_2456, %swap3A_2457] : memref<1x4x2048xf32, #tpu.memory_space<vmem>>, vector<1x1x2048xf32>
    %swap3A_2459 = vector.shape_cast %swap3A_2458 : vector<1x1x2048xf32> to vector<1x2048xf32>
    %swap3A_2460 = vector.shape_cast %select_n3A_2454 : vector<1x2048xf32> to vector<1x1x2048xf32>
    tpu.vector_store %arg3[%swap3A_2455, %swap3A_2456, %swap3A_2457], %swap3A_2460 {strides = array<i32>} : memref<1x4x2048xf32, #tpu.memory_space<vmem>>, vector<1x1x2048xf32>,
    %get3A_2461 = arith.constant 0 : index
    %get3A_2462 = arith.constant 1 : index
    %get3A_2463 = arith.constant 0 : index
    %get3A_2464 = vector.load %arg1[%get3A_2461, %get3A_2462, %get3A_2463] : memref<1x4x2048xf32, #tpu.memory_space<vmem>>, vector<1x1x2048xf32>
    %get3A_2465 = vector.shape_cast %get3A_2464 : vector<1x1x2048xf32> to vector<1x2048xf32>
    %jit3A_2466 = arith.constant 0.000000e+00 : f32
    %broadcast_in_dim3A_2467 = vector.broadcast %jit3A_2466 : f32 to vector<1x2048xf32>
    %select_n3A_2468 = arith.select %and3A_2446, %get3A_2465, %broadcast_in_dim3A_2467 : vector<1x2048xi1>, vector<1x2048xf32>
    %swap3A_2469 = arith.constant 0 : index
    %swap3A_2470 = arith.constant 1 : index
    %swap3A_2471 = arith.constant 0 : index
    %swap3A_2472 = vector.load %arg3[%swap3A_2469, %swap3A_2470, %swap3A_2471] : memref<1x4x2048xf32, #tpu.memory_space<vmem>>, vector<1x1x2048xf32>
    %swap3A_2473 = vector.shape_cast %swap3A_2472 : vector<1x1x2048xf32> to vector<1x2048xf32>
    %swap3A_2474 = vector.shape_cast %select_n3A_2468 : vector<1x2048xf32> to vector<1x1x2048xf32>
    tpu.vector_store %arg3[%swap3A_2469, %swap3A_2470, %swap3A_2471], %swap3A_2474 {strides = array<i32>} : memref<1x4x2048xf32, #tpu.memory_space<vmem>>, vector<1x1x2048xf32>,
    %get3A_2475 = arith.constant 0 : index
    %get3A_2476 = arith.constant 2 : index
    %get3A_2477 = arith.constant 0 : index
    %get3A_2478 = vector.load %arg1[%get3A_2475, %get3A_2476, %get3A_2477] : memref<1x4x2048xf32, #tpu.memory_space<vmem>>, vector<1x1x2048xf32>
    %get3A_2479 = vector.shape_cast %get3A_2478 : vector<1x1x2048xf32> to vector<1x2048xf32>
    %jit3A_2480 = arith.constant 0.000000e+00 : f32
    %broadcast_in_dim3A_2481 = vector.broadcast %jit3A_2480 : f32 to vector<1x2048xf32>
    %select_n3A_2482 = arith.select %and3A_2446, %get3A_2479, %broadcast_in_dim3A_2481 : vector<1x2048xi1>, vector<1x2048xf32>
    %swap3A_2483 = arith.constant 0 : index
    %swap3A_2484 = arith.constant 2 : index
    %swap3A_2485 = arith.constant 0 : index
    %swap3A_2486 = vector.load %arg3[%swap3A_2483, %swap3A_2484, %swap3A_2485] : memref<1x4x2048xf32, #tpu.memory_space<vmem>>, vector<1x1x2048xf32>
    %swap3A_2487 = vector.shape_cast %swap3A_2486 : vector<1x1x2048xf32> to vector<1x2048xf32>
    %swap3A_2488 = vector.shape_cast %select_n3A_2482 : vector<1x2048xf32> to vector<1x1x2048xf32>
    tpu.vector_store %arg3[%swap3A_2483, %swap3A_2484, %swap3A_2485], %swap3A_2488 {strides = array<i32>} : memref<1x4x2048xf32, #tpu.memory_space<vmem>>, vector<1x1x2048xf32>,
    %get3A_2489 = arith.constant 0 : index
    %get3A_2490 = arith.constant 3 : index
    %get3A_2491 = arith.constant 0 : index
    %get3A_2492 = vector.load %arg1[%get3A_2489, %get3A_2490, %get3A_2491] : memref<1x4x2048xf32, #tpu.memory_space<vmem>>, vector<1x1x2048xf32>
    %get3A_2493 = vector.shape_cast %get3A_2492 : vector<1x1x2048xf32> to vector<1x2048xf32>
    %jit3A_2494 = arith.constant 0.000000e+00 : f32
    %broadcast_in_dim3A_2495 = vector.broadcast %jit3A_2494 : f32 to vector<1x2048xf32>
    %select_n3A_2496 = arith.select %and3A_2446, %get3A_2493, %broadcast_in_dim3A_2495 : vector<1x2048xi1>, vector<1x2048xf32>
    %swap3A_2497 = arith.constant 0 : index
    %swap3A_2498 = arith.constant 3 : index
    %swap3A_2499 = arith.constant 0 : index
    %swap3A_2500 = vector.load %arg3[%swap3A_2497, %swap3A_2498, %swap3A_2499] : memref<1x4x2048xf32, #tpu.memory_space<vmem>>, vector<1x1x2048xf32>
    %swap3A_2501 = vector.shape_cast %swap3A_2500 : vector<1x1x2048xf32> to vector<1x2048xf32>
    %swap3A_2502 = vector.shape_cast %select_n3A_2496 : vector<1x2048xf32> to vector<1x1x2048xf32>
    tpu.vector_store %arg3[%swap3A_2497, %swap3A_2498, %swap3A_2499], %swap3A_2502 {strides = array<i32>} : memref<1x4x2048xf32, #tpu.memory_space<vmem>>, vector<1x1x2048xf32>,
    return
  }
  func.func @transform_0(%arg0: i32) -> (i32, i32, i32) {
    %c0_i32 = arith.constant 0 : i32
    %c0_i32_0 = arith.constant 0 : i32
    %c0_i32_1 = arith.constant 0 : i32
    return %arg0, %c0_i32, %c0_i32_0 : i32, i32, i32
  }
  func.func @transform_1(%arg0: i32) -> (i32, i32, i32) {
    %c0_i32 = arith.constant 0 : i32
    %c0_i32_0 = arith.constant 0 : i32
    %c0_i32_1 = arith.constant 0 : i32
    return %arg0, %c0_i32, %c0_i32_0 : i32, i32, i32
  }
  func.func @transform_2(%arg0: i32) -> (i32, i32, i32) {
    %c0_i32 = arith.constant 0 : i32
    %c0_i32_0 = arith.constant 0 : i32
    %c0_i32_1 = arith.constant 0 : i32
    return %arg0, %c0_i32, %c0_i32_0 : i32, i32, i32
  }
}

</mosaic_0001>

<sc_bundles>
// kernel: kernel.6.cloned.1.call-start
scs
__scs_entry_jumppad:
0x0: {  	(pc) =	sbr.rel $0x88, $3  }
0x1: {  	(tag) =	ssettag $0x0;
	lr =	simm.s32 $0x1  }
0x2: {  	[smem:$0x3F9A] =	sst lr;
	_ =	strace $0xD0000000  }
0x3: {  	_ = 	snop  }
0x4: {  	_ = 	snop  }
0x5: {  	_ = 	snop  }
0x6: {  	_ = 	snop  }
0x7: {  	_ = 	snop  }
__scs_overlays_trampoline_lowered:
0x8: {  	[smem:$0x3FA9] =	sst s0  }
0x9: {  	[smem:$0x3FAA] =	sst s1  }
0xa: {  	[smem:$0x3FAB] =	sst s2  }
0xb: {  	[smem:$0x3FAC] =	sst s3  }
0xc: {  	[smem:$0x3FAD] =	sst s4  }
0xd: {  	[smem:$0x3FAE] =	sst s5  }
0xe: {  	[smem:$0x3FAF] =	sst s6  }
0xf: {  	[smem:$0x3FB0] =	sst s7  }
0x10: {  	[smem:$0x3FB1] =	sst s8  }
0x11: {  	[smem:$0x3FB2] =	sst s9;
	s0 =	simm.s32 @!p0 $0x0  }
0x12: {  	s1 =	sld [smem:$0x3F98];
	s0 =	simm.s32 @p0 $0x1  }
0x13: {  	[smem:$0x3FB3] =	sst s0;
	s0 =	simm.s32 @!p1 $0x0  }
0x14: {  	s2 =	sld [smem:$0x3F97];
	s0 =	simm.s32 @p1 $0x1  }
0x15: {  	[smem:$0x3FB4] =	sst s0;
	s0 =	simm.s32 @!p2 $0x0  }
0x16: {  	s3 =	sld [smem:$0x3FDB];
	s0 =	simm.s32 @p2 $0x1  }
0x17: {  	s4 =	simm.s32 $0x1BF5;
	[smem:$0x3FB6] =	sst s0  }
0x18: {  	s0 =	sld [smem:$0x3F99];
	_ =	swait.ge [sflag:s4], $0x0  }
0x19: {  	s7 =	sld [smem:$0x3F9A]  }
0x1a: {  	s8 =	sadd.s32 $0xFFFFE003, lr  }
0x1b: {  	s9 =	sadd.s32 $0xFFFFFEF7, lr;
	s5 =	simm.s32 $0xFFFFFFFF;
	p2 =	slt.u32 s8, $0xFFFFF086  }
0x1c: {  	p1 =	slt.u32 s9, $0xF7A;
	s5 =	simm.s32 @!p2 $0x0  }
0x1d: {  	s5 =	simm.s32 @p1 $0x1;
	p0 =	seq.s32 s7, s2  }
0x1e: {  	s7 =	smul.u32 @!p0 $0xF7A, s2;
	p2 =	seq.s32 @!p0 s5, $0x0  }
0x1f: {  	s9 =	smul.u32 $0xF7A, s1;
	s8 =	simm.s32 @!p0 $0x1BF5;
	p2 =	por !p2, p0  }
0x20: {  	[sflag:s8] =	ssyncset.s32 @!p0 $0xFFFFF086;
	s6 =	sadd.s32 @!p0 s3, s7;
	s7 =	simm.s32 @!p0 $0x108  }
0x21: {  	s3 =	sadd.s32 s3, s9;
	s6 =	sadd.s32 @!p0 $0x88, s6;
	s7 =	simm.s32 @p2 $0x1082  }
0x22: {  	[simem:s7], [sflag:s8] =	dma.local @!p0 [hbm:s6], $0xF7A  }
0x23: {  	s9 =	sor.u32 $0xD0000000, s2;
	s6 =	simm.s32 $0x108;
	_ =	swait.ge @!p0 [sflag:s8], $0x0  }
0x24: {  	s3 =	sadd.s32 $0x88, s3;
	s6 =	simm.s32 @!p1 $0x1082;
	[sflag:s4] =	ssyncset.s32 $0xFFFFF086  }
0x25: {  	[simem:s6], [sflag:s4] =	dma.local [hbm:s3], $0xF7A  }
0x26: {  	[smem:$0x3F9A] =	sst s1;
	(tag) =	ssettag s2;
	_ =	strace s9  }
0x27: {  	s1 =	sld [smem:$0x3FAA]  }
0x28: {  	s2 =	sld [smem:$0x3FAB]  }
0x29: {  	s4 =	sld [smem:$0x3FAD]  }
0x2a: {  	p0 =	seq.s32 s5, $0x0;
	s5 =	sld [smem:$0x3FAE]  }
0x2b: {  	s6 =	sld [smem:$0x3FAF]  }
0x2c: {  	s7 =	sld [smem:$0x3FB0]  }
0x2d: {  	s3 =	simm.s32 $0x108;
	s8 =	sld [smem:$0x3FB1]  }
0x2e: {  	s3 =	simm.s32 @!p0 $0x1082;
	s9 =	sld [smem:$0x3FB2]  }
0x2f: {  	lr =	sadd.s32 s0, s3;
	s0 =	sld [smem:$0x3FA9]  }
0x30: {  	s3 =	sld [smem:$0x3FAC]  }
0x31: {  	[smem:$0x3FB5] =	sst s10  }
0x32: {  	s10 =	sld [smem:$0x3FB3];
	_ =	sdelay $0x3  }
0x33: {  	p0 =	seq.s32 s10, $0x1;
	s10 =	sld [smem:$0x3FB5];
	_ =	sdelay $0x3  }
0x34: {  	[smem:$0x3FB5] =	sst s10  }
0x35: {  	s10 =	sld [smem:$0x3FB4];
	_ =	sdelay $0x3  }
0x36: {  	p1 =	seq.s32 s10, $0x1;
	s10 =	sld [smem:$0x3FB5];
	_ =	sdelay $0x3  }
0x37: {  	[smem:$0x3FB5] =	sst s10  }
0x38: {  	s10 =	sld [smem:$0x3FB6]  }
0x39: {  	_ = 	snop;
	(pc) =	sbr.ind lr, $3  }
0x3a: {  	_ = 	snop  }
0x3b: {  	_ = 	snop  }
0x3c: {  	p2 =	seq.s32 s10, $0x1;
	s10 =	sld [smem:$0x3FB5]  }
0x3d: {  	_ =	shalt  }
0x3e: {  	_ =	shalt  }
0x3f: {  	_ =	shalt  }
0x40: {  	_ =	shalt  }
0x41: {  	_ =	shalt  }
0x42: {  	_ =	shalt  }
0x43: {  	_ =	shalt  }
0x44: {  	_ =	shalt  }
0x45: {  	_ =	shalt  }
0x46: {  	_ =	shalt  }
0x47: {  	_ =	shalt  }
0x48: {  	_ =	shalt  }
0x49: {  	_ =	shalt  }
0x4a: {  	_ =	shalt  }
0x4b: {  	_ =	shalt  }
0x4c: {  	_ =	shalt  }
0x4d: {  	_ =	shalt  }
0x4e: {  	_ =	shalt  }
0x4f: {  	_ =	shalt  }
0x50: {  	_ =	shalt  }
0x51: {  	_ =	shalt  }
0x52: {  	_ =	shalt  }
0x53: {  	_ =	shalt  }
0x54: {  	_ =	shalt  }
0x55: {  	_ =	shalt  }
0x56: {  	_ =	shalt  }
0x57: {  	_ =	shalt  }
0x58: {  	_ =	shalt  }
0x59: {  	_ =	shalt  }
0x5a: {  	_ =	shalt  }
0x5b: {  	_ =	shalt  }
0x5c: {  	_ =	shalt  }
0x5d: {  	_ =	shalt  }
0x5e: {  	_ =	shalt  }
0x5f: {  	_ =	shalt  }
0x60: {  	_ =	shalt  }
0x61: {  	_ =	shalt  }
0x62: {  	_ =	shalt  }
0x63: {  	_ =	shalt  }
0x64: {  	_ =	shalt  }
0x65: {  	_ =	shalt  }
0x66: {  	_ =	shalt  }
0x67: {  	_ =	shalt  }
0x68: {  	_ =	shalt  }
0x69: {  	_ =	shalt  }
0x6a: {  	_ =	shalt  }
0x6b: {  	_ =	shalt  }
0x6c: {  	_ =	shalt  }
0x6d: {  	_ =	shalt  }
0x6e: {  	_ =	shalt  }
0x6f: {  	_ =	shalt  }
0x70: {  	_ =	shalt  }
0x71: {  	_ =	shalt  }
0x72: {  	_ =	shalt  }
0x73: {  	_ =	shalt  }
0x74: {  	_ =	shalt  }
0x75: {  	_ =	shalt  }
0x76: {  	_ =	shalt  }
0x77: {  	_ =	shalt  }
0x78: {  	_ =	shalt  }
0x79: {  	_ =	shalt  }
0x7a: {  	_ =	shalt  }
0x7b: {  	_ =	shalt  }
0x7c: {  	_ =	shalt  }
0x7d: {  	_ =	shalt  }
0x7e: {  	_ =	shalt  }
0x7f: {  	_ =	shalt  }
0x80: {  	_ =	shalt  }
0x81: {  	_ =	shalt  }
0x82: {  	_ =	shalt  }
0x83: {  	_ =	shalt  }
0x84: {  	_ =	shalt  }
0x85: {  	_ =	shalt  }
0x86: {  	_ =	shalt  }
0x87: {  	_ =	shalt  }
.Lfunc_end0:
.L_simem_size_0:
called_computation_lowered:
.L_overlay_start_0:
0x88: {  	s2 =	sld [smem:$0x3FD9]  }
0x89: {  	s3 =	sld [smem:$0x3FFE];
	_ =	sdelay $0x1  }
0x8a: {  	s1 =	srdreg.scid  }
0x8b: {  	s0 =	sand.u32 $0x1, s1  }
0x8c: {  	s17 =	sshll.u32 s0, $0xA;
	s2 =	sadd.s32 s3, s2  }
0x8d: {  	s2 =	sadd.s32 s2, s17  }
0x8e: {  	[smem:$0x3FC1] =	sst s2  }
0x8f: {  	_ = 	snop  }
0x90: {  	s2 =	sld [smem:$0x3FD0];
	(tm) =	ssettm $0x1  }
0x91: {  	s18 =	sld [smem:$0x3FFB];
	_ =	sdelay $0x3  }
0x92: {  	_ =	strace s18  }
0x93: {  	s3 =	sld [smem:$0x3FFC];
	_ =	sdelay $0x3  }
0x94: {  	_ =	strace s3  }
0x95: {  	s3 =	sld [smem:$0x3FFD];
	_ =	sdelay $0x3  }
0x96: {  	_ =	strace s3  }
0x97: {  	_ =	strace $0x8FFFFFFF  }
0x98: {  	s19 =	sld [smem:$0x3FDB];
	_ =	sdelay $0x1  }
0x99: {  	s4 =	simm.s32 $_scs_section_size  }
0x9a: {  	s5 =	simm.s32 $_size__tile_overlayer_lowered;
	s6 =	simm.s32 $_tile_overlayer_lowered  }
0x9b: {  	s22 =	simm.s32 $0x1BFF;
	s21 =	sshll.u32 s6, $0x1;
	s3 =	sadd.s32 s4, s19  }
0x9c: {  	s7 =	simm.s32 $0x0;
	s20 =	sshll.u32 s5, $0x1;
	s5 =	sadd.s32 s21, s3  }
0x9d: {  	[timem:s7], [sflag:s22] =	dma.local [hbm:s5], s20  }
0x9e: {  	_ =	swait.ge [sflag:s22], s20  }
0x9f: {  	s4 =	ssub.s32 $0x0, s20;
	[sflag:s22] =	ssyncset.done $0x0  }
0xa0: {  	[sflag:s22] =	ssyncadd.s32 s4;
	_ =	sdelay $0x1  }
0xa1: {  	s23 =	simm.s32 $0x1B8B  }
0xa2: {  	_ =	swait.ge [sflag:s23], $0x1  }
0xa3: {  	[sflag:s23] =	ssyncset.done $0x0  }
0xa4: {  	s25 =	simm.s32 $0x1B8E;
	s24 =	sld [smem:$0x3FFE];
	[sflag:s23] =	ssyncadd.s32 $0xFFFFFFFF  }
0xa5: {  	s26 =	simm.s32 $execute0_lowered;
	[smem:$0x3FD2] =	sst s25  }
0xa6: {  	s5 =	sshll.u32 s26, $0x1;
	_ =	strace $0x80000046;
	[dreg:$0x1] =	wrdreg $0xFFFFFFFF  }
0xa7: {  	s28 =	simm.s32 $_size_execute0_lowered;
	s3 =	sadd.s32 s3, s5;
	[dreg:$0x0] =	wrdreg $0x0  }
0xa8: {  	s5 =	sshll.u32 s28, $0x1;
	[dreg:$0x2] =	wrdreg s3  }
0xa9: {  	[dreg:$0x3] =	wrdreg s5  }
0xaa: {  	[dreg:$0x4] =	wrdreg $0xC0  }
0xab: {  	_ =	task [dreg:s7], $0x5FFFF  }
0xac: {  	[dreg:$0x1] =	wrdreg $0xFFFFFFFF  }
0xad: {  	[dreg:$0x0] =	wrdreg $0x60  }
0xae: {  	[dreg:$0x2] =	wrdreg s24  }
0xaf: {  	[dreg:$0x3] =	wrdreg s2  }
0xb0: {  	[dreg:$0x4] =	wrdreg $0x9  }
0xb1: {  	_ =	task.clear_ibuf [dreg:s7], $0x5FFFF;
	_ =	strace $0x90000046  }
0xb2: {  	s29 =	simm.s32 $0x9;
	_ =	strace $0x80000048  }
0xb3: {  	_ =	swait.ge [sflag:s29], $0x1  }
0xb4: {  	[sflag:s29] =	ssyncadd.s32 $0xFFFFFFFF  }
0xb5: {  	_ =	strace $0x90000048  }
0xb6: {  	_ =	sfence  }
0xb7: {  	s30 =	sld [smem:$0x0];
	_ =	sdelay $0x2  }
0xb8: {  	s31 =	sshll.u32 s1, $0xD;
	s1 =	sshrl.u32 s1, $0x2  }
0xb9: {  	s3 =	sand.u32 $0x4000, s31;
	s1 =	sadd.s32 s1, s30  }
0xba: {  	s0 =	sor.u32 s3, s0;
	s1 =	sshll.u32 s1, $0x11  }
0xbb: {  	s0 =	sor.u32 s1, s0  }
0xbc: {  	s0 =	sadd.s32 $0x8F2B, s0  }
0xbd: {  	[sflag:s0] =	ssyncadd.remote.s32 $0x1  }
0xbe: {  	_ =	sfence.sel $0xFFFF  }
0xbf: {  	[dreg:$0x0] =	wrdreg $0xFFFFFFFF;
	(pc) =	sbr.abs _section_cstart, $3  }
0xc0: {  	[dreg:$0x1] =	wrdreg $0xFFFFFFFF  }
0xc1: {  	_ =	task.clear_ibuf [dreg:s7], $0x2FFFF;
	_ =	strace $0x9FFFFFFF  }
0xc2: {  	(tm) =	ssettm $0x7FFFFFFF  }
0xc3: {  	_ =	shalt  }
tec
execute0_lowered:
.L_overlay_start_1:
0x0: {  	(tag) =	ssettag $0x1  }
0x1: {  	s1 =	srdreg.scid  }
0x2: {  	s8 =	rddreg [dreg:$0x0];
	s0 =	stileid.u32;
	s14 =	sand.u32 $0x1, s1  }
0x3: {  	s13 =	rddreg [dreg:$0x1];
	s3 =	sshll.u32 s0, $0xA;
	s4 =	sshll.u32 s14, $0x9  }
0x4: {  	s2 =	simm.s32 $0x0;
	s1 =	rddreg [dreg:$0x2];
	s15 =	sor.u32 s4, s3  }
0x5: {  	[smem:$0x7FF] =	sst s2;
	s3 =	sshrl.u32 s15, $0x3  }
0x6: {  	_ =	strace $0x80000047;
	s4 =	sadd.s32 s13, s3;
	s3 =	simm.s32 $0x2  }
0x7: {  	[tilespmem:s2], [sflag:$0x2] =	stream.linear.gather [hbm4b:s4+s2], $0x80, $0x38;
	[tilespmem:$0x880] =	vst v63  }
0x8: {  	_ =	swait.ge [sflag:s3], $0x80  }
0x9: {  	s6 =	simm.s32 $0x80;
	[sflag:s3] =	ssyncset.done $0x0  }
0xa: {  	s7 =	simm.s32 $0x1;
	s5 =	sadd.s32 $0x1600, s8;
	[sflag:s3] =	ssyncadd.s32 $0xFFFFFF80  }
0xb: {  	[tilespmem:s6], [sflag:$0x1] =	stream.indirect.gather [hbm4b:s5+s6], $0x10, s2, s6, $0xb8;
	[tilespmem:$0x880] =	vst v63  }
0xc: {  	_ =	swait.ge [sflag:s7], $0x800  }
0xd: {  	s16 =	sadd.s32 $0x25600, s8;
	s28 =	sshll.u32 s15, $0x1;
	[sflag:s7] =	ssyncset.done $0x0  }
0xe: {  	s8 =	sadd.s32 s16, s28;
	[sflag:s7] =	ssyncadd.s32 $0xFFFFF800  }
0xf: {  	[hbm4b:s8+s2] =	stream.linear.scatter [tilespmem:s6], [sflag:$0x2], $0x800, $0x38;
	[tilespmem:$0x880] =	vst v63  }
0x10: {  	s10 =	sor.u32 $0x80, s15;
	_ =	swait.ge [sflag:s3], $0x800  }
0x11: {  	s9 =	sshrl.u32 s10, $0x3;
	[sflag:s3] =	ssyncset.done $0x0  }
0x12: {  	s9 =	sadd.s32 s13, s9;
	[sflag:s3] =	ssyncadd.s32 $0xFFFFF800  }
0x13: {  	[tilespmem:s2], [sflag:$0x2] =	stream.linear.gather [hbm4b:s9+s2], $0x80, $0x38;
	[tilespmem:$0x880] =	vst v63  }
0x14: {  	_ =	swait.ge [sflag:s3], $0x80  }
0x15: {  	[sflag:s3] =	ssyncset.done $0x0  }
0x16: {  	[sflag:s3] =	ssyncadd.s32 $0xFFFFFF80  }
0x17: {  	[tilespmem:s6], [sflag:$0x1] =	stream.indirect.gather [hbm4b:s5+s6], $0x10, s2, s6, $0xb8;
	[tilespmem:$0x880] =	vst v63  }
0x18: {  	_ =	swait.ge [sflag:s7], $0x800  }
0x19: {  	s10 =	sshll.u32 s10, $0x1;
	[sflag:s7] =	ssyncset.done $0x0  }
0x1a: {  	s10 =	sadd.s32 s16, s10;
	[sflag:s7] =	ssyncadd.s32 $0xFFFFF800  }
0x1b: {  	[hbm4b:s10+s2] =	stream.linear.scatter [tilespmem:s6], [sflag:$0x2], $0x800, $0x38;
	[tilespmem:$0x880] =	vst v63  }
0x1c: {  	s12 =	sor.u32 $0x100, s15;
	_ =	swait.ge [sflag:s3], $0x800  }
0x1d: {  	s11 =	sshrl.u32 s12, $0x3;
	[sflag:s3] =	ssyncset.done $0x0  }
0x1e: {  	s11 =	sadd.s32 s13, s11;
	[sflag:s3] =	ssyncadd.s32 $0xFFFFF800  }
0x1f: {  	[tilespmem:s2], [sflag:$0x2] =	stream.linear.gather [hbm4b:s11+s2], $0x80, $0x38;
	[tilespmem:$0x880] =	vst v63  }
0x20: {  	_ =	swait.ge [sflag:s3], $0x80  }
0x21: {  	[sflag:s3] =	ssyncset.done $0x0  }
0x22: {  	[sflag:s3] =	ssyncadd.s32 $0xFFFFFF80  }
0x23: {  	[tilespmem:s6], [sflag:$0x1] =	stream.indirect.gather [hbm4b:s5+s6], $0x10, s2, s6, $0xb8;
	[tilespmem:$0x880] =	vst v63  }
0x24: {  	_ =	swait.ge [sflag:s7], $0x800  }
0x25: {  	s12 =	sshll.u32 s12, $0x1;
	[sflag:s7] =	ssyncset.done $0x0  }
0x26: {  	s12 =	sadd.s32 s16, s12;
	[sflag:s7] =	ssyncadd.s32 $0xFFFFF800  }
0x27: {  	[hbm4b:s12+s2] =	stream.linear.scatter [tilespmem:s6], [sflag:$0x2], $0x800, $0x38;
	[tilespmem:$0x880] =	vst v63  }
0x28: {  	s15 =	sor.u32 $0x180, s15;
	_ =	swait.ge [sflag:s3], $0x800  }
0x29: {  	s17 =	sshrl.u32 s15, $0x3;
	[sflag:s3] =	ssyncset.done $0x0  }
0x2a: {  	s14 =	ssub.s32 $0x2, s14;
	s13 =	sadd.s32 s13, s17;
	[sflag:s3] =	ssyncadd.s32 $0xFFFFF800  }
0x2b: {  	[tilespmem:s2], [sflag:$0x2] =	stream.linear.gather [hbm4b:s13+s2], $0x80, $0x38;
	[tilespmem:$0x880] =	vst v63  }
0x2c: {  	s29 =	sshrl.u32 s14, $0x1;
	_ =	swait.ge [sflag:s3], $0x80  }
0x2d: {  	s17 =	ssub.s32 s14, s29;
	[sflag:s3] =	ssyncset.done $0x0  }
0x2e: {  	s31 =	smax.u32 s17, $0x1;
	[sflag:s3] =	ssyncadd.s32 $0xFFFFFF80  }
0x2f: {  	[tilespmem:s6], [sflag:$0x1] =	stream.indirect.gather [hbm4b:s5+s6], $0x10, s2, s6, $0xb8;
	[tilespmem:$0x880] =	vst v63  }
0x30: {  	p0 =	sne.s32 s31, $0x1;
	_ =	swait.ge [sflag:s7], $0x800  }
.Ltmp0:
0x31: {  	s30 =	sshll.u32 s15, $0x1;
	[sflag:s7] =	ssyncset.done $0x0;
	(pc) =	sbr.rel @!p0 .LBB2_2-.Ltmp0, $4  }
0x32: {  	s14 =	sadd.s32 s16, s30;
	[sflag:s7] =	ssyncadd.s32 $0xFFFFF800  }
0x33: {  	[hbm4b:s14+s2] =	stream.linear.scatter [tilespmem:s6], [sflag:$0x2], $0x800, $0x38;
	[tilespmem:$0x880] =	vst v63  }
0x34: {  	_ =	swait.ge [sflag:s3], $0x800  }
0x35: {  	s15 =	sadd.s32 $0xFFFFFFFF, s31;
	[sflag:s3] =	ssyncset.done $0x0  }
.LBB2_1:
0x36: {  	p0 =	sne.s32 s15, $0x1;
	s15 =	sadd.s32 $0xFFFFFFFF, s15;
	[sflag:s3] =	ssyncadd.s32 $0xFFFFF800  }
0x37: {  	[tilespmem:s2], [sflag:$0x2] =	stream.linear.gather [hbm4b:s4+s2], $0x80, $0x38;
	[tilespmem:$0x880] =	vst v63  }
0x38: {  	_ =	swait.ge [sflag:s3], $0x80  }
0x39: {  	[sflag:s3] =	ssyncset.done $0x0  }
0x3a: {  	[sflag:s3] =	ssyncadd.s32 $0xFFFFFF80  }
0x3b: {  	[tilespmem:s6], [sflag:$0x1] =	stream.indirect.gather [hbm4b:s5+s6], $0x10, s2, s6, $0xb8;
	[tilespmem:$0x880] =	vst v63  }
0x3c: {  	_ =	swait.ge [sflag:s7], $0x800  }
0x3d: {  	[sflag:s7] =	ssyncset.done $0x0  }
0x3e: {  	[sflag:s7] =	ssyncadd.s32 $0xFFFFF800  }
0x3f: {  	[hbm4b:s8+s2] =	stream.linear.scatter [tilespmem:s6], [sflag:$0x2], $0x800, $0x38;
	[tilespmem:$0x880] =	vst v63  }
0x40: {  	_ =	swait.ge [sflag:s3], $0x800  }
0x41: {  	[sflag:s3] =	ssyncset.done $0x0  }
0x42: {  	[sflag:s3] =	ssyncadd.s32 $0xFFFFF800  }
0x43: {  	[tilespmem:s2], [sflag:$0x2] =	stream.linear.gather [hbm4b:s9+s2], $0x80, $0x38;
	[tilespmem:$0x880] =	vst v63  }
0x44: {  	_ =	swait.ge [sflag:s3], $0x80  }
0x45: {  	[sflag:s3] =	ssyncset.done $0x0  }
0x46: {  	[sflag:s3] =	ssyncadd.s32 $0xFFFFFF80  }
0x47: {  	[tilespmem:s6], [sflag:$0x1] =	stream.indirect.gather [hbm4b:s5+s6], $0x10, s2, s6, $0xb8;
	[tilespmem:$0x880] =	vst v63  }
0x48: {  	_ =	swait.ge [sflag:s7], $0x800  }
0x49: {  	[sflag:s7] =	ssyncset.done $0x0  }
0x4a: {  	[sflag:s7] =	ssyncadd.s32 $0xFFFFF800  }
0x4b: {  	[hbm4b:s10+s2] =	stream.linear.scatter [tilespmem:s6], [sflag:$0x2], $0x800, $0x38;
	[tilespmem:$0x880] =	vst v63  }
0x4c: {  	_ =	swait.ge [sflag:s3], $0x800  }
0x4d: {  	[sflag:s3] =	ssyncset.done $0x0  }
0x4e: {  	[sflag:s3] =	ssyncadd.s32 $0xFFFFF800  }
0x4f: {  	[tilespmem:s2], [sflag:$0x2] =	stream.linear.gather [hbm4b:s11+s2], $0x80, $0x38;
	[tilespmem:$0x880] =	vst v63  }
0x50: {  	_ =	swait.ge [sflag:s3], $0x80  }
0x51: {  	[sflag:s3] =	ssyncset.done $0x0  }
0x52: {  	[sflag:s3] =	ssyncadd.s32 $0xFFFFFF80  }
0x53: {  	[tilespmem:s6], [sflag:$0x1] =	stream.indirect.gather [hbm4b:s5+s6], $0x10, s2, s6, $0xb8;
	[tilespmem:$0x880] =	vst v63  }
0x54: {  	_ =	swait.ge [sflag:s7], $0x800  }
0x55: {  	[sflag:s7] =	ssyncset.done $0x0  }
0x56: {  	[sflag:s7] =	ssyncadd.s32 $0xFFFFF800  }
0x57: {  	[hbm4b:s12+s2] =	stream.linear.scatter [tilespmem:s6], [sflag:$0x2], $0x800, $0x38;
	[tilespmem:$0x880] =	vst v63  }
0x58: {  	_ =	swait.ge [sflag:s3], $0x800  }
0x59: {  	[sflag:s3] =	ssyncset.done $0x0  }
0x5a: {  	[sflag:s3] =	ssyncadd.s32 $0xFFFFF800  }
0x5b: {  	[tilespmem:s2], [sflag:$0x2] =	stream.linear.gather [hbm4b:s13+s2], $0x80, $0x38;
	[tilespmem:$0x880] =	vst v63  }
0x5c: {  	_ =	swait.ge [sflag:s3], $0x80  }
0x5d: {  	[sflag:s3] =	ssyncset.done $0x0  }
0x5e: {  	[sflag:s3] =	ssyncadd.s32 $0xFFFFFF80  }
0x5f: {  	[tilespmem:s6], [sflag:$0x1] =	stream.indirect.gather [hbm4b:s5+s6], $0x10, s2, s6, $0xb8;
	[tilespmem:$0x880] =	vst v63  }
0x60: {  	_ =	swait.ge [sflag:s7], $0x800  }
.Ltmp1:
0x61: {  	[sflag:s7] =	ssyncset.done $0x0;
	(pc) =	sbr.rel @p0 .LBB2_1-.Ltmp1, $4  }
0x62: {  	[sflag:s7] =	ssyncadd.s32 $0xFFFFF800  }
0x63: {  	[hbm4b:s14+s2] =	stream.linear.scatter [tilespmem:s6], [sflag:$0x2], $0x800, $0x38;
	[tilespmem:$0x880] =	vst v63  }
0x64: {  	_ =	swait.ge [sflag:s3], $0x800  }
0x65: {  	[sflag:s3] =	ssyncset.done $0x0  }
.LBB2_2:
0x66: {  	[sflag:s3] =	ssyncadd.s32 $0xFFFFF800  }
0x67: {  	_ =	sfence.sel $0x180000  }
0x68: {  	[bflag:$0x0] =	sbarrier.arrive $0xFFFF  }
0x69: {  	p0 =	sne.s32 s0, $0x0;
	_ =	strace $0x90000047  }
0x6a: {  	s0 =	sadd.s32 @!p0 $0x100000, s1;
	[bflag:$0x2] =	sbarrier.arrive $0xFFFF  }
0x6b: {  	[sflag:s0] =	ssyncadd.tile.s32 @!p0 $0x1;
	_ =	shalt  }
.Lfunc_end2:
_tile_overlayer_lowered:
.L_overlay_start_2:
0x6c: {  	(tag) =	ssettag $0x2  }
0x6d: {  	s0 =	rddreg [dreg:$0x0];
	s2 =	stileid.u32  }
0x6e: {  	s1 =	rddreg [dreg:$0x1];
	p0 =	sne.s32 s2, $0x0  }
0x6f: {  	s3 =	rddreg [dreg:$0x2];
	[bflag:$0x3] =	sbarrier.arrive $0xFFFF;
	s2 =	simm.s32 @!p0 $0x1C02  }
0x70: {  	[timem:s3], [sflag:s2] =	dma.local @!p0 [hbm:s0], s1  }
0x71: {  	s0 =	simm.s32 @!p0 $0x2  }
0x72: {  	_ =	swait.ge @!p0 [sflag:s0], s1  }
0x73: {  	s1 =	ssub.s32 @!p0 $0x0, s1;
	[sflag:s0] =	ssyncset.done @!p0 $0x0  }
0x74: {  	[sflag:s0] =	ssyncadd.s32 @!p0 s1  }
0x75: {  	[bflag:$0x3] =	sbarrier.arrive $0xFFFF  }
0x76: {  	_ =	shalt  }

</sc_bundles>
